<compile_context>
chip_gen: v7x
topology: tpu7x:2x2x1
jax: 0.10.2.dev20260603
libtpu: 0.0.44.dev20260713+nightly
codegen_flags: <defaults>
</compile_context>

<pallas_src>
import functools

import jax
import jax.numpy as jnp
from jax import lax
from jax.experimental import pallas as pl
from jax.experimental.pallas import tpu as pltpu
from jax.experimental.pallas import tpu_sc as plsc


def _sc_body(row_hbm, col_hbm, out_hbm, slab, sem, *, b, h, w, d, nc):
    i = lax.axis_index("s") * nc + lax.axis_index("c")
    pltpu.sync_copy(col_hbm.at[pl.ds(0, w), :], slab.at[:, pl.ds(0, d)])
    pltpu.sync_copy(row_hbm.at[i, :], slab.at[0, pl.ds(d, d)])
    for c0 in range(0, d, 16):
        v = slab[0, pl.ds(d + c0, 16)]
        for j in range(1, w):
            slab[j, pl.ds(d + c0, 16)] = v
    for bb in range(b):
        pltpu.make_async_copy(slab, out_hbm.at[bb, i], sem).start()
    for bb in range(b):
        pltpu.make_async_copy(slab, out_hbm.at[bb, i], sem).wait()


def kernel(x, row_embed, col_embed):
    b = x.shape[0]
    h, w = x.shape[-2], x.shape[-1]
    d = row_embed.shape[1]
    mesh = plsc.VectorSubcoreMesh(core_axis_name="c", subcore_axis_name="s")
    body = functools.partial(_sc_body, b=b, h=h, w=w, d=d,
                             nc=mesh.num_cores)
    sc_fn = pl.kernel(
        body,
        out_type=jax.ShapeDtypeStruct((b, h, w, 2 * d), jnp.float32),
        mesh=mesh,
        scratch_types=[
            pltpu.VMEM((w, 2 * d), jnp.float32),
            pltpu.SemaphoreType.DMA,
        ],
    )
    out = sc_fn(row_embed, col_embed)
    return jnp.transpose(out, (0, 3, 1, 2))

# --- scband reference (transcript-rebuilt; emitter-appended) ---
"""Pipeline reference for scband-position-embedding-learned-55559696941150 (READ-ONLY COPY).

The authoritative reference and input builder live on the scoring server;
editing this copy changes nothing except your own understanding.
"""

import jax, jax.numpy as jnp
import numpy as np


def setup_inputs(seed: int = 0) -> dict:
    key = jax.random.key(seed)
    k1, k2, k3 = jax.random.split(key, 3)
    x = jax.random.normal(k1, (8, 384, 32, 32), dtype=jnp.float32)
    row_embed = jax.random.uniform(k2, (50, 256), dtype=jnp.float32)
    col_embed = jax.random.uniform(k3, (50, 256), dtype=jnp.float32)
    return {"x": x, "row_embed": row_embed, "col_embed": col_embed}


def reference(x, row_embed, col_embed):
    h, w = x.shape[-2], x.shape[-1]
    i = jnp.arange(w)
    j = jnp.arange(h)
    x_emb = jnp.take(col_embed, i, axis=0)  # [w, d]
    y_emb = jnp.take(row_embed, j, axis=0)  # [h, d]
    pos = jnp.concatenate([
        jnp.tile(x_emb[None, :, :], (h, 1, 1)),
        jnp.tile(y_emb[:, None, :], (1, w, 1)),
    ], axis=-1)  # [h, w, 2d]
    pos = jnp.transpose(pos, (2, 0, 1))[None, :, :, :]
    pos = jnp.tile(pos, (x.shape[0], 1, 1, 1))  # [B, 2d, h, w]
    return pos

if __name__ == "__main__":
    import jax
    _d = setup_inputs()
    print(jax.jit(kernel)(*tuple(_d.values())))

</pallas_src>

<mosaic_0001>
#map = affine_map<(d0, d1) -> (0, 0)>
#map1 = affine_map<(d0, d1) -> (0, 0, 0, 0)>
module attributes {stable_mosaic.version = 14 : i64} {
  func.func @_sc_body(%arg0: i32, %arg1: i32, %arg2: memref<50x256xf32, #tpu.memory_space<hbm>>, %arg3: memref<50x256xf32, #tpu.memory_space<hbm>>, %arg4: memref<8x32x32x512xf32, #tpu.memory_space<hbm>>, %arg5: memref<32x512xf32, #tpu.memory_space<vmem>>, %arg6: memref<!tpu.dma_semaphore, #tpu.memory_space<semaphore_mem>>) attributes {dimension_semantics = [#tpu.dimension_semantics<core_parallel>, #tpu.dimension_semantics<subcore_parallel>], iteration_bounds = array<i64: 2, 16>, scalar_prefetch = 0 : i64, scratch_operands = 2 : i64, tpu.core_type = #tpu.core_type<sc_vector_subcore>, window_params = [{transform_indices = #map}, {transform_indices = #map}, {transform_indices = #map1}]} {
    %mul3A = arith.constant 2 : i32
    %mul3A_0 = arith.muli %arg1, %mul3A : i32
    %add3A = arith.addi %mul3A_0, %arg0 : i32
    "tpu.region"() ({
      %run_scoped3A_3197 = tpu.sem_alloc : memref<!tpu.dma_semaphore, #tpu.memory_space<semaphore_mem>>
      %dma_start3A_3198 = arith.constant 0 : i32
      %dma_start3A_3199 = arith.constant 0 : i32
      %dma_start3A_3200 = tpu.memref_slice %arg5[%dma_start3A_3198, %dma_start3A_3199] : memref<32x512xf32, #tpu.memory_space<vmem>> -> memref<32x256xf32, #tpu.memory_space<vmem>>
      %dma_start3A_3201 = arith.constant 0 : i32
      %dma_start3A_3202 = arith.constant 0 : i32
      %dma_start3A_3203 = tpu.memref_slice %arg3[%dma_start3A_3201, %dma_start3A_3202] : memref<50x256xf32, #tpu.memory_space<hbm>> -> memref<32x256xf32, #tpu.memory_space<hbm>>
      %dma_start3A_3204 = arith.constant 0 : i32
      %dma_start3A_3205 = arith.constant 0 : i32
      %dma_start3A_3206 = tpu.memref_slice %arg5[%dma_start3A_3204, %dma_start3A_3205] : memref<32x512xf32, #tpu.memory_space<vmem>> -> memref<32x256xf32, #tpu.memory_space<vmem>>
      %dma_start3A_3207 = arith.constant 0 : i32
      %dma_start3A_3208 = arith.constant 0 : i32
      %dma_start3A_3209 = tpu.memref_slice %arg3[%dma_start3A_3207, %dma_start3A_3208] : memref<50x256xf32, #tpu.memory_space<hbm>> -> memref<32x256xf32, #tpu.memory_space<hbm>>
      tpu.enqueue_dma source(%dma_start3A_3209 : memref<32x256xf32, #tpu.memory_space<hbm>>) target(%dma_start3A_3206 : memref<32x256xf32, #tpu.memory_space<vmem>>) target_semaphore(%run_scoped3A_3197 : memref<!tpu.dma_semaphore, #tpu.memory_space<semaphore_mem>>)
      %dma_wait3A_3210 = arith.constant 0 : i32
      %dma_wait3A_3211 = arith.constant 0 : i32
      %dma_wait3A_3212 = tpu.memref_slice %arg5[%dma_wait3A_3210, %dma_wait3A_3211] : memref<32x512xf32, #tpu.memory_space<vmem>> -> memref<32x256xf32, #tpu.memory_space<vmem>>
      %dma_wait3A_3213 = arith.constant 0 : i32
      %dma_wait3A_3214 = arith.constant 0 : i32
      %dma_wait3A_3215 = tpu.memref_slice %arg3[%dma_wait3A_3213, %dma_wait3A_3214] : memref<50x256xf32, #tpu.memory_space<hbm>> -> memref<32x256xf32, #tpu.memory_space<hbm>>
      %dma_wait3A_3216 = arith.constant 0 : i32
      %dma_wait3A_3217 = arith.constant 0 : i32
      %dma_wait3A_3218 = tpu.memref_slice %arg5[%dma_wait3A_3216, %dma_wait3A_3217] : memref<32x512xf32, #tpu.memory_space<vmem>> -> memref<32x256xf32, #tpu.memory_space<vmem>>
      %dma_wait3A_3219 = arith.constant 0 : i32
      %dma_wait3A_3220 = arith.constant 0 : i32
      %dma_wait3A_3221 = tpu.memref_slice %arg3[%dma_wait3A_3219, %dma_wait3A_3220] : memref<50x256xf32, #tpu.memory_space<hbm>> -> memref<32x256xf32, #tpu.memory_space<hbm>>
      tpu.wait_dma2 semaphore(%run_scoped3A_3197 : memref<!tpu.dma_semaphore, #tpu.memory_space<semaphore_mem>>) src(%dma_wait3A_3221 : memref<32x256xf32, #tpu.memory_space<hbm>>) dst(%dma_wait3A_3218 : memref<32x256xf32, #tpu.memory_space<vmem>>)
      tpu.yield
    }) : () -> ()
    %run_scoped3A = arith.constant 0 : i32
    "tpu.region"() ({
      %run_scoped3A_3197 = tpu.sem_alloc : memref<!tpu.dma_semaphore, #tpu.memory_space<semaphore_mem>>
      %dma_start3A_3198 = arith.constant 256 : i32
      %dma_start3A_3199 = tpu.memref_slice %arg5[%run_scoped3A, %dma_start3A_3198] : memref<32x512xf32, #tpu.memory_space<vmem>> -> memref<1x256xf32, #tpu.memory_space<vmem>>
      %dma_start3A_3200 = tpu.memref_squeeze %dma_start3A_3199 : memref<1x256xf32, #tpu.memory_space<vmem>> -> memref<256xf32, #tpu.memory_space<vmem>>
      %dma_start3A_3201 = arith.constant 0 : i32
      %dma_start3A_3202 = tpu.memref_slice %arg2[%add3A, %dma_start3A_3201] : memref<50x256xf32, #tpu.memory_space<hbm>> -> memref<1x256xf32, #tpu.memory_space<hbm>>
      %dma_start3A_3203 = tpu.memref_squeeze %dma_start3A_3202 : memref<1x256xf32, #tpu.memory_space<hbm>> -> memref<256xf32, #tpu.memory_space<hbm>>
      %dma_start3A_3204 = arith.constant 256 : i32
      %dma_start3A_3205 = tpu.memref_slice %arg5[%run_scoped3A, %dma_start3A_3204] : memref<32x512xf32, #tpu.memory_space<vmem>> -> memref<1x256xf32, #tpu.memory_space<vmem>>
      %dma_start3A_3206 = tpu.memref_squeeze %dma_start3A_3205 : memref<1x256xf32, #tpu.memory_space<vmem>> -> memref<256xf32, #tpu.memory_space<vmem>>
      %dma_start3A_3207 = arith.constant 0 : i32
      %dma_start3A_3208 = tpu.memref_slice %arg2[%add3A, %dma_start3A_3207] : memref<50x256xf32, #tpu.memory_space<hbm>> -> memref<1x256xf32, #tpu.memory_space<hbm>>
      %dma_start3A_3209 = tpu.memref_squeeze %dma_start3A_3208 : memref<1x256xf32, #tpu.memory_space<hbm>> -> memref<256xf32, #tpu.memory_space<hbm>>
      tpu.enqueue_dma source(%dma_start3A_3209 : memref<256xf32, #tpu.memory_space<hbm>>) target(%dma_start3A_3206 : memref<256xf32, #tpu.memory_space<vmem>>) target_semaphore(%run_scoped3A_3197 : memref<!tpu.dma_semaphore, #tpu.memory_space<semaphore_mem>>)
      %dma_wait3A_3210 = arith.constant 256 : i32
      %dma_wait3A_3211 = tpu.memref_slice %arg5[%run_scoped3A, %dma_wait3A_3210] : memref<32x512xf32, #tpu.memory_space<vmem>> -> memref<1x256xf32, #tpu.memory_space<vmem>>
      %dma_wait3A_3212 = tpu.memref_squeeze %dma_wait3A_3211 : memref<1x256xf32, #tpu.memory_space<vmem>> -> memref<256xf32, #tpu.memory_space<vmem>>
      %dma_wait3A_3213 = arith.constant 0 : i32
      %dma_wait3A_3214 = tpu.memref_slice %arg2[%add3A, %dma_wait3A_3213] : memref<50x256xf32, #tpu.memory_space<hbm>> -> memref<1x256xf32, #tpu.memory_space<hbm>>
      %dma_wait3A_3215 = tpu.memref_squeeze %dma_wait3A_3214 : memref<1x256xf32, #tpu.memory_space<hbm>> -> memref<256xf32, #tpu.memory_space<hbm>>
      %dma_wait3A_3216 = arith.constant 256 : i32
      %dma_wait3A_3217 = tpu.memref_slice %arg5[%run_scoped3A, %dma_wait3A_3216] : memref<32x512xf32, #tpu.memory_space<vmem>> -> memref<1x256xf32, #tpu.memory_space<vmem>>
      %dma_wait3A_3218 = tpu.memref_squeeze %dma_wait3A_3217 : memref<1x256xf32, #tpu.memory_space<vmem>> -> memref<256xf32, #tpu.memory_space<vmem>>
      %dma_wait3A_3219 = arith.constant 0 : i32
      %dma_wait3A_3220 = tpu.memref_slice %arg2[%add3A, %dma_wait3A_3219] : memref<50x256xf32, #tpu.memory_space<hbm>> -> memref<1x256xf32, #tpu.memory_space<hbm>>
      %dma_wait3A_3221 = tpu.memref_squeeze %dma_wait3A_3220 : memref<1x256xf32, #tpu.memory_space<hbm>> -> memref<256xf32, #tpu.memory_space<hbm>>
      tpu.wait_dma2 semaphore(%run_scoped3A_3197 : memref<!tpu.dma_semaphore, #tpu.memory_space<semaphore_mem>>) src(%dma_wait3A_3221 : memref<256xf32, #tpu.memory_space<hbm>>) dst(%dma_wait3A_3218 : memref<256xf32, #tpu.memory_space<vmem>>)
      tpu.yield
    }) : () -> ()
    %get3A = arith.constant 0 : i32
    %get3A_1 = arith.index_cast %get3A : i32 to index
    %get3A_2 = arith.constant 256 : index
    %get3A_3 = tpu.vector_load %arg5[%get3A_1, %get3A_2] {strides = array<i32>} : memref<32x512xf32, #tpu.memory_space<vmem>>, vector<1x16xf32>,
    %get3A_4 = vector.shape_cast %get3A_3 : vector<1x16xf32> to vector<16xf32>
    %swap3A = arith.constant 1 : i32
    %swap3A_5 = arith.index_cast %swap3A : i32 to index
    %swap3A_6 = arith.constant 256 : index
    %swap3A_7 = tpu.vector_load %arg5[%swap3A_5, %swap3A_6] {strides = array<i32>} : memref<32x512xf32, #tpu.memory_space<vmem>>, vector<1x16xf32>,
    %swap3A_8 = vector.shape_cast %swap3A_7 : vector<1x16xf32> to vector<16xf32>
    %swap3A_9 = vector.shape_cast %get3A_4 : vector<16xf32> to vector<1x16xf32>
    tpu.vector_store %arg5[%swap3A_5, %swap3A_6], %swap3A_9 {strides = array<i32>} : memref<32x512xf32, #tpu.memory_space<vmem>>, vector<1x16xf32>,
    %swap3A_10 = arith.constant 2 : i32
    %swap3A_11 = arith.index_cast %swap3A_10 : i32 to index
    %swap3A_12 = arith.constant 256 : index
    %swap3A_13 = tpu.vector_load %arg5[%swap3A_11, %swap3A_12] {strides = array<i32>} : memref<32x512xf32, #tpu.memory_space<vmem>>, vector<1x16xf32>,
    %swap3A_14 = vector.shape_cast %swap3A_13 : vector<1x16xf32> to vector<16xf32>
    %swap3A_15 = vector.shape_cast %get3A_4 : vector<16xf32> to vector<1x16xf32>
    tpu.vector_store %arg5[%swap3A_11, %swap3A_12], %swap3A_15 {strides = array<i32>} : memref<32x512xf32, #tpu.memory_space<vmem>>, vector<1x16xf32>,
    %swap3A_16 = arith.constant 3 : i32
    %swap3A_17 = arith.index_cast %swap3A_16 : i32 to index
    %swap3A_18 = arith.constant 256 : index
    %swap3A_19 = tpu.vector_load %arg5[%swap3A_17, %swap3A_18] {strides = array<i32>} : memref<32x512xf32, #tpu.memory_space<vmem>>, vector<1x16xf32>,
    %swap3A_20 = vector.shape_cast %swap3A_19 : vector<1x16xf32> to vector<16xf32>
    %swap3A_21 = vector.shape_cast %get3A_4 : vector<16xf32> to vector<1x16xf32>
    tpu.vector_store %arg5[%swap3A_17, %swap3A_18], %swap3A_21 {strides = array<i32>} : memref<32x512xf32, #tpu.memory_space<vmem>>, vector<1x16xf32>,
    %swap3A_22 = arith.constant 4 : i32
    %swap3A_23 = arith.index_cast %swap3A_22 : i32 to index
    %swap3A_24 = arith.constant 256 : index
    %swap3A_25 = tpu.vector_load %arg5[%swap3A_23, %swap3A_24] {strides = array<i32>} : memref<32x512xf32, #tpu.memory_space<vmem>>, vector<1x16xf32>,
    %swap3A_26 = vector.shape_cast %swap3A_25 : vector<1x16xf32> to vector<16xf32>
    %swap3A_27 = vector.shape_cast %get3A_4 : vector<16xf32> to vector<1x16xf32>
    tpu.vector_store %arg5[%swap3A_23, %swap3A_24], %swap3A_27 {strides = array<i32>} : memref<32x512xf32, #tpu.memory_space<vmem>>, vector<1x16xf32>,
    %swap3A_28 = arith.constant 5 : i32
    %swap3A_29 = arith.index_cast %swap3A_28 : i32 to index
    %swap3A_30 = arith.constant 256 : index
    %swap3A_31 = tpu.vector_load %arg5[%swap3A_29, %swap3A_30] {strides = array<i32>} : memref<32x512xf32, #tpu.memory_space<vmem>>, vector<1x16xf32>,
    %swap3A_32 = vector.shape_cast %swap3A_31 : vector<1x16xf32> to vector<16xf32>
    %swap3A_33 = vector.shape_cast %get3A_4 : vector<16xf32> to vector<1x16xf32>
    tpu.vector_store %arg5[%swap3A_29, %swap3A_30], %swap3A_33 {strides = array<i32>} : memref<32x512xf32, #tpu.memory_space<vmem>>, vector<1x16xf32>,
    %swap3A_34 = arith.constant 6 : i32
    %swap3A_35 = arith.index_cast %swap3A_34 : i32 to index
    %swap3A_36 = arith.constant 256 : index
    %swap3A_37 = tpu.vector_load %arg5[%swap3A_35, %swap3A_36] {strides = array<i32>} : memref<32x512xf32, #tpu.memory_space<vmem>>, vector<1x16xf32>,
    %swap3A_38 = vector.shape_cast %swap3A_37 : vector<1x16xf32> to vector<16xf32>
    %swap3A_39 = vector.shape_cast %get3A_4 : vector<16xf32> to vector<1x16xf32>
    tpu.vector_store %arg5[%swap3A_35, %swap3A_36], %swap3A_39 {strides = array<i32>} : memref<32x512xf32, #tpu.memory_space<vmem>>, vector<1x16xf32>,
    %swap3A_40 = arith.constant 7 : i32
    %swap3A_41 = arith.index_cast %swap3A_40 : i32 to index
    %swap3A_42 = arith.constant 256 : index
    %swap3A_43 = tpu.vector_load %arg5[%swap3A_41, %swap3A_42] {strides = array<i32>} : memref<32x512xf32, #tpu.memory_space<vmem>>, vector<1x16xf32>,
    %swap3A_44 = vector.shape_cast %swap3A_43 : vector<1x16xf32> to vector<16xf32>
    %swap3A_45 = vector.shape_cast %get3A_4 : vector<16xf32> to vector<1x16xf32>
    tpu.vector_store %arg5[%swap3A_41, %swap3A_42], %swap3A_45 {strides = array<i32>} : memref<32x512xf32, #tpu.memory_space<vmem>>, vector<1x16xf32>,
    %swap3A_46 = arith.constant 8 : i32
    %swap3A_47 = arith.index_cast %swap3A_46 : i32 to index
    %swap3A_48 = arith.constant 256 : index
    %swap3A_49 = tpu.vector_load %arg5[%swap3A_47, %swap3A_48] {strides = array<i32>} : memref<32x512xf32, #tpu.memory_space<vmem>>, vector<1x16xf32>,
    %swap3A_50 = vector.shape_cast %swap3A_49 : vector<1x16xf32> to vector<16xf32>
    %swap3A_51 = vector.shape_cast %get3A_4 : vector<16xf32> to vector<1x16xf32>
    tpu.vector_store %arg5[%swap3A_47, %swap3A_48], %swap3A_51 {strides = array<i32>} : memref<32x512xf32, #tpu.memory_space<vmem>>, vector<1x16xf32>,
    %swap3A_52 = arith.constant 9 : i32
    %swap3A_53 = arith.index_cast %swap3A_52 : i32 to index
    %swap3A_54 = arith.constant 256 : index
    %swap3A_55 = tpu.vector_load %arg5[%swap3A_53, %swap3A_54] {strides = array<i32>} : memref<32x512xf32, #tpu.memory_space<vmem>>, vector<1x16xf32>,
    %swap3A_56 = vector.shape_cast %swap3A_55 : vector<1x16xf32> to vector<16xf32>
    %swap3A_57 = vector.shape_cast %get3A_4 : vector<16xf32> to vector<1x16xf32>
    tpu.vector_store %arg5[%swap3A_53, %swap3A_54], %swap3A_57 {strides = array<i32>} : memref<32x512xf32, #tpu.memory_space<vmem>>, vector<1x16xf32>,
    %swap3A_58 = arith.constant 10 : i32
    %swap3A_59 = arith.index_cast %swap3A_58 : i32 to index
    %swap3A_60 = arith.constant 256 : index
    %swap3A_61 = tpu.vector_load %arg5[%swap3A_59, %swap3A_60] {strides = array<i32>} : memref<32x512xf32, #tpu.memory_space<vmem>>, vector<1x16xf32>,
    %swap3A_62 = vector.shape_cast %swap3A_61 : vector<1x16xf32> to vector<16xf32>
    %swap3A_63 = vector.shape_cast %get3A_4 : vector<16xf32> to vector<1x16xf32>
    tpu.vector_store %arg5[%swap3A_59, %swap3A_60], %swap3A_63 {strides = array<i32>} : memref<32x512xf32, #tpu.memory_space<vmem>>, vector<1x16xf32>,
    %swap3A_64 = arith.constant 11 : i32
    %swap3A_65 = arith.index_cast %swap3A_64 : i32 to index
    %swap3A_66 = arith.constant 256 : index
    %swap3A_67 = tpu.vector_load %arg5[%swap3A_65, %swap3A_66] {strides = array<i32>} : memref<32x512xf32, #tpu.memory_space<vmem>>, vector<1x16xf32>,
    %swap3A_68 = vector.shape_cast %swap3A_67 : vector<1x16xf32> to vector<16xf32>
    %swap3A_69 = vector.shape_cast %get3A_4 : vector<16xf32> to vector<1x16xf32>
    tpu.vector_store %arg5[%swap3A_65, %swap3A_66], %swap3A_69 {strides = array<i32>} : memref<32x512xf32, #tpu.memory_space<vmem>>, vector<1x16xf32>,
    %swap3A_70 = arith.constant 12 : i32
    %swap3A_71 = arith.index_cast %swap3A_70 : i32 to index
    %swap3A_72 = arith.constant 256 : index
    %swap3A_73 = tpu.vector_load %arg5[%swap3A_71, %swap3A_72] {strides = array<i32>} : memref<32x512xf32, #tpu.memory_space<vmem>>, vector<1x16xf32>,
    %swap3A_74 = vector.shape_cast %swap3A_73 : vector<1x16xf32> to vector<16xf32>
    %swap3A_75 = vector.shape_cast %get3A_4 : vector<16xf32> to vector<1x16xf32>
    tpu.vector_store %arg5[%swap3A_71, %swap3A_72], %swap3A_75 {strides = array<i32>} : memref<32x512xf32, #tpu.memory_space<vmem>>, vector<1x16xf32>,
    %swap3A_76 = arith.constant 13 : i32
    %swap3A_77 = arith.index_cast %swap3A_76 : i32 to index
    %swap3A_78 = arith.constant 256 : index
    %swap3A_79 = tpu.vector_load %arg5[%swap3A_77, %swap3A_78] {strides = array<i32>} : memref<32x512xf32, #tpu.memory_space<vmem>>, vector<1x16xf32>,
    %swap3A_80 = vector.shape_cast %swap3A_79 : vector<1x16xf32> to vector<16xf32>
    %swap3A_81 = vector.shape_cast %get3A_4 : vector<16xf32> to vector<1x16xf32>
    tpu.vector_store %arg5[%swap3A_77, %swap3A_78], %swap3A_81 {strides = array<i32>} : memref<32x512xf32, #tpu.memory_space<vmem>>, vector<1x16xf32>,
    %swap3A_82 = arith.constant 14 : i32
    %swap3A_83 = arith.index_cast %swap3A_82 : i32 to index
    %swap3A_84 = arith.constant 256 : index
    %swap3A_85 = tpu.vector_load %arg5[%swap3A_83, %swap3A_84] {strides = array<i32>} : memref<32x512xf32, #tpu.memory_space<vmem>>, vector<1x16xf32>,
    %swap3A_86 = vector.shape_cast %swap3A_85 : vector<1x16xf32> to vector<16xf32>
    %swap3A_87 = vector.shape_cast %get3A_4 : vector<16xf32> to vector<1x16xf32>
    tpu.vector_store %arg5[%swap3A_83, %swap3A_84], %swap3A_87 {strides = array<i32>} : memref<32x512xf32, #tpu.memory_space<vmem>>, vector<1x16xf32>,
    %swap3A_88 = arith.constant 15 : i32
    %swap3A_89 = arith.index_cast %swap3A_88 : i32 to index
    %swap3A_90 = arith.constant 256 : index
    %swap3A_91 = tpu.vector_load %arg5[%swap3A_89, %swap3A_90] {strides = array<i32>} : memref<32x512xf32, #tpu.memory_space<vmem>>, vector<1x16xf32>,
    %swap3A_92 = vector.shape_cast %swap3A_91 : vector<1x16xf32> to vector<16xf32>
    %swap3A_93 = vector.shape_cast %get3A_4 : vector<16xf32> to vector<1x16xf32>
    tpu.vector_store %arg5[%swap3A_89, %swap3A_90], %swap3A_93 {strides = array<i32>} : memref<32x512xf32, #tpu.memory_space<vmem>>, vector<1x16xf32>,
    %swap3A_94 = arith.constant 16 : i32
    %swap3A_95 = arith.index_cast %swap3A_94 : i32 to index
    %swap3A_96 = arith.constant 256 : index
    %swap3A_97 = tpu.vector_load %arg5[%swap3A_95, %swap3A_96] {strides = array<i32>} : memref<32x512xf32, #tpu.memory_space<vmem>>, vector<1x16xf32>,
    %swap3A_98 = vector.shape_cast %swap3A_97 : vector<1x16xf32> to vector<16xf32>
    %swap3A_99 = vector.shape_cast %get3A_4 : vector<16xf32> to vector<1x16xf32>
    tpu.vector_store %arg5[%swap3A_95, %swap3A_96], %swap3A_99 {strides = array<i32>} : memref<32x512xf32, #tpu.memory_space<vmem>>, vector<1x16xf32>,
    %swap3A_100 = arith.constant 17 : i32
    %swap3A_101 = arith.index_cast %swap3A_100 : i32 to index
    %swap3A_102 = arith.constant 256 : index
    %swap3A_103 = tpu.vector_load %arg5[%swap3A_101, %swap3A_102] {strides = array<i32>} : memref<32x512xf32, #tpu.memory_space<vmem>>, vector<1x16xf32>,
    %swap3A_104 = vector.shape_cast %swap3A_103 : vector<1x16xf32> to vector<16xf32>
    %swap3A_105 = vector.shape_cast %get3A_4 : vector<16xf32> to vector<1x16xf32>
    tpu.vector_store %arg5[%swap3A_101, %swap3A_102], %swap3A_105 {strides = array<i32>} : memref<32x512xf32, #tpu.memory_space<vmem>>, vector<1x16xf32>,
    %swap3A_106 = arith.constant 18 : i32
    %swap3A_107 = arith.index_cast %swap3A_106 : i32 to index
    %swap3A_108 = arith.constant 256 : index
    %swap3A_109 = tpu.vector_load %arg5[%swap3A_107, %swap3A_108] {strides = array<i32>} : memref<32x512xf32, #tpu.memory_space<vmem>>, vector<1x16xf32>,
    %swap3A_110 = vector.shape_cast %swap3A_109 : vector<1x16xf32> to vector<16xf32>
    %swap3A_111 = vector.shape_cast %get3A_4 : vector<16xf32> to vector<1x16xf32>
    tpu.vector_store %arg5[%swap3A_107, %swap3A_108], %swap3A_111 {strides = array<i32>} : memref<32x512xf32, #tpu.memory_space<vmem>>, vector<1x16xf32>,
    %swap3A_112 = arith.constant 19 : i32
    %swap3A_113 = arith.index_cast %swap3A_112 : i32 to index
    %swap3A_114 = arith.constant 256 : index
    %swap3A_115 = tpu.vector_load %arg5[%swap3A_113, %swap3A_114] {strides = array<i32>} : memref<32x512xf32, #tpu.memory_space<vmem>>, vector<1x16xf32>,
    %swap3A_116 = vector.shape_cast %swap3A_115 : vector<1x16xf32> to vector<16xf32>
    %swap3A_117 = vector.shape_cast %get3A_4 : vector<16xf32> to vector<1x16xf32>
    tpu.vector_store %arg5[%swap3A_113, %swap3A_114], %swap3A_117 {strides = array<i32>} : memref<32x512xf32, #tpu.memory_space<vmem>>, vector<1x16xf32>,
    %swap3A_118 = arith.constant 20 : i32
    %swap3A_119 = arith.index_cast %swap3A_118 : i32 to index
    %swap3A_120 = arith.constant 256 : index
    %swap3A_121 = tpu.vector_load %arg5[%swap3A_119, %swap3A_120] {strides = array<i32>} : memref<32x512xf32, #tpu.memory_space<vmem>>, vector<1x16xf32>,
    %swap3A_122 = vector.shape_cast %swap3A_121 : vector<1x16xf32> to vector<16xf32>
    %swap3A_123 = vector.shape_cast %get3A_4 : vector<16xf32> to vector<1x16xf32>
    tpu.vector_store %arg5[%swap3A_119, %swap3A_120], %swap3A_123 {strides = array<i32>} : memref<32x512xf32, #tpu.memory_space<vmem>>, vector<1x16xf32>,
    %swap3A_124 = arith.constant 21 : i32
    %swap3A_125 = arith.index_cast %swap3A_124 : i32 to index
    %swap3A_126 = arith.constant 256 : index
    %swap3A_127 = tpu.vector_load %arg5[%swap3A_125, %swap3A_126] {strides = array<i32>} : memref<32x512xf32, #tpu.memory_space<vmem>>, vector<1x16xf32>,
    %swap3A_128 = vector.shape_cast %swap3A_127 : vector<1x16xf32> to vector<16xf32>
    %swap3A_129 = vector.shape_cast %get3A_4 : vector<16xf32> to vector<1x16xf32>
    tpu.vector_store %arg5[%swap3A_125, %swap3A_126], %swap3A_129 {strides = array<i32>} : memref<32x512xf32, #tpu.memory_space<vmem>>, vector<1x16xf32>,
    %swap3A_130 = arith.constant 22 : i32
    %swap3A_131 = arith.index_cast %swap3A_130 : i32 to index
    %swap3A_132 = arith.constant 256 : index
    %swap3A_133 = tpu.vector_load %arg5[%swap3A_131, %swap3A_132] {strides = array<i32>} : memref<32x512xf32, #tpu.memory_space<vmem>>, vector<1x16xf32>,
    %swap3A_134 = vector.shape_cast %swap3A_133 : vector<1x16xf32> to vector<16xf32>
    %swap3A_135 = vector.shape_cast %get3A_4 : vector<16xf32> to vector<1x16xf32>
    tpu.vector_store %arg5[%swap3A_131, %swap3A_132], %swap3A_135 {strides = array<i32>} : memref<32x512xf32, #tpu.memory_space<vmem>>, vector<1x16xf32>,
    %swap3A_136 = arith.constant 23 : i32
    %swap3A_137 = arith.index_cast %swap3A_136 : i32 to index
    %swap3A_138 = arith.constant 256 : index
    %swap3A_139 = tpu.vector_load %arg5[%swap3A_137, %swap3A_138] {strides = array<i32>} : memref<32x512xf32, #tpu.memory_space<vmem>>, vector<1x16xf32>,
    %swap3A_140 = vector.shape_cast %swap3A_139 : vector<1x16xf32> to vector<16xf32>
    %swap3A_141 = vector.shape_cast %get3A_4 : vector<16xf32> to vector<1x16xf32>
    tpu.vector_store %arg5[%swap3A_137, %swap3A_138], %swap3A_141 {strides = array<i32>} : memref<32x512xf32, #tpu.memory_space<vmem>>, vector<1x16xf32>,
    %swap3A_142 = arith.constant 24 : i32
    %swap3A_143 = arith.index_cast %swap3A_142 : i32 to index
    %swap3A_144 = arith.constant 256 : index
    %swap3A_145 = tpu.vector_load %arg5[%swap3A_143, %swap3A_144] {strides = array<i32>} : memref<32x512xf32, #tpu.memory_space<vmem>>, vector<1x16xf32>,
    %swap3A_146 = vector.shape_cast %swap3A_145 : vector<1x16xf32> to vector<16xf32>
    %swap3A_147 = vector.shape_cast %get3A_4 : vector<16xf32> to vector<1x16xf32>
    tpu.vector_store %arg5[%swap3A_143, %swap3A_144], %swap3A_147 {strides = array<i32>} : memref<32x512xf32, #tpu.memory_space<vmem>>, vector<1x16xf32>,
    %swap3A_148 = arith.constant 25 : i32
    %swap3A_149 = arith.index_cast %swap3A_148 : i32 to index
    %swap3A_150 = arith.constant 256 : index
    %swap3A_151 = tpu.vector_load %arg5[%swap3A_149, %swap3A_150] {strides = array<i32>} : memref<32x512xf32, #tpu.memory_space<vmem>>, vector<1x16xf32>,
    %swap3A_152 = vector.shape_cast %swap3A_151 : vector<1x16xf32> to vector<16xf32>
    %swap3A_153 = vector.shape_cast %get3A_4 : vector<16xf32> to vector<1x16xf32>
    tpu.vector_store %arg5[%swap3A_149, %swap3A_150], %swap3A_153 {strides = array<i32>} : memref<32x512xf32, #tpu.memory_space<vmem>>, vector<1x16xf32>,
    %swap3A_154 = arith.constant 26 : i32
    %swap3A_155 = arith.index_cast %swap3A_154 : i32 to index
    %swap3A_156 = arith.constant 256 : index
    %swap3A_157 = tpu.vector_load %arg5[%swap3A_155, %swap3A_156] {strides = array<i32>} : memref<32x512xf32, #tpu.memory_space<vmem>>, vector<1x16xf32>,
    %swap3A_158 = vector.shape_cast %swap3A_157 : vector<1x16xf32> to vector<16xf32>
    %swap3A_159 = vector.shape_cast %get3A_4 : vector<16xf32> to vector<1x16xf32>
    tpu.vector_store %arg5[%swap3A_155, %swap3A_156], %swap3A_159 {strides = array<i32>} : memref<32x512xf32, #tpu.memory_space<vmem>>, vector<1x16xf32>,
    %swap3A_160 = arith.constant 27 : i32
    %swap3A_161 = arith.index_cast %swap3A_160 : i32 to index
    %swap3A_162 = arith.constant 256 : index
    %swap3A_163 = tpu.vector_load %arg5[%swap3A_161, %swap3A_162] {strides = array<i32>} : memref<32x512xf32, #tpu.memory_space<vmem>>, vector<1x16xf32>,
    %swap3A_164 = vector.shape_cast %swap3A_163 : vector<1x16xf32> to vector<16xf32>
    %swap3A_165 = vector.shape_cast %get3A_4 : vector<16xf32> to vector<1x16xf32>
    tpu.vector_store %arg5[%swap3A_161, %swap3A_162], %swap3A_165 {strides = array<i32>} : memref<32x512xf32, #tpu.memory_space<vmem>>, vector<1x16xf32>,
    %swap3A_166 = arith.constant 28 : i32
    %swap3A_167 = arith.index_cast %swap3A_166 : i32 to index
    %swap3A_168 = arith.constant 256 : index
    %swap3A_169 = tpu.vector_load %arg5[%swap3A_167, %swap3A_168] {strides = array<i32>} : memref<32x512xf32, #tpu.memory_space<vmem>>, vector<1x16xf32>,
    %swap3A_170 = vector.shape_cast %swap3A_169 : vector<1x16xf32> to vector<16xf32>
    %swap3A_171 = vector.shape_cast %get3A_4 : vector<16xf32> to vector<1x16xf32>
    tpu.vector_store %arg5[%swap3A_167, %swap3A_168], %swap3A_171 {strides = array<i32>} : memref<32x512xf32, #tpu.memory_space<vmem>>, vector<1x16xf32>,
    %swap3A_172 = arith.constant 29 : i32
    %swap3A_173 = arith.index_cast %swap3A_172 : i32 to index
    %swap3A_174 = arith.constant 256 : index
    %swap3A_175 = tpu.vector_load %arg5[%swap3A_173, %swap3A_174] {strides = array<i32>} : memref<32x512xf32, #tpu.memory_space<vmem>>, vector<1x16xf32>,
    %swap3A_176 = vector.shape_cast %swap3A_175 : vector<1x16xf32> to vector<16xf32>
    %swap3A_177 = vector.shape_cast %get3A_4 : vector<16xf32> to vector<1x16xf32>
    tpu.vector_store %arg5[%swap3A_173, %swap3A_174], %swap3A_177 {strides = array<i32>} : memref<32x512xf32, #tpu.memory_space<vmem>>, vector<1x16xf32>,
    %swap3A_178 = arith.constant 30 : i32
    %swap3A_179 = arith.index_cast %swap3A_178 : i32 to index
    %swap3A_180 = arith.constant 256 : index
    %swap3A_181 = tpu.vector_load %arg5[%swap3A_179, %swap3A_180] {strides = array<i32>} : memref<32x512xf32, #tpu.memory_space<vmem>>, vector<1x16xf32>,
    %swap3A_182 = vector.shape_cast %swap3A_181 : vector<1x16xf32> to vector<16xf32>
    %swap3A_183 = vector.shape_cast %get3A_4 : vector<16xf32> to vector<1x16xf32>
    tpu.vector_store %arg5[%swap3A_179, %swap3A_180], %swap3A_183 {strides = array<i32>} : memref<32x512xf32, #tpu.memory_space<vmem>>, vector<1x16xf32>,
    %swap3A_184 = arith.constant 31 : i32
    %swap3A_185 = arith.index_cast %swap3A_184 : i32 to index
    %swap3A_186 = arith.constant 256 : index
    %swap3A_187 = tpu.vector_load %arg5[%swap3A_185, %swap3A_186] {strides = array<i32>} : memref<32x512xf32, #tpu.memory_space<vmem>>, vector<1x16xf32>,
    %swap3A_188 = vector.shape_cast %swap3A_187 : vector<1x16xf32> to vector<16xf32>
    %swap3A_189 = vector.shape_cast %get3A_4 : vector<16xf32> to vector<1x16xf32>
    tpu.vector_store %arg5[%swap3A_185, %swap3A_186], %swap3A_189 {strides = array<i32>} : memref<32x512xf32, #tpu.memory_space<vmem>>, vector<1x16xf32>,
    %get3A_190 = arith.constant 0 : i32
    %get3A_191 = arith.index_cast %get3A_190 : i32 to index
    %get3A_192 = arith.constant 272 : index
    %get3A_193 = tpu.vector_load %arg5[%get3A_191, %get3A_192] {strides = array<i32>} : memref<32x512xf32, #tpu.memory_space<vmem>>, vector<1x16xf32>,
    %get3A_194 = vector.shape_cast %get3A_193 : vector<1x16xf32> to vector<16xf32>
    %swap3A_195 = arith.constant 1 : i32
    %swap3A_196 = arith.index_cast %swap3A_195 : i32 to index
    %swap3A_197 = arith.constant 272 : index
    %swap3A_198 = tpu.vector_load %arg5[%swap3A_196, %swap3A_197] {strides = array<i32>} : memref<32x512xf32, #tpu.memory_space<vmem>>, vector<1x16xf32>,
    %swap3A_199 = vector.shape_cast %swap3A_198 : vector<1x16xf32> to vector<16xf32>
    %swap3A_200 = vector.shape_cast %get3A_194 : vector<16xf32> to vector<1x16xf32>
    tpu.vector_store %arg5[%swap3A_196, %swap3A_197], %swap3A_200 {strides = array<i32>} : memref<32x512xf32, #tpu.memory_space<vmem>>, vector<1x16xf32>,
    %swap3A_201 = arith.constant 2 : i32
    %swap3A_202 = arith.index_cast %swap3A_201 : i32 to index
    %swap3A_203 = arith.constant 272 : index
    %swap3A_204 = tpu.vector_load %arg5[%swap3A_202, %swap3A_203] {strides = array<i32>} : memref<32x512xf32, #tpu.memory_space<vmem>>, vector<1x16xf32>,
    %swap3A_205 = vector.shape_cast %swap3A_204 : vector<1x16xf32> to vector<16xf32>
    %swap3A_206 = vector.shape_cast %get3A_194 : vector<16xf32> to vector<1x16xf32>
    tpu.vector_store %arg5[%swap3A_202, %swap3A_203], %swap3A_206 {strides = array<i32>} : memref<32x512xf32, #tpu.memory_space<vmem>>, vector<1x16xf32>,
    %swap3A_207 = arith.constant 3 : i32
    %swap3A_208 = arith.index_cast %swap3A_207 : i32 to index
    %swap3A_209 = arith.constant 272 : index
    %swap3A_210 = tpu.vector_load %arg5[%swap3A_208, %swap3A_209] {strides = array<i32>} : memref<32x512xf32, #tpu.memory_space<vmem>>, vector<1x16xf32>,
    %swap3A_211 = vector.shape_cast %swap3A_210 : vector<1x16xf32> to vector<16xf32>
    %swap3A_212 = vector.shape_cast %get3A_194 : vector<16xf32> to vector<1x16xf32>
    tpu.vector_store %arg5[%swap3A_208, %swap3A_209], %swap3A_212 {strides = array<i32>} : memref<32x512xf32, #tpu.memory_space<vmem>>, vector<1x16xf32>,
    %swap3A_213 = arith.constant 4 : i32
    %swap3A_214 = arith.index_cast %swap3A_213 : i32 to index
    %swap3A_215 = arith.constant 272 : index
    %swap3A_216 = tpu.vector_load %arg5[%swap3A_214, %swap3A_215] {strides = array<i32>} : memref<32x512xf32, #tpu.memory_space<vmem>>, vector<1x16xf32>,
    %swap3A_217 = vector.shape_cast %swap3A_216 : vector<1x16xf32> to vector<16xf32>
    %swap3A_218 = vector.shape_cast %get3A_194 : vector<16xf32> to vector<1x16xf32>
    tpu.vector_store %arg5[%swap3A_214, %swap3A_215], %swap3A_218 {strides = array<i32>} : memref<32x512xf32, #tpu.memory_space<vmem>>, vector<1x16xf32>,
    %swap3A_219 = arith.constant 5 : i32
    %swap3A_220 = arith.index_cast %swap3A_219 : i32 to index
    %swap3A_221 = arith.constant 272 : index
    %swap3A_222 = tpu.vector_load %arg5[%swap3A_220, %swap3A_221] {strides = array<i32>} : memref<32x512xf32, #tpu.memory_space<vmem>>, vector<1x16xf32>,
    %swap3A_223 = vector.shape_cast %swap3A_222 : vector<1x16xf32> to vector<16xf32>
    %swap3A_224 = vector.shape_cast %get3A_194 : vector<16xf32> to vector<1x16xf32>
    tpu.vector_store %arg5[%swap3A_220, %swap3A_221], %swap3A_224 {strides = array<i32>} : memref<32x512xf32, #tpu.memory_space<vmem>>, vector<1x16xf32>,
    %swap3A_225 = arith.constant 6 : i32
    %swap3A_226 = arith.index_cast %swap3A_225 : i32 to index
    %swap3A_227 = arith.constant 272 : index
    %swap3A_228 = tpu.vector_load %arg5[%swap3A_226, %swap3A_227] {strides = array<i32>} : memref<32x512xf32, #tpu.memory_space<vmem>>, vector<1x16xf32>,
    %swap3A_229 = vector.shape_cast %swap3A_228 : vector<1x16xf32> to vector<16xf32>
    %swap3A_230 = vector.shape_cast %get3A_194 : vector<16xf32> to vector<1x16xf32>
    tpu.vector_store %arg5[%swap3A_226, %swap3A_227], %swap3A_230 {strides = array<i32>} : memref<32x512xf32, #tpu.memory_space<vmem>>, vector<1x16xf32>,
    %swap3A_231 = arith.constant 7 : i32
    %swap3A_232 = arith.index_cast %swap3A_231 : i32 to index
    %swap3A_233 = arith.constant 272 : index
    %swap3A_234 = tpu.vector_load %arg5[%swap3A_232, %swap3A_233] {strides = array<i32>} : memref<32x512xf32, #tpu.memory_space<vmem>>, vector<1x16xf32>,
    %swap3A_235 = vector.shape_cast %swap3A_234 : vector<1x16xf32> to vector<16xf32>
    %swap3A_236 = vector.shape_cast %get3A_194 : vector<16xf32> to vector<1x16xf32>
    tpu.vector_store %arg5[%swap3A_232, %swap3A_233], %swap3A_236 {strides = array<i32>} : memref<32x512xf32, #tpu.memory_space<vmem>>, vector<1x16xf32>,
    %swap3A_237 = arith.constant 8 : i32
    %swap3A_238 = arith.index_cast %swap3A_237 : i32 to index
    %swap3A_239 = arith.constant 272 : index
    %swap3A_240 = tpu.vector_load %arg5[%swap3A_238, %swap3A_239] {strides = array<i32>} : memref<32x512xf32, #tpu.memory_space<vmem>>, vector<1x16xf32>,
    %swap3A_241 = vector.shape_cast %swap3A_240 : vector<1x16xf32> to vector<16xf32>
    %swap3A_242 = vector.shape_cast %get3A_194 : vector<16xf32> to vector<1x16xf32>
    tpu.vector_store %arg5[%swap3A_238, %swap3A_239], %swap3A_242 {strides = array<i32>} : memref<32x512xf32, #tpu.memory_space<vmem>>, vector<1x16xf32>,
    %swap3A_243 = arith.constant 9 : i32
    %swap3A_244 = arith.index_cast %swap3A_243 : i32 to index
    %swap3A_245 = arith.constant 272 : index
    %swap3A_246 = tpu.vector_load %arg5[%swap3A_244, %swap3A_245] {strides = array<i32>} : memref<32x512xf32, #tpu.memory_space<vmem>>, vector<1x16xf32>,
    %swap3A_247 = vector.shape_cast %swap3A_246 : vector<1x16xf32> to vector<16xf32>
    %swap3A_248 = vector.shape_cast %get3A_194 : vector<16xf32> to vector<1x16xf32>
    tpu.vector_store %arg5[%swap3A_244, %swap3A_245], %swap3A_248 {strides = array<i32>} : memref<32x512xf32, #tpu.memory_space<vmem>>, vector<1x16xf32>,
    %swap3A_249 = arith.constant 10 : i32
    %swap3A_250 = arith.index_cast %swap3A_249 : i32 to index
    %swap3A_251 = arith.constant 272 : index
    %swap3A_252 = tpu.vector_load %arg5[%swap3A_250, %swap3A_251] {strides = array<i32>} : memref<32x512xf32, #tpu.memory_space<vmem>>, vector<1x16xf32>,
    %swap3A_253 = vector.shape_cast %swap3A_252 : vector<1x16xf32> to vector<16xf32>
    %swap3A_254 = vector.shape_cast %get3A_194 : vector<16xf32> to vector<1x16xf32>
    tpu.vector_store %arg5[%swap3A_250, %swap3A_251], %swap3A_254 {strides = array<i32>} : memref<32x512xf32, #tpu.memory_space<vmem>>, vector<1x16xf32>,
    %swap3A_255 = arith.constant 11 : i32
    %swap3A_256 = arith.index_cast %swap3A_255 : i32 to index
    %swap3A_257 = arith.constant 272 : index
    %swap3A_258 = tpu.vector_load %arg5[%swap3A_256, %swap3A_257] {strides = array<i32>} : memref<32x512xf32, #tpu.memory_space<vmem>>, vector<1x16xf32>,
    %swap3A_259 = vector.shape_cast %swap3A_258 : vector<1x16xf32> to vector<16xf32>
    %swap3A_260 = vector.shape_cast %get3A_194 : vector<16xf32> to vector<1x16xf32>
    tpu.vector_store %arg5[%swap3A_256, %swap3A_257], %swap3A_260 {strides = array<i32>} : memref<32x512xf32, #tpu.memory_space<vmem>>, vector<1x16xf32>,
    %swap3A_261 = arith.constant 12 : i32
    %swap3A_262 = arith.index_cast %swap3A_261 : i32 to index
    %swap3A_263 = arith.constant 272 : index
    %swap3A_264 = tpu.vector_load %arg5[%swap3A_262, %swap3A_263] {strides = array<i32>} : memref<32x512xf32, #tpu.memory_space<vmem>>, vector<1x16xf32>,
    %swap3A_265 = vector.shape_cast %swap3A_264 : vector<1x16xf32> to vector<16xf32>
    %swap3A_266 = vector.shape_cast %get3A_194 : vector<16xf32> to vector<1x16xf32>
    tpu.vector_store %arg5[%swap3A_262, %swap3A_263], %swap3A_266 {strides = array<i32>} : memref<32x512xf32, #tpu.memory_space<vmem>>, vector<1x16xf32>,
    %swap3A_267 = arith.constant 13 : i32
    %swap3A_268 = arith.index_cast %swap3A_267 : i32 to index
    %swap3A_269 = arith.constant 272 : index
    %swap3A_270 = tpu.vector_load %arg5[%swap3A_268, %swap3A_269] {strides = array<i32>} : memref<32x512xf32, #tpu.memory_space<vmem>>, vector<1x16xf32>,
    %swap3A_271 = vector.shape_cast %swap3A_270 : vector<1x16xf32> to vector<16xf32>
    %swap3A_272 = vector.shape_cast %get3A_194 : vector<16xf32> to vector<1x16xf32>
    tpu.vector_store %arg5[%swap3A_268, %swap3A_269], %swap3A_272 {strides = array<i32>} : memref<32x512xf32, #tpu.memory_space<vmem>>, vector<1x16xf32>,
    %swap3A_273 = arith.constant 14 : i32
    %swap3A_274 = arith.index_cast %swap3A_273 : i32 to index
    %swap3A_275 = arith.constant 272 : index
    %swap3A_276 = tpu.vector_load %arg5[%swap3A_274, %swap3A_275] {strides = array<i32>} : memref<32x512xf32, #tpu.memory_space<vmem>>, vector<1x16xf32>,
    %swap3A_277 = vector.shape_cast %swap3A_276 : vector<1x16xf32> to vector<16xf32>
    %swap3A_278 = vector.shape_cast %get3A_194 : vector<16xf32> to vector<1x16xf32>
    tpu.vector_store %arg5[%swap3A_274, %swap3A_275], %swap3A_278 {strides = array<i32>} : memref<32x512xf32, #tpu.memory_space<vmem>>, vector<1x16xf32>,
    %swap3A_279 = arith.constant 15 : i32
    %swap3A_280 = arith.index_cast %swap3A_279 : i32 to index
    %swap3A_281 = arith.constant 272 : index
    %swap3A_282 = tpu.vector_load %arg5[%swap3A_280, %swap3A_281] {strides = array<i32>} : memref<32x512xf32, #tpu.memory_space<vmem>>, vector<1x16xf32>,
    %swap3A_283 = vector.shape_cast %swap3A_282 : vector<1x16xf32> to vector<16xf32>
    %swap3A_284 = vector.shape_cast %get3A_194 : vector<16xf32> to vector<1x16xf32>
    tpu.vector_store %arg5[%swap3A_280, %swap3A_281], %swap3A_284 {strides = array<i32>} : memref<32x512xf32, #tpu.memory_space<vmem>>, vector<1x16xf32>,
    %swap3A_285 = arith.constant 16 : i32
    %swap3A_286 = arith.index_cast %swap3A_285 : i32 to index
    %swap3A_287 = arith.constant 272 : index
    %swap3A_288 = tpu.vector_load %arg5[%swap3A_286, %swap3A_287] {strides = array<i32>} : memref<32x512xf32, #tpu.memory_space<vmem>>, vector<1x16xf32>,
    %swap3A_289 = vector.shape_cast %swap3A_288 : vector<1x16xf32> to vector<16xf32>
    %swap3A_290 = vector.shape_cast %get3A_194 : vector<16xf32> to vector<1x16xf32>
    tpu.vector_store %arg5[%swap3A_286, %swap3A_287], %swap3A_290 {strides = array<i32>} : memref<32x512xf32, #tpu.memory_space<vmem>>, vector<1x16xf32>,
    %swap3A_291 = arith.constant 17 : i32
    %swap3A_292 = arith.index_cast %swap3A_291 : i32 to index
    %swap3A_293 = arith.constant 272 : index
    %swap3A_294 = tpu.vector_load %arg5[%swap3A_292, %swap3A_293] {strides = array<i32>} : memref<32x512xf32, #tpu.memory_space<vmem>>, vector<1x16xf32>,
    %swap3A_295 = vector.shape_cast %swap3A_294 : vector<1x16xf32> to vector<16xf32>
    %swap3A_296 = vector.shape_cast %get3A_194 : vector<16xf32> to vector<1x16xf32>
    tpu.vector_store %arg5[%swap3A_292, %swap3A_293], %swap3A_296 {strides = array<i32>} : memref<32x512xf32, #tpu.memory_space<vmem>>, vector<1x16xf32>,
    %swap3A_297 = arith.constant 18 : i32
    %swap3A_298 = arith.index_cast %swap3A_297 : i32 to index
    %swap3A_299 = arith.constant 272 : index
    %swap3A_300 = tpu.vector_load %arg5[%swap3A_298, %swap3A_299] {strides = array<i32>} : memref<32x512xf32, #tpu.memory_space<vmem>>, vector<1x16xf32>,
    %swap3A_301 = vector.shape_cast %swap3A_300 : vector<1x16xf32> to vector<16xf32>
    %swap3A_302 = vector.shape_cast %get3A_194 : vector<16xf32> to vector<1x16xf32>
    tpu.vector_store %arg5[%swap3A_298, %swap3A_299], %swap3A_302 {strides = array<i32>} : memref<32x512xf32, #tpu.memory_space<vmem>>, vector<1x16xf32>,
    %swap3A_303 = arith.constant 19 : i32
    %swap3A_304 = arith.index_cast %swap3A_303 : i32 to index
    %swap3A_305 = arith.constant 272 : index
    %swap3A_306 = tpu.vector_load %arg5[%swap3A_304, %swap3A_305] {strides = array<i32>} : memref<32x512xf32, #tpu.memory_space<vmem>>, vector<1x16xf32>,
    %swap3A_307 = vector.shape_cast %swap3A_306 : vector<1x16xf32> to vector<16xf32>
    %swap3A_308 = vector.shape_cast %get3A_194 : vector<16xf32> to vector<1x16xf32>
    tpu.vector_store %arg5[%swap3A_304, %swap3A_305], %swap3A_308 {strides = array<i32>} : memref<32x512xf32, #tpu.memory_space<vmem>>, vector<1x16xf32>,
    %swap3A_309 = arith.constant 20 : i32
    %swap3A_310 = arith.index_cast %swap3A_309 : i32 to index
    %swap3A_311 = arith.constant 272 : index
    %swap3A_312 = tpu.vector_load %arg5[%swap3A_310, %swap3A_311] {strides = array<i32>} : memref<32x512xf32, #tpu.memory_space<vmem>>, vector<1x16xf32>,
    %swap3A_313 = vector.shape_cast %swap3A_312 : vector<1x16xf32> to vector<16xf32>
    %swap3A_314 = vector.shape_cast %get3A_194 : vector<16xf32> to vector<1x16xf32>
    tpu.vector_store %arg5[%swap3A_310, %swap3A_311], %swap3A_314 {strides = array<i32>} : memref<32x512xf32, #tpu.memory_space<vmem>>, vector<1x16xf32>,
    %swap3A_315 = arith.constant 21 : i32
    %swap3A_316 = arith.index_cast %swap3A_315 : i32 to index
    %swap3A_317 = arith.constant 272 : index
    %swap3A_318 = tpu.vector_load %arg5[%swap3A_316, %swap3A_317] {strides = array<i32>} : memref<32x512xf32, #tpu.memory_space<vmem>>, vector<1x16xf32>,
    %swap3A_319 = vector.shape_cast %swap3A_318 : vector<1x16xf32> to vector<16xf32>
    %swap3A_320 = vector.shape_cast %get3A_194 : vector<16xf32> to vector<1x16xf32>
    tpu.vector_store %arg5[%swap3A_316, %swap3A_317], %swap3A_320 {strides = array<i32>} : memref<32x512xf32, #tpu.memory_space<vmem>>, vector<1x16xf32>,
    %swap3A_321 = arith.constant 22 : i32
    %swap3A_322 = arith.index_cast %swap3A_321 : i32 to index
    %swap3A_323 = arith.constant 272 : index
    %swap3A_324 = tpu.vector_load %arg5[%swap3A_322, %swap3A_323] {strides = array<i32>} : memref<32x512xf32, #tpu.memory_space<vmem>>, vector<1x16xf32>,
    %swap3A_325 = vector.shape_cast %swap3A_324 : vector<1x16xf32> to vector<16xf32>
    %swap3A_326 = vector.shape_cast %get3A_194 : vector<16xf32> to vector<1x16xf32>
    tpu.vector_store %arg5[%swap3A_322, %swap3A_323], %swap3A_326 {strides = array<i32>} : memref<32x512xf32, #tpu.memory_space<vmem>>, vector<1x16xf32>,
    %swap3A_327 = arith.constant 23 : i32
    %swap3A_328 = arith.index_cast %swap3A_327 : i32 to index
    %swap3A_329 = arith.constant 272 : index
    %swap3A_330 = tpu.vector_load %arg5[%swap3A_328, %swap3A_329] {strides = array<i32>} : memref<32x512xf32, #tpu.memory_space<vmem>>, vector<1x16xf32>,
    %swap3A_331 = vector.shape_cast %swap3A_330 : vector<1x16xf32> to vector<16xf32>
    %swap3A_332 = vector.shape_cast %get3A_194 : vector<16xf32> to vector<1x16xf32>
    tpu.vector_store %arg5[%swap3A_328, %swap3A_329], %swap3A_332 {strides = array<i32>} : memref<32x512xf32, #tpu.memory_space<vmem>>, vector<1x16xf32>,
    %swap3A_333 = arith.constant 24 : i32
    %swap3A_334 = arith.index_cast %swap3A_333 : i32 to index
    %swap3A_335 = arith.constant 272 : index
    %swap3A_336 = tpu.vector_load %arg5[%swap3A_334, %swap3A_335] {strides = array<i32>} : memref<32x512xf32, #tpu.memory_space<vmem>>, vector<1x16xf32>,
    %swap3A_337 = vector.shape_cast %swap3A_336 : vector<1x16xf32> to vector<16xf32>
    %swap3A_338 = vector.shape_cast %get3A_194 : vector<16xf32> to vector<1x16xf32>
    tpu.vector_store %arg5[%swap3A_334, %swap3A_335], %swap3A_338 {strides = array<i32>} : memref<32x512xf32, #tpu.memory_space<vmem>>, vector<1x16xf32>,
    %swap3A_339 = arith.constant 25 : i32
    %swap3A_340 = arith.index_cast %swap3A_339 : i32 to index
    %swap3A_341 = arith.constant 272 : index
    %swap3A_342 = tpu.vector_load %arg5[%swap3A_340, %swap3A_341] {strides = array<i32>} : memref<32x512xf32, #tpu.memory_space<vmem>>, vector<1x16xf32>,
    %swap3A_343 = vector.shape_cast %swap3A_342 : vector<1x16xf32> to vector<16xf32>
    %swap3A_344 = vector.shape_cast %get3A_194 : vector<16xf32> to vector<1x16xf32>
    tpu.vector_store %arg5[%swap3A_340, %swap3A_341], %swap3A_344 {strides = array<i32>} : memref<32x512xf32, #tpu.memory_space<vmem>>, vector<1x16xf32>,
    %swap3A_345 = arith.constant 26 : i32
    %swap3A_346 = arith.index_cast %swap3A_345 : i32 to index
    %swap3A_347 = arith.constant 272 : index
    %swap3A_348 = tpu.vector_load %arg5[%swap3A_346, %swap3A_347] {strides = array<i32>} : memref<32x512xf32, #tpu.memory_space<vmem>>, vector<1x16xf32>,
    %swap3A_349 = vector.shape_cast %swap3A_348 : vector<1x16xf32> to vector<16xf32>
    %swap3A_350 = vector.shape_cast %get3A_194 : vector<16xf32> to vector<1x16xf32>
    tpu.vector_store %arg5[%swap3A_346, %swap3A_347], %swap3A_350 {strides = array<i32>} : memref<32x512xf32, #tpu.memory_space<vmem>>, vector<1x16xf32>,
    %swap3A_351 = arith.constant 27 : i32
    %swap3A_352 = arith.index_cast %swap3A_351 : i32 to index
    %swap3A_353 = arith.constant 272 : index
    %swap3A_354 = tpu.vector_load %arg5[%swap3A_352, %swap3A_353] {strides = array<i32>} : memref<32x512xf32, #tpu.memory_space<vmem>>, vector<1x16xf32>,
    %swap3A_355 = vector.shape_cast %swap3A_354 : vector<1x16xf32> to vector<16xf32>
    %swap3A_356 = vector.shape_cast %get3A_194 : vector<16xf32> to vector<1x16xf32>
    tpu.vector_store %arg5[%swap3A_352, %swap3A_353], %swap3A_356 {strides = array<i32>} : memref<32x512xf32, #tpu.memory_space<vmem>>, vector<1x16xf32>,
    %swap3A_357 = arith.constant 28 : i32
    %swap3A_358 = arith.index_cast %swap3A_357 : i32 to index
    %swap3A_359 = arith.constant 272 : index
    %swap3A_360 = tpu.vector_load %arg5[%swap3A_358, %swap3A_359] {strides = array<i32>} : memref<32x512xf32, #tpu.memory_space<vmem>>, vector<1x16xf32>,
    %swap3A_361 = vector.shape_cast %swap3A_360 : vector<1x16xf32> to vector<16xf32>
    %swap3A_362 = vector.shape_cast %get3A_194 : vector<16xf32> to vector<1x16xf32>
    tpu.vector_store %arg5[%swap3A_358, %swap3A_359], %swap3A_362 {strides = array<i32>} : memref<32x512xf32, #tpu.memory_space<vmem>>, vector<1x16xf32>,
    %swap3A_363 = arith.constant 29 : i32
    %swap3A_364 = arith.index_cast %swap3A_363 : i32 to index
    %swap3A_365 = arith.constant 272 : index
    %swap3A_366 = tpu.vector_load %arg5[%swap3A_364, %swap3A_365] {strides = array<i32>} : memref<32x512xf32, #tpu.memory_space<vmem>>, vector<1x16xf32>,
    %swap3A_367 = vector.shape_cast %swap3A_366 : vector<1x16xf32> to vector<16xf32>
    %swap3A_368 = vector.shape_cast %get3A_194 : vector<16xf32> to vector<1x16xf32>
    tpu.vector_store %arg5[%swap3A_364, %swap3A_365], %swap3A_368 {strides = array<i32>} : memref<32x512xf32, #tpu.memory_space<vmem>>, vector<1x16xf32>,
    %swap3A_369 = arith.constant 30 : i32
    %swap3A_370 = arith.index_cast %swap3A_369 : i32 to index
    %swap3A_371 = arith.constant 272 : index
    %swap3A_372 = tpu.vector_load %arg5[%swap3A_370, %swap3A_371] {strides = array<i32>} : memref<32x512xf32, #tpu.memory_space<vmem>>, vector<1x16xf32>,
    %swap3A_373 = vector.shape_cast %swap3A_372 : vector<1x16xf32> to vector<16xf32>
    %swap3A_374 = vector.shape_cast %get3A_194 : vector<16xf32> to vector<1x16xf32>
    tpu.vector_store %arg5[%swap3A_370, %swap3A_371], %swap3A_374 {strides = array<i32>} : memref<32x512xf32, #tpu.memory_space<vmem>>, vector<1x16xf32>,
    %swap3A_375 = arith.constant 31 : i32
    %swap3A_376 = arith.index_cast %swap3A_375 : i32 to index
    %swap3A_377 = arith.constant 272 : index
    %swap3A_378 = tpu.vector_load %arg5[%swap3A_376, %swap3A_377] {strides = array<i32>} : memref<32x512xf32, #tpu.memory_space<vmem>>, vector<1x16xf32>,
    %swap3A_379 = vector.shape_cast %swap3A_378 : vector<1x16xf32> to vector<16xf32>
    %swap3A_380 = vector.shape_cast %get3A_194 : vector<16xf32> to vector<1x16xf32>
    tpu.vector_store %arg5[%swap3A_376, %swap3A_377], %swap3A_380 {strides = array<i32>} : memref<32x512xf32, #tpu.memory_space<vmem>>, vector<1x16xf32>,
    %get3A_381 = arith.constant 0 : i32
    %get3A_382 = arith.index_cast %get3A_381 : i32 to index
    %get3A_383 = arith.constant 288 : index
    %get3A_384 = tpu.vector_load %arg5[%get3A_382, %get3A_383] {strides = array<i32>} : memref<32x512xf32, #tpu.memory_space<vmem>>, vector<1x16xf32>,
    %get3A_385 = vector.shape_cast %get3A_384 : vector<1x16xf32> to vector<16xf32>
    %swap3A_386 = arith.constant 1 : i32
    %swap3A_387 = arith.index_cast %swap3A_386 : i32 to index
    %swap3A_388 = arith.constant 288 : index
    %swap3A_389 = tpu.vector_load %arg5[%swap3A_387, %swap3A_388] {strides = array<i32>} : memref<32x512xf32, #tpu.memory_space<vmem>>, vector<1x16xf32>,
    %swap3A_390 = vector.shape_cast %swap3A_389 : vector<1x16xf32> to vector<16xf32>
    %swap3A_391 = vector.shape_cast %get3A_385 : vector<16xf32> to vector<1x16xf32>
    tpu.vector_store %arg5[%swap3A_387, %swap3A_388], %swap3A_391 {strides = array<i32>} : memref<32x512xf32, #tpu.memory_space<vmem>>, vector<1x16xf32>,
    %swap3A_392 = arith.constant 2 : i32
    %swap3A_393 = arith.index_cast %swap3A_392 : i32 to index
    %swap3A_394 = arith.constant 288 : index
    %swap3A_395 = tpu.vector_load %arg5[%swap3A_393, %swap3A_394] {strides = array<i32>} : memref<32x512xf32, #tpu.memory_space<vmem>>, vector<1x16xf32>,
    %swap3A_396 = vector.shape_cast %swap3A_395 : vector<1x16xf32> to vector<16xf32>
    %swap3A_397 = vector.shape_cast %get3A_385 : vector<16xf32> to vector<1x16xf32>
    tpu.vector_store %arg5[%swap3A_393, %swap3A_394], %swap3A_397 {strides = array<i32>} : memref<32x512xf32, #tpu.memory_space<vmem>>, vector<1x16xf32>,
    %swap3A_398 = arith.constant 3 : i32
    %swap3A_399 = arith.index_cast %swap3A_398 : i32 to index
    %swap3A_400 = arith.constant 288 : index
    %swap3A_401 = tpu.vector_load %arg5[%swap3A_399, %swap3A_400] {strides = array<i32>} : memref<32x512xf32, #tpu.memory_space<vmem>>, vector<1x16xf32>,
    %swap3A_402 = vector.shape_cast %swap3A_401 : vector<1x16xf32> to vector<16xf32>
    %swap3A_403 = vector.shape_cast %get3A_385 : vector<16xf32> to vector<1x16xf32>
    tpu.vector_store %arg5[%swap3A_399, %swap3A_400], %swap3A_403 {strides = array<i32>} : memref<32x512xf32, #tpu.memory_space<vmem>>, vector<1x16xf32>,
    %swap3A_404 = arith.constant 4 : i32
    %swap3A_405 = arith.index_cast %swap3A_404 : i32 to index
    %swap3A_406 = arith.constant 288 : index
    %swap3A_407 = tpu.vector_load %arg5[%swap3A_405, %swap3A_406] {strides = array<i32>} : memref<32x512xf32, #tpu.memory_space<vmem>>, vector<1x16xf32>,
    %swap3A_408 = vector.shape_cast %swap3A_407 : vector<1x16xf32> to vector<16xf32>
    %swap3A_409 = vector.shape_cast %get3A_385 : vector<16xf32> to vector<1x16xf32>
    tpu.vector_store %arg5[%swap3A_405, %swap3A_406], %swap3A_409 {strides = array<i32>} : memref<32x512xf32, #tpu.memory_space<vmem>>, vector<1x16xf32>,
    %swap3A_410 = arith.constant 5 : i32
    %swap3A_411 = arith.index_cast %swap3A_410 : i32 to index
    %swap3A_412 = arith.constant 288 : index
    %swap3A_413 = tpu.vector_load %arg5[%swap3A_411, %swap3A_412] {strides = array<i32>} : memref<32x512xf32, #tpu.memory_space<vmem>>, vector<1x16xf32>,
    %swap3A_414 = vector.shape_cast %swap3A_413 : vector<1x16xf32> to vector<16xf32>
    %swap3A_415 = vector.shape_cast %get3A_385 : vector<16xf32> to vector<1x16xf32>
    tpu.vector_store %arg5[%swap3A_411, %swap3A_412], %swap3A_415 {strides = array<i32>} : memref<32x512xf32, #tpu.memory_space<vmem>>, vector<1x16xf32>,
    %swap3A_416 = arith.constant 6 : i32
    %swap3A_417 = arith.index_cast %swap3A_416 : i32 to index
    %swap3A_418 = arith.constant 288 : index
    %swap3A_419 = tpu.vector_load %arg5[%swap3A_417, %swap3A_418] {strides = array<i32>} : memref<32x512xf32, #tpu.memory_space<vmem>>, vector<1x16xf32>,
    %swap3A_420 = vector.shape_cast %swap3A_419 : vector<1x16xf32> to vector<16xf32>
    %swap3A_421 = vector.shape_cast %get3A_385 : vector<16xf32> to vector<1x16xf32>
    tpu.vector_store %arg5[%swap3A_417, %swap3A_418], %swap3A_421 {strides = array<i32>} : memref<32x512xf32, #tpu.memory_space<vmem>>, vector<1x16xf32>,
    %swap3A_422 = arith.constant 7 : i32
    %swap3A_423 = arith.index_cast %swap3A_422 : i32 to index
    %swap3A_424 = arith.constant 288 : index
    %swap3A_425 = tpu.vector_load %arg5[%swap3A_423, %swap3A_424] {strides = array<i32>} : memref<32x512xf32, #tpu.memory_space<vmem>>, vector<1x16xf32>,
    %swap3A_426 = vector.shape_cast %swap3A_425 : vector<1x16xf32> to vector<16xf32>
    %swap3A_427 = vector.shape_cast %get3A_385 : vector<16xf32> to vector<1x16xf32>
    tpu.vector_store %arg5[%swap3A_423, %swap3A_424], %swap3A_427 {strides = array<i32>} : memref<32x512xf32, #tpu.memory_space<vmem>>, vector<1x16xf32>,
    %swap3A_428 = arith.constant 8 : i32
    %swap3A_429 = arith.index_cast %swap3A_428 : i32 to index
    %swap3A_430 = arith.constant 288 : index
    %swap3A_431 = tpu.vector_load %arg5[%swap3A_429, %swap3A_430] {strides = array<i32>} : memref<32x512xf32, #tpu.memory_space<vmem>>, vector<1x16xf32>,
    %swap3A_432 = vector.shape_cast %swap3A_431 : vector<1x16xf32> to vector<16xf32>
    %swap3A_433 = vector.shape_cast %get3A_385 : vector<16xf32> to vector<1x16xf32>
    tpu.vector_store %arg5[%swap3A_429, %swap3A_430], %swap3A_433 {strides = array<i32>} : memref<32x512xf32, #tpu.memory_space<vmem>>, vector<1x16xf32>,
    %swap3A_434 = arith.constant 9 : i32
    %swap3A_435 = arith.index_cast %swap3A_434 : i32 to index
    %swap3A_436 = arith.constant 288 : index
    %swap3A_437 = tpu.vector_load %arg5[%swap3A_435, %swap3A_436] {strides = array<i32>} : memref<32x512xf32, #tpu.memory_space<vmem>>, vector<1x16xf32>,
    %swap3A_438 = vector.shape_cast %swap3A_437 : vector<1x16xf32> to vector<16xf32>
    %swap3A_439 = vector.shape_cast %get3A_385 : vector<16xf32> to vector<1x16xf32>
    tpu.vector_store %arg5[%swap3A_435, %swap3A_436], %swap3A_439 {strides = array<i32>} : memref<32x512xf32, #tpu.memory_space<vmem>>, vector<1x16xf32>,
    %swap3A_440 = arith.constant 10 : i32
    %swap3A_441 = arith.index_cast %swap3A_440 : i32 to index
    %swap3A_442 = arith.constant 288 : index
    %swap3A_443 = tpu.vector_load %arg5[%swap3A_441, %swap3A_442] {strides = array<i32>} : memref<32x512xf32, #tpu.memory_space<vmem>>, vector<1x16xf32>,
    %swap3A_444 = vector.shape_cast %swap3A_443 : vector<1x16xf32> to vector<16xf32>
    %swap3A_445 = vector.shape_cast %get3A_385 : vector<16xf32> to vector<1x16xf32>
    tpu.vector_store %arg5[%swap3A_441, %swap3A_442], %swap3A_445 {strides = array<i32>} : memref<32x512xf32, #tpu.memory_space<vmem>>, vector<1x16xf32>,
    %swap3A_446 = arith.constant 11 : i32
    %swap3A_447 = arith.index_cast %swap3A_446 : i32 to index
    %swap3A_448 = arith.constant 288 : index
    %swap3A_449 = tpu.vector_load %arg5[%swap3A_447, %swap3A_448] {strides = array<i32>} : memref<32x512xf32, #tpu.memory_space<vmem>>, vector<1x16xf32>,
    %swap3A_450 = vector.shape_cast %swap3A_449 : vector<1x16xf32> to vector<16xf32>
    %swap3A_451 = vector.shape_cast %get3A_385 : vector<16xf32> to vector<1x16xf32>
    tpu.vector_store %arg5[%swap3A_447, %swap3A_448], %swap3A_451 {strides = array<i32>} : memref<32x512xf32, #tpu.memory_space<vmem>>, vector<1x16xf32>,
    %swap3A_452 = arith.constant 12 : i32
    %swap3A_453 = arith.index_cast %swap3A_452 : i32 to index
    %swap3A_454 = arith.constant 288 : index
    %swap3A_455 = tpu.vector_load %arg5[%swap3A_453, %swap3A_454] {strides = array<i32>} : memref<32x512xf32, #tpu.memory_space<vmem>>, vector<1x16xf32>,
    %swap3A_456 = vector.shape_cast %swap3A_455 : vector<1x16xf32> to vector<16xf32>
    %swap3A_457 = vector.shape_cast %get3A_385 : vector<16xf32> to vector<1x16xf32>
    tpu.vector_store %arg5[%swap3A_453, %swap3A_454], %swap3A_457 {strides = array<i32>} : memref<32x512xf32, #tpu.memory_space<vmem>>, vector<1x16xf32>,
    %swap3A_458 = arith.constant 13 : i32
    %swap3A_459 = arith.index_cast %swap3A_458 : i32 to index
    %swap3A_460 = arith.constant 288 : index
    %swap3A_461 = tpu.vector_load %arg5[%swap3A_459, %swap3A_460] {strides = array<i32>} : memref<32x512xf32, #tpu.memory_space<vmem>>, vector<1x16xf32>,
    %swap3A_462 = vector.shape_cast %swap3A_461 : vector<1x16xf32> to vector<16xf32>
    %swap3A_463 = vector.shape_cast %get3A_385 : vector<16xf32> to vector<1x16xf32>
    tpu.vector_store %arg5[%swap3A_459, %swap3A_460], %swap3A_463 {strides = array<i32>} : memref<32x512xf32, #tpu.memory_space<vmem>>, vector<1x16xf32>,
    %swap3A_464 = arith.constant 14 : i32
    %swap3A_465 = arith.index_cast %swap3A_464 : i32 to index
    %swap3A_466 = arith.constant 288 : index
    %swap3A_467 = tpu.vector_load %arg5[%swap3A_465, %swap3A_466] {strides = array<i32>} : memref<32x512xf32, #tpu.memory_space<vmem>>, vector<1x16xf32>,
    %swap3A_468 = vector.shape_cast %swap3A_467 : vector<1x16xf32> to vector<16xf32>
    %swap3A_469 = vector.shape_cast %get3A_385 : vector<16xf32> to vector<1x16xf32>
    tpu.vector_store %arg5[%swap3A_465, %swap3A_466], %swap3A_469 {strides = array<i32>} : memref<32x512xf32, #tpu.memory_space<vmem>>, vector<1x16xf32>,
    %swap3A_470 = arith.constant 15 : i32
    %swap3A_471 = arith.index_cast %swap3A_470 : i32 to index
    %swap3A_472 = arith.constant 288 : index
    %swap3A_473 = tpu.vector_load %arg5[%swap3A_471, %swap3A_472] {strides = array<i32>} : memref<32x512xf32, #tpu.memory_space<vmem>>, vector<1x16xf32>,
    %swap3A_474 = vector.shape_cast %swap3A_473 : vector<1x16xf32> to vector<16xf32>
    %swap3A_475 = vector.shape_cast %get3A_385 : vector<16xf32> to vector<1x16xf32>
    tpu.vector_store %arg5[%swap3A_471, %swap3A_472], %swap3A_475 {strides = array<i32>} : memref<32x512xf32, #tpu.memory_space<vmem>>, vector<1x16xf32>,
    %swap3A_476 = arith.constant 16 : i32
    %swap3A_477 = arith.index_cast %swap3A_476 : i32 to index
    %swap3A_478 = arith.constant 288 : index
    %swap3A_479 = tpu.vector_load %arg5[%swap3A_477, %swap3A_478] {strides = array<i32>} : memref<32x512xf32, #tpu.memory_space<vmem>>, vector<1x16xf32>,
    %swap3A_480 = vector.shape_cast %swap3A_479 : vector<1x16xf32> to vector<16xf32>
    %swap3A_481 = vector.shape_cast %get3A_385 : vector<16xf32> to vector<1x16xf32>
    tpu.vector_store %arg5[%swap3A_477, %swap3A_478], %swap3A_481 {strides = array<i32>} : memref<32x512xf32, #tpu.memory_space<vmem>>, vector<1x16xf32>,
    %swap3A_482 = arith.constant 17 : i32
    %swap3A_483 = arith.index_cast %swap3A_482 : i32 to index
    %swap3A_484 = arith.constant 288 : index
    %swap3A_485 = tpu.vector_load %arg5[%swap3A_483, %swap3A_484] {strides = array<i32>} : memref<32x512xf32, #tpu.memory_space<vmem>>, vector<1x16xf32>,
    %swap3A_486 = vector.shape_cast %swap3A_485 : vector<1x16xf32> to vector<16xf32>
    %swap3A_487 = vector.shape_cast %get3A_385 : vector<16xf32> to vector<1x16xf32>
    tpu.vector_store %arg5[%swap3A_483, %swap3A_484], %swap3A_487 {strides = array<i32>} : memref<32x512xf32, #tpu.memory_space<vmem>>, vector<1x16xf32>,
    %swap3A_488 = arith.constant 18 : i32
    %swap3A_489 = arith.index_cast %swap3A_488 : i32 to index
    %swap3A_490 = arith.constant 288 : index
    %swap3A_491 = tpu.vector_load %arg5[%swap3A_489, %swap3A_490] {strides = array<i32>} : memref<32x512xf32, #tpu.memory_space<vmem>>, vector<1x16xf32>,
    %swap3A_492 = vector.shape_cast %swap3A_491 : vector<1x16xf32> to vector<16xf32>
    %swap3A_493 = vector.shape_cast %get3A_385 : vector<16xf32> to vector<1x16xf32>
    tpu.vector_store %arg5[%swap3A_489, %swap3A_490], %swap3A_493 {strides = array<i32>} : memref<32x512xf32, #tpu.memory_space<vmem>>, vector<1x16xf32>,
    %swap3A_494 = arith.constant 19 : i32
    %swap3A_495 = arith.index_cast %swap3A_494 : i32 to index
    %swap3A_496 = arith.constant 288 : index
    %swap3A_497 = tpu.vector_load %arg5[%swap3A_495, %swap3A_496] {strides = array<i32>} : memref<32x512xf32, #tpu.memory_space<vmem>>, vector<1x16xf32>,
    %swap3A_498 = vector.shape_cast %swap3A_497 : vector<1x16xf32> to vector<16xf32>
    %swap3A_499 = vector.shape_cast %get3A_385 : vector<16xf32> to vector<1x16xf32>
    tpu.vector_store %arg5[%swap3A_495, %swap3A_496], %swap3A_499 {strides = array<i32>} : memref<32x512xf32, #tpu.memory_space<vmem>>, vector<1x16xf32>,
    %swap3A_500 = arith.constant 20 : i32
    %swap3A_501 = arith.index_cast %swap3A_500 : i32 to index
    %swap3A_502 = arith.constant 288 : index
    %swap3A_503 = tpu.vector_load %arg5[%swap3A_501, %swap3A_502] {strides = array<i32>} : memref<32x512xf32, #tpu.memory_space<vmem>>, vector<1x16xf32>,
    %swap3A_504 = vector.shape_cast %swap3A_503 : vector<1x16xf32> to vector<16xf32>
    %swap3A_505 = vector.shape_cast %get3A_385 : vector<16xf32> to vector<1x16xf32>
    tpu.vector_store %arg5[%swap3A_501, %swap3A_502], %swap3A_505 {strides = array<i32>} : memref<32x512xf32, #tpu.memory_space<vmem>>, vector<1x16xf32>,
    %swap3A_506 = arith.constant 21 : i32
    %swap3A_507 = arith.index_cast %swap3A_506 : i32 to index
    %swap3A_508 = arith.constant 288 : index
    %swap3A_509 = tpu.vector_load %arg5[%swap3A_507, %swap3A_508] {strides = array<i32>} : memref<32x512xf32, #tpu.memory_space<vmem>>, vector<1x16xf32>,
    %swap3A_510 = vector.shape_cast %swap3A_509 : vector<1x16xf32> to vector<16xf32>
    %swap3A_511 = vector.shape_cast %get3A_385 : vector<16xf32> to vector<1x16xf32>
    tpu.vector_store %arg5[%swap3A_507, %swap3A_508], %swap3A_511 {strides = array<i32>} : memref<32x512xf32, #tpu.memory_space<vmem>>, vector<1x16xf32>,
    %swap3A_512 = arith.constant 22 : i32
    %swap3A_513 = arith.index_cast %swap3A_512 : i32 to index
    %swap3A_514 = arith.constant 288 : index
    %swap3A_515 = tpu.vector_load %arg5[%swap3A_513, %swap3A_514] {strides = array<i32>} : memref<32x512xf32, #tpu.memory_space<vmem>>, vector<1x16xf32>,
    %swap3A_516 = vector.shape_cast %swap3A_515 : vector<1x16xf32> to vector<16xf32>
    %swap3A_517 = vector.shape_cast %get3A_385 : vector<16xf32> to vector<1x16xf32>
    tpu.vector_store %arg5[%swap3A_513, %swap3A_514], %swap3A_517 {strides = array<i32>} : memref<32x512xf32, #tpu.memory_space<vmem>>, vector<1x16xf32>,
    %swap3A_518 = arith.constant 23 : i32
    %swap3A_519 = arith.index_cast %swap3A_518 : i32 to index
    %swap3A_520 = arith.constant 288 : index
    %swap3A_521 = tpu.vector_load %arg5[%swap3A_519, %swap3A_520] {strides = array<i32>} : memref<32x512xf32, #tpu.memory_space<vmem>>, vector<1x16xf32>,
    %swap3A_522 = vector.shape_cast %swap3A_521 : vector<1x16xf32> to vector<16xf32>
    %swap3A_523 = vector.shape_cast %get3A_385 : vector<16xf32> to vector<1x16xf32>
    tpu.vector_store %arg5[%swap3A_519, %swap3A_520], %swap3A_523 {strides = array<i32>} : memref<32x512xf32, #tpu.memory_space<vmem>>, vector<1x16xf32>,
    %swap3A_524 = arith.constant 24 : i32
    %swap3A_525 = arith.index_cast %swap3A_524 : i32 to index
    %swap3A_526 = arith.constant 288 : index
    %swap3A_527 = tpu.vector_load %arg5[%swap3A_525, %swap3A_526] {strides = array<i32>} : memref<32x512xf32, #tpu.memory_space<vmem>>, vector<1x16xf32>,
    %swap3A_528 = vector.shape_cast %swap3A_527 : vector<1x16xf32> to vector<16xf32>
    %swap3A_529 = vector.shape_cast %get3A_385 : vector<16xf32> to vector<1x16xf32>
    tpu.vector_store %arg5[%swap3A_525, %swap3A_526], %swap3A_529 {strides = array<i32>} : memref<32x512xf32, #tpu.memory_space<vmem>>, vector<1x16xf32>,
    %swap3A_530 = arith.constant 25 : i32
    %swap3A_531 = arith.index_cast %swap3A_530 : i32 to index
    %swap3A_532 = arith.constant 288 : index
    %swap3A_533 = tpu.vector_load %arg5[%swap3A_531, %swap3A_532] {strides = array<i32>} : memref<32x512xf32, #tpu.memory_space<vmem>>, vector<1x16xf32>,
    %swap3A_534 = vector.shape_cast %swap3A_533 : vector<1x16xf32> to vector<16xf32>
    %swap3A_535 = vector.shape_cast %get3A_385 : vector<16xf32> to vector<1x16xf32>
    tpu.vector_store %arg5[%swap3A_531, %swap3A_532], %swap3A_535 {strides = array<i32>} : memref<32x512xf32, #tpu.memory_space<vmem>>, vector<1x16xf32>,
    %swap3A_536 = arith.constant 26 : i32
    %swap3A_537 = arith.index_cast %swap3A_536 : i32 to index
    %swap3A_538 = arith.constant 288 : index
    %swap3A_539 = tpu.vector_load %arg5[%swap3A_537, %swap3A_538] {strides = array<i32>} : memref<32x512xf32, #tpu.memory_space<vmem>>, vector<1x16xf32>,
    %swap3A_540 = vector.shape_cast %swap3A_539 : vector<1x16xf32> to vector<16xf32>
    %swap3A_541 = vector.shape_cast %get3A_385 : vector<16xf32> to vector<1x16xf32>
    tpu.vector_store %arg5[%swap3A_537, %swap3A_538], %swap3A_541 {strides = array<i32>} : memref<32x512xf32, #tpu.memory_space<vmem>>, vector<1x16xf32>,
    %swap3A_542 = arith.constant 27 : i32
    %swap3A_543 = arith.index_cast %swap3A_542 : i32 to index
    %swap3A_544 = arith.constant 288 : index
    %swap3A_545 = tpu.vector_load %arg5[%swap3A_543, %swap3A_544] {strides = array<i32>} : memref<32x512xf32, #tpu.memory_space<vmem>>, vector<1x16xf32>,
    %swap3A_546 = vector.shape_cast %swap3A_545 : vector<1x16xf32> to vector<16xf32>
    %swap3A_547 = vector.shape_cast %get3A_385 : vector<16xf32> to vector<1x16xf32>
    tpu.vector_store %arg5[%swap3A_543, %swap3A_544], %swap3A_547 {strides = array<i32>} : memref<32x512xf32, #tpu.memory_space<vmem>>, vector<1x16xf32>,
    %swap3A_548 = arith.constant 28 : i32
    %swap3A_549 = arith.index_cast %swap3A_548 : i32 to index
    %swap3A_550 = arith.constant 288 : index
    %swap3A_551 = tpu.vector_load %arg5[%swap3A_549, %swap3A_550] {strides = array<i32>} : memref<32x512xf32, #tpu.memory_space<vmem>>, vector<1x16xf32>,
    %swap3A_552 = vector.shape_cast %swap3A_551 : vector<1x16xf32> to vector<16xf32>
    %swap3A_553 = vector.shape_cast %get3A_385 : vector<16xf32> to vector<1x16xf32>
    tpu.vector_store %arg5[%swap3A_549, %swap3A_550], %swap3A_553 {strides = array<i32>} : memref<32x512xf32, #tpu.memory_space<vmem>>, vector<1x16xf32>,
    %swap3A_554 = arith.constant 29 : i32
    %swap3A_555 = arith.index_cast %swap3A_554 : i32 to index
    %swap3A_556 = arith.constant 288 : index
    %swap3A_557 = tpu.vector_load %arg5[%swap3A_555, %swap3A_556] {strides = array<i32>} : memref<32x512xf32, #tpu.memory_space<vmem>>, vector<1x16xf32>,
    %swap3A_558 = vector.shape_cast %swap3A_557 : vector<1x16xf32> to vector<16xf32>
    %swap3A_559 = vector.shape_cast %get3A_385 : vector<16xf32> to vector<1x16xf32>
    tpu.vector_store %arg5[%swap3A_555, %swap3A_556], %swap3A_559 {strides = array<i32>} : memref<32x512xf32, #tpu.memory_space<vmem>>, vector<1x16xf32>,
    %swap3A_560 = arith.constant 30 : i32
    %swap3A_561 = arith.index_cast %swap3A_560 : i32 to index
    %swap3A_562 = arith.constant 288 : index
    %swap3A_563 = tpu.vector_load %arg5[%swap3A_561, %swap3A_562] {strides = array<i32>} : memref<32x512xf32, #tpu.memory_space<vmem>>, vector<1x16xf32>,
    %swap3A_564 = vector.shape_cast %swap3A_563 : vector<1x16xf32> to vector<16xf32>
    %swap3A_565 = vector.shape_cast %get3A_385 : vector<16xf32> to vector<1x16xf32>
    tpu.vector_store %arg5[%swap3A_561, %swap3A_562], %swap3A_565 {strides = array<i32>} : memref<32x512xf32, #tpu.memory_space<vmem>>, vector<1x16xf32>,
    %swap3A_566 = arith.constant 31 : i32
    %swap3A_567 = arith.index_cast %swap3A_566 : i32 to index
    %swap3A_568 = arith.constant 288 : index
    %swap3A_569 = tpu.vector_load %arg5[%swap3A_567, %swap3A_568] {strides = array<i32>} : memref<32x512xf32, #tpu.memory_space<vmem>>, vector<1x16xf32>,
    %swap3A_570 = vector.shape_cast %swap3A_569 : vector<1x16xf32> to vector<16xf32>
    %swap3A_571 = vector.shape_cast %get3A_385 : vector<16xf32> to vector<1x16xf32>
    tpu.vector_store %arg5[%swap3A_567, %swap3A_568], %swap3A_571 {strides = array<i32>} : memref<32x512xf32, #tpu.memory_space<vmem>>, vector<1x16xf32>,
    %get3A_572 = arith.constant 0 : i32
    %get3A_573 = arith.index_cast %get3A_572 : i32 to index
    %get3A_574 = arith.constant 304 : index
    %get3A_575 = tpu.vector_load %arg5[%get3A_573, %get3A_574] {strides = array<i32>} : memref<32x512xf32, #tpu.memory_space<vmem>>, vector<1x16xf32>,
    %get3A_576 = vector.shape_cast %get3A_575 : vector<1x16xf32> to vector<16xf32>
    %swap3A_577 = arith.constant 1 : i32
    %swap3A_578 = arith.index_cast %swap3A_577 : i32 to index
    %swap3A_579 = arith.constant 304 : index
    %swap3A_580 = tpu.vector_load %arg5[%swap3A_578, %swap3A_579] {strides = array<i32>} : memref<32x512xf32, #tpu.memory_space<vmem>>, vector<1x16xf32>,
    %swap3A_581 = vector.shape_cast %swap3A_580 : vector<1x16xf32> to vector<16xf32>
    %swap3A_582 = vector.shape_cast %get3A_576 : vector<16xf32> to vector<1x16xf32>
    tpu.vector_store %arg5[%swap3A_578, %swap3A_579], %swap3A_582 {strides = array<i32>} : memref<32x512xf32, #tpu.memory_space<vmem>>, vector<1x16xf32>,
    %swap3A_583 = arith.constant 2 : i32
    %swap3A_584 = arith.index_cast %swap3A_583 : i32 to index
    %swap3A_585 = arith.constant 304 : index
    %swap3A_586 = tpu.vector_load %arg5[%swap3A_584, %swap3A_585] {strides = array<i32>} : memref<32x512xf32, #tpu.memory_space<vmem>>, vector<1x16xf32>,
    %swap3A_587 = vector.shape_cast %swap3A_586 : vector<1x16xf32> to vector<16xf32>
    %swap3A_588 = vector.shape_cast %get3A_576 : vector<16xf32> to vector<1x16xf32>
    tpu.vector_store %arg5[%swap3A_584, %swap3A_585], %swap3A_588 {strides = array<i32>} : memref<32x512xf32, #tpu.memory_space<vmem>>, vector<1x16xf32>,
    %swap3A_589 = arith.constant 3 : i32
    %swap3A_590 = arith.index_cast %swap3A_589 : i32 to index
    %swap3A_591 = arith.constant 304 : index
    %swap3A_592 = tpu.vector_load %arg5[%swap3A_590, %swap3A_591] {strides = array<i32>} : memref<32x512xf32, #tpu.memory_space<vmem>>, vector<1x16xf32>,
    %swap3A_593 = vector.shape_cast %swap3A_592 : vector<1x16xf32> to vector<16xf32>
    %swap3A_594 = vector.shape_cast %get3A_576 : vector<16xf32> to vector<1x16xf32>
    tpu.vector_store %arg5[%swap3A_590, %swap3A_591], %swap3A_594 {strides = array<i32>} : memref<32x512xf32, #tpu.memory_space<vmem>>, vector<1x16xf32>,
    %swap3A_595 = arith.constant 4 : i32
    %swap3A_596 = arith.index_cast %swap3A_595 : i32 to index
    %swap3A_597 = arith.constant 304 : index
    %swap3A_598 = tpu.vector_load %arg5[%swap3A_596, %swap3A_597] {strides = array<i32>} : memref<32x512xf32, #tpu.memory_space<vmem>>, vector<1x16xf32>,
    %swap3A_599 = vector.shape_cast %swap3A_598 : vector<1x16xf32> to vector<16xf32>
    %swap3A_600 = vector.shape_cast %get3A_576 : vector<16xf32> to vector<1x16xf32>
    tpu.vector_store %arg5[%swap3A_596, %swap3A_597], %swap3A_600 {strides = array<i32>} : memref<32x512xf32, #tpu.memory_space<vmem>>, vector<1x16xf32>,
    %swap3A_601 = arith.constant 5 : i32
    %swap3A_602 = arith.index_cast %swap3A_601 : i32 to index
    %swap3A_603 = arith.constant 304 : index
    %swap3A_604 = tpu.vector_load %arg5[%swap3A_602, %swap3A_603] {strides = array<i32>} : memref<32x512xf32, #tpu.memory_space<vmem>>, vector<1x16xf32>,
    %swap3A_605 = vector.shape_cast %swap3A_604 : vector<1x16xf32> to vector<16xf32>
    %swap3A_606 = vector.shape_cast %get3A_576 : vector<16xf32> to vector<1x16xf32>
    tpu.vector_store %arg5[%swap3A_602, %swap3A_603], %swap3A_606 {strides = array<i32>} : memref<32x512xf32, #tpu.memory_space<vmem>>, vector<1x16xf32>,
    %swap3A_607 = arith.constant 6 : i32
    %swap3A_608 = arith.index_cast %swap3A_607 : i32 to index
    %swap3A_609 = arith.constant 304 : index
    %swap3A_610 = tpu.vector_load %arg5[%swap3A_608, %swap3A_609] {strides = array<i32>} : memref<32x512xf32, #tpu.memory_space<vmem>>, vector<1x16xf32>,
    %swap3A_611 = vector.shape_cast %swap3A_610 : vector<1x16xf32> to vector<16xf32>
    %swap3A_612 = vector.shape_cast %get3A_576 : vector<16xf32> to vector<1x16xf32>
    tpu.vector_store %arg5[%swap3A_608, %swap3A_609], %swap3A_612 {strides = array<i32>} : memref<32x512xf32, #tpu.memory_space<vmem>>, vector<1x16xf32>,
    %swap3A_613 = arith.constant 7 : i32
    %swap3A_614 = arith.index_cast %swap3A_613 : i32 to index
    %swap3A_615 = arith.constant 304 : index
    %swap3A_616 = tpu.vector_load %arg5[%swap3A_614, %swap3A_615] {strides = array<i32>} : memref<32x512xf32, #tpu.memory_space<vmem>>, vector<1x16xf32>,
    %swap3A_617 = vector.shape_cast %swap3A_616 : vector<1x16xf32> to vector<16xf32>
    %swap3A_618 = vector.shape_cast %get3A_576 : vector<16xf32> to vector<1x16xf32>
    tpu.vector_store %arg5[%swap3A_614, %swap3A_615], %swap3A_618 {strides = array<i32>} : memref<32x512xf32, #tpu.memory_space<vmem>>, vector<1x16xf32>,
    %swap3A_619 = arith.constant 8 : i32
    %swap3A_620 = arith.index_cast %swap3A_619 : i32 to index
    %swap3A_621 = arith.constant 304 : index
    %swap3A_622 = tpu.vector_load %arg5[%swap3A_620, %swap3A_621] {strides = array<i32>} : memref<32x512xf32, #tpu.memory_space<vmem>>, vector<1x16xf32>,
    %swap3A_623 = vector.shape_cast %swap3A_622 : vector<1x16xf32> to vector<16xf32>
    %swap3A_624 = vector.shape_cast %get3A_576 : vector<16xf32> to vector<1x16xf32>
    tpu.vector_store %arg5[%swap3A_620, %swap3A_621], %swap3A_624 {strides = array<i32>} : memref<32x512xf32, #tpu.memory_space<vmem>>, vector<1x16xf32>,
    %swap3A_625 = arith.constant 9 : i32
    %swap3A_626 = arith.index_cast %swap3A_625 : i32 to index
    %swap3A_627 = arith.constant 304 : index
    %swap3A_628 = tpu.vector_load %arg5[%swap3A_626, %swap3A_627] {strides = array<i32>} : memref<32x512xf32, #tpu.memory_space<vmem>>, vector<1x16xf32>,
    %swap3A_629 = vector.shape_cast %swap3A_628 : vector<1x16xf32> to vector<16xf32>
    %swap3A_630 = vector.shape_cast %get3A_576 : vector<16xf32> to vector<1x16xf32>
    tpu.vector_store %arg5[%swap3A_626, %swap3A_627], %swap3A_630 {strides = array<i32>} : memref<32x512xf32, #tpu.memory_space<vmem>>, vector<1x16xf32>,
    %swap3A_631 = arith.constant 10 : i32
    %swap3A_632 = arith.index_cast %swap3A_631 : i32 to index
    %swap3A_633 = arith.constant 304 : index
    %swap3A_634 = tpu.vector_load %arg5[%swap3A_632, %swap3A_633] {strides = array<i32>} : memref<32x512xf32, #tpu.memory_space<vmem>>, vector<1x16xf32>,
    %swap3A_635 = vector.shape_cast %swap3A_634 : vector<1x16xf32> to vector<16xf32>
    %swap3A_636 = vector.shape_cast %get3A_576 : vector<16xf32> to vector<1x16xf32>
    tpu.vector_store %arg5[%swap3A_632, %swap3A_633], %swap3A_636 {strides = array<i32>} : memref<32x512xf32, #tpu.memory_space<vmem>>, vector<1x16xf32>,
    %swap3A_637 = arith.constant 11 : i32
    %swap3A_638 = arith.index_cast %swap3A_637 : i32 to index
    %swap3A_639 = arith.constant 304 : index
    %swap3A_640 = tpu.vector_load %arg5[%swap3A_638, %swap3A_639] {strides = array<i32>} : memref<32x512xf32, #tpu.memory_space<vmem>>, vector<1x16xf32>,
    %swap3A_641 = vector.shape_cast %swap3A_640 : vector<1x16xf32> to vector<16xf32>
    %swap3A_642 = vector.shape_cast %get3A_576 : vector<16xf32> to vector<1x16xf32>
    tpu.vector_store %arg5[%swap3A_638, %swap3A_639], %swap3A_642 {strides = array<i32>} : memref<32x512xf32, #tpu.memory_space<vmem>>, vector<1x16xf32>,
    %swap3A_643 = arith.constant 12 : i32
    %swap3A_644 = arith.index_cast %swap3A_643 : i32 to index
    %swap3A_645 = arith.constant 304 : index
    %swap3A_646 = tpu.vector_load %arg5[%swap3A_644, %swap3A_645] {strides = array<i32>} : memref<32x512xf32, #tpu.memory_space<vmem>>, vector<1x16xf32>,
    %swap3A_647 = vector.shape_cast %swap3A_646 : vector<1x16xf32> to vector<16xf32>
    %swap3A_648 = vector.shape_cast %get3A_576 : vector<16xf32> to vector<1x16xf32>
    tpu.vector_store %arg5[%swap3A_644, %swap3A_645], %swap3A_648 {strides = array<i32>} : memref<32x512xf32, #tpu.memory_space<vmem>>, vector<1x16xf32>,
    %swap3A_649 = arith.constant 13 : i32
    %swap3A_650 = arith.index_cast %swap3A_649 : i32 to index
    %swap3A_651 = arith.constant 304 : index
    %swap3A_652 = tpu.vector_load %arg5[%swap3A_650, %swap3A_651] {strides = array<i32>} : memref<32x512xf32, #tpu.memory_space<vmem>>, vector<1x16xf32>,
    %swap3A_653 = vector.shape_cast %swap3A_652 : vector<1x16xf32> to vector<16xf32>
    %swap3A_654 = vector.shape_cast %get3A_576 : vector<16xf32> to vector<1x16xf32>
    tpu.vector_store %arg5[%swap3A_650, %swap3A_651], %swap3A_654 {strides = array<i32>} : memref<32x512xf32, #tpu.memory_space<vmem>>, vector<1x16xf32>,
    %swap3A_655 = arith.constant 14 : i32
    %swap3A_656 = arith.index_cast %swap3A_655 : i32 to index
    %swap3A_657 = arith.constant 304 : index
    %swap3A_658 = tpu.vector_load %arg5[%swap3A_656, %swap3A_657] {strides = array<i32>} : memref<32x512xf32, #tpu.memory_space<vmem>>, vector<1x16xf32>,
    %swap3A_659 = vector.shape_cast %swap3A_658 : vector<1x16xf32> to vector<16xf32>
    %swap3A_660 = vector.shape_cast %get3A_576 : vector<16xf32> to vector<1x16xf32>
    tpu.vector_store %arg5[%swap3A_656, %swap3A_657], %swap3A_660 {strides = array<i32>} : memref<32x512xf32, #tpu.memory_space<vmem>>, vector<1x16xf32>,
    %swap3A_661 = arith.constant 15 : i32
    %swap3A_662 = arith.index_cast %swap3A_661 : i32 to index
    %swap3A_663 = arith.constant 304 : index
    %swap3A_664 = tpu.vector_load %arg5[%swap3A_662, %swap3A_663] {strides = array<i32>} : memref<32x512xf32, #tpu.memory_space<vmem>>, vector<1x16xf32>,
    %swap3A_665 = vector.shape_cast %swap3A_664 : vector<1x16xf32> to vector<16xf32>
    %swap3A_666 = vector.shape_cast %get3A_576 : vector<16xf32> to vector<1x16xf32>
    tpu.vector_store %arg5[%swap3A_662, %swap3A_663], %swap3A_666 {strides = array<i32>} : memref<32x512xf32, #tpu.memory_space<vmem>>, vector<1x16xf32>,
    %swap3A_667 = arith.constant 16 : i32
    %swap3A_668 = arith.index_cast %swap3A_667 : i32 to index
    %swap3A_669 = arith.constant 304 : index
    %swap3A_670 = tpu.vector_load %arg5[%swap3A_668, %swap3A_669] {strides = array<i32>} : memref<32x512xf32, #tpu.memory_space<vmem>>, vector<1x16xf32>,
    %swap3A_671 = vector.shape_cast %swap3A_670 : vector<1x16xf32> to vector<16xf32>
    %swap3A_672 = vector.shape_cast %get3A_576 : vector<16xf32> to vector<1x16xf32>
    tpu.vector_store %arg5[%swap3A_668, %swap3A_669], %swap3A_672 {strides = array<i32>} : memref<32x512xf32, #tpu.memory_space<vmem>>, vector<1x16xf32>,
    %swap3A_673 = arith.constant 17 : i32
    %swap3A_674 = arith.index_cast %swap3A_673 : i32 to index
    %swap3A_675 = arith.constant 304 : index
    %swap3A_676 = tpu.vector_load %arg5[%swap3A_674, %swap3A_675] {strides = array<i32>} : memref<32x512xf32, #tpu.memory_space<vmem>>, vector<1x16xf32>,
    %swap3A_677 = vector.shape_cast %swap3A_676 : vector<1x16xf32> to vector<16xf32>
    %swap3A_678 = vector.shape_cast %get3A_576 : vector<16xf32> to vector<1x16xf32>
    tpu.vector_store %arg5[%swap3A_674, %swap3A_675], %swap3A_678 {strides = array<i32>} : memref<32x512xf32, #tpu.memory_space<vmem>>, vector<1x16xf32>,
    %swap3A_679 = arith.constant 18 : i32
    %swap3A_680 = arith.index_cast %swap3A_679 : i32 to index
    %swap3A_681 = arith.constant 304 : index
    %swap3A_682 = tpu.vector_load %arg5[%swap3A_680, %swap3A_681] {strides = array<i32>} : memref<32x512xf32, #tpu.memory_space<vmem>>, vector<1x16xf32>,
    %swap3A_683 = vector.shape_cast %swap3A_682 : vector<1x16xf32> to vector<16xf32>
    %swap3A_684 = vector.shape_cast %get3A_576 : vector<16xf32> to vector<1x16xf32>
    tpu.vector_store %arg5[%swap3A_680, %swap3A_681], %swap3A_684 {strides = array<i32>} : memref<32x512xf32, #tpu.memory_space<vmem>>, vector<1x16xf32>,
    %swap3A_685 = arith.constant 19 : i32
    %swap3A_686 = arith.index_cast %swap3A_685 : i32 to index
    %swap3A_687 = arith.constant 304 : index
    %swap3A_688 = tpu.vector_load %arg5[%swap3A_686, %swap3A_687] {strides = array<i32>} : memref<32x512xf32, #tpu.memory_space<vmem>>, vector<1x16xf32>,
    %swap3A_689 = vector.shape_cast %swap3A_688 : vector<1x16xf32> to vector<16xf32>
    %swap3A_690 = vector.shape_cast %get3A_576 : vector<16xf32> to vector<1x16xf32>
    tpu.vector_store %arg5[%swap3A_686, %swap3A_687], %swap3A_690 {strides = array<i32>} : memref<32x512xf32, #tpu.memory_space<vmem>>, vector<1x16xf32>,
    %swap3A_691 = arith.constant 20 : i32
    %swap3A_692 = arith.index_cast %swap3A_691 : i32 to index
    %swap3A_693 = arith.constant 304 : index
    %swap3A_694 = tpu.vector_load %arg5[%swap3A_692, %swap3A_693] {strides = array<i32>} : memref<32x512xf32, #tpu.memory_space<vmem>>, vector<1x16xf32>,
    %swap3A_695 = vector.shape_cast %swap3A_694 : vector<1x16xf32> to vector<16xf32>
    %swap3A_696 = vector.shape_cast %get3A_576 : vector<16xf32> to vector<1x16xf32>
    tpu.vector_store %arg5[%swap3A_692, %swap3A_693], %swap3A_696 {strides = array<i32>} : memref<32x512xf32, #tpu.memory_space<vmem>>, vector<1x16xf32>,
    %swap3A_697 = arith.constant 21 : i32
    %swap3A_698 = arith.index_cast %swap3A_697 : i32 to index
    %swap3A_699 = arith.constant 304 : index
    %swap3A_700 = tpu.vector_load %arg5[%swap3A_698, %swap3A_699] {strides = array<i32>} : memref<32x512xf32, #tpu.memory_space<vmem>>, vector<1x16xf32>,
    %swap3A_701 = vector.shape_cast %swap3A_700 : vector<1x16xf32> to vector<16xf32>
    %swap3A_702 = vector.shape_cast %get3A_576 : vector<16xf32> to vector<1x16xf32>
    tpu.vector_store %arg5[%swap3A_698, %swap3A_699], %swap3A_702 {strides = array<i32>} : memref<32x512xf32, #tpu.memory_space<vmem>>, vector<1x16xf32>,
    %swap3A_703 = arith.constant 22 : i32
    %swap3A_704 = arith.index_cast %swap3A_703 : i32 to index
    %swap3A_705 = arith.constant 304 : index
    %swap3A_706 = tpu.vector_load %arg5[%swap3A_704, %swap3A_705] {strides = array<i32>} : memref<32x512xf32, #tpu.memory_space<vmem>>, vector<1x16xf32>,
    %swap3A_707 = vector.shape_cast %swap3A_706 : vector<1x16xf32> to vector<16xf32>
    %swap3A_708 = vector.shape_cast %get3A_576 : vector<16xf32> to vector<1x16xf32>
    tpu.vector_store %arg5[%swap3A_704, %swap3A_705], %swap3A_708 {strides = array<i32>} : memref<32x512xf32, #tpu.memory_space<vmem>>, vector<1x16xf32>,
    %swap3A_709 = arith.constant 23 : i32
    %swap3A_710 = arith.index_cast %swap3A_709 : i32 to index
    %swap3A_711 = arith.constant 304 : index
    %swap3A_712 = tpu.vector_load %arg5[%swap3A_710, %swap3A_711] {strides = array<i32>} : memref<32x512xf32, #tpu.memory_space<vmem>>, vector<1x16xf32>,
    %swap3A_713 = vector.shape_cast %swap3A_712 : vector<1x16xf32> to vector<16xf32>
    %swap3A_714 = vector.shape_cast %get3A_576 : vector<16xf32> to vector<1x16xf32>
    tpu.vector_store %arg5[%swap3A_710, %swap3A_711], %swap3A_714 {strides = array<i32>} : memref<32x512xf32, #tpu.memory_space<vmem>>, vector<1x16xf32>,
    %swap3A_715 = arith.constant 24 : i32
    %swap3A_716 = arith.index_cast %swap3A_715 : i32 to index
    %swap3A_717 = arith.constant 304 : index
    %swap3A_718 = tpu.vector_load %arg5[%swap3A_716, %swap3A_717] {strides = array<i32>} : memref<32x512xf32, #tpu.memory_space<vmem>>, vector<1x16xf32>,
    %swap3A_719 = vector.shape_cast %swap3A_718 : vector<1x16xf32> to vector<16xf32>
    %swap3A_720 = vector.shape_cast %get3A_576 : vector<16xf32> to vector<1x16xf32>
    tpu.vector_store %arg5[%swap3A_716, %swap3A_717], %swap3A_720 {strides = array<i32>} : memref<32x512xf32, #tpu.memory_space<vmem>>, vector<1x16xf32>,
    %swap3A_721 = arith.constant 25 : i32
    %swap3A_722 = arith.index_cast %swap3A_721 : i32 to index
    %swap3A_723 = arith.constant 304 : index
    %swap3A_724 = tpu.vector_load %arg5[%swap3A_722, %swap3A_723] {strides = array<i32>} : memref<32x512xf32, #tpu.memory_space<vmem>>, vector<1x16xf32>,
    %swap3A_725 = vector.shape_cast %swap3A_724 : vector<1x16xf32> to vector<16xf32>
    %swap3A_726 = vector.shape_cast %get3A_576 : vector<16xf32> to vector<1x16xf32>
    tpu.vector_store %arg5[%swap3A_722, %swap3A_723], %swap3A_726 {strides = array<i32>} : memref<32x512xf32, #tpu.memory_space<vmem>>, vector<1x16xf32>,
    %swap3A_727 = arith.constant 26 : i32
    %swap3A_728 = arith.index_cast %swap3A_727 : i32 to index
    %swap3A_729 = arith.constant 304 : index
    %swap3A_730 = tpu.vector_load %arg5[%swap3A_728, %swap3A_729] {strides = array<i32>} : memref<32x512xf32, #tpu.memory_space<vmem>>, vector<1x16xf32>,
    %swap3A_731 = vector.shape_cast %swap3A_730 : vector<1x16xf32> to vector<16xf32>
    %swap3A_732 = vector.shape_cast %get3A_576 : vector<16xf32> to vector<1x16xf32>
    tpu.vector_store %arg5[%swap3A_728, %swap3A_729], %swap3A_732 {strides = array<i32>} : memref<32x512xf32, #tpu.memory_space<vmem>>, vector<1x16xf32>,
    %swap3A_733 = arith.constant 27 : i32
    %swap3A_734 = arith.index_cast %swap3A_733 : i32 to index
    %swap3A_735 = arith.constant 304 : index
    %swap3A_736 = tpu.vector_load %arg5[%swap3A_734, %swap3A_735] {strides = array<i32>} : memref<32x512xf32, #tpu.memory_space<vmem>>, vector<1x16xf32>,
    %swap3A_737 = vector.shape_cast %swap3A_736 : vector<1x16xf32> to vector<16xf32>
    %swap3A_738 = vector.shape_cast %get3A_576 : vector<16xf32> to vector<1x16xf32>
    tpu.vector_store %arg5[%swap3A_734, %swap3A_735], %swap3A_738 {strides = array<i32>} : memref<32x512xf32, #tpu.memory_space<vmem>>, vector<1x16xf32>,
    %swap3A_739 = arith.constant 28 : i32
    %swap3A_740 = arith.index_cast %swap3A_739 : i32 to index
    %swap3A_741 = arith.constant 304 : index
    %swap3A_742 = tpu.vector_load %arg5[%swap3A_740, %swap3A_741] {strides = array<i32>} : memref<32x512xf32, #tpu.memory_space<vmem>>, vector<1x16xf32>,
    %swap3A_743 = vector.shape_cast %swap3A_742 : vector<1x16xf32> to vector<16xf32>
    %swap3A_744 = vector.shape_cast %get3A_576 : vector<16xf32> to vector<1x16xf32>
    tpu.vector_store %arg5[%swap3A_740, %swap3A_741], %swap3A_744 {strides = array<i32>} : memref<32x512xf32, #tpu.memory_space<vmem>>, vector<1x16xf32>,
    %swap3A_745 = arith.constant 29 : i32
    %swap3A_746 = arith.index_cast %swap3A_745 : i32 to index
    %swap3A_747 = arith.constant 304 : index
    %swap3A_748 = tpu.vector_load %arg5[%swap3A_746, %swap3A_747] {strides = array<i32>} : memref<32x512xf32, #tpu.memory_space<vmem>>, vector<1x16xf32>,
    %swap3A_749 = vector.shape_cast %swap3A_748 : vector<1x16xf32> to vector<16xf32>
    %swap3A_750 = vector.shape_cast %get3A_576 : vector<16xf32> to vector<1x16xf32>
    tpu.vector_store %arg5[%swap3A_746, %swap3A_747], %swap3A_750 {strides = array<i32>} : memref<32x512xf32, #tpu.memory_space<vmem>>, vector<1x16xf32>,
    %swap3A_751 = arith.constant 30 : i32
    %swap3A_752 = arith.index_cast %swap3A_751 : i32 to index
    %swap3A_753 = arith.constant 304 : index
    %swap3A_754 = tpu.vector_load %arg5[%swap3A_752, %swap3A_753] {strides = array<i32>} : memref<32x512xf32, #tpu.memory_space<vmem>>, vector<1x16xf32>,
    %swap3A_755 = vector.shape_cast %swap3A_754 : vector<1x16xf32> to vector<16xf32>
    %swap3A_756 = vector.shape_cast %get3A_576 : vector<16xf32> to vector<1x16xf32>
    tpu.vector_store %arg5[%swap3A_752, %swap3A_753], %swap3A_756 {strides = array<i32>} : memref<32x512xf32, #tpu.memory_space<vmem>>, vector<1x16xf32>,
    %swap3A_757 = arith.constant 31 : i32
    %swap3A_758 = arith.index_cast %swap3A_757 : i32 to index
    %swap3A_759 = arith.constant 304 : index
    %swap3A_760 = tpu.vector_load %arg5[%swap3A_758, %swap3A_759] {strides = array<i32>} : memref<32x512xf32, #tpu.memory_space<vmem>>, vector<1x16xf32>,
    %swap3A_761 = vector.shape_cast %swap3A_760 : vector<1x16xf32> to vector<16xf32>
    %swap3A_762 = vector.shape_cast %get3A_576 : vector<16xf32> to vector<1x16xf32>
    tpu.vector_store %arg5[%swap3A_758, %swap3A_759], %swap3A_762 {strides = array<i32>} : memref<32x512xf32, #tpu.memory_space<vmem>>, vector<1x16xf32>,
    %get3A_763 = arith.constant 0 : i32
    %get3A_764 = arith.index_cast %get3A_763 : i32 to index
    %get3A_765 = arith.constant 320 : index
    %get3A_766 = tpu.vector_load %arg5[%get3A_764, %get3A_765] {strides = array<i32>} : memref<32x512xf32, #tpu.memory_space<vmem>>, vector<1x16xf32>,
    %get3A_767 = vector.shape_cast %get3A_766 : vector<1x16xf32> to vector<16xf32>
    %swap3A_768 = arith.constant 1 : i32
    %swap3A_769 = arith.index_cast %swap3A_768 : i32 to index
    %swap3A_770 = arith.constant 320 : index
    %swap3A_771 = tpu.vector_load %arg5[%swap3A_769, %swap3A_770] {strides = array<i32>} : memref<32x512xf32, #tpu.memory_space<vmem>>, vector<1x16xf32>,
    %swap3A_772 = vector.shape_cast %swap3A_771 : vector<1x16xf32> to vector<16xf32>
    %swap3A_773 = vector.shape_cast %get3A_767 : vector<16xf32> to vector<1x16xf32>
    tpu.vector_store %arg5[%swap3A_769, %swap3A_770], %swap3A_773 {strides = array<i32>} : memref<32x512xf32, #tpu.memory_space<vmem>>, vector<1x16xf32>,
    %swap3A_774 = arith.constant 2 : i32
    %swap3A_775 = arith.index_cast %swap3A_774 : i32 to index
    %swap3A_776 = arith.constant 320 : index
    %swap3A_777 = tpu.vector_load %arg5[%swap3A_775, %swap3A_776] {strides = array<i32>} : memref<32x512xf32, #tpu.memory_space<vmem>>, vector<1x16xf32>,
    %swap3A_778 = vector.shape_cast %swap3A_777 : vector<1x16xf32> to vector<16xf32>
    %swap3A_779 = vector.shape_cast %get3A_767 : vector<16xf32> to vector<1x16xf32>
    tpu.vector_store %arg5[%swap3A_775, %swap3A_776], %swap3A_779 {strides = array<i32>} : memref<32x512xf32, #tpu.memory_space<vmem>>, vector<1x16xf32>,
    %swap3A_780 = arith.constant 3 : i32
    %swap3A_781 = arith.index_cast %swap3A_780 : i32 to index
    %swap3A_782 = arith.constant 320 : index
    %swap3A_783 = tpu.vector_load %arg5[%swap3A_781, %swap3A_782] {strides = array<i32>} : memref<32x512xf32, #tpu.memory_space<vmem>>, vector<1x16xf32>,
    %swap3A_784 = vector.shape_cast %swap3A_783 : vector<1x16xf32> to vector<16xf32>
    %swap3A_785 = vector.shape_cast %get3A_767 : vector<16xf32> to vector<1x16xf32>
    tpu.vector_store %arg5[%swap3A_781, %swap3A_782], %swap3A_785 {strides = array<i32>} : memref<32x512xf32, #tpu.memory_space<vmem>>, vector<1x16xf32>,
    %swap3A_786 = arith.constant 4 : i32
    %swap3A_787 = arith.index_cast %swap3A_786 : i32 to index
    %swap3A_788 = arith.constant 320 : index
    %swap3A_789 = tpu.vector_load %arg5[%swap3A_787, %swap3A_788] {strides = array<i32>} : memref<32x512xf32, #tpu.memory_space<vmem>>, vector<1x16xf32>,
    %swap3A_790 = vector.shape_cast %swap3A_789 : vector<1x16xf32> to vector<16xf32>
    %swap3A_791 = vector.shape_cast %get3A_767 : vector<16xf32> to vector<1x16xf32>
    tpu.vector_store %arg5[%swap3A_787, %swap3A_788], %swap3A_791 {strides = array<i32>} : memref<32x512xf32, #tpu.memory_space<vmem>>, vector<1x16xf32>,
    %swap3A_792 = arith.constant 5 : i32
    %swap3A_793 = arith.index_cast %swap3A_792 : i32 to index
    %swap3A_794 = arith.constant 320 : index
    %swap3A_795 = tpu.vector_load %arg5[%swap3A_793, %swap3A_794] {strides = array<i32>} : memref<32x512xf32, #tpu.memory_space<vmem>>, vector<1x16xf32>,
    %swap3A_796 = vector.shape_cast %swap3A_795 : vector<1x16xf32> to vector<16xf32>
    %swap3A_797 = vector.shape_cast %get3A_767 : vector<16xf32> to vector<1x16xf32>
    tpu.vector_store %arg5[%swap3A_793, %swap3A_794], %swap3A_797 {strides = array<i32>} : memref<32x512xf32, #tpu.memory_space<vmem>>, vector<1x16xf32>,
    %swap3A_798 = arith.constant 6 : i32
    %swap3A_799 = arith.index_cast %swap3A_798 : i32 to index
    %swap3A_800 = arith.constant 320 : index
    %swap3A_801 = tpu.vector_load %arg5[%swap3A_799, %swap3A_800] {strides = array<i32>} : memref<32x512xf32, #tpu.memory_space<vmem>>, vector<1x16xf32>,
    %swap3A_802 = vector.shape_cast %swap3A_801 : vector<1x16xf32> to vector<16xf32>
    %swap3A_803 = vector.shape_cast %get3A_767 : vector<16xf32> to vector<1x16xf32>
    tpu.vector_store %arg5[%swap3A_799, %swap3A_800], %swap3A_803 {strides = array<i32>} : memref<32x512xf32, #tpu.memory_space<vmem>>, vector<1x16xf32>,
    %swap3A_804 = arith.constant 7 : i32
    %swap3A_805 = arith.index_cast %swap3A_804 : i32 to index
    %swap3A_806 = arith.constant 320 : index
    %swap3A_807 = tpu.vector_load %arg5[%swap3A_805, %swap3A_806] {strides = array<i32>} : memref<32x512xf32, #tpu.memory_space<vmem>>, vector<1x16xf32>,
    %swap3A_808 = vector.shape_cast %swap3A_807 : vector<1x16xf32> to vector<16xf32>
    %swap3A_809 = vector.shape_cast %get3A_767 : vector<16xf32> to vector<1x16xf32>
    tpu.vector_store %arg5[%swap3A_805, %swap3A_806], %swap3A_809 {strides = array<i32>} : memref<32x512xf32, #tpu.memory_space<vmem>>, vector<1x16xf32>,
    %swap3A_810 = arith.constant 8 : i32
    %swap3A_811 = arith.index_cast %swap3A_810 : i32 to index
    %swap3A_812 = arith.constant 320 : index
    %swap3A_813 = tpu.vector_load %arg5[%swap3A_811, %swap3A_812] {strides = array<i32>} : memref<32x512xf32, #tpu.memory_space<vmem>>, vector<1x16xf32>,
    %swap3A_814 = vector.shape_cast %swap3A_813 : vector<1x16xf32> to vector<16xf32>
    %swap3A_815 = vector.shape_cast %get3A_767 : vector<16xf32> to vector<1x16xf32>
    tpu.vector_store %arg5[%swap3A_811, %swap3A_812], %swap3A_815 {strides = array<i32>} : memref<32x512xf32, #tpu.memory_space<vmem>>, vector<1x16xf32>,
    %swap3A_816 = arith.constant 9 : i32
    %swap3A_817 = arith.index_cast %swap3A_816 : i32 to index
    %swap3A_818 = arith.constant 320 : index
    %swap3A_819 = tpu.vector_load %arg5[%swap3A_817, %swap3A_818] {strides = array<i32>} : memref<32x512xf32, #tpu.memory_space<vmem>>, vector<1x16xf32>,
    %swap3A_820 = vector.shape_cast %swap3A_819 : vector<1x16xf32> to vector<16xf32>
    %swap3A_821 = vector.shape_cast %get3A_767 : vector<16xf32> to vector<1x16xf32>
    tpu.vector_store %arg5[%swap3A_817, %swap3A_818], %swap3A_821 {strides = array<i32>} : memref<32x512xf32, #tpu.memory_space<vmem>>, vector<1x16xf32>,
    %swap3A_822 = arith.constant 10 : i32
    %swap3A_823 = arith.index_cast %swap3A_822 : i32 to index
    %swap3A_824 = arith.constant 320 : index
    %swap3A_825 = tpu.vector_load %arg5[%swap3A_823, %swap3A_824] {strides = array<i32>} : memref<32x512xf32, #tpu.memory_space<vmem>>, vector<1x16xf32>,
    %swap3A_826 = vector.shape_cast %swap3A_825 : vector<1x16xf32> to vector<16xf32>
    %swap3A_827 = vector.shape_cast %get3A_767 : vector<16xf32> to vector<1x16xf32>
    tpu.vector_store %arg5[%swap3A_823, %swap3A_824], %swap3A_827 {strides = array<i32>} : memref<32x512xf32, #tpu.memory_space<vmem>>, vector<1x16xf32>,
    %swap3A_828 = arith.constant 11 : i32
    %swap3A_829 = arith.index_cast %swap3A_828 : i32 to index
    %swap3A_830 = arith.constant 320 : index
    %swap3A_831 = tpu.vector_load %arg5[%swap3A_829, %swap3A_830] {strides = array<i32>} : memref<32x512xf32, #tpu.memory_space<vmem>>, vector<1x16xf32>,
    %swap3A_832 = vector.shape_cast %swap3A_831 : vector<1x16xf32> to vector<16xf32>
    %swap3A_833 = vector.shape_cast %get3A_767 : vector<16xf32> to vector<1x16xf32>
    tpu.vector_store %arg5[%swap3A_829, %swap3A_830], %swap3A_833 {strides = array<i32>} : memref<32x512xf32, #tpu.memory_space<vmem>>, vector<1x16xf32>,
    %swap3A_834 = arith.constant 12 : i32
    %swap3A_835 = arith.index_cast %swap3A_834 : i32 to index
    %swap3A_836 = arith.constant 320 : index
    %swap3A_837 = tpu.vector_load %arg5[%swap3A_835, %swap3A_836] {strides = array<i32>} : memref<32x512xf32, #tpu.memory_space<vmem>>, vector<1x16xf32>,
    %swap3A_838 = vector.shape_cast %swap3A_837 : vector<1x16xf32> to vector<16xf32>
    %swap3A_839 = vector.shape_cast %get3A_767 : vector<16xf32> to vector<1x16xf32>
    tpu.vector_store %arg5[%swap3A_835, %swap3A_836], %swap3A_839 {strides = array<i32>} : memref<32x512xf32, #tpu.memory_space<vmem>>, vector<1x16xf32>,
    %swap3A_840 = arith.constant 13 : i32
    %swap3A_841 = arith.index_cast %swap3A_840 : i32 to index
    %swap3A_842 = arith.constant 320 : index
    %swap3A_843 = tpu.vector_load %arg5[%swap3A_841, %swap3A_842] {strides = array<i32>} : memref<32x512xf32, #tpu.memory_space<vmem>>, vector<1x16xf32>,
    %swap3A_844 = vector.shape_cast %swap3A_843 : vector<1x16xf32> to vector<16xf32>
    %swap3A_845 = vector.shape_cast %get3A_767 : vector<16xf32> to vector<1x16xf32>
    tpu.vector_store %arg5[%swap3A_841, %swap3A_842], %swap3A_845 {strides = array<i32>} : memref<32x512xf32, #tpu.memory_space<vmem>>, vector<1x16xf32>,
    %swap3A_846 = arith.constant 14 : i32
    %swap3A_847 = arith.index_cast %swap3A_846 : i32 to index
    %swap3A_848 = arith.constant 320 : index
    %swap3A_849 = tpu.vector_load %arg5[%swap3A_847, %swap3A_848] {strides = array<i32>} : memref<32x512xf32, #tpu.memory_space<vmem>>, vector<1x16xf32>,
    %swap3A_850 = vector.shape_cast %swap3A_849 : vector<1x16xf32> to vector<16xf32>
    %swap3A_851 = vector.shape_cast %get3A_767 : vector<16xf32> to vector<1x16xf32>
    tpu.vector_store %arg5[%swap3A_847, %swap3A_848], %swap3A_851 {strides = array<i32>} : memref<32x512xf32, #tpu.memory_space<vmem>>, vector<1x16xf32>,
    %swap3A_852 = arith.constant 15 : i32
    %swap3A_853 = arith.index_cast %swap3A_852 : i32 to index
    %swap3A_854 = arith.constant 320 : index
    %swap3A_855 = tpu.vector_load %arg5[%swap3A_853, %swap3A_854] {strides = array<i32>} : memref<32x512xf32, #tpu.memory_space<vmem>>, vector<1x16xf32>,
    %swap3A_856 = vector.shape_cast %swap3A_855 : vector<1x16xf32> to vector<16xf32>
    %swap3A_857 = vector.shape_cast %get3A_767 : vector<16xf32> to vector<1x16xf32>
    tpu.vector_store %arg5[%swap3A_853, %swap3A_854], %swap3A_857 {strides = array<i32>} : memref<32x512xf32, #tpu.memory_space<vmem>>, vector<1x16xf32>,
    %swap3A_858 = arith.constant 16 : i32
    %swap3A_859 = arith.index_cast %swap3A_858 : i32 to index
    %swap3A_860 = arith.constant 320 : index
    %swap3A_861 = tpu.vector_load %arg5[%swap3A_859, %swap3A_860] {strides = array<i32>} : memref<32x512xf32, #tpu.memory_space<vmem>>, vector<1x16xf32>,
    %swap3A_862 = vector.shape_cast %swap3A_861 : vector<1x16xf32> to vector<16xf32>
    %swap3A_863 = vector.shape_cast %get3A_767 : vector<16xf32> to vector<1x16xf32>
    tpu.vector_store %arg5[%swap3A_859, %swap3A_860], %swap3A_863 {strides = array<i32>} : memref<32x512xf32, #tpu.memory_space<vmem>>, vector<1x16xf32>,
    %swap3A_864 = arith.constant 17 : i32
    %swap3A_865 = arith.index_cast %swap3A_864 : i32 to index
    %swap3A_866 = arith.constant 320 : index
    %swap3A_867 = tpu.vector_load %arg5[%swap3A_865, %swap3A_866] {strides = array<i32>} : memref<32x512xf32, #tpu.memory_space<vmem>>, vector<1x16xf32>,
    %swap3A_868 = vector.shape_cast %swap3A_867 : vector<1x16xf32> to vector<16xf32>
    %swap3A_869 = vector.shape_cast %get3A_767 : vector<16xf32> to vector<1x16xf32>
    tpu.vector_store %arg5[%swap3A_865, %swap3A_866], %swap3A_869 {strides = array<i32>} : memref<32x512xf32, #tpu.memory_space<vmem>>, vector<1x16xf32>,
    %swap3A_870 = arith.constant 18 : i32
    %swap3A_871 = arith.index_cast %swap3A_870 : i32 to index
    %swap3A_872 = arith.constant 320 : index
    %swap3A_873 = tpu.vector_load %arg5[%swap3A_871, %swap3A_872] {strides = array<i32>} : memref<32x512xf32, #tpu.memory_space<vmem>>, vector<1x16xf32>,
    %swap3A_874 = vector.shape_cast %swap3A_873 : vector<1x16xf32> to vector<16xf32>
    %swap3A_875 = vector.shape_cast %get3A_767 : vector<16xf32> to vector<1x16xf32>
    tpu.vector_store %arg5[%swap3A_871, %swap3A_872], %swap3A_875 {strides = array<i32>} : memref<32x512xf32, #tpu.memory_space<vmem>>, vector<1x16xf32>,
    %swap3A_876 = arith.constant 19 : i32
    %swap3A_877 = arith.index_cast %swap3A_876 : i32 to index
    %swap3A_878 = arith.constant 320 : index
    %swap3A_879 = tpu.vector_load %arg5[%swap3A_877, %swap3A_878] {strides = array<i32>} : memref<32x512xf32, #tpu.memory_space<vmem>>, vector<1x16xf32>,
    %swap3A_880 = vector.shape_cast %swap3A_879 : vector<1x16xf32> to vector<16xf32>
    %swap3A_881 = vector.shape_cast %get3A_767 : vector<16xf32> to vector<1x16xf32>
    tpu.vector_store %arg5[%swap3A_877, %swap3A_878], %swap3A_881 {strides = array<i32>} : memref<32x512xf32, #tpu.memory_space<vmem>>, vector<1x16xf32>,
    %swap3A_882 = arith.constant 20 : i32
    %swap3A_883 = arith.index_cast %swap3A_882 : i32 to index
    %swap3A_884 = arith.constant 320 : index
    %swap3A_885 = tpu.vector_load %arg5[%swap3A_883, %swap3A_884] {strides = array<i32>} : memref<32x512xf32, #tpu.memory_space<vmem>>, vector<1x16xf32>,
    %swap3A_886 = vector.shape_cast %swap3A_885 : vector<1x16xf32> to vector<16xf32>
    %swap3A_887 = vector.shape_cast %get3A_767 : vector<16xf32> to vector<1x16xf32>
    tpu.vector_store %arg5[%swap3A_883, %swap3A_884], %swap3A_887 {strides = array<i32>} : memref<32x512xf32, #tpu.memory_space<vmem>>, vector<1x16xf32>,
    %swap3A_888 = arith.constant 21 : i32
    %swap3A_889 = arith.index_cast %swap3A_888 : i32 to index
    %swap3A_890 = arith.constant 320 : index
    %swap3A_891 = tpu.vector_load %arg5[%swap3A_889, %swap3A_890] {strides = array<i32>} : memref<32x512xf32, #tpu.memory_space<vmem>>, vector<1x16xf32>,
    %swap3A_892 = vector.shape_cast %swap3A_891 : vector<1x16xf32> to vector<16xf32>
    %swap3A_893 = vector.shape_cast %get3A_767 : vector<16xf32> to vector<1x16xf32>
    tpu.vector_store %arg5[%swap3A_889, %swap3A_890], %swap3A_893 {strides = array<i32>} : memref<32x512xf32, #tpu.memory_space<vmem>>, vector<1x16xf32>,
    %swap3A_894 = arith.constant 22 : i32
    %swap3A_895 = arith.index_cast %swap3A_894 : i32 to index
    %swap3A_896 = arith.constant 320 : index
    %swap3A_897 = tpu.vector_load %arg5[%swap3A_895, %swap3A_896] {strides = array<i32>} : memref<32x512xf32, #tpu.memory_space<vmem>>, vector<1x16xf32>,
    %swap3A_898 = vector.shape_cast %swap3A_897 : vector<1x16xf32> to vector<16xf32>
    %swap3A_899 = vector.shape_cast %get3A_767 : vector<16xf32> to vector<1x16xf32>
    tpu.vector_store %arg5[%swap3A_895, %swap3A_896], %swap3A_899 {strides = array<i32>} : memref<32x512xf32, #tpu.memory_space<vmem>>, vector<1x16xf32>,
    %swap3A_900 = arith.constant 23 : i32
    %swap3A_901 = arith.index_cast %swap3A_900 : i32 to index
    %swap3A_902 = arith.constant 320 : index
    %swap3A_903 = tpu.vector_load %arg5[%swap3A_901, %swap3A_902] {strides = array<i32>} : memref<32x512xf32, #tpu.memory_space<vmem>>, vector<1x16xf32>,
    %swap3A_904 = vector.shape_cast %swap3A_903 : vector<1x16xf32> to vector<16xf32>
    %swap3A_905 = vector.shape_cast %get3A_767 : vector<16xf32> to vector<1x16xf32>
    tpu.vector_store %arg5[%swap3A_901, %swap3A_902], %swap3A_905 {strides = array<i32>} : memref<32x512xf32, #tpu.memory_space<vmem>>, vector<1x16xf32>,
    %swap3A_906 = arith.constant 24 : i32
    %swap3A_907 = arith.index_cast %swap3A_906 : i32 to index
    %swap3A_908 = arith.constant 320 : index
    %swap3A_909 = tpu.vector_load %arg5[%swap3A_907, %swap3A_908] {strides = array<i32>} : memref<32x512xf32, #tpu.memory_space<vmem>>, vector<1x16xf32>,
    %swap3A_910 = vector.shape_cast %swap3A_909 : vector<1x16xf32> to vector<16xf32>
    %swap3A_911 = vector.shape_cast %get3A_767 : vector<16xf32> to vector<1x16xf32>
    tpu.vector_store %arg5[%swap3A_907, %swap3A_908], %swap3A_911 {strides = array<i32>} : memref<32x512xf32, #tpu.memory_space<vmem>>, vector<1x16xf32>,
    %swap3A_912 = arith.constant 25 : i32
    %swap3A_913 = arith.index_cast %swap3A_912 : i32 to index
    %swap3A_914 = arith.constant 320 : index
    %swap3A_915 = tpu.vector_load %arg5[%swap3A_913, %swap3A_914] {strides = array<i32>} : memref<32x512xf32, #tpu.memory_space<vmem>>, vector<1x16xf32>,
    %swap3A_916 = vector.shape_cast %swap3A_915 : vector<1x16xf32> to vector<16xf32>
    %swap3A_917 = vector.shape_cast %get3A_767 : vector<16xf32> to vector<1x16xf32>
    tpu.vector_store %arg5[%swap3A_913, %swap3A_914], %swap3A_917 {strides = array<i32>} : memref<32x512xf32, #tpu.memory_space<vmem>>, vector<1x16xf32>,
    %swap3A_918 = arith.constant 26 : i32
    %swap3A_919 = arith.index_cast %swap3A_918 : i32 to index
    %swap3A_920 = arith.constant 320 : index
    %swap3A_921 = tpu.vector_load %arg5[%swap3A_919, %swap3A_920] {strides = array<i32>} : memref<32x512xf32, #tpu.memory_space<vmem>>, vector<1x16xf32>,
    %swap3A_922 = vector.shape_cast %swap3A_921 : vector<1x16xf32> to vector<16xf32>
    %swap3A_923 = vector.shape_cast %get3A_767 : vector<16xf32> to vector<1x16xf32>
    tpu.vector_store %arg5[%swap3A_919, %swap3A_920], %swap3A_923 {strides = array<i32>} : memref<32x512xf32, #tpu.memory_space<vmem>>, vector<1x16xf32>,
    %swap3A_924 = arith.constant 27 : i32
    %swap3A_925 = arith.index_cast %swap3A_924 : i32 to index
    %swap3A_926 = arith.constant 320 : index
    %swap3A_927 = tpu.vector_load %arg5[%swap3A_925, %swap3A_926] {strides = array<i32>} : memref<32x512xf32, #tpu.memory_space<vmem>>, vector<1x16xf32>,
    %swap3A_928 = vector.shape_cast %swap3A_927 : vector<1x16xf32> to vector<16xf32>
    %swap3A_929 = vector.shape_cast %get3A_767 : vector<16xf32> to vector<1x16xf32>
    tpu.vector_store %arg5[%swap3A_925, %swap3A_926], %swap3A_929 {strides = array<i32>} : memref<32x512xf32, #tpu.memory_space<vmem>>, vector<1x16xf32>,
    %swap3A_930 = arith.constant 28 : i32
    %swap3A_931 = arith.index_cast %swap3A_930 : i32 to index
    %swap3A_932 = arith.constant 320 : index
    %swap3A_933 = tpu.vector_load %arg5[%swap3A_931, %swap3A_932] {strides = array<i32>} : memref<32x512xf32, #tpu.memory_space<vmem>>, vector<1x16xf32>,
    %swap3A_934 = vector.shape_cast %swap3A_933 : vector<1x16xf32> to vector<16xf32>
    %swap3A_935 = vector.shape_cast %get3A_767 : vector<16xf32> to vector<1x16xf32>
    tpu.vector_store %arg5[%swap3A_931, %swap3A_932], %swap3A_935 {strides = array<i32>} : memref<32x512xf32, #tpu.memory_space<vmem>>, vector<1x16xf32>,
    %swap3A_936 = arith.constant 29 : i32
    %swap3A_937 = arith.index_cast %swap3A_936 : i32 to index
    %swap3A_938 = arith.constant 320 : index
    %swap3A_939 = tpu.vector_load %arg5[%swap3A_937, %swap3A_938] {strides = array<i32>} : memref<32x512xf32, #tpu.memory_space<vmem>>, vector<1x16xf32>,
    %swap3A_940 = vector.shape_cast %swap3A_939 : vector<1x16xf32> to vector<16xf32>
    %swap3A_941 = vector.shape_cast %get3A_767 : vector<16xf32> to vector<1x16xf32>
    tpu.vector_store %arg5[%swap3A_937, %swap3A_938], %swap3A_941 {strides = array<i32>} : memref<32x512xf32, #tpu.memory_space<vmem>>, vector<1x16xf32>,
    %swap3A_942 = arith.constant 30 : i32
    %swap3A_943 = arith.index_cast %swap3A_942 : i32 to index
    %swap3A_944 = arith.constant 320 : index
    %swap3A_945 = tpu.vector_load %arg5[%swap3A_943, %swap3A_944] {strides = array<i32>} : memref<32x512xf32, #tpu.memory_space<vmem>>, vector<1x16xf32>,
    %swap3A_946 = vector.shape_cast %swap3A_945 : vector<1x16xf32> to vector<16xf32>
    %swap3A_947 = vector.shape_cast %get3A_767 : vector<16xf32> to vector<1x16xf32>
    tpu.vector_store %arg5[%swap3A_943, %swap3A_944], %swap3A_947 {strides = array<i32>} : memref<32x512xf32, #tpu.memory_space<vmem>>, vector<1x16xf32>,
    %swap3A_948 = arith.constant 31 : i32
    %swap3A_949 = arith.index_cast %swap3A_948 : i32 to index
    %swap3A_950 = arith.constant 320 : index
    %swap3A_951 = tpu.vector_load %arg5[%swap3A_949, %swap3A_950] {strides = array<i32>} : memref<32x512xf32, #tpu.memory_space<vmem>>, vector<1x16xf32>,
    %swap3A_952 = vector.shape_cast %swap3A_951 : vector<1x16xf32> to vector<16xf32>
    %swap3A_953 = vector.shape_cast %get3A_767 : vector<16xf32> to vector<1x16xf32>
    tpu.vector_store %arg5[%swap3A_949, %swap3A_950], %swap3A_953 {strides = array<i32>} : memref<32x512xf32, #tpu.memory_space<vmem>>, vector<1x16xf32>,
    %get3A_954 = arith.constant 0 : i32
    %get3A_955 = arith.index_cast %get3A_954 : i32 to index
    %get3A_956 = arith.constant 336 : index
    %get3A_957 = tpu.vector_load %arg5[%get3A_955, %get3A_956] {strides = array<i32>} : memref<32x512xf32, #tpu.memory_space<vmem>>, vector<1x16xf32>,
    %get3A_958 = vector.shape_cast %get3A_957 : vector<1x16xf32> to vector<16xf32>
    %swap3A_959 = arith.constant 1 : i32
    %swap3A_960 = arith.index_cast %swap3A_959 : i32 to index
    %swap3A_961 = arith.constant 336 : index
    %swap3A_962 = tpu.vector_load %arg5[%swap3A_960, %swap3A_961] {strides = array<i32>} : memref<32x512xf32, #tpu.memory_space<vmem>>, vector<1x16xf32>,
    %swap3A_963 = vector.shape_cast %swap3A_962 : vector<1x16xf32> to vector<16xf32>
    %swap3A_964 = vector.shape_cast %get3A_958 : vector<16xf32> to vector<1x16xf32>
    tpu.vector_store %arg5[%swap3A_960, %swap3A_961], %swap3A_964 {strides = array<i32>} : memref<32x512xf32, #tpu.memory_space<vmem>>, vector<1x16xf32>,
    %swap3A_965 = arith.constant 2 : i32
    %swap3A_966 = arith.index_cast %swap3A_965 : i32 to index
    %swap3A_967 = arith.constant 336 : index
    %swap3A_968 = tpu.vector_load %arg5[%swap3A_966, %swap3A_967] {strides = array<i32>} : memref<32x512xf32, #tpu.memory_space<vmem>>, vector<1x16xf32>,
    %swap3A_969 = vector.shape_cast %swap3A_968 : vector<1x16xf32> to vector<16xf32>
    %swap3A_970 = vector.shape_cast %get3A_958 : vector<16xf32> to vector<1x16xf32>
    tpu.vector_store %arg5[%swap3A_966, %swap3A_967], %swap3A_970 {strides = array<i32>} : memref<32x512xf32, #tpu.memory_space<vmem>>, vector<1x16xf32>,
    %swap3A_971 = arith.constant 3 : i32
    %swap3A_972 = arith.index_cast %swap3A_971 : i32 to index
    %swap3A_973 = arith.constant 336 : index
    %swap3A_974 = tpu.vector_load %arg5[%swap3A_972, %swap3A_973] {strides = array<i32>} : memref<32x512xf32, #tpu.memory_space<vmem>>, vector<1x16xf32>,
    %swap3A_975 = vector.shape_cast %swap3A_974 : vector<1x16xf32> to vector<16xf32>
    %swap3A_976 = vector.shape_cast %get3A_958 : vector<16xf32> to vector<1x16xf32>
    tpu.vector_store %arg5[%swap3A_972, %swap3A_973], %swap3A_976 {strides = array<i32>} : memref<32x512xf32, #tpu.memory_space<vmem>>, vector<1x16xf32>,
    %swap3A_977 = arith.constant 4 : i32
    %swap3A_978 = arith.index_cast %swap3A_977 : i32 to index
    %swap3A_979 = arith.constant 336 : index
    %swap3A_980 = tpu.vector_load %arg5[%swap3A_978, %swap3A_979] {strides = array<i32>} : memref<32x512xf32, #tpu.memory_space<vmem>>, vector<1x16xf32>,
    %swap3A_981 = vector.shape_cast %swap3A_980 : vector<1x16xf32> to vector<16xf32>
    %swap3A_982 = vector.shape_cast %get3A_958 : vector<16xf32> to vector<1x16xf32>
    tpu.vector_store %arg5[%swap3A_978, %swap3A_979], %swap3A_982 {strides = array<i32>} : memref<32x512xf32, #tpu.memory_space<vmem>>, vector<1x16xf32>,
    %swap3A_983 = arith.constant 5 : i32
    %swap3A_984 = arith.index_cast %swap3A_983 : i32 to index
    %swap3A_985 = arith.constant 336 : index
    %swap3A_986 = tpu.vector_load %arg5[%swap3A_984, %swap3A_985] {strides = array<i32>} : memref<32x512xf32, #tpu.memory_space<vmem>>, vector<1x16xf32>,
    %swap3A_987 = vector.shape_cast %swap3A_986 : vector<1x16xf32> to vector<16xf32>
    %swap3A_988 = vector.shape_cast %get3A_958 : vector<16xf32> to vector<1x16xf32>
    tpu.vector_store %arg5[%swap3A_984, %swap3A_985], %swap3A_988 {strides = array<i32>} : memref<32x512xf32, #tpu.memory_space<vmem>>, vector<1x16xf32>,
    %swap3A_989 = arith.constant 6 : i32
    %swap3A_990 = arith.index_cast %swap3A_989 : i32 to index
    %swap3A_991 = arith.constant 336 : index
    %swap3A_992 = tpu.vector_load %arg5[%swap3A_990, %swap3A_991] {strides = array<i32>} : memref<32x512xf32, #tpu.memory_space<vmem>>, vector<1x16xf32>,
    %swap3A_993 = vector.shape_cast %swap3A_992 : vector<1x16xf32> to vector<16xf32>
    %swap3A_994 = vector.shape_cast %get3A_958 : vector<16xf32> to vector<1x16xf32>
    tpu.vector_store %arg5[%swap3A_990, %swap3A_991], %swap3A_994 {strides = array<i32>} : memref<32x512xf32, #tpu.memory_space<vmem>>, vector<1x16xf32>,
    %swap3A_995 = arith.constant 7 : i32
    %swap3A_996 = arith.index_cast %swap3A_995 : i32 to index
    %swap3A_997 = arith.constant 336 : index
    %swap3A_998 = tpu.vector_load %arg5[%swap3A_996, %swap3A_997] {strides = array<i32>} : memref<32x512xf32, #tpu.memory_space<vmem>>, vector<1x16xf32>,
    %swap3A_999 = vector.shape_cast %swap3A_998 : vector<1x16xf32> to vector<16xf32>
    %swap3A_1000 = vector.shape_cast %get3A_958 : vector<16xf32> to vector<1x16xf32>
    tpu.vector_store %arg5[%swap3A_996, %swap3A_997], %swap3A_1000 {strides = array<i32>} : memref<32x512xf32, #tpu.memory_space<vmem>>, vector<1x16xf32>,
    %swap3A_1001 = arith.constant 8 : i32
    %swap3A_1002 = arith.index_cast %swap3A_1001 : i32 to index
    %swap3A_1003 = arith.constant 336 : index
    %swap3A_1004 = tpu.vector_load %arg5[%swap3A_1002, %swap3A_1003] {strides = array<i32>} : memref<32x512xf32, #tpu.memory_space<vmem>>, vector<1x16xf32>,
    %swap3A_1005 = vector.shape_cast %swap3A_1004 : vector<1x16xf32> to vector<16xf32>
    %swap3A_1006 = vector.shape_cast %get3A_958 : vector<16xf32> to vector<1x16xf32>
    tpu.vector_store %arg5[%swap3A_1002, %swap3A_1003], %swap3A_1006 {strides = array<i32>} : memref<32x512xf32, #tpu.memory_space<vmem>>, vector<1x16xf32>,
    %swap3A_1007 = arith.constant 9 : i32
    %swap3A_1008 = arith.index_cast %swap3A_1007 : i32 to index
    %swap3A_1009 = arith.constant 336 : index
    %swap3A_1010 = tpu.vector_load %arg5[%swap3A_1008, %swap3A_1009] {strides = array<i32>} : memref<32x512xf32, #tpu.memory_space<vmem>>, vector<1x16xf32>,
    %swap3A_1011 = vector.shape_cast %swap3A_1010 : vector<1x16xf32> to vector<16xf32>
    %swap3A_1012 = vector.shape_cast %get3A_958 : vector<16xf32> to vector<1x16xf32>
    tpu.vector_store %arg5[%swap3A_1008, %swap3A_1009], %swap3A_1012 {strides = array<i32>} : memref<32x512xf32, #tpu.memory_space<vmem>>, vector<1x16xf32>,
    %swap3A_1013 = arith.constant 10 : i32
    %swap3A_1014 = arith.index_cast %swap3A_1013 : i32 to index
    %swap3A_1015 = arith.constant 336 : index
    %swap3A_1016 = tpu.vector_load %arg5[%swap3A_1014, %swap3A_1015] {strides = array<i32>} : memref<32x512xf32, #tpu.memory_space<vmem>>, vector<1x16xf32>,
    %swap3A_1017 = vector.shape_cast %swap3A_1016 : vector<1x16xf32> to vector<16xf32>
    %swap3A_1018 = vector.shape_cast %get3A_958 : vector<16xf32> to vector<1x16xf32>
    tpu.vector_store %arg5[%swap3A_1014, %swap3A_1015], %swap3A_1018 {strides = array<i32>} : memref<32x512xf32, #tpu.memory_space<vmem>>, vector<1x16xf32>,
    %swap3A_1019 = arith.constant 11 : i32
    %swap3A_1020 = arith.index_cast %swap3A_1019 : i32 to index
    %swap3A_1021 = arith.constant 336 : index
    %swap3A_1022 = tpu.vector_load %arg5[%swap3A_1020, %swap3A_1021] {strides = array<i32>} : memref<32x512xf32, #tpu.memory_space<vmem>>, vector<1x16xf32>,
    %swap3A_1023 = vector.shape_cast %swap3A_1022 : vector<1x16xf32> to vector<16xf32>
    %swap3A_1024 = vector.shape_cast %get3A_958 : vector<16xf32> to vector<1x16xf32>
    tpu.vector_store %arg5[%swap3A_1020, %swap3A_1021], %swap3A_1024 {strides = array<i32>} : memref<32x512xf32, #tpu.memory_space<vmem>>, vector<1x16xf32>,
    %swap3A_1025 = arith.constant 12 : i32
    %swap3A_1026 = arith.index_cast %swap3A_1025 : i32 to index
    %swap3A_1027 = arith.constant 336 : index
    %swap3A_1028 = tpu.vector_load %arg5[%swap3A_1026, %swap3A_1027] {strides = array<i32>} : memref<32x512xf32, #tpu.memory_space<vmem>>, vector<1x16xf32>,
    %swap3A_1029 = vector.shape_cast %swap3A_1028 : vector<1x16xf32> to vector<16xf32>
    %swap3A_1030 = vector.shape_cast %get3A_958 : vector<16xf32> to vector<1x16xf32>
    tpu.vector_store %arg5[%swap3A_1026, %swap3A_1027], %swap3A_1030 {strides = array<i32>} : memref<32x512xf32, #tpu.memory_space<vmem>>, vector<1x16xf32>,
    %swap3A_1031 = arith.constant 13 : i32
    %swap3A_1032 = arith.index_cast %swap3A_1031 : i32 to index
    %swap3A_1033 = arith.constant 336 : index
    %swap3A_1034 = tpu.vector_load %arg5[%swap3A_1032, %swap3A_1033] {strides = array<i32>} : memref<32x512xf32, #tpu.memory_space<vmem>>, vector<1x16xf32>,
    %swap3A_1035 = vector.shape_cast %swap3A_1034 : vector<1x16xf32> to vector<16xf32>
    %swap3A_1036 = vector.shape_cast %get3A_958 : vector<16xf32> to vector<1x16xf32>
    tpu.vector_store %arg5[%swap3A_1032, %swap3A_1033], %swap3A_1036 {strides = array<i32>} : memref<32x512xf32, #tpu.memory_space<vmem>>, vector<1x16xf32>,
    %swap3A_1037 = arith.constant 14 : i32
    %swap3A_1038 = arith.index_cast %swap3A_1037 : i32 to index
    %swap3A_1039 = arith.constant 336 : index
    %swap3A_1040 = tpu.vector_load %arg5[%swap3A_1038, %swap3A_1039] {strides = array<i32>} : memref<32x512xf32, #tpu.memory_space<vmem>>, vector<1x16xf32>,
    %swap3A_1041 = vector.shape_cast %swap3A_1040 : vector<1x16xf32> to vector<16xf32>
    %swap3A_1042 = vector.shape_cast %get3A_958 : vector<16xf32> to vector<1x16xf32>
    tpu.vector_store %arg5[%swap3A_1038, %swap3A_1039], %swap3A_1042 {strides = array<i32>} : memref<32x512xf32, #tpu.memory_space<vmem>>, vector<1x16xf32>,
    %swap3A_1043 = arith.constant 15 : i32
    %swap3A_1044 = arith.index_cast %swap3A_1043 : i32 to index
    %swap3A_1045 = arith.constant 336 : index
    %swap3A_1046 = tpu.vector_load %arg5[%swap3A_1044, %swap3A_1045] {strides = array<i32>} : memref<32x512xf32, #tpu.memory_space<vmem>>, vector<1x16xf32>,
    %swap3A_1047 = vector.shape_cast %swap3A_1046 : vector<1x16xf32> to vector<16xf32>
    %swap3A_1048 = vector.shape_cast %get3A_958 : vector<16xf32> to vector<1x16xf32>
    tpu.vector_store %arg5[%swap3A_1044, %swap3A_1045], %swap3A_1048 {strides = array<i32>} : memref<32x512xf32, #tpu.memory_space<vmem>>, vector<1x16xf32>,
    %swap3A_1049 = arith.constant 16 : i32
    %swap3A_1050 = arith.index_cast %swap3A_1049 : i32 to index
    %swap3A_1051 = arith.constant 336 : index
    %swap3A_1052 = tpu.vector_load %arg5[%swap3A_1050, %swap3A_1051] {strides = array<i32>} : memref<32x512xf32, #tpu.memory_space<vmem>>, vector<1x16xf32>,
    %swap3A_1053 = vector.shape_cast %swap3A_1052 : vector<1x16xf32> to vector<16xf32>
    %swap3A_1054 = vector.shape_cast %get3A_958 : vector<16xf32> to vector<1x16xf32>
    tpu.vector_store %arg5[%swap3A_1050, %swap3A_1051], %swap3A_1054 {strides = array<i32>} : memref<32x512xf32, #tpu.memory_space<vmem>>, vector<1x16xf32>,
    %swap3A_1055 = arith.constant 17 : i32
    %swap3A_1056 = arith.index_cast %swap3A_1055 : i32 to index
    %swap3A_1057 = arith.constant 336 : index
    %swap3A_1058 = tpu.vector_load %arg5[%swap3A_1056, %swap3A_1057] {strides = array<i32>} : memref<32x512xf32, #tpu.memory_space<vmem>>, vector<1x16xf32>,
    %swap3A_1059 = vector.shape_cast %swap3A_1058 : vector<1x16xf32> to vector<16xf32>
    %swap3A_1060 = vector.shape_cast %get3A_958 : vector<16xf32> to vector<1x16xf32>
    tpu.vector_store %arg5[%swap3A_1056, %swap3A_1057], %swap3A_1060 {strides = array<i32>} : memref<32x512xf32, #tpu.memory_space<vmem>>, vector<1x16xf32>,
    %swap3A_1061 = arith.constant 18 : i32
    %swap3A_1062 = arith.index_cast %swap3A_1061 : i32 to index
    %swap3A_1063 = arith.constant 336 : index
    %swap3A_1064 = tpu.vector_load %arg5[%swap3A_1062, %swap3A_1063] {strides = array<i32>} : memref<32x512xf32, #tpu.memory_space<vmem>>, vector<1x16xf32>,
    %swap3A_1065 = vector.shape_cast %swap3A_1064 : vector<1x16xf32> to vector<16xf32>
    %swap3A_1066 = vector.shape_cast %get3A_958 : vector<16xf32> to vector<1x16xf32>
    tpu.vector_store %arg5[%swap3A_1062, %swap3A_1063], %swap3A_1066 {strides = array<i32>} : memref<32x512xf32, #tpu.memory_space<vmem>>, vector<1x16xf32>,
    %swap3A_1067 = arith.constant 19 : i32
    %swap3A_1068 = arith.index_cast %swap3A_1067 : i32 to index
    %swap3A_1069 = arith.constant 336 : index
    %swap3A_1070 = tpu.vector_load %arg5[%swap3A_1068, %swap3A_1069] {strides = array<i32>} : memref<32x512xf32, #tpu.memory_space<vmem>>, vector<1x16xf32>,
    %swap3A_1071 = vector.shape_cast %swap3A_1070 : vector<1x16xf32> to vector<16xf32>
    %swap3A_1072 = vector.shape_cast %get3A_958 : vector<16xf32> to vector<1x16xf32>
    tpu.vector_store %arg5[%swap3A_1068, %swap3A_1069], %swap3A_1072 {strides = array<i32>} : memref<32x512xf32, #tpu.memory_space<vmem>>, vector<1x16xf32>,
    %swap3A_1073 = arith.constant 20 : i32
    %swap3A_1074 = arith.index_cast %swap3A_1073 : i32 to index
    %swap3A_1075 = arith.constant 336 : index
    %swap3A_1076 = tpu.vector_load %arg5[%swap3A_1074, %swap3A_1075] {strides = array<i32>} : memref<32x512xf32, #tpu.memory_space<vmem>>, vector<1x16xf32>,
    %swap3A_1077 = vector.shape_cast %swap3A_1076 : vector<1x16xf32> to vector<16xf32>
    %swap3A_1078 = vector.shape_cast %get3A_958 : vector<16xf32> to vector<1x16xf32>
    tpu.vector_store %arg5[%swap3A_1074, %swap3A_1075], %swap3A_1078 {strides = array<i32>} : memref<32x512xf32, #tpu.memory_space<vmem>>, vector<1x16xf32>,
    %swap3A_1079 = arith.constant 21 : i32
    %swap3A_1080 = arith.index_cast %swap3A_1079 : i32 to index
    %swap3A_1081 = arith.constant 336 : index
    %swap3A_1082 = tpu.vector_load %arg5[%swap3A_1080, %swap3A_1081] {strides = array<i32>} : memref<32x512xf32, #tpu.memory_space<vmem>>, vector<1x16xf32>,
    %swap3A_1083 = vector.shape_cast %swap3A_1082 : vector<1x16xf32> to vector<16xf32>
    %swap3A_1084 = vector.shape_cast %get3A_958 : vector<16xf32> to vector<1x16xf32>
    tpu.vector_store %arg5[%swap3A_1080, %swap3A_1081], %swap3A_1084 {strides = array<i32>} : memref<32x512xf32, #tpu.memory_space<vmem>>, vector<1x16xf32>,
    %swap3A_1085 = arith.constant 22 : i32
    %swap3A_1086 = arith.index_cast %swap3A_1085 : i32 to index
    %swap3A_1087 = arith.constant 336 : index
    %swap3A_1088 = tpu.vector_load %arg5[%swap3A_1086, %swap3A_1087] {strides = array<i32>} : memref<32x512xf32, #tpu.memory_space<vmem>>, vector<1x16xf32>,
    %swap3A_1089 = vector.shape_cast %swap3A_1088 : vector<1x16xf32> to vector<16xf32>
    %swap3A_1090 = vector.shape_cast %get3A_958 : vector<16xf32> to vector<1x16xf32>
    tpu.vector_store %arg5[%swap3A_1086, %swap3A_1087], %swap3A_1090 {strides = array<i32>} : memref<32x512xf32, #tpu.memory_space<vmem>>, vector<1x16xf32>,
    %swap3A_1091 = arith.constant 23 : i32
    %swap3A_1092 = arith.index_cast %swap3A_1091 : i32 to index
    %swap3A_1093 = arith.constant 336 : index
    %swap3A_1094 = tpu.vector_load %arg5[%swap3A_1092, %swap3A_1093] {strides = array<i32>} : memref<32x512xf32, #tpu.memory_space<vmem>>, vector<1x16xf32>,
    %swap3A_1095 = vector.shape_cast %swap3A_1094 : vector<1x16xf32> to vector<16xf32>
    %swap3A_1096 = vector.shape_cast %get3A_958 : vector<16xf32> to vector<1x16xf32>
    tpu.vector_store %arg5[%swap3A_1092, %swap3A_1093], %swap3A_1096 {strides = array<i32>} : memref<32x512xf32, #tpu.memory_space<vmem>>, vector<1x16xf32>,
    %swap3A_1097 = arith.constant 24 : i32
    %swap3A_1098 = arith.index_cast %swap3A_1097 : i32 to index
    %swap3A_1099 = arith.constant 336 : index
    %swap3A_1100 = tpu.vector_load %arg5[%swap3A_1098, %swap3A_1099] {strides = array<i32>} : memref<32x512xf32, #tpu.memory_space<vmem>>, vector<1x16xf32>,
    %swap3A_1101 = vector.shape_cast %swap3A_1100 : vector<1x16xf32> to vector<16xf32>
    %swap3A_1102 = vector.shape_cast %get3A_958 : vector<16xf32> to vector<1x16xf32>
    tpu.vector_store %arg5[%swap3A_1098, %swap3A_1099], %swap3A_1102 {strides = array<i32>} : memref<32x512xf32, #tpu.memory_space<vmem>>, vector<1x16xf32>,
    %swap3A_1103 = arith.constant 25 : i32
    %swap3A_1104 = arith.index_cast %swap3A_1103 : i32 to index
    %swap3A_1105 = arith.constant 336 : index
    %swap3A_1106 = tpu.vector_load %arg5[%swap3A_1104, %swap3A_1105] {strides = array<i32>} : memref<32x512xf32, #tpu.memory_space<vmem>>, vector<1x16xf32>,
    %swap3A_1107 = vector.shape_cast %swap3A_1106 : vector<1x16xf32> to vector<16xf32>
    %swap3A_1108 = vector.shape_cast %get3A_958 : vector<16xf32> to vector<1x16xf32>
    tpu.vector_store %arg5[%swap3A_1104, %swap3A_1105], %swap3A_1108 {strides = array<i32>} : memref<32x512xf32, #tpu.memory_space<vmem>>, vector<1x16xf32>,
    %swap3A_1109 = arith.constant 26 : i32
    %swap3A_1110 = arith.index_cast %swap3A_1109 : i32 to index
    %swap3A_1111 = arith.constant 336 : index
    %swap3A_1112 = tpu.vector_load %arg5[%swap3A_1110, %swap3A_1111] {strides = array<i32>} : memref<32x512xf32, #tpu.memory_space<vmem>>, vector<1x16xf32>,
    %swap3A_1113 = vector.shape_cast %swap3A_1112 : vector<1x16xf32> to vector<16xf32>
    %swap3A_1114 = vector.shape_cast %get3A_958 : vector<16xf32> to vector<1x16xf32>
    tpu.vector_store %arg5[%swap3A_1110, %swap3A_1111], %swap3A_1114 {strides = array<i32>} : memref<32x512xf32, #tpu.memory_space<vmem>>, vector<1x16xf32>,
    %swap3A_1115 = arith.constant 27 : i32
    %swap3A_1116 = arith.index_cast %swap3A_1115 : i32 to index
    %swap3A_1117 = arith.constant 336 : index
    %swap3A_1118 = tpu.vector_load %arg5[%swap3A_1116, %swap3A_1117] {strides = array<i32>} : memref<32x512xf32, #tpu.memory_space<vmem>>, vector<1x16xf32>,
    %swap3A_1119 = vector.shape_cast %swap3A_1118 : vector<1x16xf32> to vector<16xf32>
    %swap3A_1120 = vector.shape_cast %get3A_958 : vector<16xf32> to vector<1x16xf32>
    tpu.vector_store %arg5[%swap3A_1116, %swap3A_1117], %swap3A_1120 {strides = array<i32>} : memref<32x512xf32, #tpu.memory_space<vmem>>, vector<1x16xf32>,
    %swap3A_1121 = arith.constant 28 : i32
    %swap3A_1122 = arith.index_cast %swap3A_1121 : i32 to index
    %swap3A_1123 = arith.constant 336 : index
    %swap3A_1124 = tpu.vector_load %arg5[%swap3A_1122, %swap3A_1123] {strides = array<i32>} : memref<32x512xf32, #tpu.memory_space<vmem>>, vector<1x16xf32>,
    %swap3A_1125 = vector.shape_cast %swap3A_1124 : vector<1x16xf32> to vector<16xf32>
    %swap3A_1126 = vector.shape_cast %get3A_958 : vector<16xf32> to vector<1x16xf32>
    tpu.vector_store %arg5[%swap3A_1122, %swap3A_1123], %swap3A_1126 {strides = array<i32>} : memref<32x512xf32, #tpu.memory_space<vmem>>, vector<1x16xf32>,
    %swap3A_1127 = arith.constant 29 : i32
    %swap3A_1128 = arith.index_cast %swap3A_1127 : i32 to index
    %swap3A_1129 = arith.constant 336 : index
    %swap3A_1130 = tpu.vector_load %arg5[%swap3A_1128, %swap3A_1129] {strides = array<i32>} : memref<32x512xf32, #tpu.memory_space<vmem>>, vector<1x16xf32>,
    %swap3A_1131 = vector.shape_cast %swap3A_1130 : vector<1x16xf32> to vector<16xf32>
    %swap3A_1132 = vector.shape_cast %get3A_958 : vector<16xf32> to vector<1x16xf32>
    tpu.vector_store %arg5[%swap3A_1128, %swap3A_1129], %swap3A_1132 {strides = array<i32>} : memref<32x512xf32, #tpu.memory_space<vmem>>, vector<1x16xf32>,
    %swap3A_1133 = arith.constant 30 : i32
    %swap3A_1134 = arith.index_cast %swap3A_1133 : i32 to index
    %swap3A_1135 = arith.constant 336 : index
    %swap3A_1136 = tpu.vector_load %arg5[%swap3A_1134, %swap3A_1135] {strides = array<i32>} : memref<32x512xf32, #tpu.memory_space<vmem>>, vector<1x16xf32>,
    %swap3A_1137 = vector.shape_cast %swap3A_1136 : vector<1x16xf32> to vector<16xf32>
    %swap3A_1138 = vector.shape_cast %get3A_958 : vector<16xf32> to vector<1x16xf32>
    tpu.vector_store %arg5[%swap3A_1134, %swap3A_1135], %swap3A_1138 {strides = array<i32>} : memref<32x512xf32, #tpu.memory_space<vmem>>, vector<1x16xf32>,
    %swap3A_1139 = arith.constant 31 : i32
    %swap3A_1140 = arith.index_cast %swap3A_1139 : i32 to index
    %swap3A_1141 = arith.constant 336 : index
    %swap3A_1142 = tpu.vector_load %arg5[%swap3A_1140, %swap3A_1141] {strides = array<i32>} : memref<32x512xf32, #tpu.memory_space<vmem>>, vector<1x16xf32>,
    %swap3A_1143 = vector.shape_cast %swap3A_1142 : vector<1x16xf32> to vector<16xf32>
    %swap3A_1144 = vector.shape_cast %get3A_958 : vector<16xf32> to vector<1x16xf32>
    tpu.vector_store %arg5[%swap3A_1140, %swap3A_1141], %swap3A_1144 {strides = array<i32>} : memref<32x512xf32, #tpu.memory_space<vmem>>, vector<1x16xf32>,
    %get3A_1145 = arith.constant 0 : i32
    %get3A_1146 = arith.index_cast %get3A_1145 : i32 to index
    %get3A_1147 = arith.constant 352 : index
    %get3A_1148 = tpu.vector_load %arg5[%get3A_1146, %get3A_1147] {strides = array<i32>} : memref<32x512xf32, #tpu.memory_space<vmem>>, vector<1x16xf32>,
    %get3A_1149 = vector.shape_cast %get3A_1148 : vector<1x16xf32> to vector<16xf32>
    %swap3A_1150 = arith.constant 1 : i32
    %swap3A_1151 = arith.index_cast %swap3A_1150 : i32 to index
    %swap3A_1152 = arith.constant 352 : index
    %swap3A_1153 = tpu.vector_load %arg5[%swap3A_1151, %swap3A_1152] {strides = array<i32>} : memref<32x512xf32, #tpu.memory_space<vmem>>, vector<1x16xf32>,
    %swap3A_1154 = vector.shape_cast %swap3A_1153 : vector<1x16xf32> to vector<16xf32>
    %swap3A_1155 = vector.shape_cast %get3A_1149 : vector<16xf32> to vector<1x16xf32>
    tpu.vector_store %arg5[%swap3A_1151, %swap3A_1152], %swap3A_1155 {strides = array<i32>} : memref<32x512xf32, #tpu.memory_space<vmem>>, vector<1x16xf32>,
    %swap3A_1156 = arith.constant 2 : i32
    %swap3A_1157 = arith.index_cast %swap3A_1156 : i32 to index
    %swap3A_1158 = arith.constant 352 : index
    %swap3A_1159 = tpu.vector_load %arg5[%swap3A_1157, %swap3A_1158] {strides = array<i32>} : memref<32x512xf32, #tpu.memory_space<vmem>>, vector<1x16xf32>,
    %swap3A_1160 = vector.shape_cast %swap3A_1159 : vector<1x16xf32> to vector<16xf32>
    %swap3A_1161 = vector.shape_cast %get3A_1149 : vector<16xf32> to vector<1x16xf32>
    tpu.vector_store %arg5[%swap3A_1157, %swap3A_1158], %swap3A_1161 {strides = array<i32>} : memref<32x512xf32, #tpu.memory_space<vmem>>, vector<1x16xf32>,
    %swap3A_1162 = arith.constant 3 : i32
    %swap3A_1163 = arith.index_cast %swap3A_1162 : i32 to index
    %swap3A_1164 = arith.constant 352 : index
    %swap3A_1165 = tpu.vector_load %arg5[%swap3A_1163, %swap3A_1164] {strides = array<i32>} : memref<32x512xf32, #tpu.memory_space<vmem>>, vector<1x16xf32>,
    %swap3A_1166 = vector.shape_cast %swap3A_1165 : vector<1x16xf32> to vector<16xf32>
    %swap3A_1167 = vector.shape_cast %get3A_1149 : vector<16xf32> to vector<1x16xf32>
    tpu.vector_store %arg5[%swap3A_1163, %swap3A_1164], %swap3A_1167 {strides = array<i32>} : memref<32x512xf32, #tpu.memory_space<vmem>>, vector<1x16xf32>,
    %swap3A_1168 = arith.constant 4 : i32
    %swap3A_1169 = arith.index_cast %swap3A_1168 : i32 to index
    %swap3A_1170 = arith.constant 352 : index
    %swap3A_1171 = tpu.vector_load %arg5[%swap3A_1169, %swap3A_1170] {strides = array<i32>} : memref<32x512xf32, #tpu.memory_space<vmem>>, vector<1x16xf32>,
    %swap3A_1172 = vector.shape_cast %swap3A_1171 : vector<1x16xf32> to vector<16xf32>
    %swap3A_1173 = vector.shape_cast %get3A_1149 : vector<16xf32> to vector<1x16xf32>
    tpu.vector_store %arg5[%swap3A_1169, %swap3A_1170], %swap3A_1173 {strides = array<i32>} : memref<32x512xf32, #tpu.memory_space<vmem>>, vector<1x16xf32>,
    %swap3A_1174 = arith.constant 5 : i32
    %swap3A_1175 = arith.index_cast %swap3A_1174 : i32 to index
    %swap3A_1176 = arith.constant 352 : index
    %swap3A_1177 = tpu.vector_load %arg5[%swap3A_1175, %swap3A_1176] {strides = array<i32>} : memref<32x512xf32, #tpu.memory_space<vmem>>, vector<1x16xf32>,
    %swap3A_1178 = vector.shape_cast %swap3A_1177 : vector<1x16xf32> to vector<16xf32>
    %swap3A_1179 = vector.shape_cast %get3A_1149 : vector<16xf32> to vector<1x16xf32>
    tpu.vector_store %arg5[%swap3A_1175, %swap3A_1176], %swap3A_1179 {strides = array<i32>} : memref<32x512xf32, #tpu.memory_space<vmem>>, vector<1x16xf32>,
    %swap3A_1180 = arith.constant 6 : i32
    %swap3A_1181 = arith.index_cast %swap3A_1180 : i32 to index
    %swap3A_1182 = arith.constant 352 : index
    %swap3A_1183 = tpu.vector_load %arg5[%swap3A_1181, %swap3A_1182] {strides = array<i32>} : memref<32x512xf32, #tpu.memory_space<vmem>>, vector<1x16xf32>,
    %swap3A_1184 = vector.shape_cast %swap3A_1183 : vector<1x16xf32> to vector<16xf32>
    %swap3A_1185 = vector.shape_cast %get3A_1149 : vector<16xf32> to vector<1x16xf32>
    tpu.vector_store %arg5[%swap3A_1181, %swap3A_1182], %swap3A_1185 {strides = array<i32>} : memref<32x512xf32, #tpu.memory_space<vmem>>, vector<1x16xf32>,
    %swap3A_1186 = arith.constant 7 : i32
    %swap3A_1187 = arith.index_cast %swap3A_1186 : i32 to index
    %swap3A_1188 = arith.constant 352 : index
    %swap3A_1189 = tpu.vector_load %arg5[%swap3A_1187, %swap3A_1188] {strides = array<i32>} : memref<32x512xf32, #tpu.memory_space<vmem>>, vector<1x16xf32>,
    %swap3A_1190 = vector.shape_cast %swap3A_1189 : vector<1x16xf32> to vector<16xf32>
    %swap3A_1191 = vector.shape_cast %get3A_1149 : vector<16xf32> to vector<1x16xf32>
    tpu.vector_store %arg5[%swap3A_1187, %swap3A_1188], %swap3A_1191 {strides = array<i32>} : memref<32x512xf32, #tpu.memory_space<vmem>>, vector<1x16xf32>,
    %swap3A_1192 = arith.constant 8 : i32
    %swap3A_1193 = arith.index_cast %swap3A_1192 : i32 to index
    %swap3A_1194 = arith.constant 352 : index
    %swap3A_1195 = tpu.vector_load %arg5[%swap3A_1193, %swap3A_1194] {strides = array<i32>} : memref<32x512xf32, #tpu.memory_space<vmem>>, vector<1x16xf32>,
    %swap3A_1196 = vector.shape_cast %swap3A_1195 : vector<1x16xf32> to vector<16xf32>
    %swap3A_1197 = vector.shape_cast %get3A_1149 : vector<16xf32> to vector<1x16xf32>
    tpu.vector_store %arg5[%swap3A_1193, %swap3A_1194], %swap3A_1197 {strides = array<i32>} : memref<32x512xf32, #tpu.memory_space<vmem>>, vector<1x16xf32>,
    %swap3A_1198 = arith.constant 9 : i32
    %swap3A_1199 = arith.index_cast %swap3A_1198 : i32 to index
    %swap3A_1200 = arith.constant 352 : index
    %swap3A_1201 = tpu.vector_load %arg5[%swap3A_1199, %swap3A_1200] {strides = array<i32>} : memref<32x512xf32, #tpu.memory_space<vmem>>, vector<1x16xf32>,
    %swap3A_1202 = vector.shape_cast %swap3A_1201 : vector<1x16xf32> to vector<16xf32>
    %swap3A_1203 = vector.shape_cast %get3A_1149 : vector<16xf32> to vector<1x16xf32>
    tpu.vector_store %arg5[%swap3A_1199, %swap3A_1200], %swap3A_1203 {strides = array<i32>} : memref<32x512xf32, #tpu.memory_space<vmem>>, vector<1x16xf32>,
    %swap3A_1204 = arith.constant 10 : i32
    %swap3A_1205 = arith.index_cast %swap3A_1204 : i32 to index
    %swap3A_1206 = arith.constant 352 : index
    %swap3A_1207 = tpu.vector_load %arg5[%swap3A_1205, %swap3A_1206] {strides = array<i32>} : memref<32x512xf32, #tpu.memory_space<vmem>>, vector<1x16xf32>,
    %swap3A_1208 = vector.shape_cast %swap3A_1207 : vector<1x16xf32> to vector<16xf32>
    %swap3A_1209 = vector.shape_cast %get3A_1149 : vector<16xf32> to vector<1x16xf32>
    tpu.vector_store %arg5[%swap3A_1205, %swap3A_1206], %swap3A_1209 {strides = array<i32>} : memref<32x512xf32, #tpu.memory_space<vmem>>, vector<1x16xf32>,
    %swap3A_1210 = arith.constant 11 : i32
    %swap3A_1211 = arith.index_cast %swap3A_1210 : i32 to index
    %swap3A_1212 = arith.constant 352 : index
    %swap3A_1213 = tpu.vector_load %arg5[%swap3A_1211, %swap3A_1212] {strides = array<i32>} : memref<32x512xf32, #tpu.memory_space<vmem>>, vector<1x16xf32>,
    %swap3A_1214 = vector.shape_cast %swap3A_1213 : vector<1x16xf32> to vector<16xf32>
    %swap3A_1215 = vector.shape_cast %get3A_1149 : vector<16xf32> to vector<1x16xf32>
    tpu.vector_store %arg5[%swap3A_1211, %swap3A_1212], %swap3A_1215 {strides = array<i32>} : memref<32x512xf32, #tpu.memory_space<vmem>>, vector<1x16xf32>,
    %swap3A_1216 = arith.constant 12 : i32
    %swap3A_1217 = arith.index_cast %swap3A_1216 : i32 to index
    %swap3A_1218 = arith.constant 352 : index
    %swap3A_1219 = tpu.vector_load %arg5[%swap3A_1217, %swap3A_1218] {strides = array<i32>} : memref<32x512xf32, #tpu.memory_space<vmem>>, vector<1x16xf32>,
    %swap3A_1220 = vector.shape_cast %swap3A_1219 : vector<1x16xf32> to vector<16xf32>
    %swap3A_1221 = vector.shape_cast %get3A_1149 : vector<16xf32> to vector<1x16xf32>
    tpu.vector_store %arg5[%swap3A_1217, %swap3A_1218], %swap3A_1221 {strides = array<i32>} : memref<32x512xf32, #tpu.memory_space<vmem>>, vector<1x16xf32>,
    %swap3A_1222 = arith.constant 13 : i32
    %swap3A_1223 = arith.index_cast %swap3A_1222 : i32 to index
    %swap3A_1224 = arith.constant 352 : index
    %swap3A_1225 = tpu.vector_load %arg5[%swap3A_1223, %swap3A_1224] {strides = array<i32>} : memref<32x512xf32, #tpu.memory_space<vmem>>, vector<1x16xf32>,
    %swap3A_1226 = vector.shape_cast %swap3A_1225 : vector<1x16xf32> to vector<16xf32>
    %swap3A_1227 = vector.shape_cast %get3A_1149 : vector<16xf32> to vector<1x16xf32>
    tpu.vector_store %arg5[%swap3A_1223, %swap3A_1224], %swap3A_1227 {strides = array<i32>} : memref<32x512xf32, #tpu.memory_space<vmem>>, vector<1x16xf32>,
    %swap3A_1228 = arith.constant 14 : i32
    %swap3A_1229 = arith.index_cast %swap3A_1228 : i32 to index
    %swap3A_1230 = arith.constant 352 : index
    %swap3A_1231 = tpu.vector_load %arg5[%swap3A_1229, %swap3A_1230] {strides = array<i32>} : memref<32x512xf32, #tpu.memory_space<vmem>>, vector<1x16xf32>,
    %swap3A_1232 = vector.shape_cast %swap3A_1231 : vector<1x16xf32> to vector<16xf32>
    %swap3A_1233 = vector.shape_cast %get3A_1149 : vector<16xf32> to vector<1x16xf32>
    tpu.vector_store %arg5[%swap3A_1229, %swap3A_1230], %swap3A_1233 {strides = array<i32>} : memref<32x512xf32, #tpu.memory_space<vmem>>, vector<1x16xf32>,
    %swap3A_1234 = arith.constant 15 : i32
    %swap3A_1235 = arith.index_cast %swap3A_1234 : i32 to index
    %swap3A_1236 = arith.constant 352 : index
    %swap3A_1237 = tpu.vector_load %arg5[%swap3A_1235, %swap3A_1236] {strides = array<i32>} : memref<32x512xf32, #tpu.memory_space<vmem>>, vector<1x16xf32>,
    %swap3A_1238 = vector.shape_cast %swap3A_1237 : vector<1x16xf32> to vector<16xf32>
    %swap3A_1239 = vector.shape_cast %get3A_1149 : vector<16xf32> to vector<1x16xf32>
    tpu.vector_store %arg5[%swap3A_1235, %swap3A_1236], %swap3A_1239 {strides = array<i32>} : memref<32x512xf32, #tpu.memory_space<vmem>>, vector<1x16xf32>,
    %swap3A_1240 = arith.constant 16 : i32
    %swap3A_1241 = arith.index_cast %swap3A_1240 : i32 to index
    %swap3A_1242 = arith.constant 352 : index
    %swap3A_1243 = tpu.vector_load %arg5[%swap3A_1241, %swap3A_1242] {strides = array<i32>} : memref<32x512xf32, #tpu.memory_space<vmem>>, vector<1x16xf32>,
    %swap3A_1244 = vector.shape_cast %swap3A_1243 : vector<1x16xf32> to vector<16xf32>
    %swap3A_1245 = vector.shape_cast %get3A_1149 : vector<16xf32> to vector<1x16xf32>
    tpu.vector_store %arg5[%swap3A_1241, %swap3A_1242], %swap3A_1245 {strides = array<i32>} : memref<32x512xf32, #tpu.memory_space<vmem>>, vector<1x16xf32>,
    %swap3A_1246 = arith.constant 17 : i32
    %swap3A_1247 = arith.index_cast %swap3A_1246 : i32 to index
    %swap3A_1248 = arith.constant 352 : index
    %swap3A_1249 = tpu.vector_load %arg5[%swap3A_1247, %swap3A_1248] {strides = array<i32>} : memref<32x512xf32, #tpu.memory_space<vmem>>, vector<1x16xf32>,
    %swap3A_1250 = vector.shape_cast %swap3A_1249 : vector<1x16xf32> to vector<16xf32>
    %swap3A_1251 = vector.shape_cast %get3A_1149 : vector<16xf32> to vector<1x16xf32>
    tpu.vector_store %arg5[%swap3A_1247, %swap3A_1248], %swap3A_1251 {strides = array<i32>} : memref<32x512xf32, #tpu.memory_space<vmem>>, vector<1x16xf32>,
    %swap3A_1252 = arith.constant 18 : i32
    %swap3A_1253 = arith.index_cast %swap3A_1252 : i32 to index
    %swap3A_1254 = arith.constant 352 : index
    %swap3A_1255 = tpu.vector_load %arg5[%swap3A_1253, %swap3A_1254] {strides = array<i32>} : memref<32x512xf32, #tpu.memory_space<vmem>>, vector<1x16xf32>,
    %swap3A_1256 = vector.shape_cast %swap3A_1255 : vector<1x16xf32> to vector<16xf32>
    %swap3A_1257 = vector.shape_cast %get3A_1149 : vector<16xf32> to vector<1x16xf32>
    tpu.vector_store %arg5[%swap3A_1253, %swap3A_1254], %swap3A_1257 {strides = array<i32>} : memref<32x512xf32, #tpu.memory_space<vmem>>, vector<1x16xf32>,
    %swap3A_1258 = arith.constant 19 : i32
    %swap3A_1259 = arith.index_cast %swap3A_1258 : i32 to index
    %swap3A_1260 = arith.constant 352 : index
    %swap3A_1261 = tpu.vector_load %arg5[%swap3A_1259, %swap3A_1260] {strides = array<i32>} : memref<32x512xf32, #tpu.memory_space<vmem>>, vector<1x16xf32>,
    %swap3A_1262 = vector.shape_cast %swap3A_1261 : vector<1x16xf32> to vector<16xf32>
    %swap3A_1263 = vector.shape_cast %get3A_1149 : vector<16xf32> to vector<1x16xf32>
    tpu.vector_store %arg5[%swap3A_1259, %swap3A_1260], %swap3A_1263 {strides = array<i32>} : memref<32x512xf32, #tpu.memory_space<vmem>>, vector<1x16xf32>,
    %swap3A_1264 = arith.constant 20 : i32
    %swap3A_1265 = arith.index_cast %swap3A_1264 : i32 to index
    %swap3A_1266 = arith.constant 352 : index
    %swap3A_1267 = tpu.vector_load %arg5[%swap3A_1265, %swap3A_1266] {strides = array<i32>} : memref<32x512xf32, #tpu.memory_space<vmem>>, vector<1x16xf32>,
    %swap3A_1268 = vector.shape_cast %swap3A_1267 : vector<1x16xf32> to vector<16xf32>
    %swap3A_1269 = vector.shape_cast %get3A_1149 : vector<16xf32> to vector<1x16xf32>
    tpu.vector_store %arg5[%swap3A_1265, %swap3A_1266], %swap3A_1269 {strides = array<i32>} : memref<32x512xf32, #tpu.memory_space<vmem>>, vector<1x16xf32>,
    %swap3A_1270 = arith.constant 21 : i32
    %swap3A_1271 = arith.index_cast %swap3A_1270 : i32 to index
    %swap3A_1272 = arith.constant 352 : index
    %swap3A_1273 = tpu.vector_load %arg5[%swap3A_1271, %swap3A_1272] {strides = array<i32>} : memref<32x512xf32, #tpu.memory_space<vmem>>, vector<1x16xf32>,
    %swap3A_1274 = vector.shape_cast %swap3A_1273 : vector<1x16xf32> to vector<16xf32>
    %swap3A_1275 = vector.shape_cast %get3A_1149 : vector<16xf32> to vector<1x16xf32>
    tpu.vector_store %arg5[%swap3A_1271, %swap3A_1272], %swap3A_1275 {strides = array<i32>} : memref<32x512xf32, #tpu.memory_space<vmem>>, vector<1x16xf32>,
    %swap3A_1276 = arith.constant 22 : i32
    %swap3A_1277 = arith.index_cast %swap3A_1276 : i32 to index
    %swap3A_1278 = arith.constant 352 : index
    %swap3A_1279 = tpu.vector_load %arg5[%swap3A_1277, %swap3A_1278] {strides = array<i32>} : memref<32x512xf32, #tpu.memory_space<vmem>>, vector<1x16xf32>,
    %swap3A_1280 = vector.shape_cast %swap3A_1279 : vector<1x16xf32> to vector<16xf32>
    %swap3A_1281 = vector.shape_cast %get3A_1149 : vector<16xf32> to vector<1x16xf32>
    tpu.vector_store %arg5[%swap3A_1277, %swap3A_1278], %swap3A_1281 {strides = array<i32>} : memref<32x512xf32, #tpu.memory_space<vmem>>, vector<1x16xf32>,
    %swap3A_1282 = arith.constant 23 : i32
    %swap3A_1283 = arith.index_cast %swap3A_1282 : i32 to index
    %swap3A_1284 = arith.constant 352 : index
    %swap3A_1285 = tpu.vector_load %arg5[%swap3A_1283, %swap3A_1284] {strides = array<i32>} : memref<32x512xf32, #tpu.memory_space<vmem>>, vector<1x16xf32>,
    %swap3A_1286 = vector.shape_cast %swap3A_1285 : vector<1x16xf32> to vector<16xf32>
    %swap3A_1287 = vector.shape_cast %get3A_1149 : vector<16xf32> to vector<1x16xf32>
    tpu.vector_store %arg5[%swap3A_1283, %swap3A_1284], %swap3A_1287 {strides = array<i32>} : memref<32x512xf32, #tpu.memory_space<vmem>>, vector<1x16xf32>,
    %swap3A_1288 = arith.constant 24 : i32
    %swap3A_1289 = arith.index_cast %swap3A_1288 : i32 to index
    %swap3A_1290 = arith.constant 352 : index
    %swap3A_1291 = tpu.vector_load %arg5[%swap3A_1289, %swap3A_1290] {strides = array<i32>} : memref<32x512xf32, #tpu.memory_space<vmem>>, vector<1x16xf32>,
    %swap3A_1292 = vector.shape_cast %swap3A_1291 : vector<1x16xf32> to vector<16xf32>
    %swap3A_1293 = vector.shape_cast %get3A_1149 : vector<16xf32> to vector<1x16xf32>
    tpu.vector_store %arg5[%swap3A_1289, %swap3A_1290], %swap3A_1293 {strides = array<i32>} : memref<32x512xf32, #tpu.memory_space<vmem>>, vector<1x16xf32>,
    %swap3A_1294 = arith.constant 25 : i32
    %swap3A_1295 = arith.index_cast %swap3A_1294 : i32 to index
    %swap3A_1296 = arith.constant 352 : index
    %swap3A_1297 = tpu.vector_load %arg5[%swap3A_1295, %swap3A_1296] {strides = array<i32>} : memref<32x512xf32, #tpu.memory_space<vmem>>, vector<1x16xf32>,
    %swap3A_1298 = vector.shape_cast %swap3A_1297 : vector<1x16xf32> to vector<16xf32>
    %swap3A_1299 = vector.shape_cast %get3A_1149 : vector<16xf32> to vector<1x16xf32>
    tpu.vector_store %arg5[%swap3A_1295, %swap3A_1296], %swap3A_1299 {strides = array<i32>} : memref<32x512xf32, #tpu.memory_space<vmem>>, vector<1x16xf32>,
    %swap3A_1300 = arith.constant 26 : i32
    %swap3A_1301 = arith.index_cast %swap3A_1300 : i32 to index
    %swap3A_1302 = arith.constant 352 : index
    %swap3A_1303 = tpu.vector_load %arg5[%swap3A_1301, %swap3A_1302] {strides = array<i32>} : memref<32x512xf32, #tpu.memory_space<vmem>>, vector<1x16xf32>,
    %swap3A_1304 = vector.shape_cast %swap3A_1303 : vector<1x16xf32> to vector<16xf32>
    %swap3A_1305 = vector.shape_cast %get3A_1149 : vector<16xf32> to vector<1x16xf32>
    tpu.vector_store %arg5[%swap3A_1301, %swap3A_1302], %swap3A_1305 {strides = array<i32>} : memref<32x512xf32, #tpu.memory_space<vmem>>, vector<1x16xf32>,
    %swap3A_1306 = arith.constant 27 : i32
    %swap3A_1307 = arith.index_cast %swap3A_1306 : i32 to index
    %swap3A_1308 = arith.constant 352 : index
    %swap3A_1309 = tpu.vector_load %arg5[%swap3A_1307, %swap3A_1308] {strides = array<i32>} : memref<32x512xf32, #tpu.memory_space<vmem>>, vector<1x16xf32>,
    %swap3A_1310 = vector.shape_cast %swap3A_1309 : vector<1x16xf32> to vector<16xf32>
    %swap3A_1311 = vector.shape_cast %get3A_1149 : vector<16xf32> to vector<1x16xf32>
    tpu.vector_store %arg5[%swap3A_1307, %swap3A_1308], %swap3A_1311 {strides = array<i32>} : memref<32x512xf32, #tpu.memory_space<vmem>>, vector<1x16xf32>,
    %swap3A_1312 = arith.constant 28 : i32
    %swap3A_1313 = arith.index_cast %swap3A_1312 : i32 to index
    %swap3A_1314 = arith.constant 352 : index
    %swap3A_1315 = tpu.vector_load %arg5[%swap3A_1313, %swap3A_1314] {strides = array<i32>} : memref<32x512xf32, #tpu.memory_space<vmem>>, vector<1x16xf32>,
    %swap3A_1316 = vector.shape_cast %swap3A_1315 : vector<1x16xf32> to vector<16xf32>
    %swap3A_1317 = vector.shape_cast %get3A_1149 : vector<16xf32> to vector<1x16xf32>
    tpu.vector_store %arg5[%swap3A_1313, %swap3A_1314], %swap3A_1317 {strides = array<i32>} : memref<32x512xf32, #tpu.memory_space<vmem>>, vector<1x16xf32>,
    %swap3A_1318 = arith.constant 29 : i32
    %swap3A_1319 = arith.index_cast %swap3A_1318 : i32 to index
    %swap3A_1320 = arith.constant 352 : index
    %swap3A_1321 = tpu.vector_load %arg5[%swap3A_1319, %swap3A_1320] {strides = array<i32>} : memref<32x512xf32, #tpu.memory_space<vmem>>, vector<1x16xf32>,
    %swap3A_1322 = vector.shape_cast %swap3A_1321 : vector<1x16xf32> to vector<16xf32>
    %swap3A_1323 = vector.shape_cast %get3A_1149 : vector<16xf32> to vector<1x16xf32>
    tpu.vector_store %arg5[%swap3A_1319, %swap3A_1320], %swap3A_1323 {strides = array<i32>} : memref<32x512xf32, #tpu.memory_space<vmem>>, vector<1x16xf32>,
    %swap3A_1324 = arith.constant 30 : i32
    %swap3A_1325 = arith.index_cast %swap3A_1324 : i32 to index
    %swap3A_1326 = arith.constant 352 : index
    %swap3A_1327 = tpu.vector_load %arg5[%swap3A_1325, %swap3A_1326] {strides = array<i32>} : memref<32x512xf32, #tpu.memory_space<vmem>>, vector<1x16xf32>,
    %swap3A_1328 = vector.shape_cast %swap3A_1327 : vector<1x16xf32> to vector<16xf32>
    %swap3A_1329 = vector.shape_cast %get3A_1149 : vector<16xf32> to vector<1x16xf32>
    tpu.vector_store %arg5[%swap3A_1325, %swap3A_1326], %swap3A_1329 {strides = array<i32>} : memref<32x512xf32, #tpu.memory_space<vmem>>, vector<1x16xf32>,
    %swap3A_1330 = arith.constant 31 : i32
    %swap3A_1331 = arith.index_cast %swap3A_1330 : i32 to index
    %swap3A_1332 = arith.constant 352 : index
    %swap3A_1333 = tpu.vector_load %arg5[%swap3A_1331, %swap3A_1332] {strides = array<i32>} : memref<32x512xf32, #tpu.memory_space<vmem>>, vector<1x16xf32>,
    %swap3A_1334 = vector.shape_cast %swap3A_1333 : vector<1x16xf32> to vector<16xf32>
    %swap3A_1335 = vector.shape_cast %get3A_1149 : vector<16xf32> to vector<1x16xf32>
    tpu.vector_store %arg5[%swap3A_1331, %swap3A_1332], %swap3A_1335 {strides = array<i32>} : memref<32x512xf32, #tpu.memory_space<vmem>>, vector<1x16xf32>,
    %get3A_1336 = arith.constant 0 : i32
    %get3A_1337 = arith.index_cast %get3A_1336 : i32 to index
    %get3A_1338 = arith.constant 368 : index
    %get3A_1339 = tpu.vector_load %arg5[%get3A_1337, %get3A_1338] {strides = array<i32>} : memref<32x512xf32, #tpu.memory_space<vmem>>, vector<1x16xf32>,
    %get3A_1340 = vector.shape_cast %get3A_1339 : vector<1x16xf32> to vector<16xf32>
    %swap3A_1341 = arith.constant 1 : i32
    %swap3A_1342 = arith.index_cast %swap3A_1341 : i32 to index
    %swap3A_1343 = arith.constant 368 : index
    %swap3A_1344 = tpu.vector_load %arg5[%swap3A_1342, %swap3A_1343] {strides = array<i32>} : memref<32x512xf32, #tpu.memory_space<vmem>>, vector<1x16xf32>,
    %swap3A_1345 = vector.shape_cast %swap3A_1344 : vector<1x16xf32> to vector<16xf32>
    %swap3A_1346 = vector.shape_cast %get3A_1340 : vector<16xf32> to vector<1x16xf32>
    tpu.vector_store %arg5[%swap3A_1342, %swap3A_1343], %swap3A_1346 {strides = array<i32>} : memref<32x512xf32, #tpu.memory_space<vmem>>, vector<1x16xf32>,
    %swap3A_1347 = arith.constant 2 : i32
    %swap3A_1348 = arith.index_cast %swap3A_1347 : i32 to index
    %swap3A_1349 = arith.constant 368 : index
    %swap3A_1350 = tpu.vector_load %arg5[%swap3A_1348, %swap3A_1349] {strides = array<i32>} : memref<32x512xf32, #tpu.memory_space<vmem>>, vector<1x16xf32>,
    %swap3A_1351 = vector.shape_cast %swap3A_1350 : vector<1x16xf32> to vector<16xf32>
    %swap3A_1352 = vector.shape_cast %get3A_1340 : vector<16xf32> to vector<1x16xf32>
    tpu.vector_store %arg5[%swap3A_1348, %swap3A_1349], %swap3A_1352 {strides = array<i32>} : memref<32x512xf32, #tpu.memory_space<vmem>>, vector<1x16xf32>,
    %swap3A_1353 = arith.constant 3 : i32
    %swap3A_1354 = arith.index_cast %swap3A_1353 : i32 to index
    %swap3A_1355 = arith.constant 368 : index
    %swap3A_1356 = tpu.vector_load %arg5[%swap3A_1354, %swap3A_1355] {strides = array<i32>} : memref<32x512xf32, #tpu.memory_space<vmem>>, vector<1x16xf32>,
    %swap3A_1357 = vector.shape_cast %swap3A_1356 : vector<1x16xf32> to vector<16xf32>
    %swap3A_1358 = vector.shape_cast %get3A_1340 : vector<16xf32> to vector<1x16xf32>
    tpu.vector_store %arg5[%swap3A_1354, %swap3A_1355], %swap3A_1358 {strides = array<i32>} : memref<32x512xf32, #tpu.memory_space<vmem>>, vector<1x16xf32>,
    %swap3A_1359 = arith.constant 4 : i32
    %swap3A_1360 = arith.index_cast %swap3A_1359 : i32 to index
    %swap3A_1361 = arith.constant 368 : index
    %swap3A_1362 = tpu.vector_load %arg5[%swap3A_1360, %swap3A_1361] {strides = array<i32>} : memref<32x512xf32, #tpu.memory_space<vmem>>, vector<1x16xf32>,
    %swap3A_1363 = vector.shape_cast %swap3A_1362 : vector<1x16xf32> to vector<16xf32>
    %swap3A_1364 = vector.shape_cast %get3A_1340 : vector<16xf32> to vector<1x16xf32>
    tpu.vector_store %arg5[%swap3A_1360, %swap3A_1361], %swap3A_1364 {strides = array<i32>} : memref<32x512xf32, #tpu.memory_space<vmem>>, vector<1x16xf32>,
    %swap3A_1365 = arith.constant 5 : i32
    %swap3A_1366 = arith.index_cast %swap3A_1365 : i32 to index
    %swap3A_1367 = arith.constant 368 : index
    %swap3A_1368 = tpu.vector_load %arg5[%swap3A_1366, %swap3A_1367] {strides = array<i32>} : memref<32x512xf32, #tpu.memory_space<vmem>>, vector<1x16xf32>,
    %swap3A_1369 = vector.shape_cast %swap3A_1368 : vector<1x16xf32> to vector<16xf32>
    %swap3A_1370 = vector.shape_cast %get3A_1340 : vector<16xf32> to vector<1x16xf32>
    tpu.vector_store %arg5[%swap3A_1366, %swap3A_1367], %swap3A_1370 {strides = array<i32>} : memref<32x512xf32, #tpu.memory_space<vmem>>, vector<1x16xf32>,
    %swap3A_1371 = arith.constant 6 : i32
    %swap3A_1372 = arith.index_cast %swap3A_1371 : i32 to index
    %swap3A_1373 = arith.constant 368 : index
    %swap3A_1374 = tpu.vector_load %arg5[%swap3A_1372, %swap3A_1373] {strides = array<i32>} : memref<32x512xf32, #tpu.memory_space<vmem>>, vector<1x16xf32>,
    %swap3A_1375 = vector.shape_cast %swap3A_1374 : vector<1x16xf32> to vector<16xf32>
    %swap3A_1376 = vector.shape_cast %get3A_1340 : vector<16xf32> to vector<1x16xf32>
    tpu.vector_store %arg5[%swap3A_1372, %swap3A_1373], %swap3A_1376 {strides = array<i32>} : memref<32x512xf32, #tpu.memory_space<vmem>>, vector<1x16xf32>,
    %swap3A_1377 = arith.constant 7 : i32
    %swap3A_1378 = arith.index_cast %swap3A_1377 : i32 to index
    %swap3A_1379 = arith.constant 368 : index
    %swap3A_1380 = tpu.vector_load %arg5[%swap3A_1378, %swap3A_1379] {strides = array<i32>} : memref<32x512xf32, #tpu.memory_space<vmem>>, vector<1x16xf32>,
    %swap3A_1381 = vector.shape_cast %swap3A_1380 : vector<1x16xf32> to vector<16xf32>
    %swap3A_1382 = vector.shape_cast %get3A_1340 : vector<16xf32> to vector<1x16xf32>
    tpu.vector_store %arg5[%swap3A_1378, %swap3A_1379], %swap3A_1382 {strides = array<i32>} : memref<32x512xf32, #tpu.memory_space<vmem>>, vector<1x16xf32>,
    %swap3A_1383 = arith.constant 8 : i32
    %swap3A_1384 = arith.index_cast %swap3A_1383 : i32 to index
    %swap3A_1385 = arith.constant 368 : index
    %swap3A_1386 = tpu.vector_load %arg5[%swap3A_1384, %swap3A_1385] {strides = array<i32>} : memref<32x512xf32, #tpu.memory_space<vmem>>, vector<1x16xf32>,
    %swap3A_1387 = vector.shape_cast %swap3A_1386 : vector<1x16xf32> to vector<16xf32>
    %swap3A_1388 = vector.shape_cast %get3A_1340 : vector<16xf32> to vector<1x16xf32>
    tpu.vector_store %arg5[%swap3A_1384, %swap3A_1385], %swap3A_1388 {strides = array<i32>} : memref<32x512xf32, #tpu.memory_space<vmem>>, vector<1x16xf32>,
    %swap3A_1389 = arith.constant 9 : i32
    %swap3A_1390 = arith.index_cast %swap3A_1389 : i32 to index
    %swap3A_1391 = arith.constant 368 : index
    %swap3A_1392 = tpu.vector_load %arg5[%swap3A_1390, %swap3A_1391] {strides = array<i32>} : memref<32x512xf32, #tpu.memory_space<vmem>>, vector<1x16xf32>,
    %swap3A_1393 = vector.shape_cast %swap3A_1392 : vector<1x16xf32> to vector<16xf32>
    %swap3A_1394 = vector.shape_cast %get3A_1340 : vector<16xf32> to vector<1x16xf32>
    tpu.vector_store %arg5[%swap3A_1390, %swap3A_1391], %swap3A_1394 {strides = array<i32>} : memref<32x512xf32, #tpu.memory_space<vmem>>, vector<1x16xf32>,
    %swap3A_1395 = arith.constant 10 : i32
    %swap3A_1396 = arith.index_cast %swap3A_1395 : i32 to index
    %swap3A_1397 = arith.constant 368 : index
    %swap3A_1398 = tpu.vector_load %arg5[%swap3A_1396, %swap3A_1397] {strides = array<i32>} : memref<32x512xf32, #tpu.memory_space<vmem>>, vector<1x16xf32>,
    %swap3A_1399 = vector.shape_cast %swap3A_1398 : vector<1x16xf32> to vector<16xf32>
    %swap3A_1400 = vector.shape_cast %get3A_1340 : vector<16xf32> to vector<1x16xf32>
    tpu.vector_store %arg5[%swap3A_1396, %swap3A_1397], %swap3A_1400 {strides = array<i32>} : memref<32x512xf32, #tpu.memory_space<vmem>>, vector<1x16xf32>,
    %swap3A_1401 = arith.constant 11 : i32
    %swap3A_1402 = arith.index_cast %swap3A_1401 : i32 to index
    %swap3A_1403 = arith.constant 368 : index
    %swap3A_1404 = tpu.vector_load %arg5[%swap3A_1402, %swap3A_1403] {strides = array<i32>} : memref<32x512xf32, #tpu.memory_space<vmem>>, vector<1x16xf32>,
    %swap3A_1405 = vector.shape_cast %swap3A_1404 : vector<1x16xf32> to vector<16xf32>
    %swap3A_1406 = vector.shape_cast %get3A_1340 : vector<16xf32> to vector<1x16xf32>
    tpu.vector_store %arg5[%swap3A_1402, %swap3A_1403], %swap3A_1406 {strides = array<i32>} : memref<32x512xf32, #tpu.memory_space<vmem>>, vector<1x16xf32>,
    %swap3A_1407 = arith.constant 12 : i32
    %swap3A_1408 = arith.index_cast %swap3A_1407 : i32 to index
    %swap3A_1409 = arith.constant 368 : index
    %swap3A_1410 = tpu.vector_load %arg5[%swap3A_1408, %swap3A_1409] {strides = array<i32>} : memref<32x512xf32, #tpu.memory_space<vmem>>, vector<1x16xf32>,
    %swap3A_1411 = vector.shape_cast %swap3A_1410 : vector<1x16xf32> to vector<16xf32>
    %swap3A_1412 = vector.shape_cast %get3A_1340 : vector<16xf32> to vector<1x16xf32>
    tpu.vector_store %arg5[%swap3A_1408, %swap3A_1409], %swap3A_1412 {strides = array<i32>} : memref<32x512xf32, #tpu.memory_space<vmem>>, vector<1x16xf32>,
    %swap3A_1413 = arith.constant 13 : i32
    %swap3A_1414 = arith.index_cast %swap3A_1413 : i32 to index
    %swap3A_1415 = arith.constant 368 : index
    %swap3A_1416 = tpu.vector_load %arg5[%swap3A_1414, %swap3A_1415] {strides = array<i32>} : memref<32x512xf32, #tpu.memory_space<vmem>>, vector<1x16xf32>,
    %swap3A_1417 = vector.shape_cast %swap3A_1416 : vector<1x16xf32> to vector<16xf32>
    %swap3A_1418 = vector.shape_cast %get3A_1340 : vector<16xf32> to vector<1x16xf32>
    tpu.vector_store %arg5[%swap3A_1414, %swap3A_1415], %swap3A_1418 {strides = array<i32>} : memref<32x512xf32, #tpu.memory_space<vmem>>, vector<1x16xf32>,
    %swap3A_1419 = arith.constant 14 : i32
    %swap3A_1420 = arith.index_cast %swap3A_1419 : i32 to index
    %swap3A_1421 = arith.constant 368 : index
    %swap3A_1422 = tpu.vector_load %arg5[%swap3A_1420, %swap3A_1421] {strides = array<i32>} : memref<32x512xf32, #tpu.memory_space<vmem>>, vector<1x16xf32>,
    %swap3A_1423 = vector.shape_cast %swap3A_1422 : vector<1x16xf32> to vector<16xf32>
    %swap3A_1424 = vector.shape_cast %get3A_1340 : vector<16xf32> to vector<1x16xf32>
    tpu.vector_store %arg5[%swap3A_1420, %swap3A_1421], %swap3A_1424 {strides = array<i32>} : memref<32x512xf32, #tpu.memory_space<vmem>>, vector<1x16xf32>,
    %swap3A_1425 = arith.constant 15 : i32
    %swap3A_1426 = arith.index_cast %swap3A_1425 : i32 to index
    %swap3A_1427 = arith.constant 368 : index
    %swap3A_1428 = tpu.vector_load %arg5[%swap3A_1426, %swap3A_1427] {strides = array<i32>} : memref<32x512xf32, #tpu.memory_space<vmem>>, vector<1x16xf32>,
    %swap3A_1429 = vector.shape_cast %swap3A_1428 : vector<1x16xf32> to vector<16xf32>
    %swap3A_1430 = vector.shape_cast %get3A_1340 : vector<16xf32> to vector<1x16xf32>
    tpu.vector_store %arg5[%swap3A_1426, %swap3A_1427], %swap3A_1430 {strides = array<i32>} : memref<32x512xf32, #tpu.memory_space<vmem>>, vector<1x16xf32>,
    %swap3A_1431 = arith.constant 16 : i32
    %swap3A_1432 = arith.index_cast %swap3A_1431 : i32 to index
    %swap3A_1433 = arith.constant 368 : index
    %swap3A_1434 = tpu.vector_load %arg5[%swap3A_1432, %swap3A_1433] {strides = array<i32>} : memref<32x512xf32, #tpu.memory_space<vmem>>, vector<1x16xf32>,
    %swap3A_1435 = vector.shape_cast %swap3A_1434 : vector<1x16xf32> to vector<16xf32>
    %swap3A_1436 = vector.shape_cast %get3A_1340 : vector<16xf32> to vector<1x16xf32>
    tpu.vector_store %arg5[%swap3A_1432, %swap3A_1433], %swap3A_1436 {strides = array<i32>} : memref<32x512xf32, #tpu.memory_space<vmem>>, vector<1x16xf32>,
    %swap3A_1437 = arith.constant 17 : i32
    %swap3A_1438 = arith.index_cast %swap3A_1437 : i32 to index
    %swap3A_1439 = arith.constant 368 : index
    %swap3A_1440 = tpu.vector_load %arg5[%swap3A_1438, %swap3A_1439] {strides = array<i32>} : memref<32x512xf32, #tpu.memory_space<vmem>>, vector<1x16xf32>,
    %swap3A_1441 = vector.shape_cast %swap3A_1440 : vector<1x16xf32> to vector<16xf32>
    %swap3A_1442 = vector.shape_cast %get3A_1340 : vector<16xf32> to vector<1x16xf32>
    tpu.vector_store %arg5[%swap3A_1438, %swap3A_1439], %swap3A_1442 {strides = array<i32>} : memref<32x512xf32, #tpu.memory_space<vmem>>, vector<1x16xf32>,
    %swap3A_1443 = arith.constant 18 : i32
    %swap3A_1444 = arith.index_cast %swap3A_1443 : i32 to index
    %swap3A_1445 = arith.constant 368 : index
    %swap3A_1446 = tpu.vector_load %arg5[%swap3A_1444, %swap3A_1445] {strides = array<i32>} : memref<32x512xf32, #tpu.memory_space<vmem>>, vector<1x16xf32>,
    %swap3A_1447 = vector.shape_cast %swap3A_1446 : vector<1x16xf32> to vector<16xf32>
    %swap3A_1448 = vector.shape_cast %get3A_1340 : vector<16xf32> to vector<1x16xf32>
    tpu.vector_store %arg5[%swap3A_1444, %swap3A_1445], %swap3A_1448 {strides = array<i32>} : memref<32x512xf32, #tpu.memory_space<vmem>>, vector<1x16xf32>,
    %swap3A_1449 = arith.constant 19 : i32
    %swap3A_1450 = arith.index_cast %swap3A_1449 : i32 to index
    %swap3A_1451 = arith.constant 368 : index
    %swap3A_1452 = tpu.vector_load %arg5[%swap3A_1450, %swap3A_1451] {strides = array<i32>} : memref<32x512xf32, #tpu.memory_space<vmem>>, vector<1x16xf32>,
    %swap3A_1453 = vector.shape_cast %swap3A_1452 : vector<1x16xf32> to vector<16xf32>
    %swap3A_1454 = vector.shape_cast %get3A_1340 : vector<16xf32> to vector<1x16xf32>
    tpu.vector_store %arg5[%swap3A_1450, %swap3A_1451], %swap3A_1454 {strides = array<i32>} : memref<32x512xf32, #tpu.memory_space<vmem>>, vector<1x16xf32>,
    %swap3A_1455 = arith.constant 20 : i32
    %swap3A_1456 = arith.index_cast %swap3A_1455 : i32 to index
    %swap3A_1457 = arith.constant 368 : index
    %swap3A_1458 = tpu.vector_load %arg5[%swap3A_1456, %swap3A_1457] {strides = array<i32>} : memref<32x512xf32, #tpu.memory_space<vmem>>, vector<1x16xf32>,
    %swap3A_1459 = vector.shape_cast %swap3A_1458 : vector<1x16xf32> to vector<16xf32>
    %swap3A_1460 = vector.shape_cast %get3A_1340 : vector<16xf32> to vector<1x16xf32>
    tpu.vector_store %arg5[%swap3A_1456, %swap3A_1457], %swap3A_1460 {strides = array<i32>} : memref<32x512xf32, #tpu.memory_space<vmem>>, vector<1x16xf32>,
    %swap3A_1461 = arith.constant 21 : i32
    %swap3A_1462 = arith.index_cast %swap3A_1461 : i32 to index
    %swap3A_1463 = arith.constant 368 : index
    %swap3A_1464 = tpu.vector_load %arg5[%swap3A_1462, %swap3A_1463] {strides = array<i32>} : memref<32x512xf32, #tpu.memory_space<vmem>>, vector<1x16xf32>,
    %swap3A_1465 = vector.shape_cast %swap3A_1464 : vector<1x16xf32> to vector<16xf32>
    %swap3A_1466 = vector.shape_cast %get3A_1340 : vector<16xf32> to vector<1x16xf32>
    tpu.vector_store %arg5[%swap3A_1462, %swap3A_1463], %swap3A_1466 {strides = array<i32>} : memref<32x512xf32, #tpu.memory_space<vmem>>, vector<1x16xf32>,
    %swap3A_1467 = arith.constant 22 : i32
    %swap3A_1468 = arith.index_cast %swap3A_1467 : i32 to index
    %swap3A_1469 = arith.constant 368 : index
    %swap3A_1470 = tpu.vector_load %arg5[%swap3A_1468, %swap3A_1469] {strides = array<i32>} : memref<32x512xf32, #tpu.memory_space<vmem>>, vector<1x16xf32>,
    %swap3A_1471 = vector.shape_cast %swap3A_1470 : vector<1x16xf32> to vector<16xf32>
    %swap3A_1472 = vector.shape_cast %get3A_1340 : vector<16xf32> to vector<1x16xf32>
    tpu.vector_store %arg5[%swap3A_1468, %swap3A_1469], %swap3A_1472 {strides = array<i32>} : memref<32x512xf32, #tpu.memory_space<vmem>>, vector<1x16xf32>,
    %swap3A_1473 = arith.constant 23 : i32
    %swap3A_1474 = arith.index_cast %swap3A_1473 : i32 to index
    %swap3A_1475 = arith.constant 368 : index
    %swap3A_1476 = tpu.vector_load %arg5[%swap3A_1474, %swap3A_1475] {strides = array<i32>} : memref<32x512xf32, #tpu.memory_space<vmem>>, vector<1x16xf32>,
    %swap3A_1477 = vector.shape_cast %swap3A_1476 : vector<1x16xf32> to vector<16xf32>
    %swap3A_1478 = vector.shape_cast %get3A_1340 : vector<16xf32> to vector<1x16xf32>
    tpu.vector_store %arg5[%swap3A_1474, %swap3A_1475], %swap3A_1478 {strides = array<i32>} : memref<32x512xf32, #tpu.memory_space<vmem>>, vector<1x16xf32>,
    %swap3A_1479 = arith.constant 24 : i32
    %swap3A_1480 = arith.index_cast %swap3A_1479 : i32 to index
    %swap3A_1481 = arith.constant 368 : index
    %swap3A_1482 = tpu.vector_load %arg5[%swap3A_1480, %swap3A_1481] {strides = array<i32>} : memref<32x512xf32, #tpu.memory_space<vmem>>, vector<1x16xf32>,
    %swap3A_1483 = vector.shape_cast %swap3A_1482 : vector<1x16xf32> to vector<16xf32>
    %swap3A_1484 = vector.shape_cast %get3A_1340 : vector<16xf32> to vector<1x16xf32>
    tpu.vector_store %arg5[%swap3A_1480, %swap3A_1481], %swap3A_1484 {strides = array<i32>} : memref<32x512xf32, #tpu.memory_space<vmem>>, vector<1x16xf32>,
    %swap3A_1485 = arith.constant 25 : i32
    %swap3A_1486 = arith.index_cast %swap3A_1485 : i32 to index
    %swap3A_1487 = arith.constant 368 : index
    %swap3A_1488 = tpu.vector_load %arg5[%swap3A_1486, %swap3A_1487] {strides = array<i32>} : memref<32x512xf32, #tpu.memory_space<vmem>>, vector<1x16xf32>,
    %swap3A_1489 = vector.shape_cast %swap3A_1488 : vector<1x16xf32> to vector<16xf32>
    %swap3A_1490 = vector.shape_cast %get3A_1340 : vector<16xf32> to vector<1x16xf32>
    tpu.vector_store %arg5[%swap3A_1486, %swap3A_1487], %swap3A_1490 {strides = array<i32>} : memref<32x512xf32, #tpu.memory_space<vmem>>, vector<1x16xf32>,
    %swap3A_1491 = arith.constant 26 : i32
    %swap3A_1492 = arith.index_cast %swap3A_1491 : i32 to index
    %swap3A_1493 = arith.constant 368 : index
    %swap3A_1494 = tpu.vector_load %arg5[%swap3A_1492, %swap3A_1493] {strides = array<i32>} : memref<32x512xf32, #tpu.memory_space<vmem>>, vector<1x16xf32>,
    %swap3A_1495 = vector.shape_cast %swap3A_1494 : vector<1x16xf32> to vector<16xf32>
    %swap3A_1496 = vector.shape_cast %get3A_1340 : vector<16xf32> to vector<1x16xf32>
    tpu.vector_store %arg5[%swap3A_1492, %swap3A_1493], %swap3A_1496 {strides = array<i32>} : memref<32x512xf32, #tpu.memory_space<vmem>>, vector<1x16xf32>,
    %swap3A_1497 = arith.constant 27 : i32
    %swap3A_1498 = arith.index_cast %swap3A_1497 : i32 to index
    %swap3A_1499 = arith.constant 368 : index
    %swap3A_1500 = tpu.vector_load %arg5[%swap3A_1498, %swap3A_1499] {strides = array<i32>} : memref<32x512xf32, #tpu.memory_space<vmem>>, vector<1x16xf32>,
    %swap3A_1501 = vector.shape_cast %swap3A_1500 : vector<1x16xf32> to vector<16xf32>
    %swap3A_1502 = vector.shape_cast %get3A_1340 : vector<16xf32> to vector<1x16xf32>
    tpu.vector_store %arg5[%swap3A_1498, %swap3A_1499], %swap3A_1502 {strides = array<i32>} : memref<32x512xf32, #tpu.memory_space<vmem>>, vector<1x16xf32>,
    %swap3A_1503 = arith.constant 28 : i32
    %swap3A_1504 = arith.index_cast %swap3A_1503 : i32 to index
    %swap3A_1505 = arith.constant 368 : index
    %swap3A_1506 = tpu.vector_load %arg5[%swap3A_1504, %swap3A_1505] {strides = array<i32>} : memref<32x512xf32, #tpu.memory_space<vmem>>, vector<1x16xf32>,
    %swap3A_1507 = vector.shape_cast %swap3A_1506 : vector<1x16xf32> to vector<16xf32>
    %swap3A_1508 = vector.shape_cast %get3A_1340 : vector<16xf32> to vector<1x16xf32>
    tpu.vector_store %arg5[%swap3A_1504, %swap3A_1505], %swap3A_1508 {strides = array<i32>} : memref<32x512xf32, #tpu.memory_space<vmem>>, vector<1x16xf32>,
    %swap3A_1509 = arith.constant 29 : i32
    %swap3A_1510 = arith.index_cast %swap3A_1509 : i32 to index
    %swap3A_1511 = arith.constant 368 : index
    %swap3A_1512 = tpu.vector_load %arg5[%swap3A_1510, %swap3A_1511] {strides = array<i32>} : memref<32x512xf32, #tpu.memory_space<vmem>>, vector<1x16xf32>,
    %swap3A_1513 = vector.shape_cast %swap3A_1512 : vector<1x16xf32> to vector<16xf32>
    %swap3A_1514 = vector.shape_cast %get3A_1340 : vector<16xf32> to vector<1x16xf32>
    tpu.vector_store %arg5[%swap3A_1510, %swap3A_1511], %swap3A_1514 {strides = array<i32>} : memref<32x512xf32, #tpu.memory_space<vmem>>, vector<1x16xf32>,
    %swap3A_1515 = arith.constant 30 : i32
    %swap3A_1516 = arith.index_cast %swap3A_1515 : i32 to index
    %swap3A_1517 = arith.constant 368 : index
    %swap3A_1518 = tpu.vector_load %arg5[%swap3A_1516, %swap3A_1517] {strides = array<i32>} : memref<32x512xf32, #tpu.memory_space<vmem>>, vector<1x16xf32>,
    %swap3A_1519 = vector.shape_cast %swap3A_1518 : vector<1x16xf32> to vector<16xf32>
    %swap3A_1520 = vector.shape_cast %get3A_1340 : vector<16xf32> to vector<1x16xf32>
    tpu.vector_store %arg5[%swap3A_1516, %swap3A_1517], %swap3A_1520 {strides = array<i32>} : memref<32x512xf32, #tpu.memory_space<vmem>>, vector<1x16xf32>,
    %swap3A_1521 = arith.constant 31 : i32
    %swap3A_1522 = arith.index_cast %swap3A_1521 : i32 to index
    %swap3A_1523 = arith.constant 368 : index
    %swap3A_1524 = tpu.vector_load %arg5[%swap3A_1522, %swap3A_1523] {strides = array<i32>} : memref<32x512xf32, #tpu.memory_space<vmem>>, vector<1x16xf32>,
    %swap3A_1525 = vector.shape_cast %swap3A_1524 : vector<1x16xf32> to vector<16xf32>
    %swap3A_1526 = vector.shape_cast %get3A_1340 : vector<16xf32> to vector<1x16xf32>
    tpu.vector_store %arg5[%swap3A_1522, %swap3A_1523], %swap3A_1526 {strides = array<i32>} : memref<32x512xf32, #tpu.memory_space<vmem>>, vector<1x16xf32>,
    %get3A_1527 = arith.constant 0 : i32
    %get3A_1528 = arith.index_cast %get3A_1527 : i32 to index
    %get3A_1529 = arith.constant 384 : index
    %get3A_1530 = tpu.vector_load %arg5[%get3A_1528, %get3A_1529] {strides = array<i32>} : memref<32x512xf32, #tpu.memory_space<vmem>>, vector<1x16xf32>,
    %get3A_1531 = vector.shape_cast %get3A_1530 : vector<1x16xf32> to vector<16xf32>
    %swap3A_1532 = arith.constant 1 : i32
    %swap3A_1533 = arith.index_cast %swap3A_1532 : i32 to index
    %swap3A_1534 = arith.constant 384 : index
    %swap3A_1535 = tpu.vector_load %arg5[%swap3A_1533, %swap3A_1534] {strides = array<i32>} : memref<32x512xf32, #tpu.memory_space<vmem>>, vector<1x16xf32>,
    %swap3A_1536 = vector.shape_cast %swap3A_1535 : vector<1x16xf32> to vector<16xf32>
    %swap3A_1537 = vector.shape_cast %get3A_1531 : vector<16xf32> to vector<1x16xf32>
    tpu.vector_store %arg5[%swap3A_1533, %swap3A_1534], %swap3A_1537 {strides = array<i32>} : memref<32x512xf32, #tpu.memory_space<vmem>>, vector<1x16xf32>,
    %swap3A_1538 = arith.constant 2 : i32
    %swap3A_1539 = arith.index_cast %swap3A_1538 : i32 to index
    %swap3A_1540 = arith.constant 384 : index
    %swap3A_1541 = tpu.vector_load %arg5[%swap3A_1539, %swap3A_1540] {strides = array<i32>} : memref<32x512xf32, #tpu.memory_space<vmem>>, vector<1x16xf32>,
    %swap3A_1542 = vector.shape_cast %swap3A_1541 : vector<1x16xf32> to vector<16xf32>
    %swap3A_1543 = vector.shape_cast %get3A_1531 : vector<16xf32> to vector<1x16xf32>
    tpu.vector_store %arg5[%swap3A_1539, %swap3A_1540], %swap3A_1543 {strides = array<i32>} : memref<32x512xf32, #tpu.memory_space<vmem>>, vector<1x16xf32>,
    %swap3A_1544 = arith.constant 3 : i32
    %swap3A_1545 = arith.index_cast %swap3A_1544 : i32 to index
    %swap3A_1546 = arith.constant 384 : index
    %swap3A_1547 = tpu.vector_load %arg5[%swap3A_1545, %swap3A_1546] {strides = array<i32>} : memref<32x512xf32, #tpu.memory_space<vmem>>, vector<1x16xf32>,
    %swap3A_1548 = vector.shape_cast %swap3A_1547 : vector<1x16xf32> to vector<16xf32>
    %swap3A_1549 = vector.shape_cast %get3A_1531 : vector<16xf32> to vector<1x16xf32>
    tpu.vector_store %arg5[%swap3A_1545, %swap3A_1546], %swap3A_1549 {strides = array<i32>} : memref<32x512xf32, #tpu.memory_space<vmem>>, vector<1x16xf32>,
    %swap3A_1550 = arith.constant 4 : i32
    %swap3A_1551 = arith.index_cast %swap3A_1550 : i32 to index
    %swap3A_1552 = arith.constant 384 : index
    %swap3A_1553 = tpu.vector_load %arg5[%swap3A_1551, %swap3A_1552] {strides = array<i32>} : memref<32x512xf32, #tpu.memory_space<vmem>>, vector<1x16xf32>,
    %swap3A_1554 = vector.shape_cast %swap3A_1553 : vector<1x16xf32> to vector<16xf32>
    %swap3A_1555 = vector.shape_cast %get3A_1531 : vector<16xf32> to vector<1x16xf32>
    tpu.vector_store %arg5[%swap3A_1551, %swap3A_1552], %swap3A_1555 {strides = array<i32>} : memref<32x512xf32, #tpu.memory_space<vmem>>, vector<1x16xf32>,
    %swap3A_1556 = arith.constant 5 : i32
    %swap3A_1557 = arith.index_cast %swap3A_1556 : i32 to index
    %swap3A_1558 = arith.constant 384 : index
    %swap3A_1559 = tpu.vector_load %arg5[%swap3A_1557, %swap3A_1558] {strides = array<i32>} : memref<32x512xf32, #tpu.memory_space<vmem>>, vector<1x16xf32>,
    %swap3A_1560 = vector.shape_cast %swap3A_1559 : vector<1x16xf32> to vector<16xf32>
    %swap3A_1561 = vector.shape_cast %get3A_1531 : vector<16xf32> to vector<1x16xf32>
    tpu.vector_store %arg5[%swap3A_1557, %swap3A_1558], %swap3A_1561 {strides = array<i32>} : memref<32x512xf32, #tpu.memory_space<vmem>>, vector<1x16xf32>,
    %swap3A_1562 = arith.constant 6 : i32
    %swap3A_1563 = arith.index_cast %swap3A_1562 : i32 to index
    %swap3A_1564 = arith.constant 384 : index
    %swap3A_1565 = tpu.vector_load %arg5[%swap3A_1563, %swap3A_1564] {strides = array<i32>} : memref<32x512xf32, #tpu.memory_space<vmem>>, vector<1x16xf32>,
    %swap3A_1566 = vector.shape_cast %swap3A_1565 : vector<1x16xf32> to vector<16xf32>
    %swap3A_1567 = vector.shape_cast %get3A_1531 : vector<16xf32> to vector<1x16xf32>
    tpu.vector_store %arg5[%swap3A_1563, %swap3A_1564], %swap3A_1567 {strides = array<i32>} : memref<32x512xf32, #tpu.memory_space<vmem>>, vector<1x16xf32>,
    %swap3A_1568 = arith.constant 7 : i32
    %swap3A_1569 = arith.index_cast %swap3A_1568 : i32 to index
    %swap3A_1570 = arith.constant 384 : index
    %swap3A_1571 = tpu.vector_load %arg5[%swap3A_1569, %swap3A_1570] {strides = array<i32>} : memref<32x512xf32, #tpu.memory_space<vmem>>, vector<1x16xf32>,
    %swap3A_1572 = vector.shape_cast %swap3A_1571 : vector<1x16xf32> to vector<16xf32>
    %swap3A_1573 = vector.shape_cast %get3A_1531 : vector<16xf32> to vector<1x16xf32>
    tpu.vector_store %arg5[%swap3A_1569, %swap3A_1570], %swap3A_1573 {strides = array<i32>} : memref<32x512xf32, #tpu.memory_space<vmem>>, vector<1x16xf32>,
    %swap3A_1574 = arith.constant 8 : i32
    %swap3A_1575 = arith.index_cast %swap3A_1574 : i32 to index
    %swap3A_1576 = arith.constant 384 : index
    %swap3A_1577 = tpu.vector_load %arg5[%swap3A_1575, %swap3A_1576] {strides = array<i32>} : memref<32x512xf32, #tpu.memory_space<vmem>>, vector<1x16xf32>,
    %swap3A_1578 = vector.shape_cast %swap3A_1577 : vector<1x16xf32> to vector<16xf32>
    %swap3A_1579 = vector.shape_cast %get3A_1531 : vector<16xf32> to vector<1x16xf32>
    tpu.vector_store %arg5[%swap3A_1575, %swap3A_1576], %swap3A_1579 {strides = array<i32>} : memref<32x512xf32, #tpu.memory_space<vmem>>, vector<1x16xf32>,
    %swap3A_1580 = arith.constant 9 : i32
    %swap3A_1581 = arith.index_cast %swap3A_1580 : i32 to index
    %swap3A_1582 = arith.constant 384 : index
    %swap3A_1583 = tpu.vector_load %arg5[%swap3A_1581, %swap3A_1582] {strides = array<i32>} : memref<32x512xf32, #tpu.memory_space<vmem>>, vector<1x16xf32>,
    %swap3A_1584 = vector.shape_cast %swap3A_1583 : vector<1x16xf32> to vector<16xf32>
    %swap3A_1585 = vector.shape_cast %get3A_1531 : vector<16xf32> to vector<1x16xf32>
    tpu.vector_store %arg5[%swap3A_1581, %swap3A_1582], %swap3A_1585 {strides = array<i32>} : memref<32x512xf32, #tpu.memory_space<vmem>>, vector<1x16xf32>,
    %swap3A_1586 = arith.constant 10 : i32
    %swap3A_1587 = arith.index_cast %swap3A_1586 : i32 to index
    %swap3A_1588 = arith.constant 384 : index
    %swap3A_1589 = tpu.vector_load %arg5[%swap3A_1587, %swap3A_1588] {strides = array<i32>} : memref<32x512xf32, #tpu.memory_space<vmem>>, vector<1x16xf32>,
    %swap3A_1590 = vector.shape_cast %swap3A_1589 : vector<1x16xf32> to vector<16xf32>
    %swap3A_1591 = vector.shape_cast %get3A_1531 : vector<16xf32> to vector<1x16xf32>
    tpu.vector_store %arg5[%swap3A_1587, %swap3A_1588], %swap3A_1591 {strides = array<i32>} : memref<32x512xf32, #tpu.memory_space<vmem>>, vector<1x16xf32>,
    %swap3A_1592 = arith.constant 11 : i32
    %swap3A_1593 = arith.index_cast %swap3A_1592 : i32 to index
    %swap3A_1594 = arith.constant 384 : index
    %swap3A_1595 = tpu.vector_load %arg5[%swap3A_1593, %swap3A_1594] {strides = array<i32>} : memref<32x512xf32, #tpu.memory_space<vmem>>, vector<1x16xf32>,
    %swap3A_1596 = vector.shape_cast %swap3A_1595 : vector<1x16xf32> to vector<16xf32>
    %swap3A_1597 = vector.shape_cast %get3A_1531 : vector<16xf32> to vector<1x16xf32>
    tpu.vector_store %arg5[%swap3A_1593, %swap3A_1594], %swap3A_1597 {strides = array<i32>} : memref<32x512xf32, #tpu.memory_space<vmem>>, vector<1x16xf32>,
    %swap3A_1598 = arith.constant 12 : i32
    %swap3A_1599 = arith.index_cast %swap3A_1598 : i32 to index
    %swap3A_1600 = arith.constant 384 : index
    %swap3A_1601 = tpu.vector_load %arg5[%swap3A_1599, %swap3A_1600] {strides = array<i32>} : memref<32x512xf32, #tpu.memory_space<vmem>>, vector<1x16xf32>,
    %swap3A_1602 = vector.shape_cast %swap3A_1601 : vector<1x16xf32> to vector<16xf32>
    %swap3A_1603 = vector.shape_cast %get3A_1531 : vector<16xf32> to vector<1x16xf32>
    tpu.vector_store %arg5[%swap3A_1599, %swap3A_1600], %swap3A_1603 {strides = array<i32>} : memref<32x512xf32, #tpu.memory_space<vmem>>, vector<1x16xf32>,
    %swap3A_1604 = arith.constant 13 : i32
    %swap3A_1605 = arith.index_cast %swap3A_1604 : i32 to index
    %swap3A_1606 = arith.constant 384 : index
    %swap3A_1607 = tpu.vector_load %arg5[%swap3A_1605, %swap3A_1606] {strides = array<i32>} : memref<32x512xf32, #tpu.memory_space<vmem>>, vector<1x16xf32>,
    %swap3A_1608 = vector.shape_cast %swap3A_1607 : vector<1x16xf32> to vector<16xf32>
    %swap3A_1609 = vector.shape_cast %get3A_1531 : vector<16xf32> to vector<1x16xf32>
    tpu.vector_store %arg5[%swap3A_1605, %swap3A_1606], %swap3A_1609 {strides = array<i32>} : memref<32x512xf32, #tpu.memory_space<vmem>>, vector<1x16xf32>,
    %swap3A_1610 = arith.constant 14 : i32
    %swap3A_1611 = arith.index_cast %swap3A_1610 : i32 to index
    %swap3A_1612 = arith.constant 384 : index
    %swap3A_1613 = tpu.vector_load %arg5[%swap3A_1611, %swap3A_1612] {strides = array<i32>} : memref<32x512xf32, #tpu.memory_space<vmem>>, vector<1x16xf32>,
    %swap3A_1614 = vector.shape_cast %swap3A_1613 : vector<1x16xf32> to vector<16xf32>
    %swap3A_1615 = vector.shape_cast %get3A_1531 : vector<16xf32> to vector<1x16xf32>
    tpu.vector_store %arg5[%swap3A_1611, %swap3A_1612], %swap3A_1615 {strides = array<i32>} : memref<32x512xf32, #tpu.memory_space<vmem>>, vector<1x16xf32>,
    %swap3A_1616 = arith.constant 15 : i32
    %swap3A_1617 = arith.index_cast %swap3A_1616 : i32 to index
    %swap3A_1618 = arith.constant 384 : index
    %swap3A_1619 = tpu.vector_load %arg5[%swap3A_1617, %swap3A_1618] {strides = array<i32>} : memref<32x512xf32, #tpu.memory_space<vmem>>, vector<1x16xf32>,
    %swap3A_1620 = vector.shape_cast %swap3A_1619 : vector<1x16xf32> to vector<16xf32>
    %swap3A_1621 = vector.shape_cast %get3A_1531 : vector<16xf32> to vector<1x16xf32>
    tpu.vector_store %arg5[%swap3A_1617, %swap3A_1618], %swap3A_1621 {strides = array<i32>} : memref<32x512xf32, #tpu.memory_space<vmem>>, vector<1x16xf32>,
    %swap3A_1622 = arith.constant 16 : i32
    %swap3A_1623 = arith.index_cast %swap3A_1622 : i32 to index
    %swap3A_1624 = arith.constant 384 : index
    %swap3A_1625 = tpu.vector_load %arg5[%swap3A_1623, %swap3A_1624] {strides = array<i32>} : memref<32x512xf32, #tpu.memory_space<vmem>>, vector<1x16xf32>,
    %swap3A_1626 = vector.shape_cast %swap3A_1625 : vector<1x16xf32> to vector<16xf32>
    %swap3A_1627 = vector.shape_cast %get3A_1531 : vector<16xf32> to vector<1x16xf32>
    tpu.vector_store %arg5[%swap3A_1623, %swap3A_1624], %swap3A_1627 {strides = array<i32>} : memref<32x512xf32, #tpu.memory_space<vmem>>, vector<1x16xf32>,
    %swap3A_1628 = arith.constant 17 : i32
    %swap3A_1629 = arith.index_cast %swap3A_1628 : i32 to index
    %swap3A_1630 = arith.constant 384 : index
    %swap3A_1631 = tpu.vector_load %arg5[%swap3A_1629, %swap3A_1630] {strides = array<i32>} : memref<32x512xf32, #tpu.memory_space<vmem>>, vector<1x16xf32>,
    %swap3A_1632 = vector.shape_cast %swap3A_1631 : vector<1x16xf32> to vector<16xf32>
    %swap3A_1633 = vector.shape_cast %get3A_1531 : vector<16xf32> to vector<1x16xf32>
    tpu.vector_store %arg5[%swap3A_1629, %swap3A_1630], %swap3A_1633 {strides = array<i32>} : memref<32x512xf32, #tpu.memory_space<vmem>>, vector<1x16xf32>,
    %swap3A_1634 = arith.constant 18 : i32
    %swap3A_1635 = arith.index_cast %swap3A_1634 : i32 to index
    %swap3A_1636 = arith.constant 384 : index
    %swap3A_1637 = tpu.vector_load %arg5[%swap3A_1635, %swap3A_1636] {strides = array<i32>} : memref<32x512xf32, #tpu.memory_space<vmem>>, vector<1x16xf32>,
    %swap3A_1638 = vector.shape_cast %swap3A_1637 : vector<1x16xf32> to vector<16xf32>
    %swap3A_1639 = vector.shape_cast %get3A_1531 : vector<16xf32> to vector<1x16xf32>
    tpu.vector_store %arg5[%swap3A_1635, %swap3A_1636], %swap3A_1639 {strides = array<i32>} : memref<32x512xf32, #tpu.memory_space<vmem>>, vector<1x16xf32>,
    %swap3A_1640 = arith.constant 19 : i32
    %swap3A_1641 = arith.index_cast %swap3A_1640 : i32 to index
    %swap3A_1642 = arith.constant 384 : index
    %swap3A_1643 = tpu.vector_load %arg5[%swap3A_1641, %swap3A_1642] {strides = array<i32>} : memref<32x512xf32, #tpu.memory_space<vmem>>, vector<1x16xf32>,
    %swap3A_1644 = vector.shape_cast %swap3A_1643 : vector<1x16xf32> to vector<16xf32>
    %swap3A_1645 = vector.shape_cast %get3A_1531 : vector<16xf32> to vector<1x16xf32>
    tpu.vector_store %arg5[%swap3A_1641, %swap3A_1642], %swap3A_1645 {strides = array<i32>} : memref<32x512xf32, #tpu.memory_space<vmem>>, vector<1x16xf32>,
    %swap3A_1646 = arith.constant 20 : i32
    %swap3A_1647 = arith.index_cast %swap3A_1646 : i32 to index
    %swap3A_1648 = arith.constant 384 : index
    %swap3A_1649 = tpu.vector_load %arg5[%swap3A_1647, %swap3A_1648] {strides = array<i32>} : memref<32x512xf32, #tpu.memory_space<vmem>>, vector<1x16xf32>,
    %swap3A_1650 = vector.shape_cast %swap3A_1649 : vector<1x16xf32> to vector<16xf32>
    %swap3A_1651 = vector.shape_cast %get3A_1531 : vector<16xf32> to vector<1x16xf32>
    tpu.vector_store %arg5[%swap3A_1647, %swap3A_1648], %swap3A_1651 {strides = array<i32>} : memref<32x512xf32, #tpu.memory_space<vmem>>, vector<1x16xf32>,
    %swap3A_1652 = arith.constant 21 : i32
    %swap3A_1653 = arith.index_cast %swap3A_1652 : i32 to index
    %swap3A_1654 = arith.constant 384 : index
    %swap3A_1655 = tpu.vector_load %arg5[%swap3A_1653, %swap3A_1654] {strides = array<i32>} : memref<32x512xf32, #tpu.memory_space<vmem>>, vector<1x16xf32>,
    %swap3A_1656 = vector.shape_cast %swap3A_1655 : vector<1x16xf32> to vector<16xf32>
    %swap3A_1657 = vector.shape_cast %get3A_1531 : vector<16xf32> to vector<1x16xf32>
    tpu.vector_store %arg5[%swap3A_1653, %swap3A_1654], %swap3A_1657 {strides = array<i32>} : memref<32x512xf32, #tpu.memory_space<vmem>>, vector<1x16xf32>,
    %swap3A_1658 = arith.constant 22 : i32
    %swap3A_1659 = arith.index_cast %swap3A_1658 : i32 to index
    %swap3A_1660 = arith.constant 384 : index
    %swap3A_1661 = tpu.vector_load %arg5[%swap3A_1659, %swap3A_1660] {strides = array<i32>} : memref<32x512xf32, #tpu.memory_space<vmem>>, vector<1x16xf32>,
    %swap3A_1662 = vector.shape_cast %swap3A_1661 : vector<1x16xf32> to vector<16xf32>
    %swap3A_1663 = vector.shape_cast %get3A_1531 : vector<16xf32> to vector<1x16xf32>
    tpu.vector_store %arg5[%swap3A_1659, %swap3A_1660], %swap3A_1663 {strides = array<i32>} : memref<32x512xf32, #tpu.memory_space<vmem>>, vector<1x16xf32>,
    %swap3A_1664 = arith.constant 23 : i32
    %swap3A_1665 = arith.index_cast %swap3A_1664 : i32 to index
    %swap3A_1666 = arith.constant 384 : index
    %swap3A_1667 = tpu.vector_load %arg5[%swap3A_1665, %swap3A_1666] {strides = array<i32>} : memref<32x512xf32, #tpu.memory_space<vmem>>, vector<1x16xf32>,
    %swap3A_1668 = vector.shape_cast %swap3A_1667 : vector<1x16xf32> to vector<16xf32>
    %swap3A_1669 = vector.shape_cast %get3A_1531 : vector<16xf32> to vector<1x16xf32>
    tpu.vector_store %arg5[%swap3A_1665, %swap3A_1666], %swap3A_1669 {strides = array<i32>} : memref<32x512xf32, #tpu.memory_space<vmem>>, vector<1x16xf32>,
    %swap3A_1670 = arith.constant 24 : i32
    %swap3A_1671 = arith.index_cast %swap3A_1670 : i32 to index
    %swap3A_1672 = arith.constant 384 : index
    %swap3A_1673 = tpu.vector_load %arg5[%swap3A_1671, %swap3A_1672] {strides = array<i32>} : memref<32x512xf32, #tpu.memory_space<vmem>>, vector<1x16xf32>,
    %swap3A_1674 = vector.shape_cast %swap3A_1673 : vector<1x16xf32> to vector<16xf32>
    %swap3A_1675 = vector.shape_cast %get3A_1531 : vector<16xf32> to vector<1x16xf32>
    tpu.vector_store %arg5[%swap3A_1671, %swap3A_1672], %swap3A_1675 {strides = array<i32>} : memref<32x512xf32, #tpu.memory_space<vmem>>, vector<1x16xf32>,
    %swap3A_1676 = arith.constant 25 : i32
    %swap3A_1677 = arith.index_cast %swap3A_1676 : i32 to index
    %swap3A_1678 = arith.constant 384 : index
    %swap3A_1679 = tpu.vector_load %arg5[%swap3A_1677, %swap3A_1678] {strides = array<i32>} : memref<32x512xf32, #tpu.memory_space<vmem>>, vector<1x16xf32>,
    %swap3A_1680 = vector.shape_cast %swap3A_1679 : vector<1x16xf32> to vector<16xf32>
    %swap3A_1681 = vector.shape_cast %get3A_1531 : vector<16xf32> to vector<1x16xf32>
    tpu.vector_store %arg5[%swap3A_1677, %swap3A_1678], %swap3A_1681 {strides = array<i32>} : memref<32x512xf32, #tpu.memory_space<vmem>>, vector<1x16xf32>,
    %swap3A_1682 = arith.constant 26 : i32
    %swap3A_1683 = arith.index_cast %swap3A_1682 : i32 to index
    %swap3A_1684 = arith.constant 384 : index
    %swap3A_1685 = tpu.vector_load %arg5[%swap3A_1683, %swap3A_1684] {strides = array<i32>} : memref<32x512xf32, #tpu.memory_space<vmem>>, vector<1x16xf32>,
    %swap3A_1686 = vector.shape_cast %swap3A_1685 : vector<1x16xf32> to vector<16xf32>
    %swap3A_1687 = vector.shape_cast %get3A_1531 : vector<16xf32> to vector<1x16xf32>
    tpu.vector_store %arg5[%swap3A_1683, %swap3A_1684], %swap3A_1687 {strides = array<i32>} : memref<32x512xf32, #tpu.memory_space<vmem>>, vector<1x16xf32>,
    %swap3A_1688 = arith.constant 27 : i32
    %swap3A_1689 = arith.index_cast %swap3A_1688 : i32 to index
    %swap3A_1690 = arith.constant 384 : index
    %swap3A_1691 = tpu.vector_load %arg5[%swap3A_1689, %swap3A_1690] {strides = array<i32>} : memref<32x512xf32, #tpu.memory_space<vmem>>, vector<1x16xf32>,
    %swap3A_1692 = vector.shape_cast %swap3A_1691 : vector<1x16xf32> to vector<16xf32>
    %swap3A_1693 = vector.shape_cast %get3A_1531 : vector<16xf32> to vector<1x16xf32>
    tpu.vector_store %arg5[%swap3A_1689, %swap3A_1690], %swap3A_1693 {strides = array<i32>} : memref<32x512xf32, #tpu.memory_space<vmem>>, vector<1x16xf32>,
    %swap3A_1694 = arith.constant 28 : i32
    %swap3A_1695 = arith.index_cast %swap3A_1694 : i32 to index
    %swap3A_1696 = arith.constant 384 : index
    %swap3A_1697 = tpu.vector_load %arg5[%swap3A_1695, %swap3A_1696] {strides = array<i32>} : memref<32x512xf32, #tpu.memory_space<vmem>>, vector<1x16xf32>,
    %swap3A_1698 = vector.shape_cast %swap3A_1697 : vector<1x16xf32> to vector<16xf32>
    %swap3A_1699 = vector.shape_cast %get3A_1531 : vector<16xf32> to vector<1x16xf32>
    tpu.vector_store %arg5[%swap3A_1695, %swap3A_1696], %swap3A_1699 {strides = array<i32>} : memref<32x512xf32, #tpu.memory_space<vmem>>, vector<1x16xf32>,
    %swap3A_1700 = arith.constant 29 : i32
    %swap3A_1701 = arith.index_cast %swap3A_1700 : i32 to index
    %swap3A_1702 = arith.constant 384 : index
    %swap3A_1703 = tpu.vector_load %arg5[%swap3A_1701, %swap3A_1702] {strides = array<i32>} : memref<32x512xf32, #tpu.memory_space<vmem>>, vector<1x16xf32>,
    %swap3A_1704 = vector.shape_cast %swap3A_1703 : vector<1x16xf32> to vector<16xf32>
    %swap3A_1705 = vector.shape_cast %get3A_1531 : vector<16xf32> to vector<1x16xf32>
    tpu.vector_store %arg5[%swap3A_1701, %swap3A_1702], %swap3A_1705 {strides = array<i32>} : memref<32x512xf32, #tpu.memory_space<vmem>>, vector<1x16xf32>,
    %swap3A_1706 = arith.constant 30 : i32
    %swap3A_1707 = arith.index_cast %swap3A_1706 : i32 to index
    %swap3A_1708 = arith.constant 384 : index
    %swap3A_1709 = tpu.vector_load %arg5[%swap3A_1707, %swap3A_1708] {strides = array<i32>} : memref<32x512xf32, #tpu.memory_space<vmem>>, vector<1x16xf32>,
    %swap3A_1710 = vector.shape_cast %swap3A_1709 : vector<1x16xf32> to vector<16xf32>
    %swap3A_1711 = vector.shape_cast %get3A_1531 : vector<16xf32> to vector<1x16xf32>
    tpu.vector_store %arg5[%swap3A_1707, %swap3A_1708], %swap3A_1711 {strides = array<i32>} : memref<32x512xf32, #tpu.memory_space<vmem>>, vector<1x16xf32>,
    %swap3A_1712 = arith.constant 31 : i32
    %swap3A_1713 = arith.index_cast %swap3A_1712 : i32 to index
    %swap3A_1714 = arith.constant 384 : index
    %swap3A_1715 = tpu.vector_load %arg5[%swap3A_1713, %swap3A_1714] {strides = array<i32>} : memref<32x512xf32, #tpu.memory_space<vmem>>, vector<1x16xf32>,
    %swap3A_1716 = vector.shape_cast %swap3A_1715 : vector<1x16xf32> to vector<16xf32>
    %swap3A_1717 = vector.shape_cast %get3A_1531 : vector<16xf32> to vector<1x16xf32>
    tpu.vector_store %arg5[%swap3A_1713, %swap3A_1714], %swap3A_1717 {strides = array<i32>} : memref<32x512xf32, #tpu.memory_space<vmem>>, vector<1x16xf32>,
    %get3A_1718 = arith.constant 0 : i32
    %get3A_1719 = arith.index_cast %get3A_1718 : i32 to index
    %get3A_1720 = arith.constant 400 : index
    %get3A_1721 = tpu.vector_load %arg5[%get3A_1719, %get3A_1720] {strides = array<i32>} : memref<32x512xf32, #tpu.memory_space<vmem>>, vector<1x16xf32>,
    %get3A_1722 = vector.shape_cast %get3A_1721 : vector<1x16xf32> to vector<16xf32>
    %swap3A_1723 = arith.constant 1 : i32
    %swap3A_1724 = arith.index_cast %swap3A_1723 : i32 to index
    %swap3A_1725 = arith.constant 400 : index
    %swap3A_1726 = tpu.vector_load %arg5[%swap3A_1724, %swap3A_1725] {strides = array<i32>} : memref<32x512xf32, #tpu.memory_space<vmem>>, vector<1x16xf32>,
    %swap3A_1727 = vector.shape_cast %swap3A_1726 : vector<1x16xf32> to vector<16xf32>
    %swap3A_1728 = vector.shape_cast %get3A_1722 : vector<16xf32> to vector<1x16xf32>
    tpu.vector_store %arg5[%swap3A_1724, %swap3A_1725], %swap3A_1728 {strides = array<i32>} : memref<32x512xf32, #tpu.memory_space<vmem>>, vector<1x16xf32>,
    %swap3A_1729 = arith.constant 2 : i32
    %swap3A_1730 = arith.index_cast %swap3A_1729 : i32 to index
    %swap3A_1731 = arith.constant 400 : index
    %swap3A_1732 = tpu.vector_load %arg5[%swap3A_1730, %swap3A_1731] {strides = array<i32>} : memref<32x512xf32, #tpu.memory_space<vmem>>, vector<1x16xf32>,
    %swap3A_1733 = vector.shape_cast %swap3A_1732 : vector<1x16xf32> to vector<16xf32>
    %swap3A_1734 = vector.shape_cast %get3A_1722 : vector<16xf32> to vector<1x16xf32>
    tpu.vector_store %arg5[%swap3A_1730, %swap3A_1731], %swap3A_1734 {strides = array<i32>} : memref<32x512xf32, #tpu.memory_space<vmem>>, vector<1x16xf32>,
    %swap3A_1735 = arith.constant 3 : i32
    %swap3A_1736 = arith.index_cast %swap3A_1735 : i32 to index
    %swap3A_1737 = arith.constant 400 : index
    %swap3A_1738 = tpu.vector_load %arg5[%swap3A_1736, %swap3A_1737] {strides = array<i32>} : memref<32x512xf32, #tpu.memory_space<vmem>>, vector<1x16xf32>,
    %swap3A_1739 = vector.shape_cast %swap3A_1738 : vector<1x16xf32> to vector<16xf32>
    %swap3A_1740 = vector.shape_cast %get3A_1722 : vector<16xf32> to vector<1x16xf32>
    tpu.vector_store %arg5[%swap3A_1736, %swap3A_1737], %swap3A_1740 {strides = array<i32>} : memref<32x512xf32, #tpu.memory_space<vmem>>, vector<1x16xf32>,
    %swap3A_1741 = arith.constant 4 : i32
    %swap3A_1742 = arith.index_cast %swap3A_1741 : i32 to index
    %swap3A_1743 = arith.constant 400 : index
    %swap3A_1744 = tpu.vector_load %arg5[%swap3A_1742, %swap3A_1743] {strides = array<i32>} : memref<32x512xf32, #tpu.memory_space<vmem>>, vector<1x16xf32>,
    %swap3A_1745 = vector.shape_cast %swap3A_1744 : vector<1x16xf32> to vector<16xf32>
    %swap3A_1746 = vector.shape_cast %get3A_1722 : vector<16xf32> to vector<1x16xf32>
    tpu.vector_store %arg5[%swap3A_1742, %swap3A_1743], %swap3A_1746 {strides = array<i32>} : memref<32x512xf32, #tpu.memory_space<vmem>>, vector<1x16xf32>,
    %swap3A_1747 = arith.constant 5 : i32
    %swap3A_1748 = arith.index_cast %swap3A_1747 : i32 to index
    %swap3A_1749 = arith.constant 400 : index
    %swap3A_1750 = tpu.vector_load %arg5[%swap3A_1748, %swap3A_1749] {strides = array<i32>} : memref<32x512xf32, #tpu.memory_space<vmem>>, vector<1x16xf32>,
    %swap3A_1751 = vector.shape_cast %swap3A_1750 : vector<1x16xf32> to vector<16xf32>
    %swap3A_1752 = vector.shape_cast %get3A_1722 : vector<16xf32> to vector<1x16xf32>
    tpu.vector_store %arg5[%swap3A_1748, %swap3A_1749], %swap3A_1752 {strides = array<i32>} : memref<32x512xf32, #tpu.memory_space<vmem>>, vector<1x16xf32>,
    %swap3A_1753 = arith.constant 6 : i32
    %swap3A_1754 = arith.index_cast %swap3A_1753 : i32 to index
    %swap3A_1755 = arith.constant 400 : index
    %swap3A_1756 = tpu.vector_load %arg5[%swap3A_1754, %swap3A_1755] {strides = array<i32>} : memref<32x512xf32, #tpu.memory_space<vmem>>, vector<1x16xf32>,
    %swap3A_1757 = vector.shape_cast %swap3A_1756 : vector<1x16xf32> to vector<16xf32>
    %swap3A_1758 = vector.shape_cast %get3A_1722 : vector<16xf32> to vector<1x16xf32>
    tpu.vector_store %arg5[%swap3A_1754, %swap3A_1755], %swap3A_1758 {strides = array<i32>} : memref<32x512xf32, #tpu.memory_space<vmem>>, vector<1x16xf32>,
    %swap3A_1759 = arith.constant 7 : i32
    %swap3A_1760 = arith.index_cast %swap3A_1759 : i32 to index
    %swap3A_1761 = arith.constant 400 : index
    %swap3A_1762 = tpu.vector_load %arg5[%swap3A_1760, %swap3A_1761] {strides = array<i32>} : memref<32x512xf32, #tpu.memory_space<vmem>>, vector<1x16xf32>,
    %swap3A_1763 = vector.shape_cast %swap3A_1762 : vector<1x16xf32> to vector<16xf32>
    %swap3A_1764 = vector.shape_cast %get3A_1722 : vector<16xf32> to vector<1x16xf32>
    tpu.vector_store %arg5[%swap3A_1760, %swap3A_1761], %swap3A_1764 {strides = array<i32>} : memref<32x512xf32, #tpu.memory_space<vmem>>, vector<1x16xf32>,
    %swap3A_1765 = arith.constant 8 : i32
    %swap3A_1766 = arith.index_cast %swap3A_1765 : i32 to index
    %swap3A_1767 = arith.constant 400 : index
    %swap3A_1768 = tpu.vector_load %arg5[%swap3A_1766, %swap3A_1767] {strides = array<i32>} : memref<32x512xf32, #tpu.memory_space<vmem>>, vector<1x16xf32>,
    %swap3A_1769 = vector.shape_cast %swap3A_1768 : vector<1x16xf32> to vector<16xf32>
    %swap3A_1770 = vector.shape_cast %get3A_1722 : vector<16xf32> to vector<1x16xf32>
    tpu.vector_store %arg5[%swap3A_1766, %swap3A_1767], %swap3A_1770 {strides = array<i32>} : memref<32x512xf32, #tpu.memory_space<vmem>>, vector<1x16xf32>,
    %swap3A_1771 = arith.constant 9 : i32
    %swap3A_1772 = arith.index_cast %swap3A_1771 : i32 to index
    %swap3A_1773 = arith.constant 400 : index
    %swap3A_1774 = tpu.vector_load %arg5[%swap3A_1772, %swap3A_1773] {strides = array<i32>} : memref<32x512xf32, #tpu.memory_space<vmem>>, vector<1x16xf32>,
    %swap3A_1775 = vector.shape_cast %swap3A_1774 : vector<1x16xf32> to vector<16xf32>
    %swap3A_1776 = vector.shape_cast %get3A_1722 : vector<16xf32> to vector<1x16xf32>
    tpu.vector_store %arg5[%swap3A_1772, %swap3A_1773], %swap3A_1776 {strides = array<i32>} : memref<32x512xf32, #tpu.memory_space<vmem>>, vector<1x16xf32>,
    %swap3A_1777 = arith.constant 10 : i32
    %swap3A_1778 = arith.index_cast %swap3A_1777 : i32 to index
    %swap3A_1779 = arith.constant 400 : index
    %swap3A_1780 = tpu.vector_load %arg5[%swap3A_1778, %swap3A_1779] {strides = array<i32>} : memref<32x512xf32, #tpu.memory_space<vmem>>, vector<1x16xf32>,
    %swap3A_1781 = vector.shape_cast %swap3A_1780 : vector<1x16xf32> to vector<16xf32>
    %swap3A_1782 = vector.shape_cast %get3A_1722 : vector<16xf32> to vector<1x16xf32>
    tpu.vector_store %arg5[%swap3A_1778, %swap3A_1779], %swap3A_1782 {strides = array<i32>} : memref<32x512xf32, #tpu.memory_space<vmem>>, vector<1x16xf32>,
    %swap3A_1783 = arith.constant 11 : i32
    %swap3A_1784 = arith.index_cast %swap3A_1783 : i32 to index
    %swap3A_1785 = arith.constant 400 : index
    %swap3A_1786 = tpu.vector_load %arg5[%swap3A_1784, %swap3A_1785] {strides = array<i32>} : memref<32x512xf32, #tpu.memory_space<vmem>>, vector<1x16xf32>,
    %swap3A_1787 = vector.shape_cast %swap3A_1786 : vector<1x16xf32> to vector<16xf32>
    %swap3A_1788 = vector.shape_cast %get3A_1722 : vector<16xf32> to vector<1x16xf32>
    tpu.vector_store %arg5[%swap3A_1784, %swap3A_1785], %swap3A_1788 {strides = array<i32>} : memref<32x512xf32, #tpu.memory_space<vmem>>, vector<1x16xf32>,
    %swap3A_1789 = arith.constant 12 : i32
    %swap3A_1790 = arith.index_cast %swap3A_1789 : i32 to index
    %swap3A_1791 = arith.constant 400 : index
    %swap3A_1792 = tpu.vector_load %arg5[%swap3A_1790, %swap3A_1791] {strides = array<i32>} : memref<32x512xf32, #tpu.memory_space<vmem>>, vector<1x16xf32>,
    %swap3A_1793 = vector.shape_cast %swap3A_1792 : vector<1x16xf32> to vector<16xf32>
    %swap3A_1794 = vector.shape_cast %get3A_1722 : vector<16xf32> to vector<1x16xf32>
    tpu.vector_store %arg5[%swap3A_1790, %swap3A_1791], %swap3A_1794 {strides = array<i32>} : memref<32x512xf32, #tpu.memory_space<vmem>>, vector<1x16xf32>,
    %swap3A_1795 = arith.constant 13 : i32
    %swap3A_1796 = arith.index_cast %swap3A_1795 : i32 to index
    %swap3A_1797 = arith.constant 400 : index
    %swap3A_1798 = tpu.vector_load %arg5[%swap3A_1796, %swap3A_1797] {strides = array<i32>} : memref<32x512xf32, #tpu.memory_space<vmem>>, vector<1x16xf32>,
    %swap3A_1799 = vector.shape_cast %swap3A_1798 : vector<1x16xf32> to vector<16xf32>
    %swap3A_1800 = vector.shape_cast %get3A_1722 : vector<16xf32> to vector<1x16xf32>
    tpu.vector_store %arg5[%swap3A_1796, %swap3A_1797], %swap3A_1800 {strides = array<i32>} : memref<32x512xf32, #tpu.memory_space<vmem>>, vector<1x16xf32>,
    %swap3A_1801 = arith.constant 14 : i32
    %swap3A_1802 = arith.index_cast %swap3A_1801 : i32 to index
    %swap3A_1803 = arith.constant 400 : index
    %swap3A_1804 = tpu.vector_load %arg5[%swap3A_1802, %swap3A_1803] {strides = array<i32>} : memref<32x512xf32, #tpu.memory_space<vmem>>, vector<1x16xf32>,
    %swap3A_1805 = vector.shape_cast %swap3A_1804 : vector<1x16xf32> to vector<16xf32>
    %swap3A_1806 = vector.shape_cast %get3A_1722 : vector<16xf32> to vector<1x16xf32>
    tpu.vector_store %arg5[%swap3A_1802, %swap3A_1803], %swap3A_1806 {strides = array<i32>} : memref<32x512xf32, #tpu.memory_space<vmem>>, vector<1x16xf32>,
    %swap3A_1807 = arith.constant 15 : i32
    %swap3A_1808 = arith.index_cast %swap3A_1807 : i32 to index
    %swap3A_1809 = arith.constant 400 : index
    %swap3A_1810 = tpu.vector_load %arg5[%swap3A_1808, %swap3A_1809] {strides = array<i32>} : memref<32x512xf32, #tpu.memory_space<vmem>>, vector<1x16xf32>,
    %swap3A_1811 = vector.shape_cast %swap3A_1810 : vector<1x16xf32> to vector<16xf32>
    %swap3A_1812 = vector.shape_cast %get3A_1722 : vector<16xf32> to vector<1x16xf32>
    tpu.vector_store %arg5[%swap3A_1808, %swap3A_1809], %swap3A_1812 {strides = array<i32>} : memref<32x512xf32, #tpu.memory_space<vmem>>, vector<1x16xf32>,
    %swap3A_1813 = arith.constant 16 : i32
    %swap3A_1814 = arith.index_cast %swap3A_1813 : i32 to index
    %swap3A_1815 = arith.constant 400 : index
    %swap3A_1816 = tpu.vector_load %arg5[%swap3A_1814, %swap3A_1815] {strides = array<i32>} : memref<32x512xf32, #tpu.memory_space<vmem>>, vector<1x16xf32>,
    %swap3A_1817 = vector.shape_cast %swap3A_1816 : vector<1x16xf32> to vector<16xf32>
    %swap3A_1818 = vector.shape_cast %get3A_1722 : vector<16xf32> to vector<1x16xf32>
    tpu.vector_store %arg5[%swap3A_1814, %swap3A_1815], %swap3A_1818 {strides = array<i32>} : memref<32x512xf32, #tpu.memory_space<vmem>>, vector<1x16xf32>,
    %swap3A_1819 = arith.constant 17 : i32
    %swap3A_1820 = arith.index_cast %swap3A_1819 : i32 to index
    %swap3A_1821 = arith.constant 400 : index
    %swap3A_1822 = tpu.vector_load %arg5[%swap3A_1820, %swap3A_1821] {strides = array<i32>} : memref<32x512xf32, #tpu.memory_space<vmem>>, vector<1x16xf32>,
    %swap3A_1823 = vector.shape_cast %swap3A_1822 : vector<1x16xf32> to vector<16xf32>
    %swap3A_1824 = vector.shape_cast %get3A_1722 : vector<16xf32> to vector<1x16xf32>
    tpu.vector_store %arg5[%swap3A_1820, %swap3A_1821], %swap3A_1824 {strides = array<i32>} : memref<32x512xf32, #tpu.memory_space<vmem>>, vector<1x16xf32>,
    %swap3A_1825 = arith.constant 18 : i32
    %swap3A_1826 = arith.index_cast %swap3A_1825 : i32 to index
    %swap3A_1827 = arith.constant 400 : index
    %swap3A_1828 = tpu.vector_load %arg5[%swap3A_1826, %swap3A_1827] {strides = array<i32>} : memref<32x512xf32, #tpu.memory_space<vmem>>, vector<1x16xf32>,
    %swap3A_1829 = vector.shape_cast %swap3A_1828 : vector<1x16xf32> to vector<16xf32>
    %swap3A_1830 = vector.shape_cast %get3A_1722 : vector<16xf32> to vector<1x16xf32>
    tpu.vector_store %arg5[%swap3A_1826, %swap3A_1827], %swap3A_1830 {strides = array<i32>} : memref<32x512xf32, #tpu.memory_space<vmem>>, vector<1x16xf32>,
    %swap3A_1831 = arith.constant 19 : i32
    %swap3A_1832 = arith.index_cast %swap3A_1831 : i32 to index
    %swap3A_1833 = arith.constant 400 : index
    %swap3A_1834 = tpu.vector_load %arg5[%swap3A_1832, %swap3A_1833] {strides = array<i32>} : memref<32x512xf32, #tpu.memory_space<vmem>>, vector<1x16xf32>,
    %swap3A_1835 = vector.shape_cast %swap3A_1834 : vector<1x16xf32> to vector<16xf32>
    %swap3A_1836 = vector.shape_cast %get3A_1722 : vector<16xf32> to vector<1x16xf32>
    tpu.vector_store %arg5[%swap3A_1832, %swap3A_1833], %swap3A_1836 {strides = array<i32>} : memref<32x512xf32, #tpu.memory_space<vmem>>, vector<1x16xf32>,
    %swap3A_1837 = arith.constant 20 : i32
    %swap3A_1838 = arith.index_cast %swap3A_1837 : i32 to index
    %swap3A_1839 = arith.constant 400 : index
    %swap3A_1840 = tpu.vector_load %arg5[%swap3A_1838, %swap3A_1839] {strides = array<i32>} : memref<32x512xf32, #tpu.memory_space<vmem>>, vector<1x16xf32>,
    %swap3A_1841 = vector.shape_cast %swap3A_1840 : vector<1x16xf32> to vector<16xf32>
    %swap3A_1842 = vector.shape_cast %get3A_1722 : vector<16xf32> to vector<1x16xf32>
    tpu.vector_store %arg5[%swap3A_1838, %swap3A_1839], %swap3A_1842 {strides = array<i32>} : memref<32x512xf32, #tpu.memory_space<vmem>>, vector<1x16xf32>,
    %swap3A_1843 = arith.constant 21 : i32
    %swap3A_1844 = arith.index_cast %swap3A_1843 : i32 to index
    %swap3A_1845 = arith.constant 400 : index
    %swap3A_1846 = tpu.vector_load %arg5[%swap3A_1844, %swap3A_1845] {strides = array<i32>} : memref<32x512xf32, #tpu.memory_space<vmem>>, vector<1x16xf32>,
    %swap3A_1847 = vector.shape_cast %swap3A_1846 : vector<1x16xf32> to vector<16xf32>
    %swap3A_1848 = vector.shape_cast %get3A_1722 : vector<16xf32> to vector<1x16xf32>
    tpu.vector_store %arg5[%swap3A_1844, %swap3A_1845], %swap3A_1848 {strides = array<i32>} : memref<32x512xf32, #tpu.memory_space<vmem>>, vector<1x16xf32>,
    %swap3A_1849 = arith.constant 22 : i32
    %swap3A_1850 = arith.index_cast %swap3A_1849 : i32 to index
    %swap3A_1851 = arith.constant 400 : index
    %swap3A_1852 = tpu.vector_load %arg5[%swap3A_1850, %swap3A_1851] {strides = array<i32>} : memref<32x512xf32, #tpu.memory_space<vmem>>, vector<1x16xf32>,
    %swap3A_1853 = vector.shape_cast %swap3A_1852 : vector<1x16xf32> to vector<16xf32>
    %swap3A_1854 = vector.shape_cast %get3A_1722 : vector<16xf32> to vector<1x16xf32>
    tpu.vector_store %arg5[%swap3A_1850, %swap3A_1851], %swap3A_1854 {strides = array<i32>} : memref<32x512xf32, #tpu.memory_space<vmem>>, vector<1x16xf32>,
    %swap3A_1855 = arith.constant 23 : i32
    %swap3A_1856 = arith.index_cast %swap3A_1855 : i32 to index
    %swap3A_1857 = arith.constant 400 : index
    %swap3A_1858 = tpu.vector_load %arg5[%swap3A_1856, %swap3A_1857] {strides = array<i32>} : memref<32x512xf32, #tpu.memory_space<vmem>>, vector<1x16xf32>,
    %swap3A_1859 = vector.shape_cast %swap3A_1858 : vector<1x16xf32> to vector<16xf32>
    %swap3A_1860 = vector.shape_cast %get3A_1722 : vector<16xf32> to vector<1x16xf32>
    tpu.vector_store %arg5[%swap3A_1856, %swap3A_1857], %swap3A_1860 {strides = array<i32>} : memref<32x512xf32, #tpu.memory_space<vmem>>, vector<1x16xf32>,
    %swap3A_1861 = arith.constant 24 : i32
    %swap3A_1862 = arith.index_cast %swap3A_1861 : i32 to index
    %swap3A_1863 = arith.constant 400 : index
    %swap3A_1864 = tpu.vector_load %arg5[%swap3A_1862, %swap3A_1863] {strides = array<i32>} : memref<32x512xf32, #tpu.memory_space<vmem>>, vector<1x16xf32>,
    %swap3A_1865 = vector.shape_cast %swap3A_1864 : vector<1x16xf32> to vector<16xf32>
    %swap3A_1866 = vector.shape_cast %get3A_1722 : vector<16xf32> to vector<1x16xf32>
    tpu.vector_store %arg5[%swap3A_1862, %swap3A_1863], %swap3A_1866 {strides = array<i32>} : memref<32x512xf32, #tpu.memory_space<vmem>>, vector<1x16xf32>,
    %swap3A_1867 = arith.constant 25 : i32
    %swap3A_1868 = arith.index_cast %swap3A_1867 : i32 to index
    %swap3A_1869 = arith.constant 400 : index
    %swap3A_1870 = tpu.vector_load %arg5[%swap3A_1868, %swap3A_1869] {strides = array<i32>} : memref<32x512xf32, #tpu.memory_space<vmem>>, vector<1x16xf32>,
    %swap3A_1871 = vector.shape_cast %swap3A_1870 : vector<1x16xf32> to vector<16xf32>
    %swap3A_1872 = vector.shape_cast %get3A_1722 : vector<16xf32> to vector<1x16xf32>
    tpu.vector_store %arg5[%swap3A_1868, %swap3A_1869], %swap3A_1872 {strides = array<i32>} : memref<32x512xf32, #tpu.memory_space<vmem>>, vector<1x16xf32>,
    %swap3A_1873 = arith.constant 26 : i32
    %swap3A_1874 = arith.index_cast %swap3A_1873 : i32 to index
    %swap3A_1875 = arith.constant 400 : index
    %swap3A_1876 = tpu.vector_load %arg5[%swap3A_1874, %swap3A_1875] {strides = array<i32>} : memref<32x512xf32, #tpu.memory_space<vmem>>, vector<1x16xf32>,
    %swap3A_1877 = vector.shape_cast %swap3A_1876 : vector<1x16xf32> to vector<16xf32>
    %swap3A_1878 = vector.shape_cast %get3A_1722 : vector<16xf32> to vector<1x16xf32>
    tpu.vector_store %arg5[%swap3A_1874, %swap3A_1875], %swap3A_1878 {strides = array<i32>} : memref<32x512xf32, #tpu.memory_space<vmem>>, vector<1x16xf32>,
    %swap3A_1879 = arith.constant 27 : i32
    %swap3A_1880 = arith.index_cast %swap3A_1879 : i32 to index
    %swap3A_1881 = arith.constant 400 : index
    %swap3A_1882 = tpu.vector_load %arg5[%swap3A_1880, %swap3A_1881] {strides = array<i32>} : memref<32x512xf32, #tpu.memory_space<vmem>>, vector<1x16xf32>,
    %swap3A_1883 = vector.shape_cast %swap3A_1882 : vector<1x16xf32> to vector<16xf32>
    %swap3A_1884 = vector.shape_cast %get3A_1722 : vector<16xf32> to vector<1x16xf32>
    tpu.vector_store %arg5[%swap3A_1880, %swap3A_1881], %swap3A_1884 {strides = array<i32>} : memref<32x512xf32, #tpu.memory_space<vmem>>, vector<1x16xf32>,
    %swap3A_1885 = arith.constant 28 : i32
    %swap3A_1886 = arith.index_cast %swap3A_1885 : i32 to index
    %swap3A_1887 = arith.constant 400 : index
    %swap3A_1888 = tpu.vector_load %arg5[%swap3A_1886, %swap3A_1887] {strides = array<i32>} : memref<32x512xf32, #tpu.memory_space<vmem>>, vector<1x16xf32>,
    %swap3A_1889 = vector.shape_cast %swap3A_1888 : vector<1x16xf32> to vector<16xf32>
    %swap3A_1890 = vector.shape_cast %get3A_1722 : vector<16xf32> to vector<1x16xf32>
    tpu.vector_store %arg5[%swap3A_1886, %swap3A_1887], %swap3A_1890 {strides = array<i32>} : memref<32x512xf32, #tpu.memory_space<vmem>>, vector<1x16xf32>,
    %swap3A_1891 = arith.constant 29 : i32
    %swap3A_1892 = arith.index_cast %swap3A_1891 : i32 to index
    %swap3A_1893 = arith.constant 400 : index
    %swap3A_1894 = tpu.vector_load %arg5[%swap3A_1892, %swap3A_1893] {strides = array<i32>} : memref<32x512xf32, #tpu.memory_space<vmem>>, vector<1x16xf32>,
    %swap3A_1895 = vector.shape_cast %swap3A_1894 : vector<1x16xf32> to vector<16xf32>
    %swap3A_1896 = vector.shape_cast %get3A_1722 : vector<16xf32> to vector<1x16xf32>
    tpu.vector_store %arg5[%swap3A_1892, %swap3A_1893], %swap3A_1896 {strides = array<i32>} : memref<32x512xf32, #tpu.memory_space<vmem>>, vector<1x16xf32>,
    %swap3A_1897 = arith.constant 30 : i32
    %swap3A_1898 = arith.index_cast %swap3A_1897 : i32 to index
    %swap3A_1899 = arith.constant 400 : index
    %swap3A_1900 = tpu.vector_load %arg5[%swap3A_1898, %swap3A_1899] {strides = array<i32>} : memref<32x512xf32, #tpu.memory_space<vmem>>, vector<1x16xf32>,
    %swap3A_1901 = vector.shape_cast %swap3A_1900 : vector<1x16xf32> to vector<16xf32>
    %swap3A_1902 = vector.shape_cast %get3A_1722 : vector<16xf32> to vector<1x16xf32>
    tpu.vector_store %arg5[%swap3A_1898, %swap3A_1899], %swap3A_1902 {strides = array<i32>} : memref<32x512xf32, #tpu.memory_space<vmem>>, vector<1x16xf32>,
    %swap3A_1903 = arith.constant 31 : i32
    %swap3A_1904 = arith.index_cast %swap3A_1903 : i32 to index
    %swap3A_1905 = arith.constant 400 : index
    %swap3A_1906 = tpu.vector_load %arg5[%swap3A_1904, %swap3A_1905] {strides = array<i32>} : memref<32x512xf32, #tpu.memory_space<vmem>>, vector<1x16xf32>,
    %swap3A_1907 = vector.shape_cast %swap3A_1906 : vector<1x16xf32> to vector<16xf32>
    %swap3A_1908 = vector.shape_cast %get3A_1722 : vector<16xf32> to vector<1x16xf32>
    tpu.vector_store %arg5[%swap3A_1904, %swap3A_1905], %swap3A_1908 {strides = array<i32>} : memref<32x512xf32, #tpu.memory_space<vmem>>, vector<1x16xf32>,
    %get3A_1909 = arith.constant 0 : i32
    %get3A_1910 = arith.index_cast %get3A_1909 : i32 to index
    %get3A_1911 = arith.constant 416 : index
    %get3A_1912 = tpu.vector_load %arg5[%get3A_1910, %get3A_1911] {strides = array<i32>} : memref<32x512xf32, #tpu.memory_space<vmem>>, vector<1x16xf32>,
    %get3A_1913 = vector.shape_cast %get3A_1912 : vector<1x16xf32> to vector<16xf32>
    %swap3A_1914 = arith.constant 1 : i32
    %swap3A_1915 = arith.index_cast %swap3A_1914 : i32 to index
    %swap3A_1916 = arith.constant 416 : index
    %swap3A_1917 = tpu.vector_load %arg5[%swap3A_1915, %swap3A_1916] {strides = array<i32>} : memref<32x512xf32, #tpu.memory_space<vmem>>, vector<1x16xf32>,
    %swap3A_1918 = vector.shape_cast %swap3A_1917 : vector<1x16xf32> to vector<16xf32>
    %swap3A_1919 = vector.shape_cast %get3A_1913 : vector<16xf32> to vector<1x16xf32>
    tpu.vector_store %arg5[%swap3A_1915, %swap3A_1916], %swap3A_1919 {strides = array<i32>} : memref<32x512xf32, #tpu.memory_space<vmem>>, vector<1x16xf32>,
    %swap3A_1920 = arith.constant 2 : i32
    %swap3A_1921 = arith.index_cast %swap3A_1920 : i32 to index
    %swap3A_1922 = arith.constant 416 : index
    %swap3A_1923 = tpu.vector_load %arg5[%swap3A_1921, %swap3A_1922] {strides = array<i32>} : memref<32x512xf32, #tpu.memory_space<vmem>>, vector<1x16xf32>,
    %swap3A_1924 = vector.shape_cast %swap3A_1923 : vector<1x16xf32> to vector<16xf32>
    %swap3A_1925 = vector.shape_cast %get3A_1913 : vector<16xf32> to vector<1x16xf32>
    tpu.vector_store %arg5[%swap3A_1921, %swap3A_1922], %swap3A_1925 {strides = array<i32>} : memref<32x512xf32, #tpu.memory_space<vmem>>, vector<1x16xf32>,
    %swap3A_1926 = arith.constant 3 : i32
    %swap3A_1927 = arith.index_cast %swap3A_1926 : i32 to index
    %swap3A_1928 = arith.constant 416 : index
    %swap3A_1929 = tpu.vector_load %arg5[%swap3A_1927, %swap3A_1928] {strides = array<i32>} : memref<32x512xf32, #tpu.memory_space<vmem>>, vector<1x16xf32>,
    %swap3A_1930 = vector.shape_cast %swap3A_1929 : vector<1x16xf32> to vector<16xf32>
    %swap3A_1931 = vector.shape_cast %get3A_1913 : vector<16xf32> to vector<1x16xf32>
    tpu.vector_store %arg5[%swap3A_1927, %swap3A_1928], %swap3A_1931 {strides = array<i32>} : memref<32x512xf32, #tpu.memory_space<vmem>>, vector<1x16xf32>,
    %swap3A_1932 = arith.constant 4 : i32
    %swap3A_1933 = arith.index_cast %swap3A_1932 : i32 to index
    %swap3A_1934 = arith.constant 416 : index
    %swap3A_1935 = tpu.vector_load %arg5[%swap3A_1933, %swap3A_1934] {strides = array<i32>} : memref<32x512xf32, #tpu.memory_space<vmem>>, vector<1x16xf32>,
    %swap3A_1936 = vector.shape_cast %swap3A_1935 : vector<1x16xf32> to vector<16xf32>
    %swap3A_1937 = vector.shape_cast %get3A_1913 : vector<16xf32> to vector<1x16xf32>
    tpu.vector_store %arg5[%swap3A_1933, %swap3A_1934], %swap3A_1937 {strides = array<i32>} : memref<32x512xf32, #tpu.memory_space<vmem>>, vector<1x16xf32>,
    %swap3A_1938 = arith.constant 5 : i32
    %swap3A_1939 = arith.index_cast %swap3A_1938 : i32 to index
    %swap3A_1940 = arith.constant 416 : index
    %swap3A_1941 = tpu.vector_load %arg5[%swap3A_1939, %swap3A_1940] {strides = array<i32>} : memref<32x512xf32, #tpu.memory_space<vmem>>, vector<1x16xf32>,
    %swap3A_1942 = vector.shape_cast %swap3A_1941 : vector<1x16xf32> to vector<16xf32>
    %swap3A_1943 = vector.shape_cast %get3A_1913 : vector<16xf32> to vector<1x16xf32>
    tpu.vector_store %arg5[%swap3A_1939, %swap3A_1940], %swap3A_1943 {strides = array<i32>} : memref<32x512xf32, #tpu.memory_space<vmem>>, vector<1x16xf32>,
    %swap3A_1944 = arith.constant 6 : i32
    %swap3A_1945 = arith.index_cast %swap3A_1944 : i32 to index
    %swap3A_1946 = arith.constant 416 : index
    %swap3A_1947 = tpu.vector_load %arg5[%swap3A_1945, %swap3A_1946] {strides = array<i32>} : memref<32x512xf32, #tpu.memory_space<vmem>>, vector<1x16xf32>,
    %swap3A_1948 = vector.shape_cast %swap3A_1947 : vector<1x16xf32> to vector<16xf32>
    %swap3A_1949 = vector.shape_cast %get3A_1913 : vector<16xf32> to vector<1x16xf32>
    tpu.vector_store %arg5[%swap3A_1945, %swap3A_1946], %swap3A_1949 {strides = array<i32>} : memref<32x512xf32, #tpu.memory_space<vmem>>, vector<1x16xf32>,
    %swap3A_1950 = arith.constant 7 : i32
    %swap3A_1951 = arith.index_cast %swap3A_1950 : i32 to index
    %swap3A_1952 = arith.constant 416 : index
    %swap3A_1953 = tpu.vector_load %arg5[%swap3A_1951, %swap3A_1952] {strides = array<i32>} : memref<32x512xf32, #tpu.memory_space<vmem>>, vector<1x16xf32>,
    %swap3A_1954 = vector.shape_cast %swap3A_1953 : vector<1x16xf32> to vector<16xf32>
    %swap3A_1955 = vector.shape_cast %get3A_1913 : vector<16xf32> to vector<1x16xf32>
    tpu.vector_store %arg5[%swap3A_1951, %swap3A_1952], %swap3A_1955 {strides = array<i32>} : memref<32x512xf32, #tpu.memory_space<vmem>>, vector<1x16xf32>,
    %swap3A_1956 = arith.constant 8 : i32
    %swap3A_1957 = arith.index_cast %swap3A_1956 : i32 to index
    %swap3A_1958 = arith.constant 416 : index
    %swap3A_1959 = tpu.vector_load %arg5[%swap3A_1957, %swap3A_1958] {strides = array<i32>} : memref<32x512xf32, #tpu.memory_space<vmem>>, vector<1x16xf32>,
    %swap3A_1960 = vector.shape_cast %swap3A_1959 : vector<1x16xf32> to vector<16xf32>
    %swap3A_1961 = vector.shape_cast %get3A_1913 : vector<16xf32> to vector<1x16xf32>
    tpu.vector_store %arg5[%swap3A_1957, %swap3A_1958], %swap3A_1961 {strides = array<i32>} : memref<32x512xf32, #tpu.memory_space<vmem>>, vector<1x16xf32>,
    %swap3A_1962 = arith.constant 9 : i32
    %swap3A_1963 = arith.index_cast %swap3A_1962 : i32 to index
    %swap3A_1964 = arith.constant 416 : index
    %swap3A_1965 = tpu.vector_load %arg5[%swap3A_1963, %swap3A_1964] {strides = array<i32>} : memref<32x512xf32, #tpu.memory_space<vmem>>, vector<1x16xf32>,
    %swap3A_1966 = vector.shape_cast %swap3A_1965 : vector<1x16xf32> to vector<16xf32>
    %swap3A_1967 = vector.shape_cast %get3A_1913 : vector<16xf32> to vector<1x16xf32>
    tpu.vector_store %arg5[%swap3A_1963, %swap3A_1964], %swap3A_1967 {strides = array<i32>} : memref<32x512xf32, #tpu.memory_space<vmem>>, vector<1x16xf32>,
    %swap3A_1968 = arith.constant 10 : i32
    %swap3A_1969 = arith.index_cast %swap3A_1968 : i32 to index
    %swap3A_1970 = arith.constant 416 : index
    %swap3A_1971 = tpu.vector_load %arg5[%swap3A_1969, %swap3A_1970] {strides = array<i32>} : memref<32x512xf32, #tpu.memory_space<vmem>>, vector<1x16xf32>,
    %swap3A_1972 = vector.shape_cast %swap3A_1971 : vector<1x16xf32> to vector<16xf32>
    %swap3A_1973 = vector.shape_cast %get3A_1913 : vector<16xf32> to vector<1x16xf32>
    tpu.vector_store %arg5[%swap3A_1969, %swap3A_1970], %swap3A_1973 {strides = array<i32>} : memref<32x512xf32, #tpu.memory_space<vmem>>, vector<1x16xf32>,
    %swap3A_1974 = arith.constant 11 : i32
    %swap3A_1975 = arith.index_cast %swap3A_1974 : i32 to index
    %swap3A_1976 = arith.constant 416 : index
    %swap3A_1977 = tpu.vector_load %arg5[%swap3A_1975, %swap3A_1976] {strides = array<i32>} : memref<32x512xf32, #tpu.memory_space<vmem>>, vector<1x16xf32>,
    %swap3A_1978 = vector.shape_cast %swap3A_1977 : vector<1x16xf32> to vector<16xf32>
    %swap3A_1979 = vector.shape_cast %get3A_1913 : vector<16xf32> to vector<1x16xf32>
    tpu.vector_store %arg5[%swap3A_1975, %swap3A_1976], %swap3A_1979 {strides = array<i32>} : memref<32x512xf32, #tpu.memory_space<vmem>>, vector<1x16xf32>,
    %swap3A_1980 = arith.constant 12 : i32
    %swap3A_1981 = arith.index_cast %swap3A_1980 : i32 to index
    %swap3A_1982 = arith.constant 416 : index
    %swap3A_1983 = tpu.vector_load %arg5[%swap3A_1981, %swap3A_1982] {strides = array<i32>} : memref<32x512xf32, #tpu.memory_space<vmem>>, vector<1x16xf32>,
    %swap3A_1984 = vector.shape_cast %swap3A_1983 : vector<1x16xf32> to vector<16xf32>
    %swap3A_1985 = vector.shape_cast %get3A_1913 : vector<16xf32> to vector<1x16xf32>
    tpu.vector_store %arg5[%swap3A_1981, %swap3A_1982], %swap3A_1985 {strides = array<i32>} : memref<32x512xf32, #tpu.memory_space<vmem>>, vector<1x16xf32>,
    %swap3A_1986 = arith.constant 13 : i32
    %swap3A_1987 = arith.index_cast %swap3A_1986 : i32 to index
    %swap3A_1988 = arith.constant 416 : index
    %swap3A_1989 = tpu.vector_load %arg5[%swap3A_1987, %swap3A_1988] {strides = array<i32>} : memref<32x512xf32, #tpu.memory_space<vmem>>, vector<1x16xf32>,
    %swap3A_1990 = vector.shape_cast %swap3A_1989 : vector<1x16xf32> to vector<16xf32>
    %swap3A_1991 = vector.shape_cast %get3A_1913 : vector<16xf32> to vector<1x16xf32>
    tpu.vector_store %arg5[%swap3A_1987, %swap3A_1988], %swap3A_1991 {strides = array<i32>} : memref<32x512xf32, #tpu.memory_space<vmem>>, vector<1x16xf32>,
    %swap3A_1992 = arith.constant 14 : i32
    %swap3A_1993 = arith.index_cast %swap3A_1992 : i32 to index
    %swap3A_1994 = arith.constant 416 : index
    %swap3A_1995 = tpu.vector_load %arg5[%swap3A_1993, %swap3A_1994] {strides = array<i32>} : memref<32x512xf32, #tpu.memory_space<vmem>>, vector<1x16xf32>,
    %swap3A_1996 = vector.shape_cast %swap3A_1995 : vector<1x16xf32> to vector<16xf32>
    %swap3A_1997 = vector.shape_cast %get3A_1913 : vector<16xf32> to vector<1x16xf32>
    tpu.vector_store %arg5[%swap3A_1993, %swap3A_1994], %swap3A_1997 {strides = array<i32>} : memref<32x512xf32, #tpu.memory_space<vmem>>, vector<1x16xf32>,
    %swap3A_1998 = arith.constant 15 : i32
    %swap3A_1999 = arith.index_cast %swap3A_1998 : i32 to index
    %swap3A_2000 = arith.constant 416 : index
    %swap3A_2001 = tpu.vector_load %arg5[%swap3A_1999, %swap3A_2000] {strides = array<i32>} : memref<32x512xf32, #tpu.memory_space<vmem>>, vector<1x16xf32>,
    %swap3A_2002 = vector.shape_cast %swap3A_2001 : vector<1x16xf32> to vector<16xf32>
    %swap3A_2003 = vector.shape_cast %get3A_1913 : vector<16xf32> to vector<1x16xf32>
    tpu.vector_store %arg5[%swap3A_1999, %swap3A_2000], %swap3A_2003 {strides = array<i32>} : memref<32x512xf32, #tpu.memory_space<vmem>>, vector<1x16xf32>,
    %swap3A_2004 = arith.constant 16 : i32
    %swap3A_2005 = arith.index_cast %swap3A_2004 : i32 to index
    %swap3A_2006 = arith.constant 416 : index
    %swap3A_2007 = tpu.vector_load %arg5[%swap3A_2005, %swap3A_2006] {strides = array<i32>} : memref<32x512xf32, #tpu.memory_space<vmem>>, vector<1x16xf32>,
    %swap3A_2008 = vector.shape_cast %swap3A_2007 : vector<1x16xf32> to vector<16xf32>
    %swap3A_2009 = vector.shape_cast %get3A_1913 : vector<16xf32> to vector<1x16xf32>
    tpu.vector_store %arg5[%swap3A_2005, %swap3A_2006], %swap3A_2009 {strides = array<i32>} : memref<32x512xf32, #tpu.memory_space<vmem>>, vector<1x16xf32>,
    %swap3A_2010 = arith.constant 17 : i32
    %swap3A_2011 = arith.index_cast %swap3A_2010 : i32 to index
    %swap3A_2012 = arith.constant 416 : index
    %swap3A_2013 = tpu.vector_load %arg5[%swap3A_2011, %swap3A_2012] {strides = array<i32>} : memref<32x512xf32, #tpu.memory_space<vmem>>, vector<1x16xf32>,
    %swap3A_2014 = vector.shape_cast %swap3A_2013 : vector<1x16xf32> to vector<16xf32>
    %swap3A_2015 = vector.shape_cast %get3A_1913 : vector<16xf32> to vector<1x16xf32>
    tpu.vector_store %arg5[%swap3A_2011, %swap3A_2012], %swap3A_2015 {strides = array<i32>} : memref<32x512xf32, #tpu.memory_space<vmem>>, vector<1x16xf32>,
    %swap3A_2016 = arith.constant 18 : i32
    %swap3A_2017 = arith.index_cast %swap3A_2016 : i32 to index
    %swap3A_2018 = arith.constant 416 : index
    %swap3A_2019 = tpu.vector_load %arg5[%swap3A_2017, %swap3A_2018] {strides = array<i32>} : memref<32x512xf32, #tpu.memory_space<vmem>>, vector<1x16xf32>,
    %swap3A_2020 = vector.shape_cast %swap3A_2019 : vector<1x16xf32> to vector<16xf32>
    %swap3A_2021 = vector.shape_cast %get3A_1913 : vector<16xf32> to vector<1x16xf32>
    tpu.vector_store %arg5[%swap3A_2017, %swap3A_2018], %swap3A_2021 {strides = array<i32>} : memref<32x512xf32, #tpu.memory_space<vmem>>, vector<1x16xf32>,
    %swap3A_2022 = arith.constant 19 : i32
    %swap3A_2023 = arith.index_cast %swap3A_2022 : i32 to index
    %swap3A_2024 = arith.constant 416 : index
    %swap3A_2025 = tpu.vector_load %arg5[%swap3A_2023, %swap3A_2024] {strides = array<i32>} : memref<32x512xf32, #tpu.memory_space<vmem>>, vector<1x16xf32>,
    %swap3A_2026 = vector.shape_cast %swap3A_2025 : vector<1x16xf32> to vector<16xf32>
    %swap3A_2027 = vector.shape_cast %get3A_1913 : vector<16xf32> to vector<1x16xf32>
    tpu.vector_store %arg5[%swap3A_2023, %swap3A_2024], %swap3A_2027 {strides = array<i32>} : memref<32x512xf32, #tpu.memory_space<vmem>>, vector<1x16xf32>,
    %swap3A_2028 = arith.constant 20 : i32
    %swap3A_2029 = arith.index_cast %swap3A_2028 : i32 to index
    %swap3A_2030 = arith.constant 416 : index
    %swap3A_2031 = tpu.vector_load %arg5[%swap3A_2029, %swap3A_2030] {strides = array<i32>} : memref<32x512xf32, #tpu.memory_space<vmem>>, vector<1x16xf32>,
    %swap3A_2032 = vector.shape_cast %swap3A_2031 : vector<1x16xf32> to vector<16xf32>
    %swap3A_2033 = vector.shape_cast %get3A_1913 : vector<16xf32> to vector<1x16xf32>
    tpu.vector_store %arg5[%swap3A_2029, %swap3A_2030], %swap3A_2033 {strides = array<i32>} : memref<32x512xf32, #tpu.memory_space<vmem>>, vector<1x16xf32>,
    %swap3A_2034 = arith.constant 21 : i32
    %swap3A_2035 = arith.index_cast %swap3A_2034 : i32 to index
    %swap3A_2036 = arith.constant 416 : index
    %swap3A_2037 = tpu.vector_load %arg5[%swap3A_2035, %swap3A_2036] {strides = array<i32>} : memref<32x512xf32, #tpu.memory_space<vmem>>, vector<1x16xf32>,
    %swap3A_2038 = vector.shape_cast %swap3A_2037 : vector<1x16xf32> to vector<16xf32>
    %swap3A_2039 = vector.shape_cast %get3A_1913 : vector<16xf32> to vector<1x16xf32>
    tpu.vector_store %arg5[%swap3A_2035, %swap3A_2036], %swap3A_2039 {strides = array<i32>} : memref<32x512xf32, #tpu.memory_space<vmem>>, vector<1x16xf32>,
    %swap3A_2040 = arith.constant 22 : i32
    %swap3A_2041 = arith.index_cast %swap3A_2040 : i32 to index
    %swap3A_2042 = arith.constant 416 : index
    %swap3A_2043 = tpu.vector_load %arg5[%swap3A_2041, %swap3A_2042] {strides = array<i32>} : memref<32x512xf32, #tpu.memory_space<vmem>>, vector<1x16xf32>,
    %swap3A_2044 = vector.shape_cast %swap3A_2043 : vector<1x16xf32> to vector<16xf32>
    %swap3A_2045 = vector.shape_cast %get3A_1913 : vector<16xf32> to vector<1x16xf32>
    tpu.vector_store %arg5[%swap3A_2041, %swap3A_2042], %swap3A_2045 {strides = array<i32>} : memref<32x512xf32, #tpu.memory_space<vmem>>, vector<1x16xf32>,
    %swap3A_2046 = arith.constant 23 : i32
    %swap3A_2047 = arith.index_cast %swap3A_2046 : i32 to index
    %swap3A_2048 = arith.constant 416 : index
    %swap3A_2049 = tpu.vector_load %arg5[%swap3A_2047, %swap3A_2048] {strides = array<i32>} : memref<32x512xf32, #tpu.memory_space<vmem>>, vector<1x16xf32>,
    %swap3A_2050 = vector.shape_cast %swap3A_2049 : vector<1x16xf32> to vector<16xf32>
    %swap3A_2051 = vector.shape_cast %get3A_1913 : vector<16xf32> to vector<1x16xf32>
    tpu.vector_store %arg5[%swap3A_2047, %swap3A_2048], %swap3A_2051 {strides = array<i32>} : memref<32x512xf32, #tpu.memory_space<vmem>>, vector<1x16xf32>,
    %swap3A_2052 = arith.constant 24 : i32
    %swap3A_2053 = arith.index_cast %swap3A_2052 : i32 to index
    %swap3A_2054 = arith.constant 416 : index
    %swap3A_2055 = tpu.vector_load %arg5[%swap3A_2053, %swap3A_2054] {strides = array<i32>} : memref<32x512xf32, #tpu.memory_space<vmem>>, vector<1x16xf32>,
    %swap3A_2056 = vector.shape_cast %swap3A_2055 : vector<1x16xf32> to vector<16xf32>
    %swap3A_2057 = vector.shape_cast %get3A_1913 : vector<16xf32> to vector<1x16xf32>
    tpu.vector_store %arg5[%swap3A_2053, %swap3A_2054], %swap3A_2057 {strides = array<i32>} : memref<32x512xf32, #tpu.memory_space<vmem>>, vector<1x16xf32>,
    %swap3A_2058 = arith.constant 25 : i32
    %swap3A_2059 = arith.index_cast %swap3A_2058 : i32 to index
    %swap3A_2060 = arith.constant 416 : index
    %swap3A_2061 = tpu.vector_load %arg5[%swap3A_2059, %swap3A_2060] {strides = array<i32>} : memref<32x512xf32, #tpu.memory_space<vmem>>, vector<1x16xf32>,
    %swap3A_2062 = vector.shape_cast %swap3A_2061 : vector<1x16xf32> to vector<16xf32>
    %swap3A_2063 = vector.shape_cast %get3A_1913 : vector<16xf32> to vector<1x16xf32>
    tpu.vector_store %arg5[%swap3A_2059, %swap3A_2060], %swap3A_2063 {strides = array<i32>} : memref<32x512xf32, #tpu.memory_space<vmem>>, vector<1x16xf32>,
    %swap3A_2064 = arith.constant 26 : i32
    %swap3A_2065 = arith.index_cast %swap3A_2064 : i32 to index
    %swap3A_2066 = arith.constant 416 : index
    %swap3A_2067 = tpu.vector_load %arg5[%swap3A_2065, %swap3A_2066] {strides = array<i32>} : memref<32x512xf32, #tpu.memory_space<vmem>>, vector<1x16xf32>,
    %swap3A_2068 = vector.shape_cast %swap3A_2067 : vector<1x16xf32> to vector<16xf32>
    %swap3A_2069 = vector.shape_cast %get3A_1913 : vector<16xf32> to vector<1x16xf32>
    tpu.vector_store %arg5[%swap3A_2065, %swap3A_2066], %swap3A_2069 {strides = array<i32>} : memref<32x512xf32, #tpu.memory_space<vmem>>, vector<1x16xf32>,
    %swap3A_2070 = arith.constant 27 : i32
    %swap3A_2071 = arith.index_cast %swap3A_2070 : i32 to index
    %swap3A_2072 = arith.constant 416 : index
    %swap3A_2073 = tpu.vector_load %arg5[%swap3A_2071, %swap3A_2072] {strides = array<i32>} : memref<32x512xf32, #tpu.memory_space<vmem>>, vector<1x16xf32>,
    %swap3A_2074 = vector.shape_cast %swap3A_2073 : vector<1x16xf32> to vector<16xf32>
    %swap3A_2075 = vector.shape_cast %get3A_1913 : vector<16xf32> to vector<1x16xf32>
    tpu.vector_store %arg5[%swap3A_2071, %swap3A_2072], %swap3A_2075 {strides = array<i32>} : memref<32x512xf32, #tpu.memory_space<vmem>>, vector<1x16xf32>,
    %swap3A_2076 = arith.constant 28 : i32
    %swap3A_2077 = arith.index_cast %swap3A_2076 : i32 to index
    %swap3A_2078 = arith.constant 416 : index
    %swap3A_2079 = tpu.vector_load %arg5[%swap3A_2077, %swap3A_2078] {strides = array<i32>} : memref<32x512xf32, #tpu.memory_space<vmem>>, vector<1x16xf32>,
    %swap3A_2080 = vector.shape_cast %swap3A_2079 : vector<1x16xf32> to vector<16xf32>
    %swap3A_2081 = vector.shape_cast %get3A_1913 : vector<16xf32> to vector<1x16xf32>
    tpu.vector_store %arg5[%swap3A_2077, %swap3A_2078], %swap3A_2081 {strides = array<i32>} : memref<32x512xf32, #tpu.memory_space<vmem>>, vector<1x16xf32>,
    %swap3A_2082 = arith.constant 29 : i32
    %swap3A_2083 = arith.index_cast %swap3A_2082 : i32 to index
    %swap3A_2084 = arith.constant 416 : index
    %swap3A_2085 = tpu.vector_load %arg5[%swap3A_2083, %swap3A_2084] {strides = array<i32>} : memref<32x512xf32, #tpu.memory_space<vmem>>, vector<1x16xf32>,
    %swap3A_2086 = vector.shape_cast %swap3A_2085 : vector<1x16xf32> to vector<16xf32>
    %swap3A_2087 = vector.shape_cast %get3A_1913 : vector<16xf32> to vector<1x16xf32>
    tpu.vector_store %arg5[%swap3A_2083, %swap3A_2084], %swap3A_2087 {strides = array<i32>} : memref<32x512xf32, #tpu.memory_space<vmem>>, vector<1x16xf32>,
    %swap3A_2088 = arith.constant 30 : i32
    %swap3A_2089 = arith.index_cast %swap3A_2088 : i32 to index
    %swap3A_2090 = arith.constant 416 : index
    %swap3A_2091 = tpu.vector_load %arg5[%swap3A_2089, %swap3A_2090] {strides = array<i32>} : memref<32x512xf32, #tpu.memory_space<vmem>>, vector<1x16xf32>,
    %swap3A_2092 = vector.shape_cast %swap3A_2091 : vector<1x16xf32> to vector<16xf32>
    %swap3A_2093 = vector.shape_cast %get3A_1913 : vector<16xf32> to vector<1x16xf32>
    tpu.vector_store %arg5[%swap3A_2089, %swap3A_2090], %swap3A_2093 {strides = array<i32>} : memref<32x512xf32, #tpu.memory_space<vmem>>, vector<1x16xf32>,
    %swap3A_2094 = arith.constant 31 : i32
    %swap3A_2095 = arith.index_cast %swap3A_2094 : i32 to index
    %swap3A_2096 = arith.constant 416 : index
    %swap3A_2097 = tpu.vector_load %arg5[%swap3A_2095, %swap3A_2096] {strides = array<i32>} : memref<32x512xf32, #tpu.memory_space<vmem>>, vector<1x16xf32>,
    %swap3A_2098 = vector.shape_cast %swap3A_2097 : vector<1x16xf32> to vector<16xf32>
    %swap3A_2099 = vector.shape_cast %get3A_1913 : vector<16xf32> to vector<1x16xf32>
    tpu.vector_store %arg5[%swap3A_2095, %swap3A_2096], %swap3A_2099 {strides = array<i32>} : memref<32x512xf32, #tpu.memory_space<vmem>>, vector<1x16xf32>,
    %get3A_2100 = arith.constant 0 : i32
    %get3A_2101 = arith.index_cast %get3A_2100 : i32 to index
    %get3A_2102 = arith.constant 432 : index
    %get3A_2103 = tpu.vector_load %arg5[%get3A_2101, %get3A_2102] {strides = array<i32>} : memref<32x512xf32, #tpu.memory_space<vmem>>, vector<1x16xf32>,
    %get3A_2104 = vector.shape_cast %get3A_2103 : vector<1x16xf32> to vector<16xf32>
    %swap3A_2105 = arith.constant 1 : i32
    %swap3A_2106 = arith.index_cast %swap3A_2105 : i32 to index
    %swap3A_2107 = arith.constant 432 : index
    %swap3A_2108 = tpu.vector_load %arg5[%swap3A_2106, %swap3A_2107] {strides = array<i32>} : memref<32x512xf32, #tpu.memory_space<vmem>>, vector<1x16xf32>,
    %swap3A_2109 = vector.shape_cast %swap3A_2108 : vector<1x16xf32> to vector<16xf32>
    %swap3A_2110 = vector.shape_cast %get3A_2104 : vector<16xf32> to vector<1x16xf32>
    tpu.vector_store %arg5[%swap3A_2106, %swap3A_2107], %swap3A_2110 {strides = array<i32>} : memref<32x512xf32, #tpu.memory_space<vmem>>, vector<1x16xf32>,
    %swap3A_2111 = arith.constant 2 : i32
    %swap3A_2112 = arith.index_cast %swap3A_2111 : i32 to index
    %swap3A_2113 = arith.constant 432 : index
    %swap3A_2114 = tpu.vector_load %arg5[%swap3A_2112, %swap3A_2113] {strides = array<i32>} : memref<32x512xf32, #tpu.memory_space<vmem>>, vector<1x16xf32>,
    %swap3A_2115 = vector.shape_cast %swap3A_2114 : vector<1x16xf32> to vector<16xf32>
    %swap3A_2116 = vector.shape_cast %get3A_2104 : vector<16xf32> to vector<1x16xf32>
    tpu.vector_store %arg5[%swap3A_2112, %swap3A_2113], %swap3A_2116 {strides = array<i32>} : memref<32x512xf32, #tpu.memory_space<vmem>>, vector<1x16xf32>,
    %swap3A_2117 = arith.constant 3 : i32
    %swap3A_2118 = arith.index_cast %swap3A_2117 : i32 to index
    %swap3A_2119 = arith.constant 432 : index
    %swap3A_2120 = tpu.vector_load %arg5[%swap3A_2118, %swap3A_2119] {strides = array<i32>} : memref<32x512xf32, #tpu.memory_space<vmem>>, vector<1x16xf32>,
    %swap3A_2121 = vector.shape_cast %swap3A_2120 : vector<1x16xf32> to vector<16xf32>
    %swap3A_2122 = vector.shape_cast %get3A_2104 : vector<16xf32> to vector<1x16xf32>
    tpu.vector_store %arg5[%swap3A_2118, %swap3A_2119], %swap3A_2122 {strides = array<i32>} : memref<32x512xf32, #tpu.memory_space<vmem>>, vector<1x16xf32>,
    %swap3A_2123 = arith.constant 4 : i32
    %swap3A_2124 = arith.index_cast %swap3A_2123 : i32 to index
    %swap3A_2125 = arith.constant 432 : index
    %swap3A_2126 = tpu.vector_load %arg5[%swap3A_2124, %swap3A_2125] {strides = array<i32>} : memref<32x512xf32, #tpu.memory_space<vmem>>, vector<1x16xf32>,
    %swap3A_2127 = vector.shape_cast %swap3A_2126 : vector<1x16xf32> to vector<16xf32>
    %swap3A_2128 = vector.shape_cast %get3A_2104 : vector<16xf32> to vector<1x16xf32>
    tpu.vector_store %arg5[%swap3A_2124, %swap3A_2125], %swap3A_2128 {strides = array<i32>} : memref<32x512xf32, #tpu.memory_space<vmem>>, vector<1x16xf32>,
    %swap3A_2129 = arith.constant 5 : i32
    %swap3A_2130 = arith.index_cast %swap3A_2129 : i32 to index
    %swap3A_2131 = arith.constant 432 : index
    %swap3A_2132 = tpu.vector_load %arg5[%swap3A_2130, %swap3A_2131] {strides = array<i32>} : memref<32x512xf32, #tpu.memory_space<vmem>>, vector<1x16xf32>,
    %swap3A_2133 = vector.shape_cast %swap3A_2132 : vector<1x16xf32> to vector<16xf32>
    %swap3A_2134 = vector.shape_cast %get3A_2104 : vector<16xf32> to vector<1x16xf32>
    tpu.vector_store %arg5[%swap3A_2130, %swap3A_2131], %swap3A_2134 {strides = array<i32>} : memref<32x512xf32, #tpu.memory_space<vmem>>, vector<1x16xf32>,
    %swap3A_2135 = arith.constant 6 : i32
    %swap3A_2136 = arith.index_cast %swap3A_2135 : i32 to index
    %swap3A_2137 = arith.constant 432 : index
    %swap3A_2138 = tpu.vector_load %arg5[%swap3A_2136, %swap3A_2137] {strides = array<i32>} : memref<32x512xf32, #tpu.memory_space<vmem>>, vector<1x16xf32>,
    %swap3A_2139 = vector.shape_cast %swap3A_2138 : vector<1x16xf32> to vector<16xf32>
    %swap3A_2140 = vector.shape_cast %get3A_2104 : vector<16xf32> to vector<1x16xf32>
    tpu.vector_store %arg5[%swap3A_2136, %swap3A_2137], %swap3A_2140 {strides = array<i32>} : memref<32x512xf32, #tpu.memory_space<vmem>>, vector<1x16xf32>,
    %swap3A_2141 = arith.constant 7 : i32
    %swap3A_2142 = arith.index_cast %swap3A_2141 : i32 to index
    %swap3A_2143 = arith.constant 432 : index
    %swap3A_2144 = tpu.vector_load %arg5[%swap3A_2142, %swap3A_2143] {strides = array<i32>} : memref<32x512xf32, #tpu.memory_space<vmem>>, vector<1x16xf32>,
    %swap3A_2145 = vector.shape_cast %swap3A_2144 : vector<1x16xf32> to vector<16xf32>
    %swap3A_2146 = vector.shape_cast %get3A_2104 : vector<16xf32> to vector<1x16xf32>
    tpu.vector_store %arg5[%swap3A_2142, %swap3A_2143], %swap3A_2146 {strides = array<i32>} : memref<32x512xf32, #tpu.memory_space<vmem>>, vector<1x16xf32>,
    %swap3A_2147 = arith.constant 8 : i32
    %swap3A_2148 = arith.index_cast %swap3A_2147 : i32 to index
    %swap3A_2149 = arith.constant 432 : index
    %swap3A_2150 = tpu.vector_load %arg5[%swap3A_2148, %swap3A_2149] {strides = array<i32>} : memref<32x512xf32, #tpu.memory_space<vmem>>, vector<1x16xf32>,
    %swap3A_2151 = vector.shape_cast %swap3A_2150 : vector<1x16xf32> to vector<16xf32>
    %swap3A_2152 = vector.shape_cast %get3A_2104 : vector<16xf32> to vector<1x16xf32>
    tpu.vector_store %arg5[%swap3A_2148, %swap3A_2149], %swap3A_2152 {strides = array<i32>} : memref<32x512xf32, #tpu.memory_space<vmem>>, vector<1x16xf32>,
    %swap3A_2153 = arith.constant 9 : i32
    %swap3A_2154 = arith.index_cast %swap3A_2153 : i32 to index
    %swap3A_2155 = arith.constant 432 : index
    %swap3A_2156 = tpu.vector_load %arg5[%swap3A_2154, %swap3A_2155] {strides = array<i32>} : memref<32x512xf32, #tpu.memory_space<vmem>>, vector<1x16xf32>,
    %swap3A_2157 = vector.shape_cast %swap3A_2156 : vector<1x16xf32> to vector<16xf32>
    %swap3A_2158 = vector.shape_cast %get3A_2104 : vector<16xf32> to vector<1x16xf32>
    tpu.vector_store %arg5[%swap3A_2154, %swap3A_2155], %swap3A_2158 {strides = array<i32>} : memref<32x512xf32, #tpu.memory_space<vmem>>, vector<1x16xf32>,
    %swap3A_2159 = arith.constant 10 : i32
    %swap3A_2160 = arith.index_cast %swap3A_2159 : i32 to index
    %swap3A_2161 = arith.constant 432 : index
    %swap3A_2162 = tpu.vector_load %arg5[%swap3A_2160, %swap3A_2161] {strides = array<i32>} : memref<32x512xf32, #tpu.memory_space<vmem>>, vector<1x16xf32>,
    %swap3A_2163 = vector.shape_cast %swap3A_2162 : vector<1x16xf32> to vector<16xf32>
    %swap3A_2164 = vector.shape_cast %get3A_2104 : vector<16xf32> to vector<1x16xf32>
    tpu.vector_store %arg5[%swap3A_2160, %swap3A_2161], %swap3A_2164 {strides = array<i32>} : memref<32x512xf32, #tpu.memory_space<vmem>>, vector<1x16xf32>,
    %swap3A_2165 = arith.constant 11 : i32
    %swap3A_2166 = arith.index_cast %swap3A_2165 : i32 to index
    %swap3A_2167 = arith.constant 432 : index
    %swap3A_2168 = tpu.vector_load %arg5[%swap3A_2166, %swap3A_2167] {strides = array<i32>} : memref<32x512xf32, #tpu.memory_space<vmem>>, vector<1x16xf32>,
    %swap3A_2169 = vector.shape_cast %swap3A_2168 : vector<1x16xf32> to vector<16xf32>
    %swap3A_2170 = vector.shape_cast %get3A_2104 : vector<16xf32> to vector<1x16xf32>
    tpu.vector_store %arg5[%swap3A_2166, %swap3A_2167], %swap3A_2170 {strides = array<i32>} : memref<32x512xf32, #tpu.memory_space<vmem>>, vector<1x16xf32>,
    %swap3A_2171 = arith.constant 12 : i32
    %swap3A_2172 = arith.index_cast %swap3A_2171 : i32 to index
    %swap3A_2173 = arith.constant 432 : index
    %swap3A_2174 = tpu.vector_load %arg5[%swap3A_2172, %swap3A_2173] {strides = array<i32>} : memref<32x512xf32, #tpu.memory_space<vmem>>, vector<1x16xf32>,
    %swap3A_2175 = vector.shape_cast %swap3A_2174 : vector<1x16xf32> to vector<16xf32>
    %swap3A_2176 = vector.shape_cast %get3A_2104 : vector<16xf32> to vector<1x16xf32>
    tpu.vector_store %arg5[%swap3A_2172, %swap3A_2173], %swap3A_2176 {strides = array<i32>} : memref<32x512xf32, #tpu.memory_space<vmem>>, vector<1x16xf32>,
    %swap3A_2177 = arith.constant 13 : i32
    %swap3A_2178 = arith.index_cast %swap3A_2177 : i32 to index
    %swap3A_2179 = arith.constant 432 : index
    %swap3A_2180 = tpu.vector_load %arg5[%swap3A_2178, %swap3A_2179] {strides = array<i32>} : memref<32x512xf32, #tpu.memory_space<vmem>>, vector<1x16xf32>,
    %swap3A_2181 = vector.shape_cast %swap3A_2180 : vector<1x16xf32> to vector<16xf32>
    %swap3A_2182 = vector.shape_cast %get3A_2104 : vector<16xf32> to vector<1x16xf32>
    tpu.vector_store %arg5[%swap3A_2178, %swap3A_2179], %swap3A_2182 {strides = array<i32>} : memref<32x512xf32, #tpu.memory_space<vmem>>, vector<1x16xf32>,
    %swap3A_2183 = arith.constant 14 : i32
    %swap3A_2184 = arith.index_cast %swap3A_2183 : i32 to index
    %swap3A_2185 = arith.constant 432 : index
    %swap3A_2186 = tpu.vector_load %arg5[%swap3A_2184, %swap3A_2185] {strides = array<i32>} : memref<32x512xf32, #tpu.memory_space<vmem>>, vector<1x16xf32>,
    %swap3A_2187 = vector.shape_cast %swap3A_2186 : vector<1x16xf32> to vector<16xf32>
    %swap3A_2188 = vector.shape_cast %get3A_2104 : vector<16xf32> to vector<1x16xf32>
    tpu.vector_store %arg5[%swap3A_2184, %swap3A_2185], %swap3A_2188 {strides = array<i32>} : memref<32x512xf32, #tpu.memory_space<vmem>>, vector<1x16xf32>,
    %swap3A_2189 = arith.constant 15 : i32
    %swap3A_2190 = arith.index_cast %swap3A_2189 : i32 to index
    %swap3A_2191 = arith.constant 432 : index
    %swap3A_2192 = tpu.vector_load %arg5[%swap3A_2190, %swap3A_2191] {strides = array<i32>} : memref<32x512xf32, #tpu.memory_space<vmem>>, vector<1x16xf32>,
    %swap3A_2193 = vector.shape_cast %swap3A_2192 : vector<1x16xf32> to vector<16xf32>
    %swap3A_2194 = vector.shape_cast %get3A_2104 : vector<16xf32> to vector<1x16xf32>
    tpu.vector_store %arg5[%swap3A_2190, %swap3A_2191], %swap3A_2194 {strides = array<i32>} : memref<32x512xf32, #tpu.memory_space<vmem>>, vector<1x16xf32>,
    %swap3A_2195 = arith.constant 16 : i32
    %swap3A_2196 = arith.index_cast %swap3A_2195 : i32 to index
    %swap3A_2197 = arith.constant 432 : index
    %swap3A_2198 = tpu.vector_load %arg5[%swap3A_2196, %swap3A_2197] {strides = array<i32>} : memref<32x512xf32, #tpu.memory_space<vmem>>, vector<1x16xf32>,
    %swap3A_2199 = vector.shape_cast %swap3A_2198 : vector<1x16xf32> to vector<16xf32>
    %swap3A_2200 = vector.shape_cast %get3A_2104 : vector<16xf32> to vector<1x16xf32>
    tpu.vector_store %arg5[%swap3A_2196, %swap3A_2197], %swap3A_2200 {strides = array<i32>} : memref<32x512xf32, #tpu.memory_space<vmem>>, vector<1x16xf32>,
    %swap3A_2201 = arith.constant 17 : i32
    %swap3A_2202 = arith.index_cast %swap3A_2201 : i32 to index
    %swap3A_2203 = arith.constant 432 : index
    %swap3A_2204 = tpu.vector_load %arg5[%swap3A_2202, %swap3A_2203] {strides = array<i32>} : memref<32x512xf32, #tpu.memory_space<vmem>>, vector<1x16xf32>,
    %swap3A_2205 = vector.shape_cast %swap3A_2204 : vector<1x16xf32> to vector<16xf32>
    %swap3A_2206 = vector.shape_cast %get3A_2104 : vector<16xf32> to vector<1x16xf32>
    tpu.vector_store %arg5[%swap3A_2202, %swap3A_2203], %swap3A_2206 {strides = array<i32>} : memref<32x512xf32, #tpu.memory_space<vmem>>, vector<1x16xf32>,
    %swap3A_2207 = arith.constant 18 : i32
    %swap3A_2208 = arith.index_cast %swap3A_2207 : i32 to index
    %swap3A_2209 = arith.constant 432 : index
    %swap3A_2210 = tpu.vector_load %arg5[%swap3A_2208, %swap3A_2209] {strides = array<i32>} : memref<32x512xf32, #tpu.memory_space<vmem>>, vector<1x16xf32>,
    %swap3A_2211 = vector.shape_cast %swap3A_2210 : vector<1x16xf32> to vector<16xf32>
    %swap3A_2212 = vector.shape_cast %get3A_2104 : vector<16xf32> to vector<1x16xf32>
    tpu.vector_store %arg5[%swap3A_2208, %swap3A_2209], %swap3A_2212 {strides = array<i32>} : memref<32x512xf32, #tpu.memory_space<vmem>>, vector<1x16xf32>,
    %swap3A_2213 = arith.constant 19 : i32
    %swap3A_2214 = arith.index_cast %swap3A_2213 : i32 to index
    %swap3A_2215 = arith.constant 432 : index
    %swap3A_2216 = tpu.vector_load %arg5[%swap3A_2214, %swap3A_2215] {strides = array<i32>} : memref<32x512xf32, #tpu.memory_space<vmem>>, vector<1x16xf32>,
    %swap3A_2217 = vector.shape_cast %swap3A_2216 : vector<1x16xf32> to vector<16xf32>
    %swap3A_2218 = vector.shape_cast %get3A_2104 : vector<16xf32> to vector<1x16xf32>
    tpu.vector_store %arg5[%swap3A_2214, %swap3A_2215], %swap3A_2218 {strides = array<i32>} : memref<32x512xf32, #tpu.memory_space<vmem>>, vector<1x16xf32>,
    %swap3A_2219 = arith.constant 20 : i32
    %swap3A_2220 = arith.index_cast %swap3A_2219 : i32 to index
    %swap3A_2221 = arith.constant 432 : index
    %swap3A_2222 = tpu.vector_load %arg5[%swap3A_2220, %swap3A_2221] {strides = array<i32>} : memref<32x512xf32, #tpu.memory_space<vmem>>, vector<1x16xf32>,
    %swap3A_2223 = vector.shape_cast %swap3A_2222 : vector<1x16xf32> to vector<16xf32>
    %swap3A_2224 = vector.shape_cast %get3A_2104 : vector<16xf32> to vector<1x16xf32>
    tpu.vector_store %arg5[%swap3A_2220, %swap3A_2221], %swap3A_2224 {strides = array<i32>} : memref<32x512xf32, #tpu.memory_space<vmem>>, vector<1x16xf32>,
    %swap3A_2225 = arith.constant 21 : i32
    %swap3A_2226 = arith.index_cast %swap3A_2225 : i32 to index
    %swap3A_2227 = arith.constant 432 : index
    %swap3A_2228 = tpu.vector_load %arg5[%swap3A_2226, %swap3A_2227] {strides = array<i32>} : memref<32x512xf32, #tpu.memory_space<vmem>>, vector<1x16xf32>,
    %swap3A_2229 = vector.shape_cast %swap3A_2228 : vector<1x16xf32> to vector<16xf32>
    %swap3A_2230 = vector.shape_cast %get3A_2104 : vector<16xf32> to vector<1x16xf32>
    tpu.vector_store %arg5[%swap3A_2226, %swap3A_2227], %swap3A_2230 {strides = array<i32>} : memref<32x512xf32, #tpu.memory_space<vmem>>, vector<1x16xf32>,
    %swap3A_2231 = arith.constant 22 : i32
    %swap3A_2232 = arith.index_cast %swap3A_2231 : i32 to index
    %swap3A_2233 = arith.constant 432 : index
    %swap3A_2234 = tpu.vector_load %arg5[%swap3A_2232, %swap3A_2233] {strides = array<i32>} : memref<32x512xf32, #tpu.memory_space<vmem>>, vector<1x16xf32>,
    %swap3A_2235 = vector.shape_cast %swap3A_2234 : vector<1x16xf32> to vector<16xf32>
    %swap3A_2236 = vector.shape_cast %get3A_2104 : vector<16xf32> to vector<1x16xf32>
    tpu.vector_store %arg5[%swap3A_2232, %swap3A_2233], %swap3A_2236 {strides = array<i32>} : memref<32x512xf32, #tpu.memory_space<vmem>>, vector<1x16xf32>,
    %swap3A_2237 = arith.constant 23 : i32
    %swap3A_2238 = arith.index_cast %swap3A_2237 : i32 to index
    %swap3A_2239 = arith.constant 432 : index
    %swap3A_2240 = tpu.vector_load %arg5[%swap3A_2238, %swap3A_2239] {strides = array<i32>} : memref<32x512xf32, #tpu.memory_space<vmem>>, vector<1x16xf32>,
    %swap3A_2241 = vector.shape_cast %swap3A_2240 : vector<1x16xf32> to vector<16xf32>
    %swap3A_2242 = vector.shape_cast %get3A_2104 : vector<16xf32> to vector<1x16xf32>
    tpu.vector_store %arg5[%swap3A_2238, %swap3A_2239], %swap3A_2242 {strides = array<i32>} : memref<32x512xf32, #tpu.memory_space<vmem>>, vector<1x16xf32>,
    %swap3A_2243 = arith.constant 24 : i32
    %swap3A_2244 = arith.index_cast %swap3A_2243 : i32 to index
    %swap3A_2245 = arith.constant 432 : index
    %swap3A_2246 = tpu.vector_load %arg5[%swap3A_2244, %swap3A_2245] {strides = array<i32>} : memref<32x512xf32, #tpu.memory_space<vmem>>, vector<1x16xf32>,
    %swap3A_2247 = vector.shape_cast %swap3A_2246 : vector<1x16xf32> to vector<16xf32>
    %swap3A_2248 = vector.shape_cast %get3A_2104 : vector<16xf32> to vector<1x16xf32>
    tpu.vector_store %arg5[%swap3A_2244, %swap3A_2245], %swap3A_2248 {strides = array<i32>} : memref<32x512xf32, #tpu.memory_space<vmem>>, vector<1x16xf32>,
    %swap3A_2249 = arith.constant 25 : i32
    %swap3A_2250 = arith.index_cast %swap3A_2249 : i32 to index
    %swap3A_2251 = arith.constant 432 : index
    %swap3A_2252 = tpu.vector_load %arg5[%swap3A_2250, %swap3A_2251] {strides = array<i32>} : memref<32x512xf32, #tpu.memory_space<vmem>>, vector<1x16xf32>,
    %swap3A_2253 = vector.shape_cast %swap3A_2252 : vector<1x16xf32> to vector<16xf32>
    %swap3A_2254 = vector.shape_cast %get3A_2104 : vector<16xf32> to vector<1x16xf32>
    tpu.vector_store %arg5[%swap3A_2250, %swap3A_2251], %swap3A_2254 {strides = array<i32>} : memref<32x512xf32, #tpu.memory_space<vmem>>, vector<1x16xf32>,
    %swap3A_2255 = arith.constant 26 : i32
    %swap3A_2256 = arith.index_cast %swap3A_2255 : i32 to index
    %swap3A_2257 = arith.constant 432 : index
    %swap3A_2258 = tpu.vector_load %arg5[%swap3A_2256, %swap3A_2257] {strides = array<i32>} : memref<32x512xf32, #tpu.memory_space<vmem>>, vector<1x16xf32>,
    %swap3A_2259 = vector.shape_cast %swap3A_2258 : vector<1x16xf32> to vector<16xf32>
    %swap3A_2260 = vector.shape_cast %get3A_2104 : vector<16xf32> to vector<1x16xf32>
    tpu.vector_store %arg5[%swap3A_2256, %swap3A_2257], %swap3A_2260 {strides = array<i32>} : memref<32x512xf32, #tpu.memory_space<vmem>>, vector<1x16xf32>,
    %swap3A_2261 = arith.constant 27 : i32
    %swap3A_2262 = arith.index_cast %swap3A_2261 : i32 to index
    %swap3A_2263 = arith.constant 432 : index
    %swap3A_2264 = tpu.vector_load %arg5[%swap3A_2262, %swap3A_2263] {strides = array<i32>} : memref<32x512xf32, #tpu.memory_space<vmem>>, vector<1x16xf32>,
    %swap3A_2265 = vector.shape_cast %swap3A_2264 : vector<1x16xf32> to vector<16xf32>
    %swap3A_2266 = vector.shape_cast %get3A_2104 : vector<16xf32> to vector<1x16xf32>
    tpu.vector_store %arg5[%swap3A_2262, %swap3A_2263], %swap3A_2266 {strides = array<i32>} : memref<32x512xf32, #tpu.memory_space<vmem>>, vector<1x16xf32>,
    %swap3A_2267 = arith.constant 28 : i32
    %swap3A_2268 = arith.index_cast %swap3A_2267 : i32 to index
    %swap3A_2269 = arith.constant 432 : index
    %swap3A_2270 = tpu.vector_load %arg5[%swap3A_2268, %swap3A_2269] {strides = array<i32>} : memref<32x512xf32, #tpu.memory_space<vmem>>, vector<1x16xf32>,
    %swap3A_2271 = vector.shape_cast %swap3A_2270 : vector<1x16xf32> to vector<16xf32>
    %swap3A_2272 = vector.shape_cast %get3A_2104 : vector<16xf32> to vector<1x16xf32>
    tpu.vector_store %arg5[%swap3A_2268, %swap3A_2269], %swap3A_2272 {strides = array<i32>} : memref<32x512xf32, #tpu.memory_space<vmem>>, vector<1x16xf32>,
    %swap3A_2273 = arith.constant 29 : i32
    %swap3A_2274 = arith.index_cast %swap3A_2273 : i32 to index
    %swap3A_2275 = arith.constant 432 : index
    %swap3A_2276 = tpu.vector_load %arg5[%swap3A_2274, %swap3A_2275] {strides = array<i32>} : memref<32x512xf32, #tpu.memory_space<vmem>>, vector<1x16xf32>,
    %swap3A_2277 = vector.shape_cast %swap3A_2276 : vector<1x16xf32> to vector<16xf32>
    %swap3A_2278 = vector.shape_cast %get3A_2104 : vector<16xf32> to vector<1x16xf32>
    tpu.vector_store %arg5[%swap3A_2274, %swap3A_2275], %swap3A_2278 {strides = array<i32>} : memref<32x512xf32, #tpu.memory_space<vmem>>, vector<1x16xf32>,
    %swap3A_2279 = arith.constant 30 : i32
    %swap3A_2280 = arith.index_cast %swap3A_2279 : i32 to index
    %swap3A_2281 = arith.constant 432 : index
    %swap3A_2282 = tpu.vector_load %arg5[%swap3A_2280, %swap3A_2281] {strides = array<i32>} : memref<32x512xf32, #tpu.memory_space<vmem>>, vector<1x16xf32>,
    %swap3A_2283 = vector.shape_cast %swap3A_2282 : vector<1x16xf32> to vector<16xf32>
    %swap3A_2284 = vector.shape_cast %get3A_2104 : vector<16xf32> to vector<1x16xf32>
    tpu.vector_store %arg5[%swap3A_2280, %swap3A_2281], %swap3A_2284 {strides = array<i32>} : memref<32x512xf32, #tpu.memory_space<vmem>>, vector<1x16xf32>,
    %swap3A_2285 = arith.constant 31 : i32
    %swap3A_2286 = arith.index_cast %swap3A_2285 : i32 to index
    %swap3A_2287 = arith.constant 432 : index
    %swap3A_2288 = tpu.vector_load %arg5[%swap3A_2286, %swap3A_2287] {strides = array<i32>} : memref<32x512xf32, #tpu.memory_space<vmem>>, vector<1x16xf32>,
    %swap3A_2289 = vector.shape_cast %swap3A_2288 : vector<1x16xf32> to vector<16xf32>
    %swap3A_2290 = vector.shape_cast %get3A_2104 : vector<16xf32> to vector<1x16xf32>
    tpu.vector_store %arg5[%swap3A_2286, %swap3A_2287], %swap3A_2290 {strides = array<i32>} : memref<32x512xf32, #tpu.memory_space<vmem>>, vector<1x16xf32>,
    %get3A_2291 = arith.constant 0 : i32
    %get3A_2292 = arith.index_cast %get3A_2291 : i32 to index
    %get3A_2293 = arith.constant 448 : index
    %get3A_2294 = tpu.vector_load %arg5[%get3A_2292, %get3A_2293] {strides = array<i32>} : memref<32x512xf32, #tpu.memory_space<vmem>>, vector<1x16xf32>,
    %get3A_2295 = vector.shape_cast %get3A_2294 : vector<1x16xf32> to vector<16xf32>
    %swap3A_2296 = arith.constant 1 : i32
    %swap3A_2297 = arith.index_cast %swap3A_2296 : i32 to index
    %swap3A_2298 = arith.constant 448 : index
    %swap3A_2299 = tpu.vector_load %arg5[%swap3A_2297, %swap3A_2298] {strides = array<i32>} : memref<32x512xf32, #tpu.memory_space<vmem>>, vector<1x16xf32>,
    %swap3A_2300 = vector.shape_cast %swap3A_2299 : vector<1x16xf32> to vector<16xf32>
    %swap3A_2301 = vector.shape_cast %get3A_2295 : vector<16xf32> to vector<1x16xf32>
    tpu.vector_store %arg5[%swap3A_2297, %swap3A_2298], %swap3A_2301 {strides = array<i32>} : memref<32x512xf32, #tpu.memory_space<vmem>>, vector<1x16xf32>,
    %swap3A_2302 = arith.constant 2 : i32
    %swap3A_2303 = arith.index_cast %swap3A_2302 : i32 to index
    %swap3A_2304 = arith.constant 448 : index
    %swap3A_2305 = tpu.vector_load %arg5[%swap3A_2303, %swap3A_2304] {strides = array<i32>} : memref<32x512xf32, #tpu.memory_space<vmem>>, vector<1x16xf32>,
    %swap3A_2306 = vector.shape_cast %swap3A_2305 : vector<1x16xf32> to vector<16xf32>
    %swap3A_2307 = vector.shape_cast %get3A_2295 : vector<16xf32> to vector<1x16xf32>
    tpu.vector_store %arg5[%swap3A_2303, %swap3A_2304], %swap3A_2307 {strides = array<i32>} : memref<32x512xf32, #tpu.memory_space<vmem>>, vector<1x16xf32>,
    %swap3A_2308 = arith.constant 3 : i32
    %swap3A_2309 = arith.index_cast %swap3A_2308 : i32 to index
    %swap3A_2310 = arith.constant 448 : index
    %swap3A_2311 = tpu.vector_load %arg5[%swap3A_2309, %swap3A_2310] {strides = array<i32>} : memref<32x512xf32, #tpu.memory_space<vmem>>, vector<1x16xf32>,
    %swap3A_2312 = vector.shape_cast %swap3A_2311 : vector<1x16xf32> to vector<16xf32>
    %swap3A_2313 = vector.shape_cast %get3A_2295 : vector<16xf32> to vector<1x16xf32>
    tpu.vector_store %arg5[%swap3A_2309, %swap3A_2310], %swap3A_2313 {strides = array<i32>} : memref<32x512xf32, #tpu.memory_space<vmem>>, vector<1x16xf32>,
    %swap3A_2314 = arith.constant 4 : i32
    %swap3A_2315 = arith.index_cast %swap3A_2314 : i32 to index
    %swap3A_2316 = arith.constant 448 : index
    %swap3A_2317 = tpu.vector_load %arg5[%swap3A_2315, %swap3A_2316] {strides = array<i32>} : memref<32x512xf32, #tpu.memory_space<vmem>>, vector<1x16xf32>,
    %swap3A_2318 = vector.shape_cast %swap3A_2317 : vector<1x16xf32> to vector<16xf32>
    %swap3A_2319 = vector.shape_cast %get3A_2295 : vector<16xf32> to vector<1x16xf32>
    tpu.vector_store %arg5[%swap3A_2315, %swap3A_2316], %swap3A_2319 {strides = array<i32>} : memref<32x512xf32, #tpu.memory_space<vmem>>, vector<1x16xf32>,
    %swap3A_2320 = arith.constant 5 : i32
    %swap3A_2321 = arith.index_cast %swap3A_2320 : i32 to index
    %swap3A_2322 = arith.constant 448 : index
    %swap3A_2323 = tpu.vector_load %arg5[%swap3A_2321, %swap3A_2322] {strides = array<i32>} : memref<32x512xf32, #tpu.memory_space<vmem>>, vector<1x16xf32>,
    %swap3A_2324 = vector.shape_cast %swap3A_2323 : vector<1x16xf32> to vector<16xf32>
    %swap3A_2325 = vector.shape_cast %get3A_2295 : vector<16xf32> to vector<1x16xf32>
    tpu.vector_store %arg5[%swap3A_2321, %swap3A_2322], %swap3A_2325 {strides = array<i32>} : memref<32x512xf32, #tpu.memory_space<vmem>>, vector<1x16xf32>,
    %swap3A_2326 = arith.constant 6 : i32
    %swap3A_2327 = arith.index_cast %swap3A_2326 : i32 to index
    %swap3A_2328 = arith.constant 448 : index
    %swap3A_2329 = tpu.vector_load %arg5[%swap3A_2327, %swap3A_2328] {strides = array<i32>} : memref<32x512xf32, #tpu.memory_space<vmem>>, vector<1x16xf32>,
    %swap3A_2330 = vector.shape_cast %swap3A_2329 : vector<1x16xf32> to vector<16xf32>
    %swap3A_2331 = vector.shape_cast %get3A_2295 : vector<16xf32> to vector<1x16xf32>
    tpu.vector_store %arg5[%swap3A_2327, %swap3A_2328], %swap3A_2331 {strides = array<i32>} : memref<32x512xf32, #tpu.memory_space<vmem>>, vector<1x16xf32>,
    %swap3A_2332 = arith.constant 7 : i32
    %swap3A_2333 = arith.index_cast %swap3A_2332 : i32 to index
    %swap3A_2334 = arith.constant 448 : index
    %swap3A_2335 = tpu.vector_load %arg5[%swap3A_2333, %swap3A_2334] {strides = array<i32>} : memref<32x512xf32, #tpu.memory_space<vmem>>, vector<1x16xf32>,
    %swap3A_2336 = vector.shape_cast %swap3A_2335 : vector<1x16xf32> to vector<16xf32>
    %swap3A_2337 = vector.shape_cast %get3A_2295 : vector<16xf32> to vector<1x16xf32>
    tpu.vector_store %arg5[%swap3A_2333, %swap3A_2334], %swap3A_2337 {strides = array<i32>} : memref<32x512xf32, #tpu.memory_space<vmem>>, vector<1x16xf32>,
    %swap3A_2338 = arith.constant 8 : i32
    %swap3A_2339 = arith.index_cast %swap3A_2338 : i32 to index
    %swap3A_2340 = arith.constant 448 : index
    %swap3A_2341 = tpu.vector_load %arg5[%swap3A_2339, %swap3A_2340] {strides = array<i32>} : memref<32x512xf32, #tpu.memory_space<vmem>>, vector<1x16xf32>,
    %swap3A_2342 = vector.shape_cast %swap3A_2341 : vector<1x16xf32> to vector<16xf32>
    %swap3A_2343 = vector.shape_cast %get3A_2295 : vector<16xf32> to vector<1x16xf32>
    tpu.vector_store %arg5[%swap3A_2339, %swap3A_2340], %swap3A_2343 {strides = array<i32>} : memref<32x512xf32, #tpu.memory_space<vmem>>, vector<1x16xf32>,
    %swap3A_2344 = arith.constant 9 : i32
    %swap3A_2345 = arith.index_cast %swap3A_2344 : i32 to index
    %swap3A_2346 = arith.constant 448 : index
    %swap3A_2347 = tpu.vector_load %arg5[%swap3A_2345, %swap3A_2346] {strides = array<i32>} : memref<32x512xf32, #tpu.memory_space<vmem>>, vector<1x16xf32>,
    %swap3A_2348 = vector.shape_cast %swap3A_2347 : vector<1x16xf32> to vector<16xf32>
    %swap3A_2349 = vector.shape_cast %get3A_2295 : vector<16xf32> to vector<1x16xf32>
    tpu.vector_store %arg5[%swap3A_2345, %swap3A_2346], %swap3A_2349 {strides = array<i32>} : memref<32x512xf32, #tpu.memory_space<vmem>>, vector<1x16xf32>,
    %swap3A_2350 = arith.constant 10 : i32
    %swap3A_2351 = arith.index_cast %swap3A_2350 : i32 to index
    %swap3A_2352 = arith.constant 448 : index
    %swap3A_2353 = tpu.vector_load %arg5[%swap3A_2351, %swap3A_2352] {strides = array<i32>} : memref<32x512xf32, #tpu.memory_space<vmem>>, vector<1x16xf32>,
    %swap3A_2354 = vector.shape_cast %swap3A_2353 : vector<1x16xf32> to vector<16xf32>
    %swap3A_2355 = vector.shape_cast %get3A_2295 : vector<16xf32> to vector<1x16xf32>
    tpu.vector_store %arg5[%swap3A_2351, %swap3A_2352], %swap3A_2355 {strides = array<i32>} : memref<32x512xf32, #tpu.memory_space<vmem>>, vector<1x16xf32>,
    %swap3A_2356 = arith.constant 11 : i32
    %swap3A_2357 = arith.index_cast %swap3A_2356 : i32 to index
    %swap3A_2358 = arith.constant 448 : index
    %swap3A_2359 = tpu.vector_load %arg5[%swap3A_2357, %swap3A_2358] {strides = array<i32>} : memref<32x512xf32, #tpu.memory_space<vmem>>, vector<1x16xf32>,
    %swap3A_2360 = vector.shape_cast %swap3A_2359 : vector<1x16xf32> to vector<16xf32>
    %swap3A_2361 = vector.shape_cast %get3A_2295 : vector<16xf32> to vector<1x16xf32>
    tpu.vector_store %arg5[%swap3A_2357, %swap3A_2358], %swap3A_2361 {strides = array<i32>} : memref<32x512xf32, #tpu.memory_space<vmem>>, vector<1x16xf32>,
    %swap3A_2362 = arith.constant 12 : i32
    %swap3A_2363 = arith.index_cast %swap3A_2362 : i32 to index
    %swap3A_2364 = arith.constant 448 : index
    %swap3A_2365 = tpu.vector_load %arg5[%swap3A_2363, %swap3A_2364] {strides = array<i32>} : memref<32x512xf32, #tpu.memory_space<vmem>>, vector<1x16xf32>,
    %swap3A_2366 = vector.shape_cast %swap3A_2365 : vector<1x16xf32> to vector<16xf32>
    %swap3A_2367 = vector.shape_cast %get3A_2295 : vector<16xf32> to vector<1x16xf32>
    tpu.vector_store %arg5[%swap3A_2363, %swap3A_2364], %swap3A_2367 {strides = array<i32>} : memref<32x512xf32, #tpu.memory_space<vmem>>, vector<1x16xf32>,
    %swap3A_2368 = arith.constant 13 : i32
    %swap3A_2369 = arith.index_cast %swap3A_2368 : i32 to index
    %swap3A_2370 = arith.constant 448 : index
    %swap3A_2371 = tpu.vector_load %arg5[%swap3A_2369, %swap3A_2370] {strides = array<i32>} : memref<32x512xf32, #tpu.memory_space<vmem>>, vector<1x16xf32>,
    %swap3A_2372 = vector.shape_cast %swap3A_2371 : vector<1x16xf32> to vector<16xf32>
    %swap3A_2373 = vector.shape_cast %get3A_2295 : vector<16xf32> to vector<1x16xf32>
    tpu.vector_store %arg5[%swap3A_2369, %swap3A_2370], %swap3A_2373 {strides = array<i32>} : memref<32x512xf32, #tpu.memory_space<vmem>>, vector<1x16xf32>,
    %swap3A_2374 = arith.constant 14 : i32
    %swap3A_2375 = arith.index_cast %swap3A_2374 : i32 to index
    %swap3A_2376 = arith.constant 448 : index
    %swap3A_2377 = tpu.vector_load %arg5[%swap3A_2375, %swap3A_2376] {strides = array<i32>} : memref<32x512xf32, #tpu.memory_space<vmem>>, vector<1x16xf32>,
    %swap3A_2378 = vector.shape_cast %swap3A_2377 : vector<1x16xf32> to vector<16xf32>
    %swap3A_2379 = vector.shape_cast %get3A_2295 : vector<16xf32> to vector<1x16xf32>
    tpu.vector_store %arg5[%swap3A_2375, %swap3A_2376], %swap3A_2379 {strides = array<i32>} : memref<32x512xf32, #tpu.memory_space<vmem>>, vector<1x16xf32>,
    %swap3A_2380 = arith.constant 15 : i32
    %swap3A_2381 = arith.index_cast %swap3A_2380 : i32 to index
    %swap3A_2382 = arith.constant 448 : index
    %swap3A_2383 = tpu.vector_load %arg5[%swap3A_2381, %swap3A_2382] {strides = array<i32>} : memref<32x512xf32, #tpu.memory_space<vmem>>, vector<1x16xf32>,
    %swap3A_2384 = vector.shape_cast %swap3A_2383 : vector<1x16xf32> to vector<16xf32>
    %swap3A_2385 = vector.shape_cast %get3A_2295 : vector<16xf32> to vector<1x16xf32>
    tpu.vector_store %arg5[%swap3A_2381, %swap3A_2382], %swap3A_2385 {strides = array<i32>} : memref<32x512xf32, #tpu.memory_space<vmem>>, vector<1x16xf32>,
    %swap3A_2386 = arith.constant 16 : i32
    %swap3A_2387 = arith.index_cast %swap3A_2386 : i32 to index
    %swap3A_2388 = arith.constant 448 : index
    %swap3A_2389 = tpu.vector_load %arg5[%swap3A_2387, %swap3A_2388] {strides = array<i32>} : memref<32x512xf32, #tpu.memory_space<vmem>>, vector<1x16xf32>,
    %swap3A_2390 = vector.shape_cast %swap3A_2389 : vector<1x16xf32> to vector<16xf32>
    %swap3A_2391 = vector.shape_cast %get3A_2295 : vector<16xf32> to vector<1x16xf32>
    tpu.vector_store %arg5[%swap3A_2387, %swap3A_2388], %swap3A_2391 {strides = array<i32>} : memref<32x512xf32, #tpu.memory_space<vmem>>, vector<1x16xf32>,
    %swap3A_2392 = arith.constant 17 : i32
    %swap3A_2393 = arith.index_cast %swap3A_2392 : i32 to index
    %swap3A_2394 = arith.constant 448 : index
    %swap3A_2395 = tpu.vector_load %arg5[%swap3A_2393, %swap3A_2394] {strides = array<i32>} : memref<32x512xf32, #tpu.memory_space<vmem>>, vector<1x16xf32>,
    %swap3A_2396 = vector.shape_cast %swap3A_2395 : vector<1x16xf32> to vector<16xf32>
    %swap3A_2397 = vector.shape_cast %get3A_2295 : vector<16xf32> to vector<1x16xf32>
    tpu.vector_store %arg5[%swap3A_2393, %swap3A_2394], %swap3A_2397 {strides = array<i32>} : memref<32x512xf32, #tpu.memory_space<vmem>>, vector<1x16xf32>,
    %swap3A_2398 = arith.constant 18 : i32
    %swap3A_2399 = arith.index_cast %swap3A_2398 : i32 to index
    %swap3A_2400 = arith.constant 448 : index
    %swap3A_2401 = tpu.vector_load %arg5[%swap3A_2399, %swap3A_2400] {strides = array<i32>} : memref<32x512xf32, #tpu.memory_space<vmem>>, vector<1x16xf32>,
    %swap3A_2402 = vector.shape_cast %swap3A_2401 : vector<1x16xf32> to vector<16xf32>
    %swap3A_2403 = vector.shape_cast %get3A_2295 : vector<16xf32> to vector<1x16xf32>
    tpu.vector_store %arg5[%swap3A_2399, %swap3A_2400], %swap3A_2403 {strides = array<i32>} : memref<32x512xf32, #tpu.memory_space<vmem>>, vector<1x16xf32>,
    %swap3A_2404 = arith.constant 19 : i32
    %swap3A_2405 = arith.index_cast %swap3A_2404 : i32 to index
    %swap3A_2406 = arith.constant 448 : index
    %swap3A_2407 = tpu.vector_load %arg5[%swap3A_2405, %swap3A_2406] {strides = array<i32>} : memref<32x512xf32, #tpu.memory_space<vmem>>, vector<1x16xf32>,
    %swap3A_2408 = vector.shape_cast %swap3A_2407 : vector<1x16xf32> to vector<16xf32>
    %swap3A_2409 = vector.shape_cast %get3A_2295 : vector<16xf32> to vector<1x16xf32>
    tpu.vector_store %arg5[%swap3A_2405, %swap3A_2406], %swap3A_2409 {strides = array<i32>} : memref<32x512xf32, #tpu.memory_space<vmem>>, vector<1x16xf32>,
    %swap3A_2410 = arith.constant 20 : i32
    %swap3A_2411 = arith.index_cast %swap3A_2410 : i32 to index
    %swap3A_2412 = arith.constant 448 : index
    %swap3A_2413 = tpu.vector_load %arg5[%swap3A_2411, %swap3A_2412] {strides = array<i32>} : memref<32x512xf32, #tpu.memory_space<vmem>>, vector<1x16xf32>,
    %swap3A_2414 = vector.shape_cast %swap3A_2413 : vector<1x16xf32> to vector<16xf32>
    %swap3A_2415 = vector.shape_cast %get3A_2295 : vector<16xf32> to vector<1x16xf32>
    tpu.vector_store %arg5[%swap3A_2411, %swap3A_2412], %swap3A_2415 {strides = array<i32>} : memref<32x512xf32, #tpu.memory_space<vmem>>, vector<1x16xf32>,
    %swap3A_2416 = arith.constant 21 : i32
    %swap3A_2417 = arith.index_cast %swap3A_2416 : i32 to index
    %swap3A_2418 = arith.constant 448 : index
    %swap3A_2419 = tpu.vector_load %arg5[%swap3A_2417, %swap3A_2418] {strides = array<i32>} : memref<32x512xf32, #tpu.memory_space<vmem>>, vector<1x16xf32>,
    %swap3A_2420 = vector.shape_cast %swap3A_2419 : vector<1x16xf32> to vector<16xf32>
    %swap3A_2421 = vector.shape_cast %get3A_2295 : vector<16xf32> to vector<1x16xf32>
    tpu.vector_store %arg5[%swap3A_2417, %swap3A_2418], %swap3A_2421 {strides = array<i32>} : memref<32x512xf32, #tpu.memory_space<vmem>>, vector<1x16xf32>,
    %swap3A_2422 = arith.constant 22 : i32
    %swap3A_2423 = arith.index_cast %swap3A_2422 : i32 to index
    %swap3A_2424 = arith.constant 448 : index
    %swap3A_2425 = tpu.vector_load %arg5[%swap3A_2423, %swap3A_2424] {strides = array<i32>} : memref<32x512xf32, #tpu.memory_space<vmem>>, vector<1x16xf32>,
    %swap3A_2426 = vector.shape_cast %swap3A_2425 : vector<1x16xf32> to vector<16xf32>
    %swap3A_2427 = vector.shape_cast %get3A_2295 : vector<16xf32> to vector<1x16xf32>
    tpu.vector_store %arg5[%swap3A_2423, %swap3A_2424], %swap3A_2427 {strides = array<i32>} : memref<32x512xf32, #tpu.memory_space<vmem>>, vector<1x16xf32>,
    %swap3A_2428 = arith.constant 23 : i32
    %swap3A_2429 = arith.index_cast %swap3A_2428 : i32 to index
    %swap3A_2430 = arith.constant 448 : index
    %swap3A_2431 = tpu.vector_load %arg5[%swap3A_2429, %swap3A_2430] {strides = array<i32>} : memref<32x512xf32, #tpu.memory_space<vmem>>, vector<1x16xf32>,
    %swap3A_2432 = vector.shape_cast %swap3A_2431 : vector<1x16xf32> to vector<16xf32>
    %swap3A_2433 = vector.shape_cast %get3A_2295 : vector<16xf32> to vector<1x16xf32>
    tpu.vector_store %arg5[%swap3A_2429, %swap3A_2430], %swap3A_2433 {strides = array<i32>} : memref<32x512xf32, #tpu.memory_space<vmem>>, vector<1x16xf32>,
    %swap3A_2434 = arith.constant 24 : i32
    %swap3A_2435 = arith.index_cast %swap3A_2434 : i32 to index
    %swap3A_2436 = arith.constant 448 : index
    %swap3A_2437 = tpu.vector_load %arg5[%swap3A_2435, %swap3A_2436] {strides = array<i32>} : memref<32x512xf32, #tpu.memory_space<vmem>>, vector<1x16xf32>,
    %swap3A_2438 = vector.shape_cast %swap3A_2437 : vector<1x16xf32> to vector<16xf32>
    %swap3A_2439 = vector.shape_cast %get3A_2295 : vector<16xf32> to vector<1x16xf32>
    tpu.vector_store %arg5[%swap3A_2435, %swap3A_2436], %swap3A_2439 {strides = array<i32>} : memref<32x512xf32, #tpu.memory_space<vmem>>, vector<1x16xf32>,
    %swap3A_2440 = arith.constant 25 : i32
    %swap3A_2441 = arith.index_cast %swap3A_2440 : i32 to index
    %swap3A_2442 = arith.constant 448 : index
    %swap3A_2443 = tpu.vector_load %arg5[%swap3A_2441, %swap3A_2442] {strides = array<i32>} : memref<32x512xf32, #tpu.memory_space<vmem>>, vector<1x16xf32>,
    %swap3A_2444 = vector.shape_cast %swap3A_2443 : vector<1x16xf32> to vector<16xf32>
    %swap3A_2445 = vector.shape_cast %get3A_2295 : vector<16xf32> to vector<1x16xf32>
    tpu.vector_store %arg5[%swap3A_2441, %swap3A_2442], %swap3A_2445 {strides = array<i32>} : memref<32x512xf32, #tpu.memory_space<vmem>>, vector<1x16xf32>,
    %swap3A_2446 = arith.constant 26 : i32
    %swap3A_2447 = arith.index_cast %swap3A_2446 : i32 to index
    %swap3A_2448 = arith.constant 448 : index
    %swap3A_2449 = tpu.vector_load %arg5[%swap3A_2447, %swap3A_2448] {strides = array<i32>} : memref<32x512xf32, #tpu.memory_space<vmem>>, vector<1x16xf32>,
    %swap3A_2450 = vector.shape_cast %swap3A_2449 : vector<1x16xf32> to vector<16xf32>
    %swap3A_2451 = vector.shape_cast %get3A_2295 : vector<16xf32> to vector<1x16xf32>
    tpu.vector_store %arg5[%swap3A_2447, %swap3A_2448], %swap3A_2451 {strides = array<i32>} : memref<32x512xf32, #tpu.memory_space<vmem>>, vector<1x16xf32>,
    %swap3A_2452 = arith.constant 27 : i32
    %swap3A_2453 = arith.index_cast %swap3A_2452 : i32 to index
    %swap3A_2454 = arith.constant 448 : index
    %swap3A_2455 = tpu.vector_load %arg5[%swap3A_2453, %swap3A_2454] {strides = array<i32>} : memref<32x512xf32, #tpu.memory_space<vmem>>, vector<1x16xf32>,
    %swap3A_2456 = vector.shape_cast %swap3A_2455 : vector<1x16xf32> to vector<16xf32>
    %swap3A_2457 = vector.shape_cast %get3A_2295 : vector<16xf32> to vector<1x16xf32>
    tpu.vector_store %arg5[%swap3A_2453, %swap3A_2454], %swap3A_2457 {strides = array<i32>} : memref<32x512xf32, #tpu.memory_space<vmem>>, vector<1x16xf32>,
    %swap3A_2458 = arith.constant 28 : i32
    %swap3A_2459 = arith.index_cast %swap3A_2458 : i32 to index
    %swap3A_2460 = arith.constant 448 : index
    %swap3A_2461 = tpu.vector_load %arg5[%swap3A_2459, %swap3A_2460] {strides = array<i32>} : memref<32x512xf32, #tpu.memory_space<vmem>>, vector<1x16xf32>,
    %swap3A_2462 = vector.shape_cast %swap3A_2461 : vector<1x16xf32> to vector<16xf32>
    %swap3A_2463 = vector.shape_cast %get3A_2295 : vector<16xf32> to vector<1x16xf32>
    tpu.vector_store %arg5[%swap3A_2459, %swap3A_2460], %swap3A_2463 {strides = array<i32>} : memref<32x512xf32, #tpu.memory_space<vmem>>, vector<1x16xf32>,
    %swap3A_2464 = arith.constant 29 : i32
    %swap3A_2465 = arith.index_cast %swap3A_2464 : i32 to index
    %swap3A_2466 = arith.constant 448 : index
    %swap3A_2467 = tpu.vector_load %arg5[%swap3A_2465, %swap3A_2466] {strides = array<i32>} : memref<32x512xf32, #tpu.memory_space<vmem>>, vector<1x16xf32>,
    %swap3A_2468 = vector.shape_cast %swap3A_2467 : vector<1x16xf32> to vector<16xf32>
    %swap3A_2469 = vector.shape_cast %get3A_2295 : vector<16xf32> to vector<1x16xf32>
    tpu.vector_store %arg5[%swap3A_2465, %swap3A_2466], %swap3A_2469 {strides = array<i32>} : memref<32x512xf32, #tpu.memory_space<vmem>>, vector<1x16xf32>,
    %swap3A_2470 = arith.constant 30 : i32
    %swap3A_2471 = arith.index_cast %swap3A_2470 : i32 to index
    %swap3A_2472 = arith.constant 448 : index
    %swap3A_2473 = tpu.vector_load %arg5[%swap3A_2471, %swap3A_2472] {strides = array<i32>} : memref<32x512xf32, #tpu.memory_space<vmem>>, vector<1x16xf32>,
    %swap3A_2474 = vector.shape_cast %swap3A_2473 : vector<1x16xf32> to vector<16xf32>
    %swap3A_2475 = vector.shape_cast %get3A_2295 : vector<16xf32> to vector<1x16xf32>
    tpu.vector_store %arg5[%swap3A_2471, %swap3A_2472], %swap3A_2475 {strides = array<i32>} : memref<32x512xf32, #tpu.memory_space<vmem>>, vector<1x16xf32>,
    %swap3A_2476 = arith.constant 31 : i32
    %swap3A_2477 = arith.index_cast %swap3A_2476 : i32 to index
    %swap3A_2478 = arith.constant 448 : index
    %swap3A_2479 = tpu.vector_load %arg5[%swap3A_2477, %swap3A_2478] {strides = array<i32>} : memref<32x512xf32, #tpu.memory_space<vmem>>, vector<1x16xf32>,
    %swap3A_2480 = vector.shape_cast %swap3A_2479 : vector<1x16xf32> to vector<16xf32>
    %swap3A_2481 = vector.shape_cast %get3A_2295 : vector<16xf32> to vector<1x16xf32>
    tpu.vector_store %arg5[%swap3A_2477, %swap3A_2478], %swap3A_2481 {strides = array<i32>} : memref<32x512xf32, #tpu.memory_space<vmem>>, vector<1x16xf32>,
    %get3A_2482 = arith.constant 0 : i32
    %get3A_2483 = arith.index_cast %get3A_2482 : i32 to index
    %get3A_2484 = arith.constant 464 : index
    %get3A_2485 = tpu.vector_load %arg5[%get3A_2483, %get3A_2484] {strides = array<i32>} : memref<32x512xf32, #tpu.memory_space<vmem>>, vector<1x16xf32>,
    %get3A_2486 = vector.shape_cast %get3A_2485 : vector<1x16xf32> to vector<16xf32>
    %swap3A_2487 = arith.constant 1 : i32
    %swap3A_2488 = arith.index_cast %swap3A_2487 : i32 to index
    %swap3A_2489 = arith.constant 464 : index
    %swap3A_2490 = tpu.vector_load %arg5[%swap3A_2488, %swap3A_2489] {strides = array<i32>} : memref<32x512xf32, #tpu.memory_space<vmem>>, vector<1x16xf32>,
    %swap3A_2491 = vector.shape_cast %swap3A_2490 : vector<1x16xf32> to vector<16xf32>
    %swap3A_2492 = vector.shape_cast %get3A_2486 : vector<16xf32> to vector<1x16xf32>
    tpu.vector_store %arg5[%swap3A_2488, %swap3A_2489], %swap3A_2492 {strides = array<i32>} : memref<32x512xf32, #tpu.memory_space<vmem>>, vector<1x16xf32>,
    %swap3A_2493 = arith.constant 2 : i32
    %swap3A_2494 = arith.index_cast %swap3A_2493 : i32 to index
    %swap3A_2495 = arith.constant 464 : index
    %swap3A_2496 = tpu.vector_load %arg5[%swap3A_2494, %swap3A_2495] {strides = array<i32>} : memref<32x512xf32, #tpu.memory_space<vmem>>, vector<1x16xf32>,
    %swap3A_2497 = vector.shape_cast %swap3A_2496 : vector<1x16xf32> to vector<16xf32>
    %swap3A_2498 = vector.shape_cast %get3A_2486 : vector<16xf32> to vector<1x16xf32>
    tpu.vector_store %arg5[%swap3A_2494, %swap3A_2495], %swap3A_2498 {strides = array<i32>} : memref<32x512xf32, #tpu.memory_space<vmem>>, vector<1x16xf32>,
    %swap3A_2499 = arith.constant 3 : i32
    %swap3A_2500 = arith.index_cast %swap3A_2499 : i32 to index
    %swap3A_2501 = arith.constant 464 : index
    %swap3A_2502 = tpu.vector_load %arg5[%swap3A_2500, %swap3A_2501] {strides = array<i32>} : memref<32x512xf32, #tpu.memory_space<vmem>>, vector<1x16xf32>,
    %swap3A_2503 = vector.shape_cast %swap3A_2502 : vector<1x16xf32> to vector<16xf32>
    %swap3A_2504 = vector.shape_cast %get3A_2486 : vector<16xf32> to vector<1x16xf32>
    tpu.vector_store %arg5[%swap3A_2500, %swap3A_2501], %swap3A_2504 {strides = array<i32>} : memref<32x512xf32, #tpu.memory_space<vmem>>, vector<1x16xf32>,
    %swap3A_2505 = arith.constant 4 : i32
    %swap3A_2506 = arith.index_cast %swap3A_2505 : i32 to index
    %swap3A_2507 = arith.constant 464 : index
    %swap3A_2508 = tpu.vector_load %arg5[%swap3A_2506, %swap3A_2507] {strides = array<i32>} : memref<32x512xf32, #tpu.memory_space<vmem>>, vector<1x16xf32>,
    %swap3A_2509 = vector.shape_cast %swap3A_2508 : vector<1x16xf32> to vector<16xf32>
    %swap3A_2510 = vector.shape_cast %get3A_2486 : vector<16xf32> to vector<1x16xf32>
    tpu.vector_store %arg5[%swap3A_2506, %swap3A_2507], %swap3A_2510 {strides = array<i32>} : memref<32x512xf32, #tpu.memory_space<vmem>>, vector<1x16xf32>,
    %swap3A_2511 = arith.constant 5 : i32
    %swap3A_2512 = arith.index_cast %swap3A_2511 : i32 to index
    %swap3A_2513 = arith.constant 464 : index
    %swap3A_2514 = tpu.vector_load %arg5[%swap3A_2512, %swap3A_2513] {strides = array<i32>} : memref<32x512xf32, #tpu.memory_space<vmem>>, vector<1x16xf32>,
    %swap3A_2515 = vector.shape_cast %swap3A_2514 : vector<1x16xf32> to vector<16xf32>
    %swap3A_2516 = vector.shape_cast %get3A_2486 : vector<16xf32> to vector<1x16xf32>
    tpu.vector_store %arg5[%swap3A_2512, %swap3A_2513], %swap3A_2516 {strides = array<i32>} : memref<32x512xf32, #tpu.memory_space<vmem>>, vector<1x16xf32>,
    %swap3A_2517 = arith.constant 6 : i32
    %swap3A_2518 = arith.index_cast %swap3A_2517 : i32 to index
    %swap3A_2519 = arith.constant 464 : index
    %swap3A_2520 = tpu.vector_load %arg5[%swap3A_2518, %swap3A_2519] {strides = array<i32>} : memref<32x512xf32, #tpu.memory_space<vmem>>, vector<1x16xf32>,
    %swap3A_2521 = vector.shape_cast %swap3A_2520 : vector<1x16xf32> to vector<16xf32>
    %swap3A_2522 = vector.shape_cast %get3A_2486 : vector<16xf32> to vector<1x16xf32>
    tpu.vector_store %arg5[%swap3A_2518, %swap3A_2519], %swap3A_2522 {strides = array<i32>} : memref<32x512xf32, #tpu.memory_space<vmem>>, vector<1x16xf32>,
    %swap3A_2523 = arith.constant 7 : i32
    %swap3A_2524 = arith.index_cast %swap3A_2523 : i32 to index
    %swap3A_2525 = arith.constant 464 : index
    %swap3A_2526 = tpu.vector_load %arg5[%swap3A_2524, %swap3A_2525] {strides = array<i32>} : memref<32x512xf32, #tpu.memory_space<vmem>>, vector<1x16xf32>,
    %swap3A_2527 = vector.shape_cast %swap3A_2526 : vector<1x16xf32> to vector<16xf32>
    %swap3A_2528 = vector.shape_cast %get3A_2486 : vector<16xf32> to vector<1x16xf32>
    tpu.vector_store %arg5[%swap3A_2524, %swap3A_2525], %swap3A_2528 {strides = array<i32>} : memref<32x512xf32, #tpu.memory_space<vmem>>, vector<1x16xf32>,
    %swap3A_2529 = arith.constant 8 : i32
    %swap3A_2530 = arith.index_cast %swap3A_2529 : i32 to index
    %swap3A_2531 = arith.constant 464 : index
    %swap3A_2532 = tpu.vector_load %arg5[%swap3A_2530, %swap3A_2531] {strides = array<i32>} : memref<32x512xf32, #tpu.memory_space<vmem>>, vector<1x16xf32>,
    %swap3A_2533 = vector.shape_cast %swap3A_2532 : vector<1x16xf32> to vector<16xf32>
    %swap3A_2534 = vector.shape_cast %get3A_2486 : vector<16xf32> to vector<1x16xf32>
    tpu.vector_store %arg5[%swap3A_2530, %swap3A_2531], %swap3A_2534 {strides = array<i32>} : memref<32x512xf32, #tpu.memory_space<vmem>>, vector<1x16xf32>,
    %swap3A_2535 = arith.constant 9 : i32
    %swap3A_2536 = arith.index_cast %swap3A_2535 : i32 to index
    %swap3A_2537 = arith.constant 464 : index
    %swap3A_2538 = tpu.vector_load %arg5[%swap3A_2536, %swap3A_2537] {strides = array<i32>} : memref<32x512xf32, #tpu.memory_space<vmem>>, vector<1x16xf32>,
    %swap3A_2539 = vector.shape_cast %swap3A_2538 : vector<1x16xf32> to vector<16xf32>
    %swap3A_2540 = vector.shape_cast %get3A_2486 : vector<16xf32> to vector<1x16xf32>
    tpu.vector_store %arg5[%swap3A_2536, %swap3A_2537], %swap3A_2540 {strides = array<i32>} : memref<32x512xf32, #tpu.memory_space<vmem>>, vector<1x16xf32>,
    %swap3A_2541 = arith.constant 10 : i32
    %swap3A_2542 = arith.index_cast %swap3A_2541 : i32 to index
    %swap3A_2543 = arith.constant 464 : index
    %swap3A_2544 = tpu.vector_load %arg5[%swap3A_2542, %swap3A_2543] {strides = array<i32>} : memref<32x512xf32, #tpu.memory_space<vmem>>, vector<1x16xf32>,
    %swap3A_2545 = vector.shape_cast %swap3A_2544 : vector<1x16xf32> to vector<16xf32>
    %swap3A_2546 = vector.shape_cast %get3A_2486 : vector<16xf32> to vector<1x16xf32>
    tpu.vector_store %arg5[%swap3A_2542, %swap3A_2543], %swap3A_2546 {strides = array<i32>} : memref<32x512xf32, #tpu.memory_space<vmem>>, vector<1x16xf32>,
    %swap3A_2547 = arith.constant 11 : i32
    %swap3A_2548 = arith.index_cast %swap3A_2547 : i32 to index
    %swap3A_2549 = arith.constant 464 : index
    %swap3A_2550 = tpu.vector_load %arg5[%swap3A_2548, %swap3A_2549] {strides = array<i32>} : memref<32x512xf32, #tpu.memory_space<vmem>>, vector<1x16xf32>,
    %swap3A_2551 = vector.shape_cast %swap3A_2550 : vector<1x16xf32> to vector<16xf32>
    %swap3A_2552 = vector.shape_cast %get3A_2486 : vector<16xf32> to vector<1x16xf32>
    tpu.vector_store %arg5[%swap3A_2548, %swap3A_2549], %swap3A_2552 {strides = array<i32>} : memref<32x512xf32, #tpu.memory_space<vmem>>, vector<1x16xf32>,
    %swap3A_2553 = arith.constant 12 : i32
    %swap3A_2554 = arith.index_cast %swap3A_2553 : i32 to index
    %swap3A_2555 = arith.constant 464 : index
    %swap3A_2556 = tpu.vector_load %arg5[%swap3A_2554, %swap3A_2555] {strides = array<i32>} : memref<32x512xf32, #tpu.memory_space<vmem>>, vector<1x16xf32>,
    %swap3A_2557 = vector.shape_cast %swap3A_2556 : vector<1x16xf32> to vector<16xf32>
    %swap3A_2558 = vector.shape_cast %get3A_2486 : vector<16xf32> to vector<1x16xf32>
    tpu.vector_store %arg5[%swap3A_2554, %swap3A_2555], %swap3A_2558 {strides = array<i32>} : memref<32x512xf32, #tpu.memory_space<vmem>>, vector<1x16xf32>,
    %swap3A_2559 = arith.constant 13 : i32
    %swap3A_2560 = arith.index_cast %swap3A_2559 : i32 to index
    %swap3A_2561 = arith.constant 464 : index
    %swap3A_2562 = tpu.vector_load %arg5[%swap3A_2560, %swap3A_2561] {strides = array<i32>} : memref<32x512xf32, #tpu.memory_space<vmem>>, vector<1x16xf32>,
    %swap3A_2563 = vector.shape_cast %swap3A_2562 : vector<1x16xf32> to vector<16xf32>
    %swap3A_2564 = vector.shape_cast %get3A_2486 : vector<16xf32> to vector<1x16xf32>
    tpu.vector_store %arg5[%swap3A_2560, %swap3A_2561], %swap3A_2564 {strides = array<i32>} : memref<32x512xf32, #tpu.memory_space<vmem>>, vector<1x16xf32>,
    %swap3A_2565 = arith.constant 14 : i32
    %swap3A_2566 = arith.index_cast %swap3A_2565 : i32 to index
    %swap3A_2567 = arith.constant 464 : index
    %swap3A_2568 = tpu.vector_load %arg5[%swap3A_2566, %swap3A_2567] {strides = array<i32>} : memref<32x512xf32, #tpu.memory_space<vmem>>, vector<1x16xf32>,
    %swap3A_2569 = vector.shape_cast %swap3A_2568 : vector<1x16xf32> to vector<16xf32>
    %swap3A_2570 = vector.shape_cast %get3A_2486 : vector<16xf32> to vector<1x16xf32>
    tpu.vector_store %arg5[%swap3A_2566, %swap3A_2567], %swap3A_2570 {strides = array<i32>} : memref<32x512xf32, #tpu.memory_space<vmem>>, vector<1x16xf32>,
    %swap3A_2571 = arith.constant 15 : i32
    %swap3A_2572 = arith.index_cast %swap3A_2571 : i32 to index
    %swap3A_2573 = arith.constant 464 : index
    %swap3A_2574 = tpu.vector_load %arg5[%swap3A_2572, %swap3A_2573] {strides = array<i32>} : memref<32x512xf32, #tpu.memory_space<vmem>>, vector<1x16xf32>,
    %swap3A_2575 = vector.shape_cast %swap3A_2574 : vector<1x16xf32> to vector<16xf32>
    %swap3A_2576 = vector.shape_cast %get3A_2486 : vector<16xf32> to vector<1x16xf32>
    tpu.vector_store %arg5[%swap3A_2572, %swap3A_2573], %swap3A_2576 {strides = array<i32>} : memref<32x512xf32, #tpu.memory_space<vmem>>, vector<1x16xf32>,
    %swap3A_2577 = arith.constant 16 : i32
    %swap3A_2578 = arith.index_cast %swap3A_2577 : i32 to index
    %swap3A_2579 = arith.constant 464 : index
    %swap3A_2580 = tpu.vector_load %arg5[%swap3A_2578, %swap3A_2579] {strides = array<i32>} : memref<32x512xf32, #tpu.memory_space<vmem>>, vector<1x16xf32>,
    %swap3A_2581 = vector.shape_cast %swap3A_2580 : vector<1x16xf32> to vector<16xf32>
    %swap3A_2582 = vector.shape_cast %get3A_2486 : vector<16xf32> to vector<1x16xf32>
    tpu.vector_store %arg5[%swap3A_2578, %swap3A_2579], %swap3A_2582 {strides = array<i32>} : memref<32x512xf32, #tpu.memory_space<vmem>>, vector<1x16xf32>,
    %swap3A_2583 = arith.constant 17 : i32
    %swap3A_2584 = arith.index_cast %swap3A_2583 : i32 to index
    %swap3A_2585 = arith.constant 464 : index
    %swap3A_2586 = tpu.vector_load %arg5[%swap3A_2584, %swap3A_2585] {strides = array<i32>} : memref<32x512xf32, #tpu.memory_space<vmem>>, vector<1x16xf32>,
    %swap3A_2587 = vector.shape_cast %swap3A_2586 : vector<1x16xf32> to vector<16xf32>
    %swap3A_2588 = vector.shape_cast %get3A_2486 : vector<16xf32> to vector<1x16xf32>
    tpu.vector_store %arg5[%swap3A_2584, %swap3A_2585], %swap3A_2588 {strides = array<i32>} : memref<32x512xf32, #tpu.memory_space<vmem>>, vector<1x16xf32>,
    %swap3A_2589 = arith.constant 18 : i32
    %swap3A_2590 = arith.index_cast %swap3A_2589 : i32 to index
    %swap3A_2591 = arith.constant 464 : index
    %swap3A_2592 = tpu.vector_load %arg5[%swap3A_2590, %swap3A_2591] {strides = array<i32>} : memref<32x512xf32, #tpu.memory_space<vmem>>, vector<1x16xf32>,
    %swap3A_2593 = vector.shape_cast %swap3A_2592 : vector<1x16xf32> to vector<16xf32>
    %swap3A_2594 = vector.shape_cast %get3A_2486 : vector<16xf32> to vector<1x16xf32>
    tpu.vector_store %arg5[%swap3A_2590, %swap3A_2591], %swap3A_2594 {strides = array<i32>} : memref<32x512xf32, #tpu.memory_space<vmem>>, vector<1x16xf32>,
    %swap3A_2595 = arith.constant 19 : i32
    %swap3A_2596 = arith.index_cast %swap3A_2595 : i32 to index
    %swap3A_2597 = arith.constant 464 : index
    %swap3A_2598 = tpu.vector_load %arg5[%swap3A_2596, %swap3A_2597] {strides = array<i32>} : memref<32x512xf32, #tpu.memory_space<vmem>>, vector<1x16xf32>,
    %swap3A_2599 = vector.shape_cast %swap3A_2598 : vector<1x16xf32> to vector<16xf32>
    %swap3A_2600 = vector.shape_cast %get3A_2486 : vector<16xf32> to vector<1x16xf32>
    tpu.vector_store %arg5[%swap3A_2596, %swap3A_2597], %swap3A_2600 {strides = array<i32>} : memref<32x512xf32, #tpu.memory_space<vmem>>, vector<1x16xf32>,
    %swap3A_2601 = arith.constant 20 : i32
    %swap3A_2602 = arith.index_cast %swap3A_2601 : i32 to index
    %swap3A_2603 = arith.constant 464 : index
    %swap3A_2604 = tpu.vector_load %arg5[%swap3A_2602, %swap3A_2603] {strides = array<i32>} : memref<32x512xf32, #tpu.memory_space<vmem>>, vector<1x16xf32>,
    %swap3A_2605 = vector.shape_cast %swap3A_2604 : vector<1x16xf32> to vector<16xf32>
    %swap3A_2606 = vector.shape_cast %get3A_2486 : vector<16xf32> to vector<1x16xf32>
    tpu.vector_store %arg5[%swap3A_2602, %swap3A_2603], %swap3A_2606 {strides = array<i32>} : memref<32x512xf32, #tpu.memory_space<vmem>>, vector<1x16xf32>,
    %swap3A_2607 = arith.constant 21 : i32
    %swap3A_2608 = arith.index_cast %swap3A_2607 : i32 to index
    %swap3A_2609 = arith.constant 464 : index
    %swap3A_2610 = tpu.vector_load %arg5[%swap3A_2608, %swap3A_2609] {strides = array<i32>} : memref<32x512xf32, #tpu.memory_space<vmem>>, vector<1x16xf32>,
    %swap3A_2611 = vector.shape_cast %swap3A_2610 : vector<1x16xf32> to vector<16xf32>
    %swap3A_2612 = vector.shape_cast %get3A_2486 : vector<16xf32> to vector<1x16xf32>
    tpu.vector_store %arg5[%swap3A_2608, %swap3A_2609], %swap3A_2612 {strides = array<i32>} : memref<32x512xf32, #tpu.memory_space<vmem>>, vector<1x16xf32>,
    %swap3A_2613 = arith.constant 22 : i32
    %swap3A_2614 = arith.index_cast %swap3A_2613 : i32 to index
    %swap3A_2615 = arith.constant 464 : index
    %swap3A_2616 = tpu.vector_load %arg5[%swap3A_2614, %swap3A_2615] {strides = array<i32>} : memref<32x512xf32, #tpu.memory_space<vmem>>, vector<1x16xf32>,
    %swap3A_2617 = vector.shape_cast %swap3A_2616 : vector<1x16xf32> to vector<16xf32>
    %swap3A_2618 = vector.shape_cast %get3A_2486 : vector<16xf32> to vector<1x16xf32>
    tpu.vector_store %arg5[%swap3A_2614, %swap3A_2615], %swap3A_2618 {strides = array<i32>} : memref<32x512xf32, #tpu.memory_space<vmem>>, vector<1x16xf32>,
    %swap3A_2619 = arith.constant 23 : i32
    %swap3A_2620 = arith.index_cast %swap3A_2619 : i32 to index
    %swap3A_2621 = arith.constant 464 : index
    %swap3A_2622 = tpu.vector_load %arg5[%swap3A_2620, %swap3A_2621] {strides = array<i32>} : memref<32x512xf32, #tpu.memory_space<vmem>>, vector<1x16xf32>,
    %swap3A_2623 = vector.shape_cast %swap3A_2622 : vector<1x16xf32> to vector<16xf32>
    %swap3A_2624 = vector.shape_cast %get3A_2486 : vector<16xf32> to vector<1x16xf32>
    tpu.vector_store %arg5[%swap3A_2620, %swap3A_2621], %swap3A_2624 {strides = array<i32>} : memref<32x512xf32, #tpu.memory_space<vmem>>, vector<1x16xf32>,
    %swap3A_2625 = arith.constant 24 : i32
    %swap3A_2626 = arith.index_cast %swap3A_2625 : i32 to index
    %swap3A_2627 = arith.constant 464 : index
    %swap3A_2628 = tpu.vector_load %arg5[%swap3A_2626, %swap3A_2627] {strides = array<i32>} : memref<32x512xf32, #tpu.memory_space<vmem>>, vector<1x16xf32>,
    %swap3A_2629 = vector.shape_cast %swap3A_2628 : vector<1x16xf32> to vector<16xf32>
    %swap3A_2630 = vector.shape_cast %get3A_2486 : vector<16xf32> to vector<1x16xf32>
    tpu.vector_store %arg5[%swap3A_2626, %swap3A_2627], %swap3A_2630 {strides = array<i32>} : memref<32x512xf32, #tpu.memory_space<vmem>>, vector<1x16xf32>,
    %swap3A_2631 = arith.constant 25 : i32
    %swap3A_2632 = arith.index_cast %swap3A_2631 : i32 to index
    %swap3A_2633 = arith.constant 464 : index
    %swap3A_2634 = tpu.vector_load %arg5[%swap3A_2632, %swap3A_2633] {strides = array<i32>} : memref<32x512xf32, #tpu.memory_space<vmem>>, vector<1x16xf32>,
    %swap3A_2635 = vector.shape_cast %swap3A_2634 : vector<1x16xf32> to vector<16xf32>
    %swap3A_2636 = vector.shape_cast %get3A_2486 : vector<16xf32> to vector<1x16xf32>
    tpu.vector_store %arg5[%swap3A_2632, %swap3A_2633], %swap3A_2636 {strides = array<i32>} : memref<32x512xf32, #tpu.memory_space<vmem>>, vector<1x16xf32>,
    %swap3A_2637 = arith.constant 26 : i32
    %swap3A_2638 = arith.index_cast %swap3A_2637 : i32 to index
    %swap3A_2639 = arith.constant 464 : index
    %swap3A_2640 = tpu.vector_load %arg5[%swap3A_2638, %swap3A_2639] {strides = array<i32>} : memref<32x512xf32, #tpu.memory_space<vmem>>, vector<1x16xf32>,
    %swap3A_2641 = vector.shape_cast %swap3A_2640 : vector<1x16xf32> to vector<16xf32>
    %swap3A_2642 = vector.shape_cast %get3A_2486 : vector<16xf32> to vector<1x16xf32>
    tpu.vector_store %arg5[%swap3A_2638, %swap3A_2639], %swap3A_2642 {strides = array<i32>} : memref<32x512xf32, #tpu.memory_space<vmem>>, vector<1x16xf32>,
    %swap3A_2643 = arith.constant 27 : i32
    %swap3A_2644 = arith.index_cast %swap3A_2643 : i32 to index
    %swap3A_2645 = arith.constant 464 : index
    %swap3A_2646 = tpu.vector_load %arg5[%swap3A_2644, %swap3A_2645] {strides = array<i32>} : memref<32x512xf32, #tpu.memory_space<vmem>>, vector<1x16xf32>,
    %swap3A_2647 = vector.shape_cast %swap3A_2646 : vector<1x16xf32> to vector<16xf32>
    %swap3A_2648 = vector.shape_cast %get3A_2486 : vector<16xf32> to vector<1x16xf32>
    tpu.vector_store %arg5[%swap3A_2644, %swap3A_2645], %swap3A_2648 {strides = array<i32>} : memref<32x512xf32, #tpu.memory_space<vmem>>, vector<1x16xf32>,
    %swap3A_2649 = arith.constant 28 : i32
    %swap3A_2650 = arith.index_cast %swap3A_2649 : i32 to index
    %swap3A_2651 = arith.constant 464 : index
    %swap3A_2652 = tpu.vector_load %arg5[%swap3A_2650, %swap3A_2651] {strides = array<i32>} : memref<32x512xf32, #tpu.memory_space<vmem>>, vector<1x16xf32>,
    %swap3A_2653 = vector.shape_cast %swap3A_2652 : vector<1x16xf32> to vector<16xf32>
    %swap3A_2654 = vector.shape_cast %get3A_2486 : vector<16xf32> to vector<1x16xf32>
    tpu.vector_store %arg5[%swap3A_2650, %swap3A_2651], %swap3A_2654 {strides = array<i32>} : memref<32x512xf32, #tpu.memory_space<vmem>>, vector<1x16xf32>,
    %swap3A_2655 = arith.constant 29 : i32
    %swap3A_2656 = arith.index_cast %swap3A_2655 : i32 to index
    %swap3A_2657 = arith.constant 464 : index
    %swap3A_2658 = tpu.vector_load %arg5[%swap3A_2656, %swap3A_2657] {strides = array<i32>} : memref<32x512xf32, #tpu.memory_space<vmem>>, vector<1x16xf32>,
    %swap3A_2659 = vector.shape_cast %swap3A_2658 : vector<1x16xf32> to vector<16xf32>
    %swap3A_2660 = vector.shape_cast %get3A_2486 : vector<16xf32> to vector<1x16xf32>
    tpu.vector_store %arg5[%swap3A_2656, %swap3A_2657], %swap3A_2660 {strides = array<i32>} : memref<32x512xf32, #tpu.memory_space<vmem>>, vector<1x16xf32>,
    %swap3A_2661 = arith.constant 30 : i32
    %swap3A_2662 = arith.index_cast %swap3A_2661 : i32 to index
    %swap3A_2663 = arith.constant 464 : index
    %swap3A_2664 = tpu.vector_load %arg5[%swap3A_2662, %swap3A_2663] {strides = array<i32>} : memref<32x512xf32, #tpu.memory_space<vmem>>, vector<1x16xf32>,
    %swap3A_2665 = vector.shape_cast %swap3A_2664 : vector<1x16xf32> to vector<16xf32>
    %swap3A_2666 = vector.shape_cast %get3A_2486 : vector<16xf32> to vector<1x16xf32>
    tpu.vector_store %arg5[%swap3A_2662, %swap3A_2663], %swap3A_2666 {strides = array<i32>} : memref<32x512xf32, #tpu.memory_space<vmem>>, vector<1x16xf32>,
    %swap3A_2667 = arith.constant 31 : i32
    %swap3A_2668 = arith.index_cast %swap3A_2667 : i32 to index
    %swap3A_2669 = arith.constant 464 : index
    %swap3A_2670 = tpu.vector_load %arg5[%swap3A_2668, %swap3A_2669] {strides = array<i32>} : memref<32x512xf32, #tpu.memory_space<vmem>>, vector<1x16xf32>,
    %swap3A_2671 = vector.shape_cast %swap3A_2670 : vector<1x16xf32> to vector<16xf32>
    %swap3A_2672 = vector.shape_cast %get3A_2486 : vector<16xf32> to vector<1x16xf32>
    tpu.vector_store %arg5[%swap3A_2668, %swap3A_2669], %swap3A_2672 {strides = array<i32>} : memref<32x512xf32, #tpu.memory_space<vmem>>, vector<1x16xf32>,
    %get3A_2673 = arith.constant 0 : i32
    %get3A_2674 = arith.index_cast %get3A_2673 : i32 to index
    %get3A_2675 = arith.constant 480 : index
    %get3A_2676 = tpu.vector_load %arg5[%get3A_2674, %get3A_2675] {strides = array<i32>} : memref<32x512xf32, #tpu.memory_space<vmem>>, vector<1x16xf32>,
    %get3A_2677 = vector.shape_cast %get3A_2676 : vector<1x16xf32> to vector<16xf32>
    %swap3A_2678 = arith.constant 1 : i32
    %swap3A_2679 = arith.index_cast %swap3A_2678 : i32 to index
    %swap3A_2680 = arith.constant 480 : index
    %swap3A_2681 = tpu.vector_load %arg5[%swap3A_2679, %swap3A_2680] {strides = array<i32>} : memref<32x512xf32, #tpu.memory_space<vmem>>, vector<1x16xf32>,
    %swap3A_2682 = vector.shape_cast %swap3A_2681 : vector<1x16xf32> to vector<16xf32>
    %swap3A_2683 = vector.shape_cast %get3A_2677 : vector<16xf32> to vector<1x16xf32>
    tpu.vector_store %arg5[%swap3A_2679, %swap3A_2680], %swap3A_2683 {strides = array<i32>} : memref<32x512xf32, #tpu.memory_space<vmem>>, vector<1x16xf32>,
    %swap3A_2684 = arith.constant 2 : i32
    %swap3A_2685 = arith.index_cast %swap3A_2684 : i32 to index
    %swap3A_2686 = arith.constant 480 : index
    %swap3A_2687 = tpu.vector_load %arg5[%swap3A_2685, %swap3A_2686] {strides = array<i32>} : memref<32x512xf32, #tpu.memory_space<vmem>>, vector<1x16xf32>,
    %swap3A_2688 = vector.shape_cast %swap3A_2687 : vector<1x16xf32> to vector<16xf32>
    %swap3A_2689 = vector.shape_cast %get3A_2677 : vector<16xf32> to vector<1x16xf32>
    tpu.vector_store %arg5[%swap3A_2685, %swap3A_2686], %swap3A_2689 {strides = array<i32>} : memref<32x512xf32, #tpu.memory_space<vmem>>, vector<1x16xf32>,
    %swap3A_2690 = arith.constant 3 : i32
    %swap3A_2691 = arith.index_cast %swap3A_2690 : i32 to index
    %swap3A_2692 = arith.constant 480 : index
    %swap3A_2693 = tpu.vector_load %arg5[%swap3A_2691, %swap3A_2692] {strides = array<i32>} : memref<32x512xf32, #tpu.memory_space<vmem>>, vector<1x16xf32>,
    %swap3A_2694 = vector.shape_cast %swap3A_2693 : vector<1x16xf32> to vector<16xf32>
    %swap3A_2695 = vector.shape_cast %get3A_2677 : vector<16xf32> to vector<1x16xf32>
    tpu.vector_store %arg5[%swap3A_2691, %swap3A_2692], %swap3A_2695 {strides = array<i32>} : memref<32x512xf32, #tpu.memory_space<vmem>>, vector<1x16xf32>,
    %swap3A_2696 = arith.constant 4 : i32
    %swap3A_2697 = arith.index_cast %swap3A_2696 : i32 to index
    %swap3A_2698 = arith.constant 480 : index
    %swap3A_2699 = tpu.vector_load %arg5[%swap3A_2697, %swap3A_2698] {strides = array<i32>} : memref<32x512xf32, #tpu.memory_space<vmem>>, vector<1x16xf32>,
    %swap3A_2700 = vector.shape_cast %swap3A_2699 : vector<1x16xf32> to vector<16xf32>
    %swap3A_2701 = vector.shape_cast %get3A_2677 : vector<16xf32> to vector<1x16xf32>
    tpu.vector_store %arg5[%swap3A_2697, %swap3A_2698], %swap3A_2701 {strides = array<i32>} : memref<32x512xf32, #tpu.memory_space<vmem>>, vector<1x16xf32>,
    %swap3A_2702 = arith.constant 5 : i32
    %swap3A_2703 = arith.index_cast %swap3A_2702 : i32 to index
    %swap3A_2704 = arith.constant 480 : index
    %swap3A_2705 = tpu.vector_load %arg5[%swap3A_2703, %swap3A_2704] {strides = array<i32>} : memref<32x512xf32, #tpu.memory_space<vmem>>, vector<1x16xf32>,
    %swap3A_2706 = vector.shape_cast %swap3A_2705 : vector<1x16xf32> to vector<16xf32>
    %swap3A_2707 = vector.shape_cast %get3A_2677 : vector<16xf32> to vector<1x16xf32>
    tpu.vector_store %arg5[%swap3A_2703, %swap3A_2704], %swap3A_2707 {strides = array<i32>} : memref<32x512xf32, #tpu.memory_space<vmem>>, vector<1x16xf32>,
    %swap3A_2708 = arith.constant 6 : i32
    %swap3A_2709 = arith.index_cast %swap3A_2708 : i32 to index
    %swap3A_2710 = arith.constant 480 : index
    %swap3A_2711 = tpu.vector_load %arg5[%swap3A_2709, %swap3A_2710] {strides = array<i32>} : memref<32x512xf32, #tpu.memory_space<vmem>>, vector<1x16xf32>,
    %swap3A_2712 = vector.shape_cast %swap3A_2711 : vector<1x16xf32> to vector<16xf32>
    %swap3A_2713 = vector.shape_cast %get3A_2677 : vector<16xf32> to vector<1x16xf32>
    tpu.vector_store %arg5[%swap3A_2709, %swap3A_2710], %swap3A_2713 {strides = array<i32>} : memref<32x512xf32, #tpu.memory_space<vmem>>, vector<1x16xf32>,
    %swap3A_2714 = arith.constant 7 : i32
    %swap3A_2715 = arith.index_cast %swap3A_2714 : i32 to index
    %swap3A_2716 = arith.constant 480 : index
    %swap3A_2717 = tpu.vector_load %arg5[%swap3A_2715, %swap3A_2716] {strides = array<i32>} : memref<32x512xf32, #tpu.memory_space<vmem>>, vector<1x16xf32>,
    %swap3A_2718 = vector.shape_cast %swap3A_2717 : vector<1x16xf32> to vector<16xf32>
    %swap3A_2719 = vector.shape_cast %get3A_2677 : vector<16xf32> to vector<1x16xf32>
    tpu.vector_store %arg5[%swap3A_2715, %swap3A_2716], %swap3A_2719 {strides = array<i32>} : memref<32x512xf32, #tpu.memory_space<vmem>>, vector<1x16xf32>,
    %swap3A_2720 = arith.constant 8 : i32
    %swap3A_2721 = arith.index_cast %swap3A_2720 : i32 to index
    %swap3A_2722 = arith.constant 480 : index
    %swap3A_2723 = tpu.vector_load %arg5[%swap3A_2721, %swap3A_2722] {strides = array<i32>} : memref<32x512xf32, #tpu.memory_space<vmem>>, vector<1x16xf32>,
    %swap3A_2724 = vector.shape_cast %swap3A_2723 : vector<1x16xf32> to vector<16xf32>
    %swap3A_2725 = vector.shape_cast %get3A_2677 : vector<16xf32> to vector<1x16xf32>
    tpu.vector_store %arg5[%swap3A_2721, %swap3A_2722], %swap3A_2725 {strides = array<i32>} : memref<32x512xf32, #tpu.memory_space<vmem>>, vector<1x16xf32>,
    %swap3A_2726 = arith.constant 9 : i32
    %swap3A_2727 = arith.index_cast %swap3A_2726 : i32 to index
    %swap3A_2728 = arith.constant 480 : index
    %swap3A_2729 = tpu.vector_load %arg5[%swap3A_2727, %swap3A_2728] {strides = array<i32>} : memref<32x512xf32, #tpu.memory_space<vmem>>, vector<1x16xf32>,
    %swap3A_2730 = vector.shape_cast %swap3A_2729 : vector<1x16xf32> to vector<16xf32>
    %swap3A_2731 = vector.shape_cast %get3A_2677 : vector<16xf32> to vector<1x16xf32>
    tpu.vector_store %arg5[%swap3A_2727, %swap3A_2728], %swap3A_2731 {strides = array<i32>} : memref<32x512xf32, #tpu.memory_space<vmem>>, vector<1x16xf32>,
    %swap3A_2732 = arith.constant 10 : i32
    %swap3A_2733 = arith.index_cast %swap3A_2732 : i32 to index
    %swap3A_2734 = arith.constant 480 : index
    %swap3A_2735 = tpu.vector_load %arg5[%swap3A_2733, %swap3A_2734] {strides = array<i32>} : memref<32x512xf32, #tpu.memory_space<vmem>>, vector<1x16xf32>,
    %swap3A_2736 = vector.shape_cast %swap3A_2735 : vector<1x16xf32> to vector<16xf32>
    %swap3A_2737 = vector.shape_cast %get3A_2677 : vector<16xf32> to vector<1x16xf32>
    tpu.vector_store %arg5[%swap3A_2733, %swap3A_2734], %swap3A_2737 {strides = array<i32>} : memref<32x512xf32, #tpu.memory_space<vmem>>, vector<1x16xf32>,
    %swap3A_2738 = arith.constant 11 : i32
    %swap3A_2739 = arith.index_cast %swap3A_2738 : i32 to index
    %swap3A_2740 = arith.constant 480 : index
    %swap3A_2741 = tpu.vector_load %arg5[%swap3A_2739, %swap3A_2740] {strides = array<i32>} : memref<32x512xf32, #tpu.memory_space<vmem>>, vector<1x16xf32>,
    %swap3A_2742 = vector.shape_cast %swap3A_2741 : vector<1x16xf32> to vector<16xf32>
    %swap3A_2743 = vector.shape_cast %get3A_2677 : vector<16xf32> to vector<1x16xf32>
    tpu.vector_store %arg5[%swap3A_2739, %swap3A_2740], %swap3A_2743 {strides = array<i32>} : memref<32x512xf32, #tpu.memory_space<vmem>>, vector<1x16xf32>,
    %swap3A_2744 = arith.constant 12 : i32
    %swap3A_2745 = arith.index_cast %swap3A_2744 : i32 to index
    %swap3A_2746 = arith.constant 480 : index
    %swap3A_2747 = tpu.vector_load %arg5[%swap3A_2745, %swap3A_2746] {strides = array<i32>} : memref<32x512xf32, #tpu.memory_space<vmem>>, vector<1x16xf32>,
    %swap3A_2748 = vector.shape_cast %swap3A_2747 : vector<1x16xf32> to vector<16xf32>
    %swap3A_2749 = vector.shape_cast %get3A_2677 : vector<16xf32> to vector<1x16xf32>
    tpu.vector_store %arg5[%swap3A_2745, %swap3A_2746], %swap3A_2749 {strides = array<i32>} : memref<32x512xf32, #tpu.memory_space<vmem>>, vector<1x16xf32>,
    %swap3A_2750 = arith.constant 13 : i32
    %swap3A_2751 = arith.index_cast %swap3A_2750 : i32 to index
    %swap3A_2752 = arith.constant 480 : index
    %swap3A_2753 = tpu.vector_load %arg5[%swap3A_2751, %swap3A_2752] {strides = array<i32>} : memref<32x512xf32, #tpu.memory_space<vmem>>, vector<1x16xf32>,
    %swap3A_2754 = vector.shape_cast %swap3A_2753 : vector<1x16xf32> to vector<16xf32>
    %swap3A_2755 = vector.shape_cast %get3A_2677 : vector<16xf32> to vector<1x16xf32>
    tpu.vector_store %arg5[%swap3A_2751, %swap3A_2752], %swap3A_2755 {strides = array<i32>} : memref<32x512xf32, #tpu.memory_space<vmem>>, vector<1x16xf32>,
    %swap3A_2756 = arith.constant 14 : i32
    %swap3A_2757 = arith.index_cast %swap3A_2756 : i32 to index
    %swap3A_2758 = arith.constant 480 : index
    %swap3A_2759 = tpu.vector_load %arg5[%swap3A_2757, %swap3A_2758] {strides = array<i32>} : memref<32x512xf32, #tpu.memory_space<vmem>>, vector<1x16xf32>,
    %swap3A_2760 = vector.shape_cast %swap3A_2759 : vector<1x16xf32> to vector<16xf32>
    %swap3A_2761 = vector.shape_cast %get3A_2677 : vector<16xf32> to vector<1x16xf32>
    tpu.vector_store %arg5[%swap3A_2757, %swap3A_2758], %swap3A_2761 {strides = array<i32>} : memref<32x512xf32, #tpu.memory_space<vmem>>, vector<1x16xf32>,
    %swap3A_2762 = arith.constant 15 : i32
    %swap3A_2763 = arith.index_cast %swap3A_2762 : i32 to index
    %swap3A_2764 = arith.constant 480 : index
    %swap3A_2765 = tpu.vector_load %arg5[%swap3A_2763, %swap3A_2764] {strides = array<i32>} : memref<32x512xf32, #tpu.memory_space<vmem>>, vector<1x16xf32>,
    %swap3A_2766 = vector.shape_cast %swap3A_2765 : vector<1x16xf32> to vector<16xf32>
    %swap3A_2767 = vector.shape_cast %get3A_2677 : vector<16xf32> to vector<1x16xf32>
    tpu.vector_store %arg5[%swap3A_2763, %swap3A_2764], %swap3A_2767 {strides = array<i32>} : memref<32x512xf32, #tpu.memory_space<vmem>>, vector<1x16xf32>,
    %swap3A_2768 = arith.constant 16 : i32
    %swap3A_2769 = arith.index_cast %swap3A_2768 : i32 to index
    %swap3A_2770 = arith.constant 480 : index
    %swap3A_2771 = tpu.vector_load %arg5[%swap3A_2769, %swap3A_2770] {strides = array<i32>} : memref<32x512xf32, #tpu.memory_space<vmem>>, vector<1x16xf32>,
    %swap3A_2772 = vector.shape_cast %swap3A_2771 : vector<1x16xf32> to vector<16xf32>
    %swap3A_2773 = vector.shape_cast %get3A_2677 : vector<16xf32> to vector<1x16xf32>
    tpu.vector_store %arg5[%swap3A_2769, %swap3A_2770], %swap3A_2773 {strides = array<i32>} : memref<32x512xf32, #tpu.memory_space<vmem>>, vector<1x16xf32>,
    %swap3A_2774 = arith.constant 17 : i32
    %swap3A_2775 = arith.index_cast %swap3A_2774 : i32 to index
    %swap3A_2776 = arith.constant 480 : index
    %swap3A_2777 = tpu.vector_load %arg5[%swap3A_2775, %swap3A_2776] {strides = array<i32>} : memref<32x512xf32, #tpu.memory_space<vmem>>, vector<1x16xf32>,
    %swap3A_2778 = vector.shape_cast %swap3A_2777 : vector<1x16xf32> to vector<16xf32>
    %swap3A_2779 = vector.shape_cast %get3A_2677 : vector<16xf32> to vector<1x16xf32>
    tpu.vector_store %arg5[%swap3A_2775, %swap3A_2776], %swap3A_2779 {strides = array<i32>} : memref<32x512xf32, #tpu.memory_space<vmem>>, vector<1x16xf32>,
    %swap3A_2780 = arith.constant 18 : i32
    %swap3A_2781 = arith.index_cast %swap3A_2780 : i32 to index
    %swap3A_2782 = arith.constant 480 : index
    %swap3A_2783 = tpu.vector_load %arg5[%swap3A_2781, %swap3A_2782] {strides = array<i32>} : memref<32x512xf32, #tpu.memory_space<vmem>>, vector<1x16xf32>,
    %swap3A_2784 = vector.shape_cast %swap3A_2783 : vector<1x16xf32> to vector<16xf32>
    %swap3A_2785 = vector.shape_cast %get3A_2677 : vector<16xf32> to vector<1x16xf32>
    tpu.vector_store %arg5[%swap3A_2781, %swap3A_2782], %swap3A_2785 {strides = array<i32>} : memref<32x512xf32, #tpu.memory_space<vmem>>, vector<1x16xf32>,
    %swap3A_2786 = arith.constant 19 : i32
    %swap3A_2787 = arith.index_cast %swap3A_2786 : i32 to index
    %swap3A_2788 = arith.constant 480 : index
    %swap3A_2789 = tpu.vector_load %arg5[%swap3A_2787, %swap3A_2788] {strides = array<i32>} : memref<32x512xf32, #tpu.memory_space<vmem>>, vector<1x16xf32>,
    %swap3A_2790 = vector.shape_cast %swap3A_2789 : vector<1x16xf32> to vector<16xf32>
    %swap3A_2791 = vector.shape_cast %get3A_2677 : vector<16xf32> to vector<1x16xf32>
    tpu.vector_store %arg5[%swap3A_2787, %swap3A_2788], %swap3A_2791 {strides = array<i32>} : memref<32x512xf32, #tpu.memory_space<vmem>>, vector<1x16xf32>,
    %swap3A_2792 = arith.constant 20 : i32
    %swap3A_2793 = arith.index_cast %swap3A_2792 : i32 to index
    %swap3A_2794 = arith.constant 480 : index
    %swap3A_2795 = tpu.vector_load %arg5[%swap3A_2793, %swap3A_2794] {strides = array<i32>} : memref<32x512xf32, #tpu.memory_space<vmem>>, vector<1x16xf32>,
    %swap3A_2796 = vector.shape_cast %swap3A_2795 : vector<1x16xf32> to vector<16xf32>
    %swap3A_2797 = vector.shape_cast %get3A_2677 : vector<16xf32> to vector<1x16xf32>
    tpu.vector_store %arg5[%swap3A_2793, %swap3A_2794], %swap3A_2797 {strides = array<i32>} : memref<32x512xf32, #tpu.memory_space<vmem>>, vector<1x16xf32>,
    %swap3A_2798 = arith.constant 21 : i32
    %swap3A_2799 = arith.index_cast %swap3A_2798 : i32 to index
    %swap3A_2800 = arith.constant 480 : index
    %swap3A_2801 = tpu.vector_load %arg5[%swap3A_2799, %swap3A_2800] {strides = array<i32>} : memref<32x512xf32, #tpu.memory_space<vmem>>, vector<1x16xf32>,
    %swap3A_2802 = vector.shape_cast %swap3A_2801 : vector<1x16xf32> to vector<16xf32>
    %swap3A_2803 = vector.shape_cast %get3A_2677 : vector<16xf32> to vector<1x16xf32>
    tpu.vector_store %arg5[%swap3A_2799, %swap3A_2800], %swap3A_2803 {strides = array<i32>} : memref<32x512xf32, #tpu.memory_space<vmem>>, vector<1x16xf32>,
    %swap3A_2804 = arith.constant 22 : i32
    %swap3A_2805 = arith.index_cast %swap3A_2804 : i32 to index
    %swap3A_2806 = arith.constant 480 : index
    %swap3A_2807 = tpu.vector_load %arg5[%swap3A_2805, %swap3A_2806] {strides = array<i32>} : memref<32x512xf32, #tpu.memory_space<vmem>>, vector<1x16xf32>,
    %swap3A_2808 = vector.shape_cast %swap3A_2807 : vector<1x16xf32> to vector<16xf32>
    %swap3A_2809 = vector.shape_cast %get3A_2677 : vector<16xf32> to vector<1x16xf32>
    tpu.vector_store %arg5[%swap3A_2805, %swap3A_2806], %swap3A_2809 {strides = array<i32>} : memref<32x512xf32, #tpu.memory_space<vmem>>, vector<1x16xf32>,
    %swap3A_2810 = arith.constant 23 : i32
    %swap3A_2811 = arith.index_cast %swap3A_2810 : i32 to index
    %swap3A_2812 = arith.constant 480 : index
    %swap3A_2813 = tpu.vector_load %arg5[%swap3A_2811, %swap3A_2812] {strides = array<i32>} : memref<32x512xf32, #tpu.memory_space<vmem>>, vector<1x16xf32>,
    %swap3A_2814 = vector.shape_cast %swap3A_2813 : vector<1x16xf32> to vector<16xf32>
    %swap3A_2815 = vector.shape_cast %get3A_2677 : vector<16xf32> to vector<1x16xf32>
    tpu.vector_store %arg5[%swap3A_2811, %swap3A_2812], %swap3A_2815 {strides = array<i32>} : memref<32x512xf32, #tpu.memory_space<vmem>>, vector<1x16xf32>,
    %swap3A_2816 = arith.constant 24 : i32
    %swap3A_2817 = arith.index_cast %swap3A_2816 : i32 to index
    %swap3A_2818 = arith.constant 480 : index
    %swap3A_2819 = tpu.vector_load %arg5[%swap3A_2817, %swap3A_2818] {strides = array<i32>} : memref<32x512xf32, #tpu.memory_space<vmem>>, vector<1x16xf32>,
    %swap3A_2820 = vector.shape_cast %swap3A_2819 : vector<1x16xf32> to vector<16xf32>
    %swap3A_2821 = vector.shape_cast %get3A_2677 : vector<16xf32> to vector<1x16xf32>
    tpu.vector_store %arg5[%swap3A_2817, %swap3A_2818], %swap3A_2821 {strides = array<i32>} : memref<32x512xf32, #tpu.memory_space<vmem>>, vector<1x16xf32>,
    %swap3A_2822 = arith.constant 25 : i32
    %swap3A_2823 = arith.index_cast %swap3A_2822 : i32 to index
    %swap3A_2824 = arith.constant 480 : index
    %swap3A_2825 = tpu.vector_load %arg5[%swap3A_2823, %swap3A_2824] {strides = array<i32>} : memref<32x512xf32, #tpu.memory_space<vmem>>, vector<1x16xf32>,
    %swap3A_2826 = vector.shape_cast %swap3A_2825 : vector<1x16xf32> to vector<16xf32>
    %swap3A_2827 = vector.shape_cast %get3A_2677 : vector<16xf32> to vector<1x16xf32>
    tpu.vector_store %arg5[%swap3A_2823, %swap3A_2824], %swap3A_2827 {strides = array<i32>} : memref<32x512xf32, #tpu.memory_space<vmem>>, vector<1x16xf32>,
    %swap3A_2828 = arith.constant 26 : i32
    %swap3A_2829 = arith.index_cast %swap3A_2828 : i32 to index
    %swap3A_2830 = arith.constant 480 : index
    %swap3A_2831 = tpu.vector_load %arg5[%swap3A_2829, %swap3A_2830] {strides = array<i32>} : memref<32x512xf32, #tpu.memory_space<vmem>>, vector<1x16xf32>,
    %swap3A_2832 = vector.shape_cast %swap3A_2831 : vector<1x16xf32> to vector<16xf32>
    %swap3A_2833 = vector.shape_cast %get3A_2677 : vector<16xf32> to vector<1x16xf32>
    tpu.vector_store %arg5[%swap3A_2829, %swap3A_2830], %swap3A_2833 {strides = array<i32>} : memref<32x512xf32, #tpu.memory_space<vmem>>, vector<1x16xf32>,
    %swap3A_2834 = arith.constant 27 : i32
    %swap3A_2835 = arith.index_cast %swap3A_2834 : i32 to index
    %swap3A_2836 = arith.constant 480 : index
    %swap3A_2837 = tpu.vector_load %arg5[%swap3A_2835, %swap3A_2836] {strides = array<i32>} : memref<32x512xf32, #tpu.memory_space<vmem>>, vector<1x16xf32>,
    %swap3A_2838 = vector.shape_cast %swap3A_2837 : vector<1x16xf32> to vector<16xf32>
    %swap3A_2839 = vector.shape_cast %get3A_2677 : vector<16xf32> to vector<1x16xf32>
    tpu.vector_store %arg5[%swap3A_2835, %swap3A_2836], %swap3A_2839 {strides = array<i32>} : memref<32x512xf32, #tpu.memory_space<vmem>>, vector<1x16xf32>,
    %swap3A_2840 = arith.constant 28 : i32
    %swap3A_2841 = arith.index_cast %swap3A_2840 : i32 to index
    %swap3A_2842 = arith.constant 480 : index
    %swap3A_2843 = tpu.vector_load %arg5[%swap3A_2841, %swap3A_2842] {strides = array<i32>} : memref<32x512xf32, #tpu.memory_space<vmem>>, vector<1x16xf32>,
    %swap3A_2844 = vector.shape_cast %swap3A_2843 : vector<1x16xf32> to vector<16xf32>
    %swap3A_2845 = vector.shape_cast %get3A_2677 : vector<16xf32> to vector<1x16xf32>
    tpu.vector_store %arg5[%swap3A_2841, %swap3A_2842], %swap3A_2845 {strides = array<i32>} : memref<32x512xf32, #tpu.memory_space<vmem>>, vector<1x16xf32>,
    %swap3A_2846 = arith.constant 29 : i32
    %swap3A_2847 = arith.index_cast %swap3A_2846 : i32 to index
    %swap3A_2848 = arith.constant 480 : index
    %swap3A_2849 = tpu.vector_load %arg5[%swap3A_2847, %swap3A_2848] {strides = array<i32>} : memref<32x512xf32, #tpu.memory_space<vmem>>, vector<1x16xf32>,
    %swap3A_2850 = vector.shape_cast %swap3A_2849 : vector<1x16xf32> to vector<16xf32>
    %swap3A_2851 = vector.shape_cast %get3A_2677 : vector<16xf32> to vector<1x16xf32>
    tpu.vector_store %arg5[%swap3A_2847, %swap3A_2848], %swap3A_2851 {strides = array<i32>} : memref<32x512xf32, #tpu.memory_space<vmem>>, vector<1x16xf32>,
    %swap3A_2852 = arith.constant 30 : i32
    %swap3A_2853 = arith.index_cast %swap3A_2852 : i32 to index
    %swap3A_2854 = arith.constant 480 : index
    %swap3A_2855 = tpu.vector_load %arg5[%swap3A_2853, %swap3A_2854] {strides = array<i32>} : memref<32x512xf32, #tpu.memory_space<vmem>>, vector<1x16xf32>,
    %swap3A_2856 = vector.shape_cast %swap3A_2855 : vector<1x16xf32> to vector<16xf32>
    %swap3A_2857 = vector.shape_cast %get3A_2677 : vector<16xf32> to vector<1x16xf32>
    tpu.vector_store %arg5[%swap3A_2853, %swap3A_2854], %swap3A_2857 {strides = array<i32>} : memref<32x512xf32, #tpu.memory_space<vmem>>, vector<1x16xf32>,
    %swap3A_2858 = arith.constant 31 : i32
    %swap3A_2859 = arith.index_cast %swap3A_2858 : i32 to index
    %swap3A_2860 = arith.constant 480 : index
    %swap3A_2861 = tpu.vector_load %arg5[%swap3A_2859, %swap3A_2860] {strides = array<i32>} : memref<32x512xf32, #tpu.memory_space<vmem>>, vector<1x16xf32>,
    %swap3A_2862 = vector.shape_cast %swap3A_2861 : vector<1x16xf32> to vector<16xf32>
    %swap3A_2863 = vector.shape_cast %get3A_2677 : vector<16xf32> to vector<1x16xf32>
    tpu.vector_store %arg5[%swap3A_2859, %swap3A_2860], %swap3A_2863 {strides = array<i32>} : memref<32x512xf32, #tpu.memory_space<vmem>>, vector<1x16xf32>,
    %get3A_2864 = arith.constant 0 : i32
    %get3A_2865 = arith.index_cast %get3A_2864 : i32 to index
    %get3A_2866 = arith.constant 496 : index
    %get3A_2867 = tpu.vector_load %arg5[%get3A_2865, %get3A_2866] {strides = array<i32>} : memref<32x512xf32, #tpu.memory_space<vmem>>, vector<1x16xf32>,
    %get3A_2868 = vector.shape_cast %get3A_2867 : vector<1x16xf32> to vector<16xf32>
    %swap3A_2869 = arith.constant 1 : i32
    %swap3A_2870 = arith.index_cast %swap3A_2869 : i32 to index
    %swap3A_2871 = arith.constant 496 : index
    %swap3A_2872 = tpu.vector_load %arg5[%swap3A_2870, %swap3A_2871] {strides = array<i32>} : memref<32x512xf32, #tpu.memory_space<vmem>>, vector<1x16xf32>,
    %swap3A_2873 = vector.shape_cast %swap3A_2872 : vector<1x16xf32> to vector<16xf32>
    %swap3A_2874 = vector.shape_cast %get3A_2868 : vector<16xf32> to vector<1x16xf32>
    tpu.vector_store %arg5[%swap3A_2870, %swap3A_2871], %swap3A_2874 {strides = array<i32>} : memref<32x512xf32, #tpu.memory_space<vmem>>, vector<1x16xf32>,
    %swap3A_2875 = arith.constant 2 : i32
    %swap3A_2876 = arith.index_cast %swap3A_2875 : i32 to index
    %swap3A_2877 = arith.constant 496 : index
    %swap3A_2878 = tpu.vector_load %arg5[%swap3A_2876, %swap3A_2877] {strides = array<i32>} : memref<32x512xf32, #tpu.memory_space<vmem>>, vector<1x16xf32>,
    %swap3A_2879 = vector.shape_cast %swap3A_2878 : vector<1x16xf32> to vector<16xf32>
    %swap3A_2880 = vector.shape_cast %get3A_2868 : vector<16xf32> to vector<1x16xf32>
    tpu.vector_store %arg5[%swap3A_2876, %swap3A_2877], %swap3A_2880 {strides = array<i32>} : memref<32x512xf32, #tpu.memory_space<vmem>>, vector<1x16xf32>,
    %swap3A_2881 = arith.constant 3 : i32
    %swap3A_2882 = arith.index_cast %swap3A_2881 : i32 to index
    %swap3A_2883 = arith.constant 496 : index
    %swap3A_2884 = tpu.vector_load %arg5[%swap3A_2882, %swap3A_2883] {strides = array<i32>} : memref<32x512xf32, #tpu.memory_space<vmem>>, vector<1x16xf32>,
    %swap3A_2885 = vector.shape_cast %swap3A_2884 : vector<1x16xf32> to vector<16xf32>
    %swap3A_2886 = vector.shape_cast %get3A_2868 : vector<16xf32> to vector<1x16xf32>
    tpu.vector_store %arg5[%swap3A_2882, %swap3A_2883], %swap3A_2886 {strides = array<i32>} : memref<32x512xf32, #tpu.memory_space<vmem>>, vector<1x16xf32>,
    %swap3A_2887 = arith.constant 4 : i32
    %swap3A_2888 = arith.index_cast %swap3A_2887 : i32 to index
    %swap3A_2889 = arith.constant 496 : index
    %swap3A_2890 = tpu.vector_load %arg5[%swap3A_2888, %swap3A_2889] {strides = array<i32>} : memref<32x512xf32, #tpu.memory_space<vmem>>, vector<1x16xf32>,
    %swap3A_2891 = vector.shape_cast %swap3A_2890 : vector<1x16xf32> to vector<16xf32>
    %swap3A_2892 = vector.shape_cast %get3A_2868 : vector<16xf32> to vector<1x16xf32>
    tpu.vector_store %arg5[%swap3A_2888, %swap3A_2889], %swap3A_2892 {strides = array<i32>} : memref<32x512xf32, #tpu.memory_space<vmem>>, vector<1x16xf32>,
    %swap3A_2893 = arith.constant 5 : i32
    %swap3A_2894 = arith.index_cast %swap3A_2893 : i32 to index
    %swap3A_2895 = arith.constant 496 : index
    %swap3A_2896 = tpu.vector_load %arg5[%swap3A_2894, %swap3A_2895] {strides = array<i32>} : memref<32x512xf32, #tpu.memory_space<vmem>>, vector<1x16xf32>,
    %swap3A_2897 = vector.shape_cast %swap3A_2896 : vector<1x16xf32> to vector<16xf32>
    %swap3A_2898 = vector.shape_cast %get3A_2868 : vector<16xf32> to vector<1x16xf32>
    tpu.vector_store %arg5[%swap3A_2894, %swap3A_2895], %swap3A_2898 {strides = array<i32>} : memref<32x512xf32, #tpu.memory_space<vmem>>, vector<1x16xf32>,
    %swap3A_2899 = arith.constant 6 : i32
    %swap3A_2900 = arith.index_cast %swap3A_2899 : i32 to index
    %swap3A_2901 = arith.constant 496 : index
    %swap3A_2902 = tpu.vector_load %arg5[%swap3A_2900, %swap3A_2901] {strides = array<i32>} : memref<32x512xf32, #tpu.memory_space<vmem>>, vector<1x16xf32>,
    %swap3A_2903 = vector.shape_cast %swap3A_2902 : vector<1x16xf32> to vector<16xf32>
    %swap3A_2904 = vector.shape_cast %get3A_2868 : vector<16xf32> to vector<1x16xf32>
    tpu.vector_store %arg5[%swap3A_2900, %swap3A_2901], %swap3A_2904 {strides = array<i32>} : memref<32x512xf32, #tpu.memory_space<vmem>>, vector<1x16xf32>,
    %swap3A_2905 = arith.constant 7 : i32
    %swap3A_2906 = arith.index_cast %swap3A_2905 : i32 to index
    %swap3A_2907 = arith.constant 496 : index
    %swap3A_2908 = tpu.vector_load %arg5[%swap3A_2906, %swap3A_2907] {strides = array<i32>} : memref<32x512xf32, #tpu.memory_space<vmem>>, vector<1x16xf32>,
    %swap3A_2909 = vector.shape_cast %swap3A_2908 : vector<1x16xf32> to vector<16xf32>
    %swap3A_2910 = vector.shape_cast %get3A_2868 : vector<16xf32> to vector<1x16xf32>
    tpu.vector_store %arg5[%swap3A_2906, %swap3A_2907], %swap3A_2910 {strides = array<i32>} : memref<32x512xf32, #tpu.memory_space<vmem>>, vector<1x16xf32>,
    %swap3A_2911 = arith.constant 8 : i32
    %swap3A_2912 = arith.index_cast %swap3A_2911 : i32 to index
    %swap3A_2913 = arith.constant 496 : index
    %swap3A_2914 = tpu.vector_load %arg5[%swap3A_2912, %swap3A_2913] {strides = array<i32>} : memref<32x512xf32, #tpu.memory_space<vmem>>, vector<1x16xf32>,
    %swap3A_2915 = vector.shape_cast %swap3A_2914 : vector<1x16xf32> to vector<16xf32>
    %swap3A_2916 = vector.shape_cast %get3A_2868 : vector<16xf32> to vector<1x16xf32>
    tpu.vector_store %arg5[%swap3A_2912, %swap3A_2913], %swap3A_2916 {strides = array<i32>} : memref<32x512xf32, #tpu.memory_space<vmem>>, vector<1x16xf32>,
    %swap3A_2917 = arith.constant 9 : i32
    %swap3A_2918 = arith.index_cast %swap3A_2917 : i32 to index
    %swap3A_2919 = arith.constant 496 : index
    %swap3A_2920 = tpu.vector_load %arg5[%swap3A_2918, %swap3A_2919] {strides = array<i32>} : memref<32x512xf32, #tpu.memory_space<vmem>>, vector<1x16xf32>,
    %swap3A_2921 = vector.shape_cast %swap3A_2920 : vector<1x16xf32> to vector<16xf32>
    %swap3A_2922 = vector.shape_cast %get3A_2868 : vector<16xf32> to vector<1x16xf32>
    tpu.vector_store %arg5[%swap3A_2918, %swap3A_2919], %swap3A_2922 {strides = array<i32>} : memref<32x512xf32, #tpu.memory_space<vmem>>, vector<1x16xf32>,
    %swap3A_2923 = arith.constant 10 : i32
    %swap3A_2924 = arith.index_cast %swap3A_2923 : i32 to index
    %swap3A_2925 = arith.constant 496 : index
    %swap3A_2926 = tpu.vector_load %arg5[%swap3A_2924, %swap3A_2925] {strides = array<i32>} : memref<32x512xf32, #tpu.memory_space<vmem>>, vector<1x16xf32>,
    %swap3A_2927 = vector.shape_cast %swap3A_2926 : vector<1x16xf32> to vector<16xf32>
    %swap3A_2928 = vector.shape_cast %get3A_2868 : vector<16xf32> to vector<1x16xf32>
    tpu.vector_store %arg5[%swap3A_2924, %swap3A_2925], %swap3A_2928 {strides = array<i32>} : memref<32x512xf32, #tpu.memory_space<vmem>>, vector<1x16xf32>,
    %swap3A_2929 = arith.constant 11 : i32
    %swap3A_2930 = arith.index_cast %swap3A_2929 : i32 to index
    %swap3A_2931 = arith.constant 496 : index
    %swap3A_2932 = tpu.vector_load %arg5[%swap3A_2930, %swap3A_2931] {strides = array<i32>} : memref<32x512xf32, #tpu.memory_space<vmem>>, vector<1x16xf32>,
    %swap3A_2933 = vector.shape_cast %swap3A_2932 : vector<1x16xf32> to vector<16xf32>
    %swap3A_2934 = vector.shape_cast %get3A_2868 : vector<16xf32> to vector<1x16xf32>
    tpu.vector_store %arg5[%swap3A_2930, %swap3A_2931], %swap3A_2934 {strides = array<i32>} : memref<32x512xf32, #tpu.memory_space<vmem>>, vector<1x16xf32>,
    %swap3A_2935 = arith.constant 12 : i32
    %swap3A_2936 = arith.index_cast %swap3A_2935 : i32 to index
    %swap3A_2937 = arith.constant 496 : index
    %swap3A_2938 = tpu.vector_load %arg5[%swap3A_2936, %swap3A_2937] {strides = array<i32>} : memref<32x512xf32, #tpu.memory_space<vmem>>, vector<1x16xf32>,
    %swap3A_2939 = vector.shape_cast %swap3A_2938 : vector<1x16xf32> to vector<16xf32>
    %swap3A_2940 = vector.shape_cast %get3A_2868 : vector<16xf32> to vector<1x16xf32>
    tpu.vector_store %arg5[%swap3A_2936, %swap3A_2937], %swap3A_2940 {strides = array<i32>} : memref<32x512xf32, #tpu.memory_space<vmem>>, vector<1x16xf32>,
    %swap3A_2941 = arith.constant 13 : i32
    %swap3A_2942 = arith.index_cast %swap3A_2941 : i32 to index
    %swap3A_2943 = arith.constant 496 : index
    %swap3A_2944 = tpu.vector_load %arg5[%swap3A_2942, %swap3A_2943] {strides = array<i32>} : memref<32x512xf32, #tpu.memory_space<vmem>>, vector<1x16xf32>,
    %swap3A_2945 = vector.shape_cast %swap3A_2944 : vector<1x16xf32> to vector<16xf32>
    %swap3A_2946 = vector.shape_cast %get3A_2868 : vector<16xf32> to vector<1x16xf32>
    tpu.vector_store %arg5[%swap3A_2942, %swap3A_2943], %swap3A_2946 {strides = array<i32>} : memref<32x512xf32, #tpu.memory_space<vmem>>, vector<1x16xf32>,
    %swap3A_2947 = arith.constant 14 : i32
    %swap3A_2948 = arith.index_cast %swap3A_2947 : i32 to index
    %swap3A_2949 = arith.constant 496 : index
    %swap3A_2950 = tpu.vector_load %arg5[%swap3A_2948, %swap3A_2949] {strides = array<i32>} : memref<32x512xf32, #tpu.memory_space<vmem>>, vector<1x16xf32>,
    %swap3A_2951 = vector.shape_cast %swap3A_2950 : vector<1x16xf32> to vector<16xf32>
    %swap3A_2952 = vector.shape_cast %get3A_2868 : vector<16xf32> to vector<1x16xf32>
    tpu.vector_store %arg5[%swap3A_2948, %swap3A_2949], %swap3A_2952 {strides = array<i32>} : memref<32x512xf32, #tpu.memory_space<vmem>>, vector<1x16xf32>,
    %swap3A_2953 = arith.constant 15 : i32
    %swap3A_2954 = arith.index_cast %swap3A_2953 : i32 to index
    %swap3A_2955 = arith.constant 496 : index
    %swap3A_2956 = tpu.vector_load %arg5[%swap3A_2954, %swap3A_2955] {strides = array<i32>} : memref<32x512xf32, #tpu.memory_space<vmem>>, vector<1x16xf32>,
    %swap3A_2957 = vector.shape_cast %swap3A_2956 : vector<1x16xf32> to vector<16xf32>
    %swap3A_2958 = vector.shape_cast %get3A_2868 : vector<16xf32> to vector<1x16xf32>
    tpu.vector_store %arg5[%swap3A_2954, %swap3A_2955], %swap3A_2958 {strides = array<i32>} : memref<32x512xf32, #tpu.memory_space<vmem>>, vector<1x16xf32>,
    %swap3A_2959 = arith.constant 16 : i32
    %swap3A_2960 = arith.index_cast %swap3A_2959 : i32 to index
    %swap3A_2961 = arith.constant 496 : index
    %swap3A_2962 = tpu.vector_load %arg5[%swap3A_2960, %swap3A_2961] {strides = array<i32>} : memref<32x512xf32, #tpu.memory_space<vmem>>, vector<1x16xf32>,
    %swap3A_2963 = vector.shape_cast %swap3A_2962 : vector<1x16xf32> to vector<16xf32>
    %swap3A_2964 = vector.shape_cast %get3A_2868 : vector<16xf32> to vector<1x16xf32>
    tpu.vector_store %arg5[%swap3A_2960, %swap3A_2961], %swap3A_2964 {strides = array<i32>} : memref<32x512xf32, #tpu.memory_space<vmem>>, vector<1x16xf32>,
    %swap3A_2965 = arith.constant 17 : i32
    %swap3A_2966 = arith.index_cast %swap3A_2965 : i32 to index
    %swap3A_2967 = arith.constant 496 : index
    %swap3A_2968 = tpu.vector_load %arg5[%swap3A_2966, %swap3A_2967] {strides = array<i32>} : memref<32x512xf32, #tpu.memory_space<vmem>>, vector<1x16xf32>,
    %swap3A_2969 = vector.shape_cast %swap3A_2968 : vector<1x16xf32> to vector<16xf32>
    %swap3A_2970 = vector.shape_cast %get3A_2868 : vector<16xf32> to vector<1x16xf32>
    tpu.vector_store %arg5[%swap3A_2966, %swap3A_2967], %swap3A_2970 {strides = array<i32>} : memref<32x512xf32, #tpu.memory_space<vmem>>, vector<1x16xf32>,
    %swap3A_2971 = arith.constant 18 : i32
    %swap3A_2972 = arith.index_cast %swap3A_2971 : i32 to index
    %swap3A_2973 = arith.constant 496 : index
    %swap3A_2974 = tpu.vector_load %arg5[%swap3A_2972, %swap3A_2973] {strides = array<i32>} : memref<32x512xf32, #tpu.memory_space<vmem>>, vector<1x16xf32>,
    %swap3A_2975 = vector.shape_cast %swap3A_2974 : vector<1x16xf32> to vector<16xf32>
    %swap3A_2976 = vector.shape_cast %get3A_2868 : vector<16xf32> to vector<1x16xf32>
    tpu.vector_store %arg5[%swap3A_2972, %swap3A_2973], %swap3A_2976 {strides = array<i32>} : memref<32x512xf32, #tpu.memory_space<vmem>>, vector<1x16xf32>,
    %swap3A_2977 = arith.constant 19 : i32
    %swap3A_2978 = arith.index_cast %swap3A_2977 : i32 to index
    %swap3A_2979 = arith.constant 496 : index
    %swap3A_2980 = tpu.vector_load %arg5[%swap3A_2978, %swap3A_2979] {strides = array<i32>} : memref<32x512xf32, #tpu.memory_space<vmem>>, vector<1x16xf32>,
    %swap3A_2981 = vector.shape_cast %swap3A_2980 : vector<1x16xf32> to vector<16xf32>
    %swap3A_2982 = vector.shape_cast %get3A_2868 : vector<16xf32> to vector<1x16xf32>
    tpu.vector_store %arg5[%swap3A_2978, %swap3A_2979], %swap3A_2982 {strides = array<i32>} : memref<32x512xf32, #tpu.memory_space<vmem>>, vector<1x16xf32>,
    %swap3A_2983 = arith.constant 20 : i32
    %swap3A_2984 = arith.index_cast %swap3A_2983 : i32 to index
    %swap3A_2985 = arith.constant 496 : index
    %swap3A_2986 = tpu.vector_load %arg5[%swap3A_2984, %swap3A_2985] {strides = array<i32>} : memref<32x512xf32, #tpu.memory_space<vmem>>, vector<1x16xf32>,
    %swap3A_2987 = vector.shape_cast %swap3A_2986 : vector<1x16xf32> to vector<16xf32>
    %swap3A_2988 = vector.shape_cast %get3A_2868 : vector<16xf32> to vector<1x16xf32>
    tpu.vector_store %arg5[%swap3A_2984, %swap3A_2985], %swap3A_2988 {strides = array<i32>} : memref<32x512xf32, #tpu.memory_space<vmem>>, vector<1x16xf32>,
    %swap3A_2989 = arith.constant 21 : i32
    %swap3A_2990 = arith.index_cast %swap3A_2989 : i32 to index
    %swap3A_2991 = arith.constant 496 : index
    %swap3A_2992 = tpu.vector_load %arg5[%swap3A_2990, %swap3A_2991] {strides = array<i32>} : memref<32x512xf32, #tpu.memory_space<vmem>>, vector<1x16xf32>,
    %swap3A_2993 = vector.shape_cast %swap3A_2992 : vector<1x16xf32> to vector<16xf32>
    %swap3A_2994 = vector.shape_cast %get3A_2868 : vector<16xf32> to vector<1x16xf32>
    tpu.vector_store %arg5[%swap3A_2990, %swap3A_2991], %swap3A_2994 {strides = array<i32>} : memref<32x512xf32, #tpu.memory_space<vmem>>, vector<1x16xf32>,
    %swap3A_2995 = arith.constant 22 : i32
    %swap3A_2996 = arith.index_cast %swap3A_2995 : i32 to index
    %swap3A_2997 = arith.constant 496 : index
    %swap3A_2998 = tpu.vector_load %arg5[%swap3A_2996, %swap3A_2997] {strides = array<i32>} : memref<32x512xf32, #tpu.memory_space<vmem>>, vector<1x16xf32>,
    %swap3A_2999 = vector.shape_cast %swap3A_2998 : vector<1x16xf32> to vector<16xf32>
    %swap3A_3000 = vector.shape_cast %get3A_2868 : vector<16xf32> to vector<1x16xf32>
    tpu.vector_store %arg5[%swap3A_2996, %swap3A_2997], %swap3A_3000 {strides = array<i32>} : memref<32x512xf32, #tpu.memory_space<vmem>>, vector<1x16xf32>,
    %swap3A_3001 = arith.constant 23 : i32
    %swap3A_3002 = arith.index_cast %swap3A_3001 : i32 to index
    %swap3A_3003 = arith.constant 496 : index
    %swap3A_3004 = tpu.vector_load %arg5[%swap3A_3002, %swap3A_3003] {strides = array<i32>} : memref<32x512xf32, #tpu.memory_space<vmem>>, vector<1x16xf32>,
    %swap3A_3005 = vector.shape_cast %swap3A_3004 : vector<1x16xf32> to vector<16xf32>
    %swap3A_3006 = vector.shape_cast %get3A_2868 : vector<16xf32> to vector<1x16xf32>
    tpu.vector_store %arg5[%swap3A_3002, %swap3A_3003], %swap3A_3006 {strides = array<i32>} : memref<32x512xf32, #tpu.memory_space<vmem>>, vector<1x16xf32>,
    %swap3A_3007 = arith.constant 24 : i32
    %swap3A_3008 = arith.index_cast %swap3A_3007 : i32 to index
    %swap3A_3009 = arith.constant 496 : index
    %swap3A_3010 = tpu.vector_load %arg5[%swap3A_3008, %swap3A_3009] {strides = array<i32>} : memref<32x512xf32, #tpu.memory_space<vmem>>, vector<1x16xf32>,
    %swap3A_3011 = vector.shape_cast %swap3A_3010 : vector<1x16xf32> to vector<16xf32>
    %swap3A_3012 = vector.shape_cast %get3A_2868 : vector<16xf32> to vector<1x16xf32>
    tpu.vector_store %arg5[%swap3A_3008, %swap3A_3009], %swap3A_3012 {strides = array<i32>} : memref<32x512xf32, #tpu.memory_space<vmem>>, vector<1x16xf32>,
    %swap3A_3013 = arith.constant 25 : i32
    %swap3A_3014 = arith.index_cast %swap3A_3013 : i32 to index
    %swap3A_3015 = arith.constant 496 : index
    %swap3A_3016 = tpu.vector_load %arg5[%swap3A_3014, %swap3A_3015] {strides = array<i32>} : memref<32x512xf32, #tpu.memory_space<vmem>>, vector<1x16xf32>,
    %swap3A_3017 = vector.shape_cast %swap3A_3016 : vector<1x16xf32> to vector<16xf32>
    %swap3A_3018 = vector.shape_cast %get3A_2868 : vector<16xf32> to vector<1x16xf32>
    tpu.vector_store %arg5[%swap3A_3014, %swap3A_3015], %swap3A_3018 {strides = array<i32>} : memref<32x512xf32, #tpu.memory_space<vmem>>, vector<1x16xf32>,
    %swap3A_3019 = arith.constant 26 : i32
    %swap3A_3020 = arith.index_cast %swap3A_3019 : i32 to index
    %swap3A_3021 = arith.constant 496 : index
    %swap3A_3022 = tpu.vector_load %arg5[%swap3A_3020, %swap3A_3021] {strides = array<i32>} : memref<32x512xf32, #tpu.memory_space<vmem>>, vector<1x16xf32>,
    %swap3A_3023 = vector.shape_cast %swap3A_3022 : vector<1x16xf32> to vector<16xf32>
    %swap3A_3024 = vector.shape_cast %get3A_2868 : vector<16xf32> to vector<1x16xf32>
    tpu.vector_store %arg5[%swap3A_3020, %swap3A_3021], %swap3A_3024 {strides = array<i32>} : memref<32x512xf32, #tpu.memory_space<vmem>>, vector<1x16xf32>,
    %swap3A_3025 = arith.constant 27 : i32
    %swap3A_3026 = arith.index_cast %swap3A_3025 : i32 to index
    %swap3A_3027 = arith.constant 496 : index
    %swap3A_3028 = tpu.vector_load %arg5[%swap3A_3026, %swap3A_3027] {strides = array<i32>} : memref<32x512xf32, #tpu.memory_space<vmem>>, vector<1x16xf32>,
    %swap3A_3029 = vector.shape_cast %swap3A_3028 : vector<1x16xf32> to vector<16xf32>
    %swap3A_3030 = vector.shape_cast %get3A_2868 : vector<16xf32> to vector<1x16xf32>
    tpu.vector_store %arg5[%swap3A_3026, %swap3A_3027], %swap3A_3030 {strides = array<i32>} : memref<32x512xf32, #tpu.memory_space<vmem>>, vector<1x16xf32>,
    %swap3A_3031 = arith.constant 28 : i32
    %swap3A_3032 = arith.index_cast %swap3A_3031 : i32 to index
    %swap3A_3033 = arith.constant 496 : index
    %swap3A_3034 = tpu.vector_load %arg5[%swap3A_3032, %swap3A_3033] {strides = array<i32>} : memref<32x512xf32, #tpu.memory_space<vmem>>, vector<1x16xf32>,
    %swap3A_3035 = vector.shape_cast %swap3A_3034 : vector<1x16xf32> to vector<16xf32>
    %swap3A_3036 = vector.shape_cast %get3A_2868 : vector<16xf32> to vector<1x16xf32>
    tpu.vector_store %arg5[%swap3A_3032, %swap3A_3033], %swap3A_3036 {strides = array<i32>} : memref<32x512xf32, #tpu.memory_space<vmem>>, vector<1x16xf32>,
    %swap3A_3037 = arith.constant 29 : i32
    %swap3A_3038 = arith.index_cast %swap3A_3037 : i32 to index
    %swap3A_3039 = arith.constant 496 : index
    %swap3A_3040 = tpu.vector_load %arg5[%swap3A_3038, %swap3A_3039] {strides = array<i32>} : memref<32x512xf32, #tpu.memory_space<vmem>>, vector<1x16xf32>,
    %swap3A_3041 = vector.shape_cast %swap3A_3040 : vector<1x16xf32> to vector<16xf32>
    %swap3A_3042 = vector.shape_cast %get3A_2868 : vector<16xf32> to vector<1x16xf32>
    tpu.vector_store %arg5[%swap3A_3038, %swap3A_3039], %swap3A_3042 {strides = array<i32>} : memref<32x512xf32, #tpu.memory_space<vmem>>, vector<1x16xf32>,
    %swap3A_3043 = arith.constant 30 : i32
    %swap3A_3044 = arith.index_cast %swap3A_3043 : i32 to index
    %swap3A_3045 = arith.constant 496 : index
    %swap3A_3046 = tpu.vector_load %arg5[%swap3A_3044, %swap3A_3045] {strides = array<i32>} : memref<32x512xf32, #tpu.memory_space<vmem>>, vector<1x16xf32>,
    %swap3A_3047 = vector.shape_cast %swap3A_3046 : vector<1x16xf32> to vector<16xf32>
    %swap3A_3048 = vector.shape_cast %get3A_2868 : vector<16xf32> to vector<1x16xf32>
    tpu.vector_store %arg5[%swap3A_3044, %swap3A_3045], %swap3A_3048 {strides = array<i32>} : memref<32x512xf32, #tpu.memory_space<vmem>>, vector<1x16xf32>,
    %swap3A_3049 = arith.constant 31 : i32
    %swap3A_3050 = arith.index_cast %swap3A_3049 : i32 to index
    %swap3A_3051 = arith.constant 496 : index
    %swap3A_3052 = tpu.vector_load %arg5[%swap3A_3050, %swap3A_3051] {strides = array<i32>} : memref<32x512xf32, #tpu.memory_space<vmem>>, vector<1x16xf32>,
    %swap3A_3053 = vector.shape_cast %swap3A_3052 : vector<1x16xf32> to vector<16xf32>
    %swap3A_3054 = vector.shape_cast %get3A_2868 : vector<16xf32> to vector<1x16xf32>
    tpu.vector_store %arg5[%swap3A_3050, %swap3A_3051], %swap3A_3054 {strides = array<i32>} : memref<32x512xf32, #tpu.memory_space<vmem>>, vector<1x16xf32>,
    %dma_start3A = arith.constant 0 : i32
    %dma_start3A_3055 = arith.constant 0 : i32
    %dma_start3A_3056 = arith.constant 0 : i32
    %dma_start3A_3057 = tpu.memref_slice %arg4[%dma_start3A, %add3A, %dma_start3A_3055, %dma_start3A_3056] : memref<8x32x32x512xf32, #tpu.memory_space<hbm>> -> memref<1x1x32x512xf32, #tpu.memory_space<hbm>>
    %dma_start3A_3058 = tpu.memref_squeeze %dma_start3A_3057 : memref<1x1x32x512xf32, #tpu.memory_space<hbm>> -> memref<32x512xf32, #tpu.memory_space<hbm>>
    %dma_start3A_3059 = arith.constant 0 : i32
    %dma_start3A_3060 = arith.constant 0 : i32
    %dma_start3A_3061 = tpu.memref_slice %arg4[%dma_start3A, %add3A, %dma_start3A_3059, %dma_start3A_3060] : memref<8x32x32x512xf32, #tpu.memory_space<hbm>> -> memref<1x1x32x512xf32, #tpu.memory_space<hbm>>
    %dma_start3A_3062 = tpu.memref_squeeze %dma_start3A_3061 : memref<1x1x32x512xf32, #tpu.memory_space<hbm>> -> memref<32x512xf32, #tpu.memory_space<hbm>>
    tpu.enqueue_dma source(%arg5 : memref<32x512xf32, #tpu.memory_space<vmem>>) target(%dma_start3A_3062 : memref<32x512xf32, #tpu.memory_space<hbm>>) target_semaphore(%arg6 : memref<!tpu.dma_semaphore, #tpu.memory_space<semaphore_mem>>)
    %dma_start3A_3063 = arith.constant 1 : i32
    %dma_start3A_3064 = arith.constant 0 : i32
    %dma_start3A_3065 = arith.constant 0 : i32
    %dma_start3A_3066 = tpu.memref_slice %arg4[%dma_start3A_3063, %add3A, %dma_start3A_3064, %dma_start3A_3065] : memref<8x32x32x512xf32, #tpu.memory_space<hbm>> -> memref<1x1x32x512xf32, #tpu.memory_space<hbm>>
    %dma_start3A_3067 = tpu.memref_squeeze %dma_start3A_3066 : memref<1x1x32x512xf32, #tpu.memory_space<hbm>> -> memref<32x512xf32, #tpu.memory_space<hbm>>
    %dma_start3A_3068 = arith.constant 0 : i32
    %dma_start3A_3069 = arith.constant 0 : i32
    %dma_start3A_3070 = tpu.memref_slice %arg4[%dma_start3A_3063, %add3A, %dma_start3A_3068, %dma_start3A_3069] : memref<8x32x32x512xf32, #tpu.memory_space<hbm>> -> memref<1x1x32x512xf32, #tpu.memory_space<hbm>>
    %dma_start3A_3071 = tpu.memref_squeeze %dma_start3A_3070 : memref<1x1x32x512xf32, #tpu.memory_space<hbm>> -> memref<32x512xf32, #tpu.memory_space<hbm>>
    tpu.enqueue_dma source(%arg5 : memref<32x512xf32, #tpu.memory_space<vmem>>) target(%dma_start3A_3071 : memref<32x512xf32, #tpu.memory_space<hbm>>) target_semaphore(%arg6 : memref<!tpu.dma_semaphore, #tpu.memory_space<semaphore_mem>>)
    %dma_start3A_3072 = arith.constant 2 : i32
    %dma_start3A_3073 = arith.constant 0 : i32
    %dma_start3A_3074 = arith.constant 0 : i32
    %dma_start3A_3075 = tpu.memref_slice %arg4[%dma_start3A_3072, %add3A, %dma_start3A_3073, %dma_start3A_3074] : memref<8x32x32x512xf32, #tpu.memory_space<hbm>> -> memref<1x1x32x512xf32, #tpu.memory_space<hbm>>
    %dma_start3A_3076 = tpu.memref_squeeze %dma_start3A_3075 : memref<1x1x32x512xf32, #tpu.memory_space<hbm>> -> memref<32x512xf32, #tpu.memory_space<hbm>>
    %dma_start3A_3077 = arith.constant 0 : i32
    %dma_start3A_3078 = arith.constant 0 : i32
    %dma_start3A_3079 = tpu.memref_slice %arg4[%dma_start3A_3072, %add3A, %dma_start3A_3077, %dma_start3A_3078] : memref<8x32x32x512xf32, #tpu.memory_space<hbm>> -> memref<1x1x32x512xf32, #tpu.memory_space<hbm>>
    %dma_start3A_3080 = tpu.memref_squeeze %dma_start3A_3079 : memref<1x1x32x512xf32, #tpu.memory_space<hbm>> -> memref<32x512xf32, #tpu.memory_space<hbm>>
    tpu.enqueue_dma source(%arg5 : memref<32x512xf32, #tpu.memory_space<vmem>>) target(%dma_start3A_3080 : memref<32x512xf32, #tpu.memory_space<hbm>>) target_semaphore(%arg6 : memref<!tpu.dma_semaphore, #tpu.memory_space<semaphore_mem>>)
    %dma_start3A_3081 = arith.constant 3 : i32
    %dma_start3A_3082 = arith.constant 0 : i32
    %dma_start3A_3083 = arith.constant 0 : i32
    %dma_start3A_3084 = tpu.memref_slice %arg4[%dma_start3A_3081, %add3A, %dma_start3A_3082, %dma_start3A_3083] : memref<8x32x32x512xf32, #tpu.memory_space<hbm>> -> memref<1x1x32x512xf32, #tpu.memory_space<hbm>>
    %dma_start3A_3085 = tpu.memref_squeeze %dma_start3A_3084 : memref<1x1x32x512xf32, #tpu.memory_space<hbm>> -> memref<32x512xf32, #tpu.memory_space<hbm>>
    %dma_start3A_3086 = arith.constant 0 : i32
    %dma_start3A_3087 = arith.constant 0 : i32
    %dma_start3A_3088 = tpu.memref_slice %arg4[%dma_start3A_3081, %add3A, %dma_start3A_3086, %dma_start3A_3087] : memref<8x32x32x512xf32, #tpu.memory_space<hbm>> -> memref<1x1x32x512xf32, #tpu.memory_space<hbm>>
    %dma_start3A_3089 = tpu.memref_squeeze %dma_start3A_3088 : memref<1x1x32x512xf32, #tpu.memory_space<hbm>> -> memref<32x512xf32, #tpu.memory_space<hbm>>
    tpu.enqueue_dma source(%arg5 : memref<32x512xf32, #tpu.memory_space<vmem>>) target(%dma_start3A_3089 : memref<32x512xf32, #tpu.memory_space<hbm>>) target_semaphore(%arg6 : memref<!tpu.dma_semaphore, #tpu.memory_space<semaphore_mem>>)
    %dma_start3A_3090 = arith.constant 4 : i32
    %dma_start3A_3091 = arith.constant 0 : i32
    %dma_start3A_3092 = arith.constant 0 : i32
    %dma_start3A_3093 = tpu.memref_slice %arg4[%dma_start3A_3090, %add3A, %dma_start3A_3091, %dma_start3A_3092] : memref<8x32x32x512xf32, #tpu.memory_space<hbm>> -> memref<1x1x32x512xf32, #tpu.memory_space<hbm>>
    %dma_start3A_3094 = tpu.memref_squeeze %dma_start3A_3093 : memref<1x1x32x512xf32, #tpu.memory_space<hbm>> -> memref<32x512xf32, #tpu.memory_space<hbm>>
    %dma_start3A_3095 = arith.constant 0 : i32
    %dma_start3A_3096 = arith.constant 0 : i32
    %dma_start3A_3097 = tpu.memref_slice %arg4[%dma_start3A_3090, %add3A, %dma_start3A_3095, %dma_start3A_3096] : memref<8x32x32x512xf32, #tpu.memory_space<hbm>> -> memref<1x1x32x512xf32, #tpu.memory_space<hbm>>
    %dma_start3A_3098 = tpu.memref_squeeze %dma_start3A_3097 : memref<1x1x32x512xf32, #tpu.memory_space<hbm>> -> memref<32x512xf32, #tpu.memory_space<hbm>>
    tpu.enqueue_dma source(%arg5 : memref<32x512xf32, #tpu.memory_space<vmem>>) target(%dma_start3A_3098 : memref<32x512xf32, #tpu.memory_space<hbm>>) target_semaphore(%arg6 : memref<!tpu.dma_semaphore, #tpu.memory_space<semaphore_mem>>)
    %dma_start3A_3099 = arith.constant 5 : i32
    %dma_start3A_3100 = arith.constant 0 : i32
    %dma_start3A_3101 = arith.constant 0 : i32
    %dma_start3A_3102 = tpu.memref_slice %arg4[%dma_start3A_3099, %add3A, %dma_start3A_3100, %dma_start3A_3101] : memref<8x32x32x512xf32, #tpu.memory_space<hbm>> -> memref<1x1x32x512xf32, #tpu.memory_space<hbm>>
    %dma_start3A_3103 = tpu.memref_squeeze %dma_start3A_3102 : memref<1x1x32x512xf32, #tpu.memory_space<hbm>> -> memref<32x512xf32, #tpu.memory_space<hbm>>
    %dma_start3A_3104 = arith.constant 0 : i32
    %dma_start3A_3105 = arith.constant 0 : i32
    %dma_start3A_3106 = tpu.memref_slice %arg4[%dma_start3A_3099, %add3A, %dma_start3A_3104, %dma_start3A_3105] : memref<8x32x32x512xf32, #tpu.memory_space<hbm>> -> memref<1x1x32x512xf32, #tpu.memory_space<hbm>>
    %dma_start3A_3107 = tpu.memref_squeeze %dma_start3A_3106 : memref<1x1x32x512xf32, #tpu.memory_space<hbm>> -> memref<32x512xf32, #tpu.memory_space<hbm>>
    tpu.enqueue_dma source(%arg5 : memref<32x512xf32, #tpu.memory_space<vmem>>) target(%dma_start3A_3107 : memref<32x512xf32, #tpu.memory_space<hbm>>) target_semaphore(%arg6 : memref<!tpu.dma_semaphore, #tpu.memory_space<semaphore_mem>>)
    %dma_start3A_3108 = arith.constant 6 : i32
    %dma_start3A_3109 = arith.constant 0 : i32
    %dma_start3A_3110 = arith.constant 0 : i32
    %dma_start3A_3111 = tpu.memref_slice %arg4[%dma_start3A_3108, %add3A, %dma_start3A_3109, %dma_start3A_3110] : memref<8x32x32x512xf32, #tpu.memory_space<hbm>> -> memref<1x1x32x512xf32, #tpu.memory_space<hbm>>
    %dma_start3A_3112 = tpu.memref_squeeze %dma_start3A_3111 : memref<1x1x32x512xf32, #tpu.memory_space<hbm>> -> memref<32x512xf32, #tpu.memory_space<hbm>>
    %dma_start3A_3113 = arith.constant 0 : i32
    %dma_start3A_3114 = arith.constant 0 : i32
    %dma_start3A_3115 = tpu.memref_slice %arg4[%dma_start3A_3108, %add3A, %dma_start3A_3113, %dma_start3A_3114] : memref<8x32x32x512xf32, #tpu.memory_space<hbm>> -> memref<1x1x32x512xf32, #tpu.memory_space<hbm>>
    %dma_start3A_3116 = tpu.memref_squeeze %dma_start3A_3115 : memref<1x1x32x512xf32, #tpu.memory_space<hbm>> -> memref<32x512xf32, #tpu.memory_space<hbm>>
    tpu.enqueue_dma source(%arg5 : memref<32x512xf32, #tpu.memory_space<vmem>>) target(%dma_start3A_3116 : memref<32x512xf32, #tpu.memory_space<hbm>>) target_semaphore(%arg6 : memref<!tpu.dma_semaphore, #tpu.memory_space<semaphore_mem>>)
    %dma_start3A_3117 = arith.constant 7 : i32
    %dma_start3A_3118 = arith.constant 0 : i32
    %dma_start3A_3119 = arith.constant 0 : i32
    %dma_start3A_3120 = tpu.memref_slice %arg4[%dma_start3A_3117, %add3A, %dma_start3A_3118, %dma_start3A_3119] : memref<8x32x32x512xf32, #tpu.memory_space<hbm>> -> memref<1x1x32x512xf32, #tpu.memory_space<hbm>>
    %dma_start3A_3121 = tpu.memref_squeeze %dma_start3A_3120 : memref<1x1x32x512xf32, #tpu.memory_space<hbm>> -> memref<32x512xf32, #tpu.memory_space<hbm>>
    %dma_start3A_3122 = arith.constant 0 : i32
    %dma_start3A_3123 = arith.constant 0 : i32
    %dma_start3A_3124 = tpu.memref_slice %arg4[%dma_start3A_3117, %add3A, %dma_start3A_3122, %dma_start3A_3123] : memref<8x32x32x512xf32, #tpu.memory_space<hbm>> -> memref<1x1x32x512xf32, #tpu.memory_space<hbm>>
    %dma_start3A_3125 = tpu.memref_squeeze %dma_start3A_3124 : memref<1x1x32x512xf32, #tpu.memory_space<hbm>> -> memref<32x512xf32, #tpu.memory_space<hbm>>
    tpu.enqueue_dma source(%arg5 : memref<32x512xf32, #tpu.memory_space<vmem>>) target(%dma_start3A_3125 : memref<32x512xf32, #tpu.memory_space<hbm>>) target_semaphore(%arg6 : memref<!tpu.dma_semaphore, #tpu.memory_space<semaphore_mem>>)
    %dma_wait3A = arith.constant 0 : i32
    %dma_wait3A_3126 = arith.constant 0 : i32
    %dma_wait3A_3127 = arith.constant 0 : i32
    %dma_wait3A_3128 = tpu.memref_slice %arg4[%dma_wait3A, %add3A, %dma_wait3A_3126, %dma_wait3A_3127] : memref<8x32x32x512xf32, #tpu.memory_space<hbm>> -> memref<1x1x32x512xf32, #tpu.memory_space<hbm>>
    %dma_wait3A_3129 = tpu.memref_squeeze %dma_wait3A_3128 : memref<1x1x32x512xf32, #tpu.memory_space<hbm>> -> memref<32x512xf32, #tpu.memory_space<hbm>>
    %dma_wait3A_3130 = arith.constant 0 : i32
    %dma_wait3A_3131 = arith.constant 0 : i32
    %dma_wait3A_3132 = tpu.memref_slice %arg4[%dma_wait3A, %add3A, %dma_wait3A_3130, %dma_wait3A_3131] : memref<8x32x32x512xf32, #tpu.memory_space<hbm>> -> memref<1x1x32x512xf32, #tpu.memory_space<hbm>>
    %dma_wait3A_3133 = tpu.memref_squeeze %dma_wait3A_3132 : memref<1x1x32x512xf32, #tpu.memory_space<hbm>> -> memref<32x512xf32, #tpu.memory_space<hbm>>
    tpu.wait_dma2 semaphore(%arg6 : memref<!tpu.dma_semaphore, #tpu.memory_space<semaphore_mem>>) src(%arg5 : memref<32x512xf32, #tpu.memory_space<vmem>>) dst(%dma_wait3A_3133 : memref<32x512xf32, #tpu.memory_space<hbm>>)
    %dma_wait3A_3134 = arith.constant 1 : i32
    %dma_wait3A_3135 = arith.constant 0 : i32
    %dma_wait3A_3136 = arith.constant 0 : i32
    %dma_wait3A_3137 = tpu.memref_slice %arg4[%dma_wait3A_3134, %add3A, %dma_wait3A_3135, %dma_wait3A_3136] : memref<8x32x32x512xf32, #tpu.memory_space<hbm>> -> memref<1x1x32x512xf32, #tpu.memory_space<hbm>>
    %dma_wait3A_3138 = tpu.memref_squeeze %dma_wait3A_3137 : memref<1x1x32x512xf32, #tpu.memory_space<hbm>> -> memref<32x512xf32, #tpu.memory_space<hbm>>
    %dma_wait3A_3139 = arith.constant 0 : i32
    %dma_wait3A_3140 = arith.constant 0 : i32
    %dma_wait3A_3141 = tpu.memref_slice %arg4[%dma_wait3A_3134, %add3A, %dma_wait3A_3139, %dma_wait3A_3140] : memref<8x32x32x512xf32, #tpu.memory_space<hbm>> -> memref<1x1x32x512xf32, #tpu.memory_space<hbm>>
    %dma_wait3A_3142 = tpu.memref_squeeze %dma_wait3A_3141 : memref<1x1x32x512xf32, #tpu.memory_space<hbm>> -> memref<32x512xf32, #tpu.memory_space<hbm>>
    tpu.wait_dma2 semaphore(%arg6 : memref<!tpu.dma_semaphore, #tpu.memory_space<semaphore_mem>>) src(%arg5 : memref<32x512xf32, #tpu.memory_space<vmem>>) dst(%dma_wait3A_3142 : memref<32x512xf32, #tpu.memory_space<hbm>>)
    %dma_wait3A_3143 = arith.constant 2 : i32
    %dma_wait3A_3144 = arith.constant 0 : i32
    %dma_wait3A_3145 = arith.constant 0 : i32
    %dma_wait3A_3146 = tpu.memref_slice %arg4[%dma_wait3A_3143, %add3A, %dma_wait3A_3144, %dma_wait3A_3145] : memref<8x32x32x512xf32, #tpu.memory_space<hbm>> -> memref<1x1x32x512xf32, #tpu.memory_space<hbm>>
    %dma_wait3A_3147 = tpu.memref_squeeze %dma_wait3A_3146 : memref<1x1x32x512xf32, #tpu.memory_space<hbm>> -> memref<32x512xf32, #tpu.memory_space<hbm>>
    %dma_wait3A_3148 = arith.constant 0 : i32
    %dma_wait3A_3149 = arith.constant 0 : i32
    %dma_wait3A_3150 = tpu.memref_slice %arg4[%dma_wait3A_3143, %add3A, %dma_wait3A_3148, %dma_wait3A_3149] : memref<8x32x32x512xf32, #tpu.memory_space<hbm>> -> memref<1x1x32x512xf32, #tpu.memory_space<hbm>>
    %dma_wait3A_3151 = tpu.memref_squeeze %dma_wait3A_3150 : memref<1x1x32x512xf32, #tpu.memory_space<hbm>> -> memref<32x512xf32, #tpu.memory_space<hbm>>
    tpu.wait_dma2 semaphore(%arg6 : memref<!tpu.dma_semaphore, #tpu.memory_space<semaphore_mem>>) src(%arg5 : memref<32x512xf32, #tpu.memory_space<vmem>>) dst(%dma_wait3A_3151 : memref<32x512xf32, #tpu.memory_space<hbm>>)
    %dma_wait3A_3152 = arith.constant 3 : i32
    %dma_wait3A_3153 = arith.constant 0 : i32
    %dma_wait3A_3154 = arith.constant 0 : i32
    %dma_wait3A_3155 = tpu.memref_slice %arg4[%dma_wait3A_3152, %add3A, %dma_wait3A_3153, %dma_wait3A_3154] : memref<8x32x32x512xf32, #tpu.memory_space<hbm>> -> memref<1x1x32x512xf32, #tpu.memory_space<hbm>>
    %dma_wait3A_3156 = tpu.memref_squeeze %dma_wait3A_3155 : memref<1x1x32x512xf32, #tpu.memory_space<hbm>> -> memref<32x512xf32, #tpu.memory_space<hbm>>
    %dma_wait3A_3157 = arith.constant 0 : i32
    %dma_wait3A_3158 = arith.constant 0 : i32
    %dma_wait3A_3159 = tpu.memref_slice %arg4[%dma_wait3A_3152, %add3A, %dma_wait3A_3157, %dma_wait3A_3158] : memref<8x32x32x512xf32, #tpu.memory_space<hbm>> -> memref<1x1x32x512xf32, #tpu.memory_space<hbm>>
    %dma_wait3A_3160 = tpu.memref_squeeze %dma_wait3A_3159 : memref<1x1x32x512xf32, #tpu.memory_space<hbm>> -> memref<32x512xf32, #tpu.memory_space<hbm>>
    tpu.wait_dma2 semaphore(%arg6 : memref<!tpu.dma_semaphore, #tpu.memory_space<semaphore_mem>>) src(%arg5 : memref<32x512xf32, #tpu.memory_space<vmem>>) dst(%dma_wait3A_3160 : memref<32x512xf32, #tpu.memory_space<hbm>>)
    %dma_wait3A_3161 = arith.constant 4 : i32
    %dma_wait3A_3162 = arith.constant 0 : i32
    %dma_wait3A_3163 = arith.constant 0 : i32
    %dma_wait3A_3164 = tpu.memref_slice %arg4[%dma_wait3A_3161, %add3A, %dma_wait3A_3162, %dma_wait3A_3163] : memref<8x32x32x512xf32, #tpu.memory_space<hbm>> -> memref<1x1x32x512xf32, #tpu.memory_space<hbm>>
    %dma_wait3A_3165 = tpu.memref_squeeze %dma_wait3A_3164 : memref<1x1x32x512xf32, #tpu.memory_space<hbm>> -> memref<32x512xf32, #tpu.memory_space<hbm>>
    %dma_wait3A_3166 = arith.constant 0 : i32
    %dma_wait3A_3167 = arith.constant 0 : i32
    %dma_wait3A_3168 = tpu.memref_slice %arg4[%dma_wait3A_3161, %add3A, %dma_wait3A_3166, %dma_wait3A_3167] : memref<8x32x32x512xf32, #tpu.memory_space<hbm>> -> memref<1x1x32x512xf32, #tpu.memory_space<hbm>>
    %dma_wait3A_3169 = tpu.memref_squeeze %dma_wait3A_3168 : memref<1x1x32x512xf32, #tpu.memory_space<hbm>> -> memref<32x512xf32, #tpu.memory_space<hbm>>
    tpu.wait_dma2 semaphore(%arg6 : memref<!tpu.dma_semaphore, #tpu.memory_space<semaphore_mem>>) src(%arg5 : memref<32x512xf32, #tpu.memory_space<vmem>>) dst(%dma_wait3A_3169 : memref<32x512xf32, #tpu.memory_space<hbm>>)
    %dma_wait3A_3170 = arith.constant 5 : i32
    %dma_wait3A_3171 = arith.constant 0 : i32
    %dma_wait3A_3172 = arith.constant 0 : i32
    %dma_wait3A_3173 = tpu.memref_slice %arg4[%dma_wait3A_3170, %add3A, %dma_wait3A_3171, %dma_wait3A_3172] : memref<8x32x32x512xf32, #tpu.memory_space<hbm>> -> memref<1x1x32x512xf32, #tpu.memory_space<hbm>>
    %dma_wait3A_3174 = tpu.memref_squeeze %dma_wait3A_3173 : memref<1x1x32x512xf32, #tpu.memory_space<hbm>> -> memref<32x512xf32, #tpu.memory_space<hbm>>
    %dma_wait3A_3175 = arith.constant 0 : i32
    %dma_wait3A_3176 = arith.constant 0 : i32
    %dma_wait3A_3177 = tpu.memref_slice %arg4[%dma_wait3A_3170, %add3A, %dma_wait3A_3175, %dma_wait3A_3176] : memref<8x32x32x512xf32, #tpu.memory_space<hbm>> -> memref<1x1x32x512xf32, #tpu.memory_space<hbm>>
    %dma_wait3A_3178 = tpu.memref_squeeze %dma_wait3A_3177 : memref<1x1x32x512xf32, #tpu.memory_space<hbm>> -> memref<32x512xf32, #tpu.memory_space<hbm>>
    tpu.wait_dma2 semaphore(%arg6 : memref<!tpu.dma_semaphore, #tpu.memory_space<semaphore_mem>>) src(%arg5 : memref<32x512xf32, #tpu.memory_space<vmem>>) dst(%dma_wait3A_3178 : memref<32x512xf32, #tpu.memory_space<hbm>>)
    %dma_wait3A_3179 = arith.constant 6 : i32
    %dma_wait3A_3180 = arith.constant 0 : i32
    %dma_wait3A_3181 = arith.constant 0 : i32
    %dma_wait3A_3182 = tpu.memref_slice %arg4[%dma_wait3A_3179, %add3A, %dma_wait3A_3180, %dma_wait3A_3181] : memref<8x32x32x512xf32, #tpu.memory_space<hbm>> -> memref<1x1x32x512xf32, #tpu.memory_space<hbm>>
    %dma_wait3A_3183 = tpu.memref_squeeze %dma_wait3A_3182 : memref<1x1x32x512xf32, #tpu.memory_space<hbm>> -> memref<32x512xf32, #tpu.memory_space<hbm>>
    %dma_wait3A_3184 = arith.constant 0 : i32
    %dma_wait3A_3185 = arith.constant 0 : i32
    %dma_wait3A_3186 = tpu.memref_slice %arg4[%dma_wait3A_3179, %add3A, %dma_wait3A_3184, %dma_wait3A_3185] : memref<8x32x32x512xf32, #tpu.memory_space<hbm>> -> memref<1x1x32x512xf32, #tpu.memory_space<hbm>>
    %dma_wait3A_3187 = tpu.memref_squeeze %dma_wait3A_3186 : memref<1x1x32x512xf32, #tpu.memory_space<hbm>> -> memref<32x512xf32, #tpu.memory_space<hbm>>
    tpu.wait_dma2 semaphore(%arg6 : memref<!tpu.dma_semaphore, #tpu.memory_space<semaphore_mem>>) src(%arg5 : memref<32x512xf32, #tpu.memory_space<vmem>>) dst(%dma_wait3A_3187 : memref<32x512xf32, #tpu.memory_space<hbm>>)
    %dma_wait3A_3188 = arith.constant 7 : i32
    %dma_wait3A_3189 = arith.constant 0 : i32
    %dma_wait3A_3190 = arith.constant 0 : i32
    %dma_wait3A_3191 = tpu.memref_slice %arg4[%dma_wait3A_3188, %add3A, %dma_wait3A_3189, %dma_wait3A_3190] : memref<8x32x32x512xf32, #tpu.memory_space<hbm>> -> memref<1x1x32x512xf32, #tpu.memory_space<hbm>>
    %dma_wait3A_3192 = tpu.memref_squeeze %dma_wait3A_3191 : memref<1x1x32x512xf32, #tpu.memory_space<hbm>> -> memref<32x512xf32, #tpu.memory_space<hbm>>
    %dma_wait3A_3193 = arith.constant 0 : i32
    %dma_wait3A_3194 = arith.constant 0 : i32
    %dma_wait3A_3195 = tpu.memref_slice %arg4[%dma_wait3A_3188, %add3A, %dma_wait3A_3193, %dma_wait3A_3194] : memref<8x32x32x512xf32, #tpu.memory_space<hbm>> -> memref<1x1x32x512xf32, #tpu.memory_space<hbm>>
    %dma_wait3A_3196 = tpu.memref_squeeze %dma_wait3A_3195 : memref<1x1x32x512xf32, #tpu.memory_space<hbm>> -> memref<32x512xf32, #tpu.memory_space<hbm>>
    tpu.wait_dma2 semaphore(%arg6 : memref<!tpu.dma_semaphore, #tpu.memory_space<semaphore_mem>>) src(%arg5 : memref<32x512xf32, #tpu.memory_space<vmem>>) dst(%dma_wait3A_3196 : memref<32x512xf32, #tpu.memory_space<hbm>>)
    return
  }
}

</mosaic_0001>

<sc_bundles>
// kernel: kernel.3.cloned.1.call-start
scs
__scs_entry_jumppad:
0x0: {  	(pc) =	sbr.rel $0x88, $3  }
0x1: {  	(tag) =	ssettag $0x0;
	lr =	simm.s32 $0x1  }
0x2: {  	[smem:$0x3F9F] =	sst lr;
	_ =	strace $0xD0000000  }
0x3: {  	_ = 	snop  }
0x4: {  	_ = 	snop  }
0x5: {  	_ = 	snop  }
0x6: {  	_ = 	snop  }
0x7: {  	_ = 	snop  }
__scs_overlays_trampoline_lowered:
0x8: {  	[smem:$0x3FAE] =	sst s0  }
0x9: {  	[smem:$0x3FAF] =	sst s1  }
0xa: {  	[smem:$0x3FB0] =	sst s2  }
0xb: {  	[smem:$0x3FB1] =	sst s3  }
0xc: {  	[smem:$0x3FB2] =	sst s4  }
0xd: {  	[smem:$0x3FB3] =	sst s5  }
0xe: {  	[smem:$0x3FB4] =	sst s6  }
0xf: {  	[smem:$0x3FB5] =	sst s7  }
0x10: {  	[smem:$0x3FB6] =	sst s8  }
0x11: {  	[smem:$0x3FB7] =	sst s9;
	s0 =	simm.s32 @!p0 $0x0  }
0x12: {  	s1 =	sld [smem:$0x3F9D];
	s0 =	simm.s32 @p0 $0x1  }
0x13: {  	[smem:$0x3FB8] =	sst s0;
	s0 =	simm.s32 @!p1 $0x0  }
0x14: {  	s2 =	sld [smem:$0x3F9C];
	s0 =	simm.s32 @p1 $0x1  }
0x15: {  	[smem:$0x3FB9] =	sst s0;
	s0 =	simm.s32 @!p2 $0x0  }
0x16: {  	s3 =	sld [smem:$0x3FDB];
	s0 =	simm.s32 @p2 $0x1  }
0x17: {  	s4 =	simm.s32 $0x1BF5;
	[smem:$0x3FBB] =	sst s0  }
0x18: {  	s0 =	sld [smem:$0x3F9E];
	_ =	swait.ge [sflag:s4], $0x0  }
0x19: {  	s7 =	sld [smem:$0x3F9F]  }
0x1a: {  	s8 =	sadd.s32 $0xFFFFE003, lr  }
0x1b: {  	s9 =	sadd.s32 $0xFFFFFEF7, lr;
	s5 =	simm.s32 $0xFFFFFFFF;
	p2 =	slt.u32 s8, $0xFFFFF086  }
0x1c: {  	p1 =	slt.u32 s9, $0xF7A;
	s5 =	simm.s32 @!p2 $0x0  }
0x1d: {  	s5 =	simm.s32 @p1 $0x1;
	p0 =	seq.s32 s7, s2  }
0x1e: {  	s7 =	smul.u32 @!p0 $0xF7A, s2;
	p2 =	seq.s32 @!p0 s5, $0x0  }
0x1f: {  	s9 =	smul.u32 $0xF7A, s1;
	s8 =	simm.s32 @!p0 $0x1BF5;
	p2 =	por !p2, p0  }
0x20: {  	[sflag:s8] =	ssyncset.s32 @!p0 $0xFFFFF086;
	s6 =	sadd.s32 @!p0 s3, s7;
	s7 =	simm.s32 @!p0 $0x108  }
0x21: {  	s3 =	sadd.s32 s3, s9;
	s6 =	sadd.s32 @!p0 $0x88, s6;
	s7 =	simm.s32 @p2 $0x1082  }
0x22: {  	[simem:s7], [sflag:s8] =	dma.local @!p0 [hbm:s6], $0xF7A  }
0x23: {  	s9 =	sor.u32 $0xD0000000, s2;
	s6 =	simm.s32 $0x108;
	_ =	swait.ge @!p0 [sflag:s8], $0x0  }
0x24: {  	s3 =	sadd.s32 $0x88, s3;
	s6 =	simm.s32 @!p1 $0x1082;
	[sflag:s4] =	ssyncset.s32 $0xFFFFF086  }
0x25: {  	[simem:s6], [sflag:s4] =	dma.local [hbm:s3], $0xF7A  }
0x26: {  	[smem:$0x3F9F] =	sst s1;
	(tag) =	ssettag s2;
	_ =	strace s9  }
0x27: {  	s1 =	sld [smem:$0x3FAF]  }
0x28: {  	s2 =	sld [smem:$0x3FB0]  }
0x29: {  	s4 =	sld [smem:$0x3FB2]  }
0x2a: {  	p0 =	seq.s32 s5, $0x0;
	s5 =	sld [smem:$0x3FB3]  }
0x2b: {  	s6 =	sld [smem:$0x3FB4]  }
0x2c: {  	s7 =	sld [smem:$0x3FB5]  }
0x2d: {  	s3 =	simm.s32 $0x108;
	s8 =	sld [smem:$0x3FB6]  }
0x2e: {  	s3 =	simm.s32 @!p0 $0x1082;
	s9 =	sld [smem:$0x3FB7]  }
0x2f: {  	lr =	sadd.s32 s0, s3;
	s0 =	sld [smem:$0x3FAE]  }
0x30: {  	s3 =	sld [smem:$0x3FB1]  }
0x31: {  	[smem:$0x3FBA] =	sst s10  }
0x32: {  	s10 =	sld [smem:$0x3FB8];
	_ =	sdelay $0x3  }
0x33: {  	p0 =	seq.s32 s10, $0x1;
	s10 =	sld [smem:$0x3FBA];
	_ =	sdelay $0x3  }
0x34: {  	[smem:$0x3FBA] =	sst s10  }
0x35: {  	s10 =	sld [smem:$0x3FB9];
	_ =	sdelay $0x3  }
0x36: {  	p1 =	seq.s32 s10, $0x1;
	s10 =	sld [smem:$0x3FBA];
	_ =	sdelay $0x3  }
0x37: {  	[smem:$0x3FBA] =	sst s10  }
0x38: {  	s10 =	sld [smem:$0x3FBB]  }
0x39: {  	_ = 	snop;
	(pc) =	sbr.ind lr, $3  }
0x3a: {  	_ = 	snop  }
0x3b: {  	_ = 	snop  }
0x3c: {  	p2 =	seq.s32 s10, $0x1;
	s10 =	sld [smem:$0x3FBA]  }
0x3d: {  	_ =	shalt  }
0x3e: {  	_ =	shalt  }
0x3f: {  	_ =	shalt  }
0x40: {  	_ =	shalt  }
0x41: {  	_ =	shalt  }
0x42: {  	_ =	shalt  }
0x43: {  	_ =	shalt  }
0x44: {  	_ =	shalt  }
0x45: {  	_ =	shalt  }
0x46: {  	_ =	shalt  }
0x47: {  	_ =	shalt  }
0x48: {  	_ =	shalt  }
0x49: {  	_ =	shalt  }
0x4a: {  	_ =	shalt  }
0x4b: {  	_ =	shalt  }
0x4c: {  	_ =	shalt  }
0x4d: {  	_ =	shalt  }
0x4e: {  	_ =	shalt  }
0x4f: {  	_ =	shalt  }
0x50: {  	_ =	shalt  }
0x51: {  	_ =	shalt  }
0x52: {  	_ =	shalt  }
0x53: {  	_ =	shalt  }
0x54: {  	_ =	shalt  }
0x55: {  	_ =	shalt  }
0x56: {  	_ =	shalt  }
0x57: {  	_ =	shalt  }
0x58: {  	_ =	shalt  }
0x59: {  	_ =	shalt  }
0x5a: {  	_ =	shalt  }
0x5b: {  	_ =	shalt  }
0x5c: {  	_ =	shalt  }
0x5d: {  	_ =	shalt  }
0x5e: {  	_ =	shalt  }
0x5f: {  	_ =	shalt  }
0x60: {  	_ =	shalt  }
0x61: {  	_ =	shalt  }
0x62: {  	_ =	shalt  }
0x63: {  	_ =	shalt  }
0x64: {  	_ =	shalt  }
0x65: {  	_ =	shalt  }
0x66: {  	_ =	shalt  }
0x67: {  	_ =	shalt  }
0x68: {  	_ =	shalt  }
0x69: {  	_ =	shalt  }
0x6a: {  	_ =	shalt  }
0x6b: {  	_ =	shalt  }
0x6c: {  	_ =	shalt  }
0x6d: {  	_ =	shalt  }
0x6e: {  	_ =	shalt  }
0x6f: {  	_ =	shalt  }
0x70: {  	_ =	shalt  }
0x71: {  	_ =	shalt  }
0x72: {  	_ =	shalt  }
0x73: {  	_ =	shalt  }
0x74: {  	_ =	shalt  }
0x75: {  	_ =	shalt  }
0x76: {  	_ =	shalt  }
0x77: {  	_ =	shalt  }
0x78: {  	_ =	shalt  }
0x79: {  	_ =	shalt  }
0x7a: {  	_ =	shalt  }
0x7b: {  	_ =	shalt  }
0x7c: {  	_ =	shalt  }
0x7d: {  	_ =	shalt  }
0x7e: {  	_ =	shalt  }
0x7f: {  	_ =	shalt  }
0x80: {  	_ =	shalt  }
0x81: {  	_ =	shalt  }
0x82: {  	_ =	shalt  }
0x83: {  	_ =	shalt  }
0x84: {  	_ =	shalt  }
0x85: {  	_ =	shalt  }
0x86: {  	_ =	shalt  }
0x87: {  	_ =	shalt  }
.Lfunc_end0:
.L_simem_size_0:
called_computation_lowered:
.L_overlay_start_0:
0x88: {  	s2 =	sld [smem:$0x3FD9]  }
0x89: {  	s3 =	sld [smem:$0x3FFE];
	_ =	sdelay $0x1  }
0x8a: {  	s1 =	srdreg.scid  }
0x8b: {  	s0 =	sand.u32 $0x1, s1  }
0x8c: {  	s18 =	sshll.u32 s0, $0xA;
	s2 =	sadd.s32 s3, s2  }
0x8d: {  	s2 =	sadd.s32 s2, s18  }
0x8e: {  	[smem:$0x3FC6] =	sst s2  }
0x8f: {  	_ = 	snop  }
0x90: {  	s2 =	sld [smem:$0x3FC9]  }
0x91: {  	s19 =	sld [smem:$0x3FC8]  }
0x92: {  	s4 =	sld [smem:$0x3FD0];
	(tm) =	ssettm $0x1  }
0x93: {  	s5 =	sld [smem:$0x3FFB];
	_ =	sdelay $0x3  }
0x94: {  	_ =	strace s5  }
0x95: {  	s5 =	sld [smem:$0x3FFC];
	_ =	sdelay $0x3  }
0x96: {  	_ =	strace s5  }
0x97: {  	s5 =	sld [smem:$0x3FFD];
	_ =	sdelay $0x3  }
0x98: {  	_ =	strace s5  }
0x99: {  	_ =	strace $0x8FFFFFFF  }
0x9a: {  	s20 =	sld [smem:$0x3FDB];
	_ =	sdelay $0x1  }
0x9b: {  	s6 =	simm.s32 $_scs_section_size  }
0x9c: {  	s7 =	simm.s32 $_size__tile_overlayer_lowered;
	s8 =	simm.s32 $_tile_overlayer_lowered  }
0x9d: {  	s23 =	simm.s32 $0x1BFF;
	s22 =	sshll.u32 s8, $0x1;
	s5 =	sadd.s32 s6, s20  }
0x9e: {  	s9 =	simm.s32 $0x0;
	s21 =	sshll.u32 s7, $0x1;
	s7 =	sadd.s32 s22, s5  }
0x9f: {  	[timem:s9], [sflag:s23] =	dma.local [hbm:s7], s21  }
0xa0: {  	_ =	swait.ge [sflag:s23], s21  }
0xa1: {  	s6 =	ssub.s32 $0x0, s21;
	[sflag:s23] =	ssyncset.done $0x0  }
0xa2: {  	[sflag:s23] =	ssyncadd.s32 s6;
	_ =	sdelay $0x1  }
0xa3: {  	s24 =	simm.s32 $0x1B8B  }
0xa4: {  	_ =	swait.ge [sflag:s24], $0x1  }
0xa5: {  	[sflag:s24] =	ssyncset.done $0x0  }
0xa6: {  	s25 =	simm.s32 $0x1B8E;
	[sflag:s24] =	ssyncadd.s32 $0xFFFFFFFF  }
0xa7: {  	s26 =	simm.s32 $execute0_lowered;
	[smem:$0x3FD2] =	sst s25  }
0xa8: {  	s6 =	sshll.u32 s26, $0x1;
	_ =	strace $0x80000046;
	[dreg:$0x1] =	wrdreg $0xFFFFFFFF  }
0xa9: {  	s28 =	simm.s32 $_size_execute0_lowered;
	s5 =	sadd.s32 s5, s6;
	[dreg:$0x0] =	wrdreg $0x0  }
0xaa: {  	s6 =	sshll.u32 s28, $0x1;
	[dreg:$0x2] =	wrdreg s5  }
0xab: {  	[dreg:$0x3] =	wrdreg s6  }
0xac: {  	[dreg:$0x4] =	wrdreg $0xC0  }
0xad: {  	_ =	task [dreg:s9], $0x5FFFF  }
0xae: {  	[dreg:$0x1] =	wrdreg $0xFFFFFFFF  }
0xaf: {  	[dreg:$0x0] =	wrdreg $0x60  }
0xb0: {  	[dreg:$0x2] =	wrdreg s2  }
0xb1: {  	[dreg:$0x3] =	wrdreg s19  }
0xb2: {  	[dreg:$0x4] =	wrdreg s4  }
0xb3: {  	[dreg:$0x5] =	wrdreg $0x9  }
0xb4: {  	_ =	task.clear_ibuf [dreg:s9], $0x6FFFF;
	_ =	strace $0x90000046  }
0xb5: {  	s29 =	simm.s32 $0x9;
	_ =	strace $0x80000048  }
0xb6: {  	_ =	swait.ge [sflag:s29], $0x1  }
0xb7: {  	[sflag:s29] =	ssyncadd.s32 $0xFFFFFFFF  }
0xb8: {  	_ =	strace $0x90000048  }
0xb9: {  	_ =	sfence  }
0xba: {  	s30 =	sld [smem:$0x0];
	_ =	sdelay $0x2  }
0xbb: {  	s31 =	sshll.u32 s1, $0xD;
	s1 =	sshrl.u32 s1, $0x2  }
0xbc: {  	s3 =	sand.u32 $0x4000, s31;
	s1 =	sadd.s32 s1, s30  }
0xbd: {  	s0 =	sor.u32 s3, s0;
	s1 =	sshll.u32 s1, $0x11  }
0xbe: {  	s0 =	sor.u32 s1, s0  }
0xbf: {  	s0 =	sadd.s32 $0x8F2B, s0  }
0xc0: {  	[sflag:s0] =	ssyncadd.remote.s32 $0x1  }
0xc1: {  	_ =	sfence.sel $0xFFFF  }
0xc2: {  	[dreg:$0x0] =	wrdreg $0xFFFFFFFF;
	(pc) =	sbr.abs _section_cstart, $3  }
0xc3: {  	[dreg:$0x1] =	wrdreg $0xFFFFFFFF  }
0xc4: {  	_ =	task.clear_ibuf [dreg:s9], $0x2FFFF;
	_ =	strace $0x9FFFFFFF  }
0xc5: {  	(tm) =	ssettm $0x7FFFFFFF  }
tec
execute0_lowered:
.L_overlay_start_1:
0x0: {  	(tag) =	ssettag $0x1  }
0x1: {  	s4 =	rddreg [dreg:$0x0]  }
0x2: {  	s1 =	rddreg [dreg:$0x1]  }
0x3: {  	s5 =	rddreg [dreg:$0x2]  }
0x4: {  	s0 =	rddreg [dreg:$0x3];
	s3 =	simm.s32 $0x0;
	s6 =	srdreg.scid  }
0x5: {  	s2 =	stileid.u32;
	s17 =	simm.s32 $0x1000;
	s18 =	simm.s32 $0x2000  }
0x6: {  	s19 =	simm.s32 $0x3000;
	s20 =	simm.s32 $0x2;
	s21 =	simm.s32 $0x800  }
0x7: {  	s23 =	simm.s32 $0xC00;
	s24 =	simm.s32 $0x1;
	[smem:$0x7FF] =	sst s3  }
0x8: {  	s6 =	sand.u32 $0x1, s6;
	s8 =	sshll.u32 s2, $0x1;
	s31 =	sshll.u32 s2, $0x6  }
0x9: {  	s14 =	sadd.s32 $0x100, s1;
	s15 =	sadd.s32 $0x200, s1;
	s16 =	sadd.s32 $0x300, s1  }
0xa: {  	_ =	strace $0x80000047;
	s7 =	ssub.s32 $0x2, s6;
	s6 =	sor.u32 s6, s8  }
0xb: {  	s8 =	sand.u32 $0x300, s31;
	s9 =	sshrl.u32 s7, $0x1;
	s10 =	sshll.u32 s6, $0x4  }
0xc: {  	s6 =	sshll.u32 s6, $0xB;
	s8 =	sadd.s32 s4, s8;
	s10 =	sand.u32 $0x70, s10  }
0xd: {  	s4 =	sadd.s32 s5, s6;
	s13 =	ssub.s32 s7, s9;
	s5 =	sadd.s32 s10, s8  }
0xe: {  	s6 =	sadd.s32 $0x10000, s4;
	s7 =	sadd.s32 $0x20000, s4;
	s8 =	sadd.s32 $0x30000, s4  }
0xf: {  	s9 =	sadd.s32 $0x40000, s4;
	s10 =	sadd.s32 $0x50000, s4;
	s11 =	sadd.s32 $0x60000, s4  }
0x10: {  	s12 =	sadd.s32 $0x70000, s4;
	s13 =	smax.u32 s13, $0x1;
	s22 =	sadd.s32 $0x80, s5  }
.LBB2_1:
0x11: {  	[tilespmem:s3], [sflag:$0x2] =	stream.linear.gather [hbm4b:s1+s3], $0x800, $0x38;
	[tilespmem:$0x4000] =	vst v63  }
0x12: {  	_ = 	snop  }
0x13: {  	[tilespmem:s17], [sflag:$0x2] =	stream.linear.gather [hbm4b:s14+s3], $0x800, $0x38;
	[tilespmem:$0x4000] =	vst v63  }
0x14: {  	_ = 	snop  }
0x15: {  	[tilespmem:s18], [sflag:$0x2] =	stream.linear.gather [hbm4b:s15+s3], $0x800, $0x38;
	[tilespmem:$0x4000] =	vst v63  }
0x16: {  	_ = 	snop  }
0x17: {  	[tilespmem:s19], [sflag:$0x2] =	stream.linear.gather [hbm4b:s16+s3], $0x800, $0x38;
	[tilespmem:$0x4000] =	vst v63  }
0x18: {  	_ =	swait.ge [sflag:s20], $0x2000  }
0x19: {  	[sflag:s20] =	ssyncset.done $0x0  }
0x1a: {  	[sflag:s20] =	ssyncadd.s32 $0xFFFFE000  }
0x1b: {  	[tilespmem:s21], [sflag:$0x2] =	stream.linear.gather [hbm4b:s5+s3], $0x80, $0x38;
	[tilespmem:$0x4000] =	vst v63  }
0x1c: {  	_ = 	snop  }
0x1d: {  	[tilespmem:s23], [sflag:$0x2] =	stream.linear.gather [hbm4b:s22+s3], $0x80, $0x38;
	[tilespmem:$0x4000] =	vst v63  }
0x1e: {  	_ =	swait.ge [sflag:s20], $0x100  }
0x1f: {  	[sflag:s20] =	ssyncset.done $0x0  }
0x20: {  	[sflag:s20] =	ssyncadd.s32 $0xFFFFFF00  }
0x21: {  	v0 =	vld [tilespmem:$0x800];
	_ =	sdelay $0x4  }
0x22: {  	[tilespmem:$0x880] =	vst v0  }
0x23: {  	[tilespmem:$0x900] =	vst v0  }
0x24: {  	[tilespmem:$0x980] =	vst v0  }
0x25: {  	[tilespmem:$0xA00] =	vst v0  }
0x26: {  	[tilespmem:$0xA80] =	vst v0  }
0x27: {  	[tilespmem:$0xB00] =	vst v0  }
0x28: {  	[tilespmem:$0xB80] =	vst v0  }
0x29: {  	[tilespmem:$0x1800] =	vst v0  }
0x2a: {  	[tilespmem:$0x1880] =	vst v0  }
0x2b: {  	[tilespmem:$0x1900] =	vst v0  }
0x2c: {  	[tilespmem:$0x1980] =	vst v0  }
0x2d: {  	[tilespmem:$0x1A00] =	vst v0  }
0x2e: {  	[tilespmem:$0x1A80] =	vst v0  }
0x2f: {  	[tilespmem:$0x1B00] =	vst v0  }
0x30: {  	[tilespmem:$0x1B80] =	vst v0  }
0x31: {  	[tilespmem:$0x2800] =	vst v0  }
0x32: {  	[tilespmem:$0x2880] =	vst v0  }
0x33: {  	[tilespmem:$0x2900] =	vst v0  }
0x34: {  	[tilespmem:$0x2980] =	vst v0  }
0x35: {  	[tilespmem:$0x2A00] =	vst v0  }
0x36: {  	[tilespmem:$0x2A80] =	vst v0  }
0x37: {  	[tilespmem:$0x2B00] =	vst v0  }
0x38: {  	[tilespmem:$0x2B80] =	vst v0  }
0x39: {  	[tilespmem:$0x3800] =	vst v0  }
0x3a: {  	[tilespmem:$0x3880] =	vst v0  }
0x3b: {  	[tilespmem:$0x3900] =	vst v0  }
0x3c: {  	v1 =	vld [tilespmem:$0x810];
	[tilespmem:$0x3980] =	vst v0  }
0x3d: {  	[tilespmem:$0x3A00] =	vst v0  }
0x3e: {  	[tilespmem:$0x3A80] =	vst v0  }
0x3f: {  	[tilespmem:$0x3B00] =	vst v0  }
0x40: {  	[tilespmem:$0x3B80] =	vst v0  }
0x41: {  	[tilespmem:$0x890] =	vst v1  }
0x42: {  	[tilespmem:$0x910] =	vst v1  }
0x43: {  	[tilespmem:$0x990] =	vst v1  }
0x44: {  	[tilespmem:$0xA10] =	vst v1  }
0x45: {  	[tilespmem:$0xA90] =	vst v1  }
0x46: {  	[tilespmem:$0xB10] =	vst v1  }
0x47: {  	[tilespmem:$0xB90] =	vst v1  }
0x48: {  	[tilespmem:$0x1810] =	vst v1  }
0x49: {  	[tilespmem:$0x1890] =	vst v1  }
0x4a: {  	[tilespmem:$0x1910] =	vst v1  }
0x4b: {  	[tilespmem:$0x1990] =	vst v1  }
0x4c: {  	[tilespmem:$0x1A10] =	vst v1  }
0x4d: {  	[tilespmem:$0x1A90] =	vst v1  }
0x4e: {  	[tilespmem:$0x1B10] =	vst v1  }
0x4f: {  	[tilespmem:$0x1B90] =	vst v1  }
0x50: {  	[tilespmem:$0x2810] =	vst v1  }
0x51: {  	[tilespmem:$0x2890] =	vst v1  }
0x52: {  	[tilespmem:$0x2910] =	vst v1  }
0x53: {  	[tilespmem:$0x2990] =	vst v1  }
0x54: {  	[tilespmem:$0x2A10] =	vst v1  }
0x55: {  	[tilespmem:$0x2A90] =	vst v1  }
0x56: {  	[tilespmem:$0x2B10] =	vst v1  }
0x57: {  	[tilespmem:$0x2B90] =	vst v1  }
0x58: {  	[tilespmem:$0x3810] =	vst v1  }
0x59: {  	[tilespmem:$0x3890] =	vst v1  }
0x5a: {  	[tilespmem:$0x3910] =	vst v1  }
0x5b: {  	[tilespmem:$0x3990] =	vst v1;
	v52 =	vld [tilespmem:$0x820]  }
0x5c: {  	[tilespmem:$0x3A10] =	vst v1  }
0x5d: {  	[tilespmem:$0x3A90] =	vst v1  }
0x5e: {  	[tilespmem:$0x3B10] =	vst v1  }
0x5f: {  	[tilespmem:$0x3B90] =	vst v1  }
0x60: {  	[tilespmem:$0x8A0] =	vst v52  }
0x61: {  	[tilespmem:$0x920] =	vst v52  }
0x62: {  	[tilespmem:$0x9A0] =	vst v52  }
0x63: {  	[tilespmem:$0xA20] =	vst v52  }
0x64: {  	[tilespmem:$0xAA0] =	vst v52  }
0x65: {  	[tilespmem:$0xB20] =	vst v52  }
0x66: {  	[tilespmem:$0xBA0] =	vst v52  }
0x67: {  	[tilespmem:$0x1820] =	vst v52  }
0x68: {  	[tilespmem:$0x18A0] =	vst v52  }
0x69: {  	[tilespmem:$0x1920] =	vst v52  }
0x6a: {  	[tilespmem:$0x19A0] =	vst v52  }
0x6b: {  	[tilespmem:$0x1A20] =	vst v52  }
0x6c: {  	[tilespmem:$0x1AA0] =	vst v52  }
0x6d: {  	[tilespmem:$0x1B20] =	vst v52  }
0x6e: {  	[tilespmem:$0x1BA0] =	vst v52  }
0x6f: {  	[tilespmem:$0x2820] =	vst v52  }
0x70: {  	[tilespmem:$0x28A0] =	vst v52  }
0x71: {  	[tilespmem:$0x2920] =	vst v52  }
0x72: {  	[tilespmem:$0x29A0] =	vst v52  }
0x73: {  	[tilespmem:$0x2A20] =	vst v52  }
0x74: {  	[tilespmem:$0x2AA0] =	vst v52  }
0x75: {  	[tilespmem:$0x2B20] =	vst v52  }
0x76: {  	[tilespmem:$0x2BA0] =	vst v52  }
0x77: {  	[tilespmem:$0x3820] =	vst v52  }
0x78: {  	[tilespmem:$0x38A0] =	vst v52  }
0x79: {  	[tilespmem:$0x3920] =	vst v52  }
0x7a: {  	v53 =	vld [tilespmem:$0x830];
	[tilespmem:$0x39A0] =	vst v52  }
0x7b: {  	[tilespmem:$0x3A20] =	vst v52  }
0x7c: {  	[tilespmem:$0x3AA0] =	vst v52  }
0x7d: {  	[tilespmem:$0x3B20] =	vst v52  }
0x7e: {  	[tilespmem:$0x3BA0] =	vst v52  }
0x7f: {  	[tilespmem:$0x8B0] =	vst v53  }
0x80: {  	[tilespmem:$0x930] =	vst v53  }
0x81: {  	[tilespmem:$0x9B0] =	vst v53  }
0x82: {  	[tilespmem:$0xA30] =	vst v53  }
0x83: {  	[tilespmem:$0xAB0] =	vst v53  }
0x84: {  	[tilespmem:$0xB30] =	vst v53  }
0x85: {  	[tilespmem:$0xBB0] =	vst v53  }
0x86: {  	[tilespmem:$0x1830] =	vst v53  }
0x87: {  	[tilespmem:$0x18B0] =	vst v53  }
0x88: {  	[tilespmem:$0x1930] =	vst v53  }
0x89: {  	[tilespmem:$0x19B0] =	vst v53  }
0x8a: {  	[tilespmem:$0x1A30] =	vst v53  }
0x8b: {  	[tilespmem:$0x1AB0] =	vst v53  }
0x8c: {  	[tilespmem:$0x1B30] =	vst v53  }
0x8d: {  	[tilespmem:$0x1BB0] =	vst v53  }
0x8e: {  	[tilespmem:$0x2830] =	vst v53  }
0x8f: {  	[tilespmem:$0x28B0] =	vst v53  }
0x90: {  	[tilespmem:$0x2930] =	vst v53  }
0x91: {  	[tilespmem:$0x29B0] =	vst v53  }
0x92: {  	[tilespmem:$0x2A30] =	vst v53  }
0x93: {  	[tilespmem:$0x2AB0] =	vst v53  }
0x94: {  	[tilespmem:$0x2B30] =	vst v53  }
0x95: {  	[tilespmem:$0x2BB0] =	vst v53  }
0x96: {  	[tilespmem:$0x3830] =	vst v53  }
0x97: {  	[tilespmem:$0x38B0] =	vst v53  }
0x98: {  	[tilespmem:$0x3930] =	vst v53  }
0x99: {  	v54 =	vld [tilespmem:$0x840];
	[tilespmem:$0x39B0] =	vst v53  }
0x9a: {  	[tilespmem:$0x3A30] =	vst v53  }
0x9b: {  	[tilespmem:$0x3AB0] =	vst v53  }
0x9c: {  	[tilespmem:$0x3B30] =	vst v53  }
0x9d: {  	[tilespmem:$0x3BB0] =	vst v53  }
0x9e: {  	[tilespmem:$0x8C0] =	vst v54  }
0x9f: {  	[tilespmem:$0x940] =	vst v54  }
0xa0: {  	[tilespmem:$0x9C0] =	vst v54  }
0xa1: {  	[tilespmem:$0xA40] =	vst v54  }
0xa2: {  	[tilespmem:$0xAC0] =	vst v54  }
0xa3: {  	[tilespmem:$0xB40] =	vst v54  }
0xa4: {  	[tilespmem:$0xBC0] =	vst v54  }
0xa5: {  	[tilespmem:$0x1840] =	vst v54  }
0xa6: {  	[tilespmem:$0x18C0] =	vst v54  }
0xa7: {  	[tilespmem:$0x1940] =	vst v54  }
0xa8: {  	[tilespmem:$0x19C0] =	vst v54  }
0xa9: {  	[tilespmem:$0x1A40] =	vst v54  }
0xaa: {  	[tilespmem:$0x1AC0] =	vst v54  }
0xab: {  	[tilespmem:$0x1B40] =	vst v54  }
0xac: {  	[tilespmem:$0x1BC0] =	vst v54  }
0xad: {  	[tilespmem:$0x2840] =	vst v54  }
0xae: {  	[tilespmem:$0x28C0] =	vst v54  }
0xaf: {  	[tilespmem:$0x2940] =	vst v54  }
0xb0: {  	[tilespmem:$0x29C0] =	vst v54  }
0xb1: {  	[tilespmem:$0x2A40] =	vst v54  }
0xb2: {  	[tilespmem:$0x2AC0] =	vst v54  }
0xb3: {  	[tilespmem:$0x2B40] =	vst v54  }
0xb4: {  	[tilespmem:$0x2BC0] =	vst v54  }
0xb5: {  	[tilespmem:$0x3840] =	vst v54  }
0xb6: {  	[tilespmem:$0x38C0] =	vst v54  }
0xb7: {  	[tilespmem:$0x3940] =	vst v54  }
0xb8: {  	v55 =	vld [tilespmem:$0x850];
	[tilespmem:$0x39C0] =	vst v54  }
0xb9: {  	[tilespmem:$0x3A40] =	vst v54  }
0xba: {  	[tilespmem:$0x3AC0] =	vst v54  }
0xbb: {  	[tilespmem:$0x3B40] =	vst v54  }
0xbc: {  	[tilespmem:$0x3BC0] =	vst v54  }
0xbd: {  	[tilespmem:$0x8D0] =	vst v55  }
0xbe: {  	[tilespmem:$0x950] =	vst v55  }
0xbf: {  	[tilespmem:$0x9D0] =	vst v55  }
0xc0: {  	[tilespmem:$0xA50] =	vst v55  }
0xc1: {  	[tilespmem:$0xAD0] =	vst v55  }
0xc2: {  	[tilespmem:$0xB50] =	vst v55  }
0xc3: {  	[tilespmem:$0xBD0] =	vst v55  }
0xc4: {  	[tilespmem:$0x1850] =	vst v55  }
0xc5: {  	[tilespmem:$0x18D0] =	vst v55  }
0xc6: {  	[tilespmem:$0x1950] =	vst v55  }
0xc7: {  	[tilespmem:$0x19D0] =	vst v55  }
0xc8: {  	[tilespmem:$0x1A50] =	vst v55  }
0xc9: {  	[tilespmem:$0x1AD0] =	vst v55  }
0xca: {  	[tilespmem:$0x1B50] =	vst v55  }
0xcb: {  	[tilespmem:$0x1BD0] =	vst v55  }
0xcc: {  	[tilespmem:$0x2850] =	vst v55  }
0xcd: {  	[tilespmem:$0x28D0] =	vst v55  }
0xce: {  	[tilespmem:$0x2950] =	vst v55  }
0xcf: {  	[tilespmem:$0x29D0] =	vst v55  }
0xd0: {  	[tilespmem:$0x2A50] =	vst v55  }
0xd1: {  	[tilespmem:$0x2AD0] =	vst v55  }
0xd2: {  	[tilespmem:$0x2B50] =	vst v55  }
0xd3: {  	[tilespmem:$0x2BD0] =	vst v55  }
0xd4: {  	[tilespmem:$0x3850] =	vst v55  }
0xd5: {  	[tilespmem:$0x38D0] =	vst v55  }
0xd6: {  	[tilespmem:$0x3950] =	vst v55  }
0xd7: {  	v56 =	vld [tilespmem:$0x860];
	[tilespmem:$0x39D0] =	vst v55  }
0xd8: {  	[tilespmem:$0x3A50] =	vst v55  }
0xd9: {  	[tilespmem:$0x3AD0] =	vst v55  }
0xda: {  	[tilespmem:$0x3B50] =	vst v55  }
0xdb: {  	[tilespmem:$0x3BD0] =	vst v55  }
0xdc: {  	[tilespmem:$0x8E0] =	vst v56  }
0xdd: {  	[tilespmem:$0x960] =	vst v56  }
0xde: {  	[tilespmem:$0x9E0] =	vst v56  }
0xdf: {  	[tilespmem:$0xA60] =	vst v56  }
0xe0: {  	[tilespmem:$0xAE0] =	vst v56  }
0xe1: {  	[tilespmem:$0xB60] =	vst v56  }
0xe2: {  	[tilespmem:$0xBE0] =	vst v56  }
0xe3: {  	[tilespmem:$0x1860] =	vst v56  }
0xe4: {  	[tilespmem:$0x18E0] =	vst v56  }
0xe5: {  	[tilespmem:$0x1960] =	vst v56  }
0xe6: {  	[tilespmem:$0x19E0] =	vst v56  }
0xe7: {  	[tilespmem:$0x1A60] =	vst v56  }
0xe8: {  	[tilespmem:$0x1AE0] =	vst v56  }
0xe9: {  	[tilespmem:$0x1B60] =	vst v56  }
0xea: {  	[tilespmem:$0x1BE0] =	vst v56  }
0xeb: {  	[tilespmem:$0x2860] =	vst v56  }
0xec: {  	[tilespmem:$0x28E0] =	vst v56  }
0xed: {  	[tilespmem:$0x2960] =	vst v56  }
0xee: {  	[tilespmem:$0x29E0] =	vst v56  }
0xef: {  	[tilespmem:$0x2A60] =	vst v56  }
0xf0: {  	[tilespmem:$0x2AE0] =	vst v56  }
0xf1: {  	[tilespmem:$0x2B60] =	vst v56  }
0xf2: {  	[tilespmem:$0x2BE0] =	vst v56  }
0xf3: {  	[tilespmem:$0x3860] =	vst v56  }
0xf4: {  	[tilespmem:$0x38E0] =	vst v56  }
0xf5: {  	[tilespmem:$0x3960] =	vst v56  }
0xf6: {  	v57 =	vld [tilespmem:$0x870];
	[tilespmem:$0x39E0] =	vst v56  }
0xf7: {  	[tilespmem:$0x3A60] =	vst v56  }
0xf8: {  	[tilespmem:$0x3AE0] =	vst v56  }
0xf9: {  	[tilespmem:$0x3B60] =	vst v56  }
0xfa: {  	[tilespmem:$0x3BE0] =	vst v56  }
0xfb: {  	[tilespmem:$0x8F0] =	vst v57  }
0xfc: {  	[tilespmem:$0x970] =	vst v57  }
0xfd: {  	[tilespmem:$0x9F0] =	vst v57  }
0xfe: {  	[tilespmem:$0xA70] =	vst v57  }
0xff: {  	[tilespmem:$0xAF0] =	vst v57  }
0x100: {  	[tilespmem:$0xB70] =	vst v57  }
0x101: {  	[tilespmem:$0xBF0] =	vst v57  }
0x102: {  	[tilespmem:$0x1870] =	vst v57  }
0x103: {  	[tilespmem:$0x18F0] =	vst v57  }
0x104: {  	[tilespmem:$0x1970] =	vst v57  }
0x105: {  	[tilespmem:$0x19F0] =	vst v57  }
0x106: {  	[tilespmem:$0x1A70] =	vst v57  }
0x107: {  	[tilespmem:$0x1AF0] =	vst v57  }
0x108: {  	[tilespmem:$0x1B70] =	vst v57  }
0x109: {  	[tilespmem:$0x1BF0] =	vst v57  }
0x10a: {  	[tilespmem:$0x2870] =	vst v57  }
0x10b: {  	[tilespmem:$0x28F0] =	vst v57  }
0x10c: {  	[tilespmem:$0x2970] =	vst v57  }
0x10d: {  	[tilespmem:$0x29F0] =	vst v57  }
0x10e: {  	[tilespmem:$0x2A70] =	vst v57  }
0x10f: {  	[tilespmem:$0x2AF0] =	vst v57  }
0x110: {  	[tilespmem:$0x2B70] =	vst v57  }
0x111: {  	[tilespmem:$0x2BF0] =	vst v57  }
0x112: {  	[tilespmem:$0x3870] =	vst v57  }
0x113: {  	[tilespmem:$0x38F0] =	vst v57  }
0x114: {  	[tilespmem:$0x3970] =	vst v57  }
0x115: {  	v58 =	vld [tilespmem:$0xC00];
	[tilespmem:$0x39F0] =	vst v57  }
0x116: {  	[tilespmem:$0x3A70] =	vst v57  }
0x117: {  	[tilespmem:$0x3AF0] =	vst v57  }
0x118: {  	[tilespmem:$0x3B70] =	vst v57  }
0x119: {  	[tilespmem:$0x3BF0] =	vst v57  }
0x11a: {  	[tilespmem:$0xC80] =	vst v58  }
0x11b: {  	[tilespmem:$0xD00] =	vst v58  }
0x11c: {  	[tilespmem:$0xD80] =	vst v58  }
0x11d: {  	[tilespmem:$0xE00] =	vst v58  }
0x11e: {  	[tilespmem:$0xE80] =	vst v58  }
0x11f: {  	[tilespmem:$0xF00] =	vst v58  }
0x120: {  	[tilespmem:$0xF80] =	vst v58  }
0x121: {  	[tilespmem:$0x1C00] =	vst v58  }
0x122: {  	[tilespmem:$0x1C80] =	vst v58  }
0x123: {  	[tilespmem:$0x1D00] =	vst v58  }
0x124: {  	[tilespmem:$0x1D80] =	vst v58  }
0x125: {  	[tilespmem:$0x1E00] =	vst v58  }
0x126: {  	[tilespmem:$0x1E80] =	vst v58  }
0x127: {  	[tilespmem:$0x1F00] =	vst v58  }
0x128: {  	[tilespmem:$0x1F80] =	vst v58  }
0x129: {  	[tilespmem:$0x2C00] =	vst v58  }
0x12a: {  	[tilespmem:$0x2C80] =	vst v58  }
0x12b: {  	[tilespmem:$0x2D00] =	vst v58  }
0x12c: {  	[tilespmem:$0x2D80] =	vst v58  }
0x12d: {  	[tilespmem:$0x2E00] =	vst v58  }
0x12e: {  	[tilespmem:$0x2E80] =	vst v58  }
0x12f: {  	[tilespmem:$0x2F00] =	vst v58  }
0x130: {  	[tilespmem:$0x2F80] =	vst v58  }
0x131: {  	[tilespmem:$0x3C00] =	vst v58  }
0x132: {  	[tilespmem:$0x3C80] =	vst v58  }
0x133: {  	[tilespmem:$0x3D00] =	vst v58  }
0x134: {  	v59 =	vld [tilespmem:$0xC40];
	[tilespmem:$0x3D80] =	vst v58  }
0x135: {  	v2 =	vld [tilespmem:$0xC50];
	[tilespmem:$0x3E00] =	vst v58  }
0x136: {  	[tilespmem:$0x3E80] =	vst v58  }
0x137: {  	[tilespmem:$0x3F00] =	vst v58  }
0x138: {  	[tilespmem:$0x3F80] =	vst v58  }
0x139: {  	[tilespmem:$0xE40] =	vst v59  }
0x13a: {  	[tilespmem:$0xCD0] =	vst v2  }
0x13b: {  	[tilespmem:$0xD50] =	vst v2  }
0x13c: {  	[tilespmem:$0xDD0] =	vst v2  }
0x13d: {  	[tilespmem:$0xE50] =	vst v2  }
0x13e: {  	v63 =	vld [tilespmem:$0xC10];
	[tilespmem:$0xED0] =	vst v2  }
0x13f: {  	[tilespmem:$0xF50] =	vst v2  }
0x140: {  	[tilespmem:$0xFD0] =	vst v2  }
0x141: {  	[tilespmem:$0x1C50] =	vst v2  }
0x142: {  	[tilespmem:$0x1CD0] =	vst v2  }
0x143: {  	[tilespmem:$0x1C10] =	vst v63  }
0x144: {  	[tilespmem:$0x1C90] =	vst v63  }
0x145: {  	[tilespmem:$0x1E90] =	vst v63  }
0x146: {  	[tilespmem:$0x1F10] =	vst v63  }
0x147: {  	[tilespmem:$0x1F90] =	vst v63  }
0x148: {  	[tilespmem:$0x2C10] =	vst v63  }
0x149: {  	[tilespmem:$0x2C90] =	vst v63  }
0x14a: {  	[tilespmem:$0x2D10] =	vst v63  }
0x14b: {  	[tilespmem:$0x2D90] =	vst v63  }
0x14c: {  	[tilespmem:$0x2E10] =	vst v63  }
0x14d: {  	[tilespmem:$0x2E90] =	vst v63  }
0x14e: {  	[tilespmem:$0x2F10] =	vst v63  }
0x14f: {  	[tilespmem:$0x2F90] =	vst v63  }
0x150: {  	[tilespmem:$0x3C10] =	vst v63  }
0x151: {  	[tilespmem:$0x3C90] =	vst v63  }
0x152: {  	[tilespmem:$0x3D10] =	vst v63  }
0x153: {  	[tilespmem:$0x3D90] =	vst v63  }
0x154: {  	[tilespmem:$0x3E10] =	vst v63  }
0x155: {  	[tilespmem:$0x3E90] =	vst v63  }
0x156: {  	[tilespmem:$0x3F10] =	vst v63  }
0x157: {  	[tilespmem:$0x3F90] =	vst v63  }
0x158: {  	[tilespmem:$0x1D90] =	vst v63  }
0x159: {  	[tilespmem:$0x1D10] =	vst v63  }
0x15a: {  	v61 =	vld [tilespmem:$0xC20];
	[tilespmem:$0xD90] =	vst v63  }
0x15b: {  	[tilespmem:$0xF90] =	vst v63  }
0x15c: {  	[tilespmem:$0xF10] =	vst v63  }
0x15d: {  	[tilespmem:$0xE90] =	vst v63  }
0x15e: {  	[tilespmem:$0xE10] =	vst v63  }
0x15f: {  	v60 =	vld [tilespmem:$0xC70];
	[tilespmem:$0x3E20] =	vst v61  }
0x160: {  	[tilespmem:$0xD10] =	vst v63  }
0x161: {  	[tilespmem:$0xC90] =	vst v63  }
0x162: {  	[tilespmem:$0x3DA0] =	vst v61  }
0x163: {  	[tilespmem:$0x1E20] =	vst v61  }
0x164: {  	[tilespmem:$0x3F70] =	vst v60  }
0x165: {  	[tilespmem:$0x1EA0] =	vst v61  }
0x166: {  	[tilespmem:$0x1F20] =	vst v61  }
0x167: {  	[tilespmem:$0x1DA0] =	vst v61  }
0x168: {  	[tilespmem:$0x2CA0] =	vst v61  }
0x169: {  	[tilespmem:$0x2D20] =	vst v61  }
0x16a: {  	[tilespmem:$0x2DA0] =	vst v61  }
0x16b: {  	[tilespmem:$0x2E20] =	vst v61  }
0x16c: {  	[tilespmem:$0x2EA0] =	vst v61  }
0x16d: {  	[tilespmem:$0x2F20] =	vst v61  }
0x16e: {  	[tilespmem:$0x2FA0] =	vst v61  }
0x16f: {  	[tilespmem:$0x3C20] =	vst v61  }
0x170: {  	[tilespmem:$0x3CA0] =	vst v61  }
0x171: {  	[tilespmem:$0x3D20] =	vst v61  }
0x172: {  	v62 =	vld [tilespmem:$0xC30];
	[tilespmem:$0x3E50] =	vst v2  }
0x173: {  	[tilespmem:$0x3EA0] =	vst v61  }
0x174: {  	[tilespmem:$0x3F20] =	vst v61  }
0x175: {  	[tilespmem:$0x3DD0] =	vst v2  }
0x176: {  	[tilespmem:$0x3FA0] =	vst v61  }
0x177: {  	[tilespmem:$0xCB0] =	vst v62  }
0x178: {  	[tilespmem:$0xD30] =	vst v62  }
0x179: {  	[tilespmem:$0xDB0] =	vst v62  }
0x17a: {  	[tilespmem:$0xE30] =	vst v62  }
0x17b: {  	[tilespmem:$0xEB0] =	vst v62  }
0x17c: {  	[tilespmem:$0xF30] =	vst v62  }
0x17d: {  	[tilespmem:$0xFB0] =	vst v62  }
0x17e: {  	[tilespmem:$0x1C30] =	vst v62  }
0x17f: {  	[tilespmem:$0x1CB0] =	vst v62  }
0x180: {  	[tilespmem:$0x1D30] =	vst v62  }
0x181: {  	[tilespmem:$0x1DB0] =	vst v62  }
0x182: {  	[tilespmem:$0x1E30] =	vst v62  }
0x183: {  	[tilespmem:$0x1EB0] =	vst v62  }
0x184: {  	[tilespmem:$0x1F30] =	vst v62  }
0x185: {  	[tilespmem:$0x1FB0] =	vst v62  }
0x186: {  	[tilespmem:$0x2C30] =	vst v62  }
0x187: {  	[tilespmem:$0x2CB0] =	vst v62  }
0x188: {  	[tilespmem:$0x2D30] =	vst v62  }
0x189: {  	[tilespmem:$0x2DB0] =	vst v62  }
0x18a: {  	[tilespmem:$0x2E30] =	vst v62  }
0x18b: {  	[tilespmem:$0x2EB0] =	vst v62  }
0x18c: {  	[tilespmem:$0x2F30] =	vst v62  }
0x18d: {  	[tilespmem:$0x2FB0] =	vst v62  }
0x18e: {  	[tilespmem:$0x3C30] =	vst v62  }
0x18f: {  	[tilespmem:$0x3CB0] =	vst v62  }
0x190: {  	[tilespmem:$0x3D30] =	vst v62  }
0x191: {  	[tilespmem:$0x3DB0] =	vst v62  }
0x192: {  	[tilespmem:$0x3E30] =	vst v62  }
0x193: {  	[tilespmem:$0x3EB0] =	vst v62  }
0x194: {  	[tilespmem:$0x3F30] =	vst v62  }
0x195: {  	[tilespmem:$0x3FB0] =	vst v62  }
0x196: {  	[tilespmem:$0x2C20] =	vst v61  }
0x197: {  	[tilespmem:$0x1FA0] =	vst v61  }
0x198: {  	[tilespmem:$0x1D20] =	vst v61  }
0x199: {  	[tilespmem:$0x1CA0] =	vst v61  }
0x19a: {  	[tilespmem:$0xEC0] =	vst v59  }
0x19b: {  	[tilespmem:$0xF40] =	vst v59  }
0x19c: {  	[tilespmem:$0xFC0] =	vst v59  }
0x19d: {  	[tilespmem:$0x1C40] =	vst v59  }
0x19e: {  	[tilespmem:$0x1CC0] =	vst v59  }
0x19f: {  	[tilespmem:$0x1D40] =	vst v59  }
0x1a0: {  	[tilespmem:$0x1DC0] =	vst v59  }
0x1a1: {  	[tilespmem:$0x1E40] =	vst v59  }
0x1a2: {  	[tilespmem:$0x1EC0] =	vst v59  }
0x1a3: {  	[tilespmem:$0x1F40] =	vst v59  }
0x1a4: {  	[tilespmem:$0x1FC0] =	vst v59  }
0x1a5: {  	[tilespmem:$0x2C40] =	vst v59  }
0x1a6: {  	[tilespmem:$0x2CC0] =	vst v59  }
0x1a7: {  	[tilespmem:$0x2D40] =	vst v59  }
0x1a8: {  	[tilespmem:$0x2DC0] =	vst v59  }
0x1a9: {  	[tilespmem:$0x2E40] =	vst v59  }
0x1aa: {  	[tilespmem:$0x2EC0] =	vst v59  }
0x1ab: {  	[tilespmem:$0x2F40] =	vst v59  }
0x1ac: {  	[tilespmem:$0x2FC0] =	vst v59  }
0x1ad: {  	[tilespmem:$0x3C40] =	vst v59  }
0x1ae: {  	[tilespmem:$0x3CC0] =	vst v59  }
0x1af: {  	[tilespmem:$0x3D40] =	vst v59  }
0x1b0: {  	[tilespmem:$0x3DC0] =	vst v59  }
0x1b1: {  	[tilespmem:$0x3E40] =	vst v59  }
0x1b2: {  	[tilespmem:$0x3EC0] =	vst v59  }
0x1b3: {  	[tilespmem:$0x3F40] =	vst v59  }
0x1b4: {  	[tilespmem:$0x3FC0] =	vst v59  }
0x1b5: {  	[tilespmem:$0xDC0] =	vst v59  }
0x1b6: {  	[tilespmem:$0xD40] =	vst v59  }
0x1b7: {  	[tilespmem:$0xCC0] =	vst v59  }
0x1b8: {  	[tilespmem:$0x1C20] =	vst v61  }
0x1b9: {  	[tilespmem:$0xFA0] =	vst v61  }
0x1ba: {  	[tilespmem:$0xF20] =	vst v61  }
0x1bb: {  	[tilespmem:$0xEA0] =	vst v61  }
0x1bc: {  	[tilespmem:$0xE20] =	vst v61  }
0x1bd: {  	[tilespmem:$0xDA0] =	vst v61  }
0x1be: {  	[tilespmem:$0xD20] =	vst v61  }
0x1bf: {  	[tilespmem:$0xCA0] =	vst v61  }
0x1c0: {  	[tilespmem:$0x1E50] =	vst v2  }
0x1c1: {  	[tilespmem:$0x1DD0] =	vst v2  }
0x1c2: {  	[tilespmem:$0x1ED0] =	vst v2  }
0x1c3: {  	[tilespmem:$0x1F50] =	vst v2  }
0x1c4: {  	[tilespmem:$0x1D50] =	vst v2  }
0x1c5: {  	[tilespmem:$0x2CD0] =	vst v2  }
0x1c6: {  	[tilespmem:$0x2D50] =	vst v2  }
0x1c7: {  	[tilespmem:$0x2DD0] =	vst v2  }
0x1c8: {  	[tilespmem:$0x2E50] =	vst v2  }
0x1c9: {  	[tilespmem:$0x2ED0] =	vst v2  }
0x1ca: {  	[tilespmem:$0x2F50] =	vst v2  }
0x1cb: {  	[tilespmem:$0x2FD0] =	vst v2  }
0x1cc: {  	[tilespmem:$0x3C50] =	vst v2  }
0x1cd: {  	[tilespmem:$0x3CD0] =	vst v2  }
0x1ce: {  	[tilespmem:$0x3D50] =	vst v2  }
0x1cf: {  	v3 =	vld [tilespmem:$0xC60];
	[tilespmem:$0x1FD0] =	vst v2  }
0x1d0: {  	[tilespmem:$0x3ED0] =	vst v2  }
0x1d1: {  	[tilespmem:$0x3F50] =	vst v2  }
0x1d2: {  	[tilespmem:$0x1E10] =	vst v63  }
0x1d3: {  	[tilespmem:$0x3FD0] =	vst v2  }
0x1d4: {  	[tilespmem:$0xCE0] =	vst v3  }
0x1d5: {  	[tilespmem:$0xD60] =	vst v3  }
0x1d6: {  	[tilespmem:$0xDE0] =	vst v3  }
0x1d7: {  	[tilespmem:$0xE60] =	vst v3  }
0x1d8: {  	[tilespmem:$0xEE0] =	vst v3  }
0x1d9: {  	[tilespmem:$0xF60] =	vst v3  }
0x1da: {  	[tilespmem:$0xFE0] =	vst v3  }
0x1db: {  	[tilespmem:$0x1C60] =	vst v3  }
0x1dc: {  	[tilespmem:$0x1CE0] =	vst v3  }
0x1dd: {  	[tilespmem:$0x1D60] =	vst v3  }
0x1de: {  	[tilespmem:$0x1DE0] =	vst v3  }
0x1df: {  	[tilespmem:$0x1E60] =	vst v3  }
0x1e0: {  	[tilespmem:$0x1EE0] =	vst v3  }
0x1e1: {  	[tilespmem:$0x1F60] =	vst v3  }
0x1e2: {  	[tilespmem:$0x1FE0] =	vst v3  }
0x1e3: {  	[tilespmem:$0x2C60] =	vst v3  }
0x1e4: {  	[tilespmem:$0x2CE0] =	vst v3  }
0x1e5: {  	[tilespmem:$0x2D60] =	vst v3  }
0x1e6: {  	[tilespmem:$0x2DE0] =	vst v3  }
0x1e7: {  	[tilespmem:$0x2E60] =	vst v3  }
0x1e8: {  	[tilespmem:$0x2EE0] =	vst v3  }
0x1e9: {  	[tilespmem:$0x2F60] =	vst v3  }
0x1ea: {  	[tilespmem:$0x2FE0] =	vst v3  }
0x1eb: {  	[tilespmem:$0x3C60] =	vst v3  }
0x1ec: {  	[tilespmem:$0x3CE0] =	vst v3  }
0x1ed: {  	[tilespmem:$0x3D60] =	vst v3  }
0x1ee: {  	[tilespmem:$0x3DE0] =	vst v3  }
0x1ef: {  	[tilespmem:$0x3E60] =	vst v3  }
0x1f0: {  	[tilespmem:$0x3EE0] =	vst v3  }
0x1f1: {  	[tilespmem:$0x3F60] =	vst v3  }
0x1f2: {  	[tilespmem:$0x3FE0] =	vst v3  }
0x1f3: {  	[tilespmem:$0xCF0] =	vst v60  }
0x1f4: {  	[tilespmem:$0x2C50] =	vst v2  }
0x1f5: {  	[tilespmem:$0xD70] =	vst v60  }
0x1f6: {  	[tilespmem:$0xDF0] =	vst v60  }
0x1f7: {  	[tilespmem:$0xEF0] =	vst v60  }
0x1f8: {  	[tilespmem:$0xF70] =	vst v60  }
0x1f9: {  	[tilespmem:$0xFF0] =	vst v60  }
0x1fa: {  	[tilespmem:$0x1C70] =	vst v60  }
0x1fb: {  	[tilespmem:$0x1CF0] =	vst v60  }
0x1fc: {  	[tilespmem:$0x1D70] =	vst v60  }
0x1fd: {  	[tilespmem:$0x1DF0] =	vst v60  }
0x1fe: {  	[tilespmem:$0x1E70] =	vst v60  }
0x1ff: {  	[tilespmem:$0x1EF0] =	vst v60  }
0x200: {  	[tilespmem:$0x1F70] =	vst v60  }
0x201: {  	[tilespmem:$0x1FF0] =	vst v60  }
0x202: {  	[tilespmem:$0x2C70] =	vst v60  }
0x203: {  	[tilespmem:$0x2CF0] =	vst v60  }
0x204: {  	[tilespmem:$0x2D70] =	vst v60  }
0x205: {  	[tilespmem:$0x2DF0] =	vst v60  }
0x206: {  	[tilespmem:$0x2E70] =	vst v60  }
0x207: {  	[tilespmem:$0x2EF0] =	vst v60  }
0x208: {  	[tilespmem:$0x2F70] =	vst v60  }
0x209: {  	[tilespmem:$0x2FF0] =	vst v60  }
0x20a: {  	[tilespmem:$0x3C70] =	vst v60  }
0x20b: {  	[tilespmem:$0x3CF0] =	vst v60  }
0x20c: {  	[tilespmem:$0x3D70] =	vst v60  }
0x20d: {  	[tilespmem:$0x3DF0] =	vst v60  }
0x20e: {  	[tilespmem:$0x3E70] =	vst v60  }
0x20f: {  	[tilespmem:$0x3EF0] =	vst v60  }
0x210: {  	[tilespmem:$0xE70] =	vst v60  }
0x211: {  	[tilespmem:$0x3FF0] =	vst v60  }
0x212: {  	[hbm4b:s4+s3] =	stream.linear.scatter [tilespmem:s3], [sflag:$0x1], $0x4000, $0x38;
	[tilespmem:$0x4000] =	vst v63  }
0x213: {  	_ = 	snop  }
0x214: {  	[hbm4b:s6+s3] =	stream.linear.scatter [tilespmem:s3], [sflag:$0x1], $0x4000, $0x38;
	[tilespmem:$0x4000] =	vst v63  }
0x215: {  	_ = 	snop  }
0x216: {  	[hbm4b:s7+s3] =	stream.linear.scatter [tilespmem:s3], [sflag:$0x1], $0x4000, $0x38;
	[tilespmem:$0x4000] =	vst v63  }
0x217: {  	_ = 	snop  }
0x218: {  	[hbm4b:s8+s3] =	stream.linear.scatter [tilespmem:s3], [sflag:$0x1], $0x4000, $0x38;
	[tilespmem:$0x4000] =	vst v63  }
0x219: {  	_ = 	snop  }
0x21a: {  	[hbm4b:s9+s3] =	stream.linear.scatter [tilespmem:s3], [sflag:$0x1], $0x4000, $0x38;
	[tilespmem:$0x4000] =	vst v63  }
0x21b: {  	_ = 	snop  }
0x21c: {  	[hbm4b:s10+s3] =	stream.linear.scatter [tilespmem:s3], [sflag:$0x1], $0x4000, $0x38;
	[tilespmem:$0x4000] =	vst v63  }
0x21d: {  	_ = 	snop  }
0x21e: {  	[hbm4b:s11+s3] =	stream.linear.scatter [tilespmem:s3], [sflag:$0x1], $0x4000, $0x38;
	[tilespmem:$0x4000] =	vst v63  }
0x21f: {  	_ = 	snop  }
0x220: {  	[hbm4b:s12+s3] =	stream.linear.scatter [tilespmem:s3], [sflag:$0x1], $0x4000, $0x38;
	[tilespmem:$0x4000] =	vst v63  }
0x221: {  	_ =	swait.ge [sflag:s24], $0x4000  }
0x222: {  	[sflag:s24] =	ssyncset.done $0x0  }
0x223: {  	[sflag:s24] =	ssyncadd.s32 $0xFFFFC000  }
0x224: {  	_ =	swait.ge [sflag:s24], $0x4000  }
0x225: {  	[sflag:s24] =	ssyncset.done $0x0  }
0x226: {  	[sflag:s24] =	ssyncadd.s32 $0xFFFFC000  }
0x227: {  	_ =	swait.ge [sflag:s24], $0x4000  }
0x228: {  	[sflag:s24] =	ssyncset.done $0x0  }
0x229: {  	[sflag:s24] =	ssyncadd.s32 $0xFFFFC000  }
0x22a: {  	_ =	swait.ge [sflag:s24], $0x4000  }
0x22b: {  	[sflag:s24] =	ssyncset.done $0x0  }
0x22c: {  	[sflag:s24] =	ssyncadd.s32 $0xFFFFC000  }
0x22d: {  	_ =	swait.ge [sflag:s24], $0x4000  }
0x22e: {  	[sflag:s24] =	ssyncset.done $0x0  }
0x22f: {  	[sflag:s24] =	ssyncadd.s32 $0xFFFFC000  }
0x230: {  	_ =	swait.ge [sflag:s24], $0x4000  }
0x231: {  	[sflag:s24] =	ssyncset.done $0x0  }
0x232: {  	[sflag:s24] =	ssyncadd.s32 $0xFFFFC000  }
0x233: {  	p0 =	sne.s32 s13, $0x1;
	_ =	swait.ge [sflag:s24], $0x4000  }
.Ltmp0:
0x234: {  	[sflag:s24] =	ssyncset.done $0x0;
	(pc) =	sbr.rel @p0 .LBB2_1-.Ltmp0, $4  }
0x235: {  	[sflag:s24] =	ssyncadd.s32 $0xFFFFC000  }
0x236: {  	_ =	swait.ge [sflag:s24], $0x4000  }
0x237: {  	[sflag:s24] =	ssyncset.done $0x0  }
0x238: {  	s13 =	sadd.s32 $0xFFFFFFFF, s13;
	[sflag:s24] =	ssyncadd.s32 $0xFFFFC000  }
0x239: {  	_ =	sfence.sel $0x180000  }
0x23a: {  	[bflag:$0x0] =	sbarrier.arrive $0xFFFF  }
0x23b: {  	p0 =	sne.s32 s2, $0x0;
	_ =	strace $0x90000047  }
0x23c: {  	s0 =	sadd.s32 @!p0 $0x100000, s0;
	[bflag:$0x2] =	sbarrier.arrive $0xFFFF  }
0x23d: {  	[sflag:s0] =	ssyncadd.tile.s32 @!p0 $0x1;
	_ =	shalt  }
.Lfunc_end2:
_tile_overlayer_lowered:
.L_overlay_start_2:
0x23e: {  	(tag) =	ssettag $0x2  }
0x23f: {  	s0 =	rddreg [dreg:$0x0];
	s2 =	stileid.u32  }
0x240: {  	s1 =	rddreg [dreg:$0x1];
	p0 =	sne.s32 s2, $0x0  }
0x241: {  	s3 =	rddreg [dreg:$0x2];
	[bflag:$0x3] =	sbarrier.arrive $0xFFFF;
	s2 =	simm.s32 @!p0 $0x1C02  }
0x242: {  	[timem:s3], [sflag:s2] =	dma.local @!p0 [hbm:s0], s1  }
0x243: {  	s0 =	simm.s32 @!p0 $0x2  }
0x244: {  	_ =	swait.ge @!p0 [sflag:s0], s1  }
0x245: {  	s1 =	ssub.s32 @!p0 $0x0, s1;
	[sflag:s0] =	ssyncset.done @!p0 $0x0  }
0x246: {  	[sflag:s0] =	ssyncadd.s32 @!p0 s1  }
0x247: {  	[bflag:$0x3] =	sbarrier.arrive $0xFFFF  }
0x248: {  	_ =	shalt  }

</sc_bundles>
